<compile_context>
chip_gen: v7x
topology: tpu7x:2x2x1
jax: 0.10.2.dev20260603
libtpu: 0.0.44.dev20260713+nightly
codegen_flags: <defaults>
</compile_context>

<pallas_src>
import functools

import jax
import jax.numpy as jnp
from jax import lax
from jax.experimental import pallas as pl
from jax.experimental.pallas import tpu as pltpu
from jax.experimental.pallas import tpu_sc as plsc

B = 4096
V = 100000
T = 200
NW = 32
CHUNK = (B * T) // NW
LANES = 16
SW = 128
G = 20
NG = CHUNK // (G * SW)
DEPTH = 4
GEL = G * SW
GCH = GEL // LANES
SCALE = -1.0 / float(B * T)


def _mesh():
    return plsc.VectorSubcoreMesh(core_axis_name="c", subcore_axis_name="s")


@functools.partial(
    pl.kernel,
    mesh=_mesh(),
    out_type=jax.ShapeDtypeStruct((NW, LANES), jnp.float32),
    scratch_types=[
        pltpu.VMEM((CHUNK // SW, SW), jnp.int32),
        pltpu.VMEM((CHUNK,), jnp.int32),
        pltpu.VMEM((CHUNK,), jnp.float32),
        pltpu.VMEM((LANES,), jnp.float32),
        pltpu.SemaphoreType.DMA,
        pltpu.SemaphoreType.DMA,
        pltpu.SemaphoreType.DMA,
        pltpu.SemaphoreType.DMA,
        pltpu.SemaphoreType.DMA,
    ],
)
def _sc_gather_loss(tags_hbm, flat_hbm, out_hbm,
                    lbl_v, idx_v, val_v, part_v,
                    sem_a, sem_b, sem_c, sem_d, sem_l):
    nc = 2
    wid = lax.axis_index("s") * nc + lax.axis_index("c")

    def lstage(m, c):
        pltpu.make_async_copy(tags_hbm.at[m, wid],
                              lbl_v.at[pl.ds(m * 8, 8), :], sem_l).start()
        return c

    lax.fori_loop(0, T // 8, lstage, 0)

    def lwait(m, c):
        pltpu.make_async_copy(tags_hbm.at[0, 0],
                              lbl_v.at[pl.ds(0, 8), :], sem_l).wait()
        return c

    lax.fori_loop(0, T // 8, lwait, 0)

    wbase = wid * 1024
    lane = lax.iota(jnp.int32, 16)

    def cbody(i, c):
        sl = pl.ds(i * LANES, LANES)
        q0 = (i & 7) << 4
        v = lbl_v[i >> 3, pl.ds(q0, LANES)]
        idx_v[sl] = ((v >> 3) << 15) + ((v & 7) << 7) + (wbase + q0 + lane)
        return c

    def compute(g):
        lax.fori_loop(g * GCH, (g + 1) * GCH, cbody, 0, unroll=4)

    def fire(g, sem):
        def fbody(t, c):
            sl = pl.ds(t * SW, SW)
            pltpu.make_async_copy(flat_hbm.at[idx_v.at[sl]], val_v.at[sl],
                                  sem).start()
            return c
        lax.fori_loop(g * G, (g + 1) * G, fbody, 0)

    def drain(g, sem):
        pltpu.make_async_copy(flat_hbm.at[pl.ds(0, GEL)],
                              val_v.at[pl.ds(g * GEL, GEL)], sem).wait()

    def rbody(i, acc):
        sl = pl.ds(i * LANES, LANES)
        v = lbl_v[i >> 3, pl.ds((i & 7) << 4, LANES)]
        return acc + jnp.where(v != 0, val_v[sl], 0.0)

    def reduce(g, acc):
        return lax.fori_loop(g * GCH, (g + 1) * GCH, rbody, acc, unroll=4)

    def fused_body(gr, gc):
        def fbody(i, acc):
            slr = pl.ds(gr * GEL + i * LANES, LANES)
            ir = gr * GCH + i
            vr = lbl_v[ir >> 3, pl.ds((ir & 7) << 4, LANES)]
            acc = acc + jnp.where(vr != 0, val_v[slr], 0.0)
            ic = gc * GCH + i
            slc = pl.ds(gc * GEL + i * LANES, LANES)
            q0 = (ic & 7) << 4
            v = lbl_v[ic >> 3, pl.ds(q0, LANES)]
            idx_v[slc] = ((v >> 3) << 15) + ((v & 7) << 7) + (wbase + q0 + lane)
            return acc
        return fbody

    sems = (sem_a, sem_b, sem_c, sem_d, sem_l)
    nsem = len(sems)
    acc = jnp.zeros((LANES,), jnp.float32)
    for g in range(DEPTH):
        compute(g)
        fire(g, sems[g])
    for g in range(NG):
        drain(g, sems[g % nsem])
        if g + DEPTH < NG:
            acc = lax.fori_loop(0, GCH, fused_body(g, g + DEPTH), acc,
                                unroll=4)
            fire(g + DEPTH, sems[(g + DEPTH) % nsem])
        else:
            acc = reduce(g, acc)

    part_v[...] = acc * SCALE
    pltpu.sync_copy(part_v, out_hbm.at[wid])


def kernel(log_prob, tags_label):
    flat = (log_prob.T
            .reshape(V // 8, 8, B // 128, 128)
            .transpose(0, 2, 1, 3)
            .reshape(-1))
    tags = (tags_label.astype(jnp.int32).T
            .reshape(T // 8, 8, B // 128, 128)
            .transpose(0, 2, 1, 3))
    partials = _sc_gather_loss(tags, flat)
    return jnp.sum(partials)

# --- scband reference (transcript-rebuilt; emitter-appended) ---
"""Pipeline reference for scband-sampler-loss-compute-83528523973240 (READ-ONLY COPY).

The authoritative reference and input builder live on the scoring server;
editing this copy changes nothing except your own understanding.
"""

import jax, jax.numpy as jnp
import numpy as np


def setup_inputs(seed: int = 0) -> dict:
    key = jax.random.key(seed)
    k1, k2 = jax.random.split(key)
    log_prob = jax.random.normal(k1, (4096, 100000), dtype=jnp.float32)
    tags_label = jax.random.randint(k2, (4096, 200), 0, 100000, dtype=jnp.int64)
    return {"log_prob": log_prob, "tags_label": tags_label}


def reference(log_prob, tags_label):
    # tags_mask = cast(tags_label != 0, float32)
    tags_mask = (tags_label != 0).astype(jnp.float32)
    # tf.batch_gather(log_prob, tags_label): per-batch gather along last axis
    loss = jnp.take_along_axis(log_prob, tags_label, axis=1)
    loss = loss * tags_mask
    loss = -jnp.mean(loss)
    return loss

if __name__ == "__main__":
    import jax
    _d = setup_inputs()
    print(jax.jit(kernel)(*tuple(_d.values())))

</pallas_src>

<mosaic_0001>
#map = affine_map<(d0, d1) -> (0, 0, 0, 0)>
#map1 = affine_map<(d0, d1) -> (0)>
#map2 = affine_map<(d0, d1) -> (0, 0)>
module attributes {stable_mosaic.version = 14 : i64} {
  func.func @_sc_gather_loss(%arg0: i32, %arg1: i32, %arg2: memref<25x32x8x128xi32, #tpu.memory_space<hbm>>, %arg3: memref<409600000xf32, #tpu.memory_space<hbm>>, %arg4: memref<32x16xf32, #tpu.memory_space<hbm>>, %arg5: memref<200x128xi32, #tpu.memory_space<vmem>>, %arg6: memref<25600xi32, #tpu.memory_space<vmem>>, %arg7: memref<25600xf32, #tpu.memory_space<vmem>>, %arg8: memref<16xf32, #tpu.memory_space<vmem>>, %arg9: memref<!tpu.dma_semaphore, #tpu.memory_space<semaphore_mem>>, %arg10: memref<!tpu.dma_semaphore, #tpu.memory_space<semaphore_mem>>, %arg11: memref<!tpu.dma_semaphore, #tpu.memory_space<semaphore_mem>>, %arg12: memref<!tpu.dma_semaphore, #tpu.memory_space<semaphore_mem>>, %arg13: memref<!tpu.dma_semaphore, #tpu.memory_space<semaphore_mem>>) attributes {dimension_semantics = [#tpu.dimension_semantics<core_parallel>, #tpu.dimension_semantics<subcore_parallel>], iteration_bounds = array<i64: 2, 16>, scalar_prefetch = 0 : i64, scratch_operands = 9 : i64, tpu.core_type = #tpu.core_type<sc_vector_subcore>, window_params = [{transform_indices = #map}, {transform_indices = #map1}, {transform_indices = #map2}]} {
    %mul3A = arith.constant 2 : i32
    %mul3A_0 = arith.muli %arg1, %mul3A : i32
    %add3A = arith.addi %mul3A_0, %arg0 : i32
    %scan3A = arith.constant 0 : i32
    %scan3A_1 = arith.constant 0 : i32
    %scan3A_2 = arith.constant 25 : i32
    %scan3A_3 = arith.addi %scan3A_1, %scan3A_2 : i32
    %scan3A_4 = arith.constant 1 : i32
    scf.for %scan3A_244 = %scan3A_1 to %scan3A_3 step %scan3A_4  : i32 {
      %mul3A_245 = arith.constant 8 : i32
      %mul3A_246 = arith.muli %scan3A_244, %mul3A_245 : i32
      %dma_start3A = arith.constant 0 : i32
      %dma_start3A_247 = tpu.memref_slice %arg5[%mul3A_246, %dma_start3A] : memref<200x128xi32, #tpu.memory_space<vmem>> -> memref<8x128xi32, #tpu.memory_space<vmem>>
      %dma_start3A_248 = arith.constant 0 : i32
      %dma_start3A_249 = arith.constant 0 : i32
      %dma_start3A_250 = tpu.memref_slice %arg2[%scan3A_244, %add3A, %dma_start3A_248, %dma_start3A_249] : memref<25x32x8x128xi32, #tpu.memory_space<hbm>> -> memref<1x1x8x128xi32, #tpu.memory_space<hbm>>
      %dma_start3A_251 = tpu.memref_squeeze %dma_start3A_250 : memref<1x1x8x128xi32, #tpu.memory_space<hbm>> -> memref<8x128xi32, #tpu.memory_space<hbm>>
      %dma_start3A_252 = arith.constant 0 : i32
      %dma_start3A_253 = tpu.memref_slice %arg5[%mul3A_246, %dma_start3A_252] : memref<200x128xi32, #tpu.memory_space<vmem>> -> memref<8x128xi32, #tpu.memory_space<vmem>>
      %dma_start3A_254 = arith.constant 0 : i32
      %dma_start3A_255 = arith.constant 0 : i32
      %dma_start3A_256 = tpu.memref_slice %arg2[%scan3A_244, %add3A, %dma_start3A_254, %dma_start3A_255] : memref<25x32x8x128xi32, #tpu.memory_space<hbm>> -> memref<1x1x8x128xi32, #tpu.memory_space<hbm>>
      %dma_start3A_257 = tpu.memref_squeeze %dma_start3A_256 : memref<1x1x8x128xi32, #tpu.memory_space<hbm>> -> memref<8x128xi32, #tpu.memory_space<hbm>>
      tpu.enqueue_dma source(%dma_start3A_257 : memref<8x128xi32, #tpu.memory_space<hbm>>) target(%dma_start3A_253 : memref<8x128xi32, #tpu.memory_space<vmem>>) target_semaphore(%arg13 : memref<!tpu.dma_semaphore, #tpu.memory_space<semaphore_mem>>)
    }
    %scan3A_5 = arith.constant 25 : i32
    %scan3A_6 = arith.constant 0 : i32
    %scan3A_7 = arith.constant 0 : i32
    %scan3A_8 = arith.constant 25 : i32
    %scan3A_9 = arith.addi %scan3A_7, %scan3A_8 : i32
    %scan3A_10 = arith.constant 1 : i32
    scf.for %scan3A_244 = %scan3A_7 to %scan3A_9 step %scan3A_10  : i32 {
      %dma_wait3A_245 = arith.constant 0 : i32
      %dma_wait3A_246 = arith.constant 0 : i32
      %dma_wait3A_247 = arith.constant 0 : i32
      %dma_wait3A_248 = arith.constant 0 : i32
      %dma_wait3A_249 = tpu.memref_slice %arg5[%dma_wait3A_247, %dma_wait3A_248] : memref<200x128xi32, #tpu.memory_space<vmem>> -> memref<8x128xi32, #tpu.memory_space<vmem>>
      %dma_wait3A_250 = arith.constant 0 : i32
      %dma_wait3A_251 = arith.constant 0 : i32
      %dma_wait3A_252 = tpu.memref_slice %arg2[%dma_wait3A_245, %dma_wait3A_246, %dma_wait3A_250, %dma_wait3A_251] : memref<25x32x8x128xi32, #tpu.memory_space<hbm>> -> memref<1x1x8x128xi32, #tpu.memory_space<hbm>>
      %dma_wait3A_253 = tpu.memref_squeeze %dma_wait3A_252 : memref<1x1x8x128xi32, #tpu.memory_space<hbm>> -> memref<8x128xi32, #tpu.memory_space<hbm>>
      %dma_wait3A_254 = arith.constant 0 : i32
      %dma_wait3A_255 = arith.constant 0 : i32
      %dma_wait3A_256 = tpu.memref_slice %arg5[%dma_wait3A_254, %dma_wait3A_255] : memref<200x128xi32, #tpu.memory_space<vmem>> -> memref<8x128xi32, #tpu.memory_space<vmem>>
      %dma_wait3A_257 = arith.constant 0 : i32
      %dma_wait3A_258 = arith.constant 0 : i32
      %dma_wait3A_259 = tpu.memref_slice %arg2[%dma_wait3A_245, %dma_wait3A_246, %dma_wait3A_257, %dma_wait3A_258] : memref<25x32x8x128xi32, #tpu.memory_space<hbm>> -> memref<1x1x8x128xi32, #tpu.memory_space<hbm>>
      %dma_wait3A_260 = tpu.memref_squeeze %dma_wait3A_259 : memref<1x1x8x128xi32, #tpu.memory_space<hbm>> -> memref<8x128xi32, #tpu.memory_space<hbm>>
      tpu.wait_dma2 semaphore(%arg13 : memref<!tpu.dma_semaphore, #tpu.memory_space<semaphore_mem>>) src(%dma_wait3A_260 : memref<8x128xi32, #tpu.memory_space<hbm>>) dst(%dma_wait3A_256 : memref<8x128xi32, #tpu.memory_space<vmem>>)
    }
    %scan3A_11 = arith.constant 25 : i32
    %mul3A_12 = arith.constant 1024 : i32
    %mul3A_13 = arith.muli %add3A, %mul3A_12 : i32
    %iota3A = tpu.iota {dimensions = array<i32: 0>} : vector<16xi32>
    %broadcast_in_dim3A = arith.constant 0.000000e+00 : f32
    %broadcast_in_dim3A_14 = vector.broadcast %broadcast_in_dim3A : f32 to vector<16xf32>
    %scan3A_15 = arith.constant 0 : i32
    %scan3A_16 = arith.constant 0 : i32
    %scan3A_17 = arith.constant 160 : i32
    %scan3A_18 = arith.addi %scan3A_16, %scan3A_17 : i32
    %scan3A_19 = arith.constant 4 : i32
    scf.for %scan3A_244 = %scan3A_16 to %scan3A_18 step %scan3A_19  : i32 {
      %mul3A_245 = arith.constant 16 : i32
      %mul3A_246 = arith.muli %scan3A_244, %mul3A_245 : i32
      %and3A = arith.constant 7 : i32
      %and3A_247 = arith.andi %scan3A_244, %and3A : i32
      %shift_left3A = arith.constant 4 : i32
      %shift_left3A_248 = arith.shli %and3A_247, %shift_left3A : i32
      %shift_right_arithmetic3A = arith.constant 3 : i32
      %shift_right_arithmetic3A_249 = arith.shrsi %scan3A_244, %shift_right_arithmetic3A : i32
      %get3A = arith.index_cast %shift_right_arithmetic3A_249 : i32 to index
      %get3A_250 = arith.index_cast %shift_left3A_248 : i32 to index
      %get3A_251 = tpu.vector_load %arg5[%get3A, %get3A_250] {strides = array<i32>} : memref<200x128xi32, #tpu.memory_space<vmem>>, vector<1x16xi32>,
      %get3A_252 = vector.shape_cast %get3A_251 : vector<1x16xi32> to vector<16xi32>
      %shift_right_arithmetic3A_253 = arith.constant 3 : i32
      %shift_right_arithmetic3A_254 = vector.broadcast %shift_right_arithmetic3A_253 : i32 to vector<16xi32>
      %shift_right_arithmetic3A_255 = arith.shrsi %get3A_252, %shift_right_arithmetic3A_254 : vector<16xi32>
      %shift_left3A_256 = arith.constant 15 : i32
      %shift_left3A_257 = vector.broadcast %shift_left3A_256 : i32 to vector<16xi32>
      %shift_left3A_258 = arith.shli %shift_right_arithmetic3A_255, %shift_left3A_257 : vector<16xi32>
      %and3A_259 = arith.constant 7 : i32
      %and3A_260 = vector.broadcast %and3A_259 : i32 to vector<16xi32>
      %and3A_261 = arith.andi %get3A_252, %and3A_260 : vector<16xi32>
      %shift_left3A_262 = arith.constant 7 : i32
      %shift_left3A_263 = vector.broadcast %shift_left3A_262 : i32 to vector<16xi32>
      %shift_left3A_264 = arith.shli %and3A_261, %shift_left3A_263 : vector<16xi32>
      %add3A_265 = arith.addi %shift_left3A_258, %shift_left3A_264 : vector<16xi32>
      %add3A_266 = arith.addi %mul3A_13, %shift_left3A_248 : i32
      %add3A_267 = vector.broadcast %add3A_266 : i32 to vector<16xi32>
      %add3A_268 = arith.addi %add3A_267, %iota3A : vector<16xi32>
      %add3A_269 = arith.addi %add3A_265, %add3A_268 : vector<16xi32>
      %swap3A_270 = arith.index_cast %mul3A_246 : i32 to index
      %swap3A_271 = tpu.vector_load %arg6[%swap3A_270] {strides = array<i32>} : memref<25600xi32, #tpu.memory_space<vmem>>, vector<16xi32>,
      %swap3A_272 = vector.shape_cast %swap3A_271 : vector<16xi32> to vector<16xi32>
      %swap3A_273 = vector.shape_cast %add3A_269 : vector<16xi32> to vector<16xi32>
      tpu.vector_store %arg6[%swap3A_270], %swap3A_273 {strides = array<i32>} : memref<25600xi32, #tpu.memory_space<vmem>>, vector<16xi32>,
      %scan3A_274 = arith.constant 1 : i32
      %scan3A_275 = arith.addi %scan3A_244, %scan3A_274 : i32
      %mul3A_276 = arith.constant 16 : i32
      %mul3A_277 = arith.muli %scan3A_275, %mul3A_276 : i32
      %and3A_278 = arith.constant 7 : i32
      %and3A_279 = arith.andi %scan3A_275, %and3A_278 : i32
      %shift_left3A_280 = arith.constant 4 : i32
      %shift_left3A_281 = arith.shli %and3A_279, %shift_left3A_280 : i32
      %shift_right_arithmetic3A_282 = arith.constant 3 : i32
      %shift_right_arithmetic3A_283 = arith.shrsi %scan3A_275, %shift_right_arithmetic3A_282 : i32
      %get3A_284 = arith.index_cast %shift_right_arithmetic3A_283 : i32 to index
      %get3A_285 = arith.index_cast %shift_left3A_281 : i32 to index
      %get3A_286 = tpu.vector_load %arg5[%get3A_284, %get3A_285] {strides = array<i32>} : memref<200x128xi32, #tpu.memory_space<vmem>>, vector<1x16xi32>,
      %get3A_287 = vector.shape_cast %get3A_286 : vector<1x16xi32> to vector<16xi32>
      %shift_right_arithmetic3A_288 = arith.constant 3 : i32
      %shift_right_arithmetic3A_289 = vector.broadcast %shift_right_arithmetic3A_288 : i32 to vector<16xi32>
      %shift_right_arithmetic3A_290 = arith.shrsi %get3A_287, %shift_right_arithmetic3A_289 : vector<16xi32>
      %shift_left3A_291 = arith.constant 15 : i32
      %shift_left3A_292 = vector.broadcast %shift_left3A_291 : i32 to vector<16xi32>
      %shift_left3A_293 = arith.shli %shift_right_arithmetic3A_290, %shift_left3A_292 : vector<16xi32>
      %and3A_294 = arith.constant 7 : i32
      %and3A_295 = vector.broadcast %and3A_294 : i32 to vector<16xi32>
      %and3A_296 = arith.andi %get3A_287, %and3A_295 : vector<16xi32>
      %shift_left3A_297 = arith.constant 7 : i32
      %shift_left3A_298 = vector.broadcast %shift_left3A_297 : i32 to vector<16xi32>
      %shift_left3A_299 = arith.shli %and3A_296, %shift_left3A_298 : vector<16xi32>
      %add3A_300 = arith.addi %shift_left3A_293, %shift_left3A_299 : vector<16xi32>
      %add3A_301 = arith.addi %mul3A_13, %shift_left3A_281 : i32
      %add3A_302 = vector.broadcast %add3A_301 : i32 to vector<16xi32>
      %add3A_303 = arith.addi %add3A_302, %iota3A : vector<16xi32>
      %add3A_304 = arith.addi %add3A_300, %add3A_303 : vector<16xi32>
      %swap3A_305 = arith.index_cast %mul3A_277 : i32 to index
      %swap3A_306 = tpu.vector_load %arg6[%swap3A_305] {strides = array<i32>} : memref<25600xi32, #tpu.memory_space<vmem>>, vector<16xi32>,
      %swap3A_307 = vector.shape_cast %swap3A_306 : vector<16xi32> to vector<16xi32>
      %swap3A_308 = vector.shape_cast %add3A_304 : vector<16xi32> to vector<16xi32>
      tpu.vector_store %arg6[%swap3A_305], %swap3A_308 {strides = array<i32>} : memref<25600xi32, #tpu.memory_space<vmem>>, vector<16xi32>,
      %scan3A_309 = arith.constant 2 : i32
      %scan3A_310 = arith.addi %scan3A_244, %scan3A_309 : i32
      %mul3A_311 = arith.constant 16 : i32
      %mul3A_312 = arith.muli %scan3A_310, %mul3A_311 : i32
      %and3A_313 = arith.constant 7 : i32
      %and3A_314 = arith.andi %scan3A_310, %and3A_313 : i32
      %shift_left3A_315 = arith.constant 4 : i32
      %shift_left3A_316 = arith.shli %and3A_314, %shift_left3A_315 : i32
      %shift_right_arithmetic3A_317 = arith.constant 3 : i32
      %shift_right_arithmetic3A_318 = arith.shrsi %scan3A_310, %shift_right_arithmetic3A_317 : i32
      %get3A_319 = arith.index_cast %shift_right_arithmetic3A_318 : i32 to index
      %get3A_320 = arith.index_cast %shift_left3A_316 : i32 to index
      %get3A_321 = tpu.vector_load %arg5[%get3A_319, %get3A_320] {strides = array<i32>} : memref<200x128xi32, #tpu.memory_space<vmem>>, vector<1x16xi32>,
      %get3A_322 = vector.shape_cast %get3A_321 : vector<1x16xi32> to vector<16xi32>
      %shift_right_arithmetic3A_323 = arith.constant 3 : i32
      %shift_right_arithmetic3A_324 = vector.broadcast %shift_right_arithmetic3A_323 : i32 to vector<16xi32>
      %shift_right_arithmetic3A_325 = arith.shrsi %get3A_322, %shift_right_arithmetic3A_324 : vector<16xi32>
      %shift_left3A_326 = arith.constant 15 : i32
      %shift_left3A_327 = vector.broadcast %shift_left3A_326 : i32 to vector<16xi32>
      %shift_left3A_328 = arith.shli %shift_right_arithmetic3A_325, %shift_left3A_327 : vector<16xi32>
      %and3A_329 = arith.constant 7 : i32
      %and3A_330 = vector.broadcast %and3A_329 : i32 to vector<16xi32>
      %and3A_331 = arith.andi %get3A_322, %and3A_330 : vector<16xi32>
      %shift_left3A_332 = arith.constant 7 : i32
      %shift_left3A_333 = vector.broadcast %shift_left3A_332 : i32 to vector<16xi32>
      %shift_left3A_334 = arith.shli %and3A_331, %shift_left3A_333 : vector<16xi32>
      %add3A_335 = arith.addi %shift_left3A_328, %shift_left3A_334 : vector<16xi32>
      %add3A_336 = arith.addi %mul3A_13, %shift_left3A_316 : i32
      %add3A_337 = vector.broadcast %add3A_336 : i32 to vector<16xi32>
      %add3A_338 = arith.addi %add3A_337, %iota3A : vector<16xi32>
      %add3A_339 = arith.addi %add3A_335, %add3A_338 : vector<16xi32>
      %swap3A_340 = arith.index_cast %mul3A_312 : i32 to index
      %swap3A_341 = tpu.vector_load %arg6[%swap3A_340] {strides = array<i32>} : memref<25600xi32, #tpu.memory_space<vmem>>, vector<16xi32>,
      %swap3A_342 = vector.shape_cast %swap3A_341 : vector<16xi32> to vector<16xi32>
      %swap3A_343 = vector.shape_cast %add3A_339 : vector<16xi32> to vector<16xi32>
      tpu.vector_store %arg6[%swap3A_340], %swap3A_343 {strides = array<i32>} : memref<25600xi32, #tpu.memory_space<vmem>>, vector<16xi32>,
      %scan3A_344 = arith.constant 3 : i32
      %scan3A_345 = arith.addi %scan3A_244, %scan3A_344 : i32
      %mul3A_346 = arith.constant 16 : i32
      %mul3A_347 = arith.muli %scan3A_345, %mul3A_346 : i32
      %and3A_348 = arith.constant 7 : i32
      %and3A_349 = arith.andi %scan3A_345, %and3A_348 : i32
      %shift_left3A_350 = arith.constant 4 : i32
      %shift_left3A_351 = arith.shli %and3A_349, %shift_left3A_350 : i32
      %shift_right_arithmetic3A_352 = arith.constant 3 : i32
      %shift_right_arithmetic3A_353 = arith.shrsi %scan3A_345, %shift_right_arithmetic3A_352 : i32
      %get3A_354 = arith.index_cast %shift_right_arithmetic3A_353 : i32 to index
      %get3A_355 = arith.index_cast %shift_left3A_351 : i32 to index
      %get3A_356 = tpu.vector_load %arg5[%get3A_354, %get3A_355] {strides = array<i32>} : memref<200x128xi32, #tpu.memory_space<vmem>>, vector<1x16xi32>,
      %get3A_357 = vector.shape_cast %get3A_356 : vector<1x16xi32> to vector<16xi32>
      %shift_right_arithmetic3A_358 = arith.constant 3 : i32
      %shift_right_arithmetic3A_359 = vector.broadcast %shift_right_arithmetic3A_358 : i32 to vector<16xi32>
      %shift_right_arithmetic3A_360 = arith.shrsi %get3A_357, %shift_right_arithmetic3A_359 : vector<16xi32>
      %shift_left3A_361 = arith.constant 15 : i32
      %shift_left3A_362 = vector.broadcast %shift_left3A_361 : i32 to vector<16xi32>
      %shift_left3A_363 = arith.shli %shift_right_arithmetic3A_360, %shift_left3A_362 : vector<16xi32>
      %and3A_364 = arith.constant 7 : i32
      %and3A_365 = vector.broadcast %and3A_364 : i32 to vector<16xi32>
      %and3A_366 = arith.andi %get3A_357, %and3A_365 : vector<16xi32>
      %shift_left3A_367 = arith.constant 7 : i32
      %shift_left3A_368 = vector.broadcast %shift_left3A_367 : i32 to vector<16xi32>
      %shift_left3A_369 = arith.shli %and3A_366, %shift_left3A_368 : vector<16xi32>
      %add3A_370 = arith.addi %shift_left3A_363, %shift_left3A_369 : vector<16xi32>
      %add3A_371 = arith.addi %mul3A_13, %shift_left3A_351 : i32
      %add3A_372 = vector.broadcast %add3A_371 : i32 to vector<16xi32>
      %add3A_373 = arith.addi %add3A_372, %iota3A : vector<16xi32>
      %add3A_374 = arith.addi %add3A_370, %add3A_373 : vector<16xi32>
      %swap3A_375 = arith.index_cast %mul3A_347 : i32 to index
      %swap3A_376 = tpu.vector_load %arg6[%swap3A_375] {strides = array<i32>} : memref<25600xi32, #tpu.memory_space<vmem>>, vector<16xi32>,
      %swap3A_377 = vector.shape_cast %swap3A_376 : vector<16xi32> to vector<16xi32>
      %swap3A_378 = vector.shape_cast %add3A_374 : vector<16xi32> to vector<16xi32>
      tpu.vector_store %arg6[%swap3A_375], %swap3A_378 {strides = array<i32>} : memref<25600xi32, #tpu.memory_space<vmem>>, vector<16xi32>,
    }
    %scan3A_20 = arith.constant 160 : i32
    %scan3A_21 = arith.constant 0 : i32
    %scan3A_22 = arith.constant 0 : i32
    %scan3A_23 = arith.constant 20 : i32
    %scan3A_24 = arith.addi %scan3A_22, %scan3A_23 : i32
    %scan3A_25 = arith.constant 1 : i32
    scf.for %scan3A_244 = %scan3A_22 to %scan3A_24 step %scan3A_25  : i32 {
      %mul3A_245 = arith.constant 128 : i32
      %mul3A_246 = arith.muli %scan3A_244, %mul3A_245 : i32
      %dma_start3A = tpu.memref_slice %arg7[%mul3A_246] : memref<25600xf32, #tpu.memory_space<vmem>> -> memref<128xf32, #tpu.memory_space<vmem>>
      %dma_start3A_247 = tpu.memref_slice %arg6[%mul3A_246] : memref<25600xi32, #tpu.memory_space<vmem>> -> memref<128xi32, #tpu.memory_space<vmem>>
      %dma_start3A_248 = arith.constant 0 : i32
      %dma_start3A_249 = tpu.memref_slice %arg3[%dma_start3A_248] : memref<409600000xf32, #tpu.memory_space<hbm>> -> memref<409600000xf32, #tpu.memory_space<hbm>>
      tpu.enqueue_indirect_dma source(%dma_start3A_249 : memref<409600000xf32, #tpu.memory_space<hbm>>) target(%dma_start3A : memref<128xf32, #tpu.memory_space<vmem>>) offsets(%dma_start3A_247 : memref<128xi32, #tpu.memory_space<vmem>>) semaphore(%arg9 : memref<!tpu.dma_semaphore, #tpu.memory_space<semaphore_mem>>)
    }
    %scan3A_26 = arith.constant 20 : i32
    %scan3A_27 = arith.constant 0 : i32
    %scan3A_28 = arith.constant 160 : i32
    %scan3A_29 = arith.constant 160 : i32
    %scan3A_30 = arith.addi %scan3A_28, %scan3A_29 : i32
    %scan3A_31 = arith.constant 4 : i32
    scf.for %scan3A_244 = %scan3A_28 to %scan3A_30 step %scan3A_31  : i32 {
      %mul3A_245 = arith.constant 16 : i32
      %mul3A_246 = arith.muli %scan3A_244, %mul3A_245 : i32
      %and3A = arith.constant 7 : i32
      %and3A_247 = arith.andi %scan3A_244, %and3A : i32
      %shift_left3A = arith.constant 4 : i32
      %shift_left3A_248 = arith.shli %and3A_247, %shift_left3A : i32
      %shift_right_arithmetic3A = arith.constant 3 : i32
      %shift_right_arithmetic3A_249 = arith.shrsi %scan3A_244, %shift_right_arithmetic3A : i32
      %get3A = arith.index_cast %shift_right_arithmetic3A_249 : i32 to index
      %get3A_250 = arith.index_cast %shift_left3A_248 : i32 to index
      %get3A_251 = tpu.vector_load %arg5[%get3A, %get3A_250] {strides = array<i32>} : memref<200x128xi32, #tpu.memory_space<vmem>>, vector<1x16xi32>,
      %get3A_252 = vector.shape_cast %get3A_251 : vector<1x16xi32> to vector<16xi32>
      %shift_right_arithmetic3A_253 = arith.constant 3 : i32
      %shift_right_arithmetic3A_254 = vector.broadcast %shift_right_arithmetic3A_253 : i32 to vector<16xi32>
      %shift_right_arithmetic3A_255 = arith.shrsi %get3A_252, %shift_right_arithmetic3A_254 : vector<16xi32>
      %shift_left3A_256 = arith.constant 15 : i32
      %shift_left3A_257 = vector.broadcast %shift_left3A_256 : i32 to vector<16xi32>
      %shift_left3A_258 = arith.shli %shift_right_arithmetic3A_255, %shift_left3A_257 : vector<16xi32>
      %and3A_259 = arith.constant 7 : i32
      %and3A_260 = vector.broadcast %and3A_259 : i32 to vector<16xi32>
      %and3A_261 = arith.andi %get3A_252, %and3A_260 : vector<16xi32>
      %shift_left3A_262 = arith.constant 7 : i32
      %shift_left3A_263 = vector.broadcast %shift_left3A_262 : i32 to vector<16xi32>
      %shift_left3A_264 = arith.shli %and3A_261, %shift_left3A_263 : vector<16xi32>
      %add3A_265 = arith.addi %shift_left3A_258, %shift_left3A_264 : vector<16xi32>
      %add3A_266 = arith.addi %mul3A_13, %shift_left3A_248 : i32
      %add3A_267 = vector.broadcast %add3A_266 : i32 to vector<16xi32>
      %add3A_268 = arith.addi %add3A_267, %iota3A : vector<16xi32>
      %add3A_269 = arith.addi %add3A_265, %add3A_268 : vector<16xi32>
      %swap3A_270 = arith.index_cast %mul3A_246 : i32 to index
      %swap3A_271 = tpu.vector_load %arg6[%swap3A_270] {strides = array<i32>} : memref<25600xi32, #tpu.memory_space<vmem>>, vector<16xi32>,
      %swap3A_272 = vector.shape_cast %swap3A_271 : vector<16xi32> to vector<16xi32>
      %swap3A_273 = vector.shape_cast %add3A_269 : vector<16xi32> to vector<16xi32>
      tpu.vector_store %arg6[%swap3A_270], %swap3A_273 {strides = array<i32>} : memref<25600xi32, #tpu.memory_space<vmem>>, vector<16xi32>,
      %scan3A_274 = arith.constant 1 : i32
      %scan3A_275 = arith.addi %scan3A_244, %scan3A_274 : i32
      %mul3A_276 = arith.constant 16 : i32
      %mul3A_277 = arith.muli %scan3A_275, %mul3A_276 : i32
      %and3A_278 = arith.constant 7 : i32
      %and3A_279 = arith.andi %scan3A_275, %and3A_278 : i32
      %shift_left3A_280 = arith.constant 4 : i32
      %shift_left3A_281 = arith.shli %and3A_279, %shift_left3A_280 : i32
      %shift_right_arithmetic3A_282 = arith.constant 3 : i32
      %shift_right_arithmetic3A_283 = arith.shrsi %scan3A_275, %shift_right_arithmetic3A_282 : i32
      %get3A_284 = arith.index_cast %shift_right_arithmetic3A_283 : i32 to index
      %get3A_285 = arith.index_cast %shift_left3A_281 : i32 to index
      %get3A_286 = tpu.vector_load %arg5[%get3A_284, %get3A_285] {strides = array<i32>} : memref<200x128xi32, #tpu.memory_space<vmem>>, vector<1x16xi32>,
      %get3A_287 = vector.shape_cast %get3A_286 : vector<1x16xi32> to vector<16xi32>
      %shift_right_arithmetic3A_288 = arith.constant 3 : i32
      %shift_right_arithmetic3A_289 = vector.broadcast %shift_right_arithmetic3A_288 : i32 to vector<16xi32>
      %shift_right_arithmetic3A_290 = arith.shrsi %get3A_287, %shift_right_arithmetic3A_289 : vector<16xi32>
      %shift_left3A_291 = arith.constant 15 : i32
      %shift_left3A_292 = vector.broadcast %shift_left3A_291 : i32 to vector<16xi32>
      %shift_left3A_293 = arith.shli %shift_right_arithmetic3A_290, %shift_left3A_292 : vector<16xi32>
      %and3A_294 = arith.constant 7 : i32
      %and3A_295 = vector.broadcast %and3A_294 : i32 to vector<16xi32>
      %and3A_296 = arith.andi %get3A_287, %and3A_295 : vector<16xi32>
      %shift_left3A_297 = arith.constant 7 : i32
      %shift_left3A_298 = vector.broadcast %shift_left3A_297 : i32 to vector<16xi32>
      %shift_left3A_299 = arith.shli %and3A_296, %shift_left3A_298 : vector<16xi32>
      %add3A_300 = arith.addi %shift_left3A_293, %shift_left3A_299 : vector<16xi32>
      %add3A_301 = arith.addi %mul3A_13, %shift_left3A_281 : i32
      %add3A_302 = vector.broadcast %add3A_301 : i32 to vector<16xi32>
      %add3A_303 = arith.addi %add3A_302, %iota3A : vector<16xi32>
      %add3A_304 = arith.addi %add3A_300, %add3A_303 : vector<16xi32>
      %swap3A_305 = arith.index_cast %mul3A_277 : i32 to index
      %swap3A_306 = tpu.vector_load %arg6[%swap3A_305] {strides = array<i32>} : memref<25600xi32, #tpu.memory_space<vmem>>, vector<16xi32>,
      %swap3A_307 = vector.shape_cast %swap3A_306 : vector<16xi32> to vector<16xi32>
      %swap3A_308 = vector.shape_cast %add3A_304 : vector<16xi32> to vector<16xi32>
      tpu.vector_store %arg6[%swap3A_305], %swap3A_308 {strides = array<i32>} : memref<25600xi32, #tpu.memory_space<vmem>>, vector<16xi32>,
      %scan3A_309 = arith.constant 2 : i32
      %scan3A_310 = arith.addi %scan3A_244, %scan3A_309 : i32
      %mul3A_311 = arith.constant 16 : i32
      %mul3A_312 = arith.muli %scan3A_310, %mul3A_311 : i32
      %and3A_313 = arith.constant 7 : i32
      %and3A_314 = arith.andi %scan3A_310, %and3A_313 : i32
      %shift_left3A_315 = arith.constant 4 : i32
      %shift_left3A_316 = arith.shli %and3A_314, %shift_left3A_315 : i32
      %shift_right_arithmetic3A_317 = arith.constant 3 : i32
      %shift_right_arithmetic3A_318 = arith.shrsi %scan3A_310, %shift_right_arithmetic3A_317 : i32
      %get3A_319 = arith.index_cast %shift_right_arithmetic3A_318 : i32 to index
      %get3A_320 = arith.index_cast %shift_left3A_316 : i32 to index
      %get3A_321 = tpu.vector_load %arg5[%get3A_319, %get3A_320] {strides = array<i32>} : memref<200x128xi32, #tpu.memory_space<vmem>>, vector<1x16xi32>,
      %get3A_322 = vector.shape_cast %get3A_321 : vector<1x16xi32> to vector<16xi32>
      %shift_right_arithmetic3A_323 = arith.constant 3 : i32
      %shift_right_arithmetic3A_324 = vector.broadcast %shift_right_arithmetic3A_323 : i32 to vector<16xi32>
      %shift_right_arithmetic3A_325 = arith.shrsi %get3A_322, %shift_right_arithmetic3A_324 : vector<16xi32>
      %shift_left3A_326 = arith.constant 15 : i32
      %shift_left3A_327 = vector.broadcast %shift_left3A_326 : i32 to vector<16xi32>
      %shift_left3A_328 = arith.shli %shift_right_arithmetic3A_325, %shift_left3A_327 : vector<16xi32>
      %and3A_329 = arith.constant 7 : i32
      %and3A_330 = vector.broadcast %and3A_329 : i32 to vector<16xi32>
      %and3A_331 = arith.andi %get3A_322, %and3A_330 : vector<16xi32>
      %shift_left3A_332 = arith.constant 7 : i32
      %shift_left3A_333 = vector.broadcast %shift_left3A_332 : i32 to vector<16xi32>
      %shift_left3A_334 = arith.shli %and3A_331, %shift_left3A_333 : vector<16xi32>
      %add3A_335 = arith.addi %shift_left3A_328, %shift_left3A_334 : vector<16xi32>
      %add3A_336 = arith.addi %mul3A_13, %shift_left3A_316 : i32
      %add3A_337 = vector.broadcast %add3A_336 : i32 to vector<16xi32>
      %add3A_338 = arith.addi %add3A_337, %iota3A : vector<16xi32>
      %add3A_339 = arith.addi %add3A_335, %add3A_338 : vector<16xi32>
      %swap3A_340 = arith.index_cast %mul3A_312 : i32 to index
      %swap3A_341 = tpu.vector_load %arg6[%swap3A_340] {strides = array<i32>} : memref<25600xi32, #tpu.memory_space<vmem>>, vector<16xi32>,
      %swap3A_342 = vector.shape_cast %swap3A_341 : vector<16xi32> to vector<16xi32>
      %swap3A_343 = vector.shape_cast %add3A_339 : vector<16xi32> to vector<16xi32>
      tpu.vector_store %arg6[%swap3A_340], %swap3A_343 {strides = array<i32>} : memref<25600xi32, #tpu.memory_space<vmem>>, vector<16xi32>,
      %scan3A_344 = arith.constant 3 : i32
      %scan3A_345 = arith.addi %scan3A_244, %scan3A_344 : i32
      %mul3A_346 = arith.constant 16 : i32
      %mul3A_347 = arith.muli %scan3A_345, %mul3A_346 : i32
      %and3A_348 = arith.constant 7 : i32
      %and3A_349 = arith.andi %scan3A_345, %and3A_348 : i32
      %shift_left3A_350 = arith.constant 4 : i32
      %shift_left3A_351 = arith.shli %and3A_349, %shift_left3A_350 : i32
      %shift_right_arithmetic3A_352 = arith.constant 3 : i32
      %shift_right_arithmetic3A_353 = arith.shrsi %scan3A_345, %shift_right_arithmetic3A_352 : i32
      %get3A_354 = arith.index_cast %shift_right_arithmetic3A_353 : i32 to index
      %get3A_355 = arith.index_cast %shift_left3A_351 : i32 to index
      %get3A_356 = tpu.vector_load %arg5[%get3A_354, %get3A_355] {strides = array<i32>} : memref<200x128xi32, #tpu.memory_space<vmem>>, vector<1x16xi32>,
      %get3A_357 = vector.shape_cast %get3A_356 : vector<1x16xi32> to vector<16xi32>
      %shift_right_arithmetic3A_358 = arith.constant 3 : i32
      %shift_right_arithmetic3A_359 = vector.broadcast %shift_right_arithmetic3A_358 : i32 to vector<16xi32>
      %shift_right_arithmetic3A_360 = arith.shrsi %get3A_357, %shift_right_arithmetic3A_359 : vector<16xi32>
      %shift_left3A_361 = arith.constant 15 : i32
      %shift_left3A_362 = vector.broadcast %shift_left3A_361 : i32 to vector<16xi32>
      %shift_left3A_363 = arith.shli %shift_right_arithmetic3A_360, %shift_left3A_362 : vector<16xi32>
      %and3A_364 = arith.constant 7 : i32
      %and3A_365 = vector.broadcast %and3A_364 : i32 to vector<16xi32>
      %and3A_366 = arith.andi %get3A_357, %and3A_365 : vector<16xi32>
      %shift_left3A_367 = arith.constant 7 : i32
      %shift_left3A_368 = vector.broadcast %shift_left3A_367 : i32 to vector<16xi32>
      %shift_left3A_369 = arith.shli %and3A_366, %shift_left3A_368 : vector<16xi32>
      %add3A_370 = arith.addi %shift_left3A_363, %shift_left3A_369 : vector<16xi32>
      %add3A_371 = arith.addi %mul3A_13, %shift_left3A_351 : i32
      %add3A_372 = vector.broadcast %add3A_371 : i32 to vector<16xi32>
      %add3A_373 = arith.addi %add3A_372, %iota3A : vector<16xi32>
      %add3A_374 = arith.addi %add3A_370, %add3A_373 : vector<16xi32>
      %swap3A_375 = arith.index_cast %mul3A_347 : i32 to index
      %swap3A_376 = tpu.vector_load %arg6[%swap3A_375] {strides = array<i32>} : memref<25600xi32, #tpu.memory_space<vmem>>, vector<16xi32>,
      %swap3A_377 = vector.shape_cast %swap3A_376 : vector<16xi32> to vector<16xi32>
      %swap3A_378 = vector.shape_cast %add3A_374 : vector<16xi32> to vector<16xi32>
      tpu.vector_store %arg6[%swap3A_375], %swap3A_378 {strides = array<i32>} : memref<25600xi32, #tpu.memory_space<vmem>>, vector<16xi32>,
    }
    %scan3A_32 = arith.constant 160 : i32
    %scan3A_33 = arith.constant 0 : i32
    %scan3A_34 = arith.constant 20 : i32
    %scan3A_35 = arith.constant 20 : i32
    %scan3A_36 = arith.addi %scan3A_34, %scan3A_35 : i32
    %scan3A_37 = arith.constant 1 : i32
    scf.for %scan3A_244 = %scan3A_34 to %scan3A_36 step %scan3A_37  : i32 {
      %mul3A_245 = arith.constant 128 : i32
      %mul3A_246 = arith.muli %scan3A_244, %mul3A_245 : i32
      %dma_start3A = tpu.memref_slice %arg7[%mul3A_246] : memref<25600xf32, #tpu.memory_space<vmem>> -> memref<128xf32, #tpu.memory_space<vmem>>
      %dma_start3A_247 = tpu.memref_slice %arg6[%mul3A_246] : memref<25600xi32, #tpu.memory_space<vmem>> -> memref<128xi32, #tpu.memory_space<vmem>>
      %dma_start3A_248 = arith.constant 0 : i32
      %dma_start3A_249 = tpu.memref_slice %arg3[%dma_start3A_248] : memref<409600000xf32, #tpu.memory_space<hbm>> -> memref<409600000xf32, #tpu.memory_space<hbm>>
      tpu.enqueue_indirect_dma source(%dma_start3A_249 : memref<409600000xf32, #tpu.memory_space<hbm>>) target(%dma_start3A : memref<128xf32, #tpu.memory_space<vmem>>) offsets(%dma_start3A_247 : memref<128xi32, #tpu.memory_space<vmem>>) semaphore(%arg10 : memref<!tpu.dma_semaphore, #tpu.memory_space<semaphore_mem>>)
    }
    %scan3A_38 = arith.constant 20 : i32
    %scan3A_39 = arith.constant 0 : i32
    %scan3A_40 = arith.constant 320 : i32
    %scan3A_41 = arith.constant 160 : i32
    %scan3A_42 = arith.addi %scan3A_40, %scan3A_41 : i32
    %scan3A_43 = arith.constant 4 : i32
    scf.for %scan3A_244 = %scan3A_40 to %scan3A_42 step %scan3A_43  : i32 {
      %mul3A_245 = arith.constant 16 : i32
      %mul3A_246 = arith.muli %scan3A_244, %mul3A_245 : i32
      %and3A = arith.constant 7 : i32
      %and3A_247 = arith.andi %scan3A_244, %and3A : i32
      %shift_left3A = arith.constant 4 : i32
      %shift_left3A_248 = arith.shli %and3A_247, %shift_left3A : i32
      %shift_right_arithmetic3A = arith.constant 3 : i32
      %shift_right_arithmetic3A_249 = arith.shrsi %scan3A_244, %shift_right_arithmetic3A : i32
      %get3A = arith.index_cast %shift_right_arithmetic3A_249 : i32 to index
      %get3A_250 = arith.index_cast %shift_left3A_248 : i32 to index
      %get3A_251 = tpu.vector_load %arg5[%get3A, %get3A_250] {strides = array<i32>} : memref<200x128xi32, #tpu.memory_space<vmem>>, vector<1x16xi32>,
      %get3A_252 = vector.shape_cast %get3A_251 : vector<1x16xi32> to vector<16xi32>
      %shift_right_arithmetic3A_253 = arith.constant 3 : i32
      %shift_right_arithmetic3A_254 = vector.broadcast %shift_right_arithmetic3A_253 : i32 to vector<16xi32>
      %shift_right_arithmetic3A_255 = arith.shrsi %get3A_252, %shift_right_arithmetic3A_254 : vector<16xi32>
      %shift_left3A_256 = arith.constant 15 : i32
      %shift_left3A_257 = vector.broadcast %shift_left3A_256 : i32 to vector<16xi32>
      %shift_left3A_258 = arith.shli %shift_right_arithmetic3A_255, %shift_left3A_257 : vector<16xi32>
      %and3A_259 = arith.constant 7 : i32
      %and3A_260 = vector.broadcast %and3A_259 : i32 to vector<16xi32>
      %and3A_261 = arith.andi %get3A_252, %and3A_260 : vector<16xi32>
      %shift_left3A_262 = arith.constant 7 : i32
      %shift_left3A_263 = vector.broadcast %shift_left3A_262 : i32 to vector<16xi32>
      %shift_left3A_264 = arith.shli %and3A_261, %shift_left3A_263 : vector<16xi32>
      %add3A_265 = arith.addi %shift_left3A_258, %shift_left3A_264 : vector<16xi32>
      %add3A_266 = arith.addi %mul3A_13, %shift_left3A_248 : i32
      %add3A_267 = vector.broadcast %add3A_266 : i32 to vector<16xi32>
      %add3A_268 = arith.addi %add3A_267, %iota3A : vector<16xi32>
      %add3A_269 = arith.addi %add3A_265, %add3A_268 : vector<16xi32>
      %swap3A_270 = arith.index_cast %mul3A_246 : i32 to index
      %swap3A_271 = tpu.vector_load %arg6[%swap3A_270] {strides = array<i32>} : memref<25600xi32, #tpu.memory_space<vmem>>, vector<16xi32>,
      %swap3A_272 = vector.shape_cast %swap3A_271 : vector<16xi32> to vector<16xi32>
      %swap3A_273 = vector.shape_cast %add3A_269 : vector<16xi32> to vector<16xi32>
      tpu.vector_store %arg6[%swap3A_270], %swap3A_273 {strides = array<i32>} : memref<25600xi32, #tpu.memory_space<vmem>>, vector<16xi32>,
      %scan3A_274 = arith.constant 1 : i32
      %scan3A_275 = arith.addi %scan3A_244, %scan3A_274 : i32
      %mul3A_276 = arith.constant 16 : i32
      %mul3A_277 = arith.muli %scan3A_275, %mul3A_276 : i32
      %and3A_278 = arith.constant 7 : i32
      %and3A_279 = arith.andi %scan3A_275, %and3A_278 : i32
      %shift_left3A_280 = arith.constant 4 : i32
      %shift_left3A_281 = arith.shli %and3A_279, %shift_left3A_280 : i32
      %shift_right_arithmetic3A_282 = arith.constant 3 : i32
      %shift_right_arithmetic3A_283 = arith.shrsi %scan3A_275, %shift_right_arithmetic3A_282 : i32
      %get3A_284 = arith.index_cast %shift_right_arithmetic3A_283 : i32 to index
      %get3A_285 = arith.index_cast %shift_left3A_281 : i32 to index
      %get3A_286 = tpu.vector_load %arg5[%get3A_284, %get3A_285] {strides = array<i32>} : memref<200x128xi32, #tpu.memory_space<vmem>>, vector<1x16xi32>,
      %get3A_287 = vector.shape_cast %get3A_286 : vector<1x16xi32> to vector<16xi32>
      %shift_right_arithmetic3A_288 = arith.constant 3 : i32
      %shift_right_arithmetic3A_289 = vector.broadcast %shift_right_arithmetic3A_288 : i32 to vector<16xi32>
      %shift_right_arithmetic3A_290 = arith.shrsi %get3A_287, %shift_right_arithmetic3A_289 : vector<16xi32>
      %shift_left3A_291 = arith.constant 15 : i32
      %shift_left3A_292 = vector.broadcast %shift_left3A_291 : i32 to vector<16xi32>
      %shift_left3A_293 = arith.shli %shift_right_arithmetic3A_290, %shift_left3A_292 : vector<16xi32>
      %and3A_294 = arith.constant 7 : i32
      %and3A_295 = vector.broadcast %and3A_294 : i32 to vector<16xi32>
      %and3A_296 = arith.andi %get3A_287, %and3A_295 : vector<16xi32>
      %shift_left3A_297 = arith.constant 7 : i32
      %shift_left3A_298 = vector.broadcast %shift_left3A_297 : i32 to vector<16xi32>
      %shift_left3A_299 = arith.shli %and3A_296, %shift_left3A_298 : vector<16xi32>
      %add3A_300 = arith.addi %shift_left3A_293, %shift_left3A_299 : vector<16xi32>
      %add3A_301 = arith.addi %mul3A_13, %shift_left3A_281 : i32
      %add3A_302 = vector.broadcast %add3A_301 : i32 to vector<16xi32>
      %add3A_303 = arith.addi %add3A_302, %iota3A : vector<16xi32>
      %add3A_304 = arith.addi %add3A_300, %add3A_303 : vector<16xi32>
      %swap3A_305 = arith.index_cast %mul3A_277 : i32 to index
      %swap3A_306 = tpu.vector_load %arg6[%swap3A_305] {strides = array<i32>} : memref<25600xi32, #tpu.memory_space<vmem>>, vector<16xi32>,
      %swap3A_307 = vector.shape_cast %swap3A_306 : vector<16xi32> to vector<16xi32>
      %swap3A_308 = vector.shape_cast %add3A_304 : vector<16xi32> to vector<16xi32>
      tpu.vector_store %arg6[%swap3A_305], %swap3A_308 {strides = array<i32>} : memref<25600xi32, #tpu.memory_space<vmem>>, vector<16xi32>,
      %scan3A_309 = arith.constant 2 : i32
      %scan3A_310 = arith.addi %scan3A_244, %scan3A_309 : i32
      %mul3A_311 = arith.constant 16 : i32
      %mul3A_312 = arith.muli %scan3A_310, %mul3A_311 : i32
      %and3A_313 = arith.constant 7 : i32
      %and3A_314 = arith.andi %scan3A_310, %and3A_313 : i32
      %shift_left3A_315 = arith.constant 4 : i32
      %shift_left3A_316 = arith.shli %and3A_314, %shift_left3A_315 : i32
      %shift_right_arithmetic3A_317 = arith.constant 3 : i32
      %shift_right_arithmetic3A_318 = arith.shrsi %scan3A_310, %shift_right_arithmetic3A_317 : i32
      %get3A_319 = arith.index_cast %shift_right_arithmetic3A_318 : i32 to index
      %get3A_320 = arith.index_cast %shift_left3A_316 : i32 to index
      %get3A_321 = tpu.vector_load %arg5[%get3A_319, %get3A_320] {strides = array<i32>} : memref<200x128xi32, #tpu.memory_space<vmem>>, vector<1x16xi32>,
      %get3A_322 = vector.shape_cast %get3A_321 : vector<1x16xi32> to vector<16xi32>
      %shift_right_arithmetic3A_323 = arith.constant 3 : i32
      %shift_right_arithmetic3A_324 = vector.broadcast %shift_right_arithmetic3A_323 : i32 to vector<16xi32>
      %shift_right_arithmetic3A_325 = arith.shrsi %get3A_322, %shift_right_arithmetic3A_324 : vector<16xi32>
      %shift_left3A_326 = arith.constant 15 : i32
      %shift_left3A_327 = vector.broadcast %shift_left3A_326 : i32 to vector<16xi32>
      %shift_left3A_328 = arith.shli %shift_right_arithmetic3A_325, %shift_left3A_327 : vector<16xi32>
      %and3A_329 = arith.constant 7 : i32
      %and3A_330 = vector.broadcast %and3A_329 : i32 to vector<16xi32>
      %and3A_331 = arith.andi %get3A_322, %and3A_330 : vector<16xi32>
      %shift_left3A_332 = arith.constant 7 : i32
      %shift_left3A_333 = vector.broadcast %shift_left3A_332 : i32 to vector<16xi32>
      %shift_left3A_334 = arith.shli %and3A_331, %shift_left3A_333 : vector<16xi32>
      %add3A_335 = arith.addi %shift_left3A_328, %shift_left3A_334 : vector<16xi32>
      %add3A_336 = arith.addi %mul3A_13, %shift_left3A_316 : i32
      %add3A_337 = vector.broadcast %add3A_336 : i32 to vector<16xi32>
      %add3A_338 = arith.addi %add3A_337, %iota3A : vector<16xi32>
      %add3A_339 = arith.addi %add3A_335, %add3A_338 : vector<16xi32>
      %swap3A_340 = arith.index_cast %mul3A_312 : i32 to index
      %swap3A_341 = tpu.vector_load %arg6[%swap3A_340] {strides = array<i32>} : memref<25600xi32, #tpu.memory_space<vmem>>, vector<16xi32>,
      %swap3A_342 = vector.shape_cast %swap3A_341 : vector<16xi32> to vector<16xi32>
      %swap3A_343 = vector.shape_cast %add3A_339 : vector<16xi32> to vector<16xi32>
      tpu.vector_store %arg6[%swap3A_340], %swap3A_343 {strides = array<i32>} : memref<25600xi32, #tpu.memory_space<vmem>>, vector<16xi32>,
      %scan3A_344 = arith.constant 3 : i32
      %scan3A_345 = arith.addi %scan3A_244, %scan3A_344 : i32
      %mul3A_346 = arith.constant 16 : i32
      %mul3A_347 = arith.muli %scan3A_345, %mul3A_346 : i32
      %and3A_348 = arith.constant 7 : i32
      %and3A_349 = arith.andi %scan3A_345, %and3A_348 : i32
      %shift_left3A_350 = arith.constant 4 : i32
      %shift_left3A_351 = arith.shli %and3A_349, %shift_left3A_350 : i32
      %shift_right_arithmetic3A_352 = arith.constant 3 : i32
      %shift_right_arithmetic3A_353 = arith.shrsi %scan3A_345, %shift_right_arithmetic3A_352 : i32
      %get3A_354 = arith.index_cast %shift_right_arithmetic3A_353 : i32 to index
      %get3A_355 = arith.index_cast %shift_left3A_351 : i32 to index
      %get3A_356 = tpu.vector_load %arg5[%get3A_354, %get3A_355] {strides = array<i32>} : memref<200x128xi32, #tpu.memory_space<vmem>>, vector<1x16xi32>,
      %get3A_357 = vector.shape_cast %get3A_356 : vector<1x16xi32> to vector<16xi32>
      %shift_right_arithmetic3A_358 = arith.constant 3 : i32
      %shift_right_arithmetic3A_359 = vector.broadcast %shift_right_arithmetic3A_358 : i32 to vector<16xi32>
      %shift_right_arithmetic3A_360 = arith.shrsi %get3A_357, %shift_right_arithmetic3A_359 : vector<16xi32>
      %shift_left3A_361 = arith.constant 15 : i32
      %shift_left3A_362 = vector.broadcast %shift_left3A_361 : i32 to vector<16xi32>
      %shift_left3A_363 = arith.shli %shift_right_arithmetic3A_360, %shift_left3A_362 : vector<16xi32>
      %and3A_364 = arith.constant 7 : i32
      %and3A_365 = vector.broadcast %and3A_364 : i32 to vector<16xi32>
      %and3A_366 = arith.andi %get3A_357, %and3A_365 : vector<16xi32>
      %shift_left3A_367 = arith.constant 7 : i32
      %shift_left3A_368 = vector.broadcast %shift_left3A_367 : i32 to vector<16xi32>
      %shift_left3A_369 = arith.shli %and3A_366, %shift_left3A_368 : vector<16xi32>
      %add3A_370 = arith.addi %shift_left3A_363, %shift_left3A_369 : vector<16xi32>
      %add3A_371 = arith.addi %mul3A_13, %shift_left3A_351 : i32
      %add3A_372 = vector.broadcast %add3A_371 : i32 to vector<16xi32>
      %add3A_373 = arith.addi %add3A_372, %iota3A : vector<16xi32>
      %add3A_374 = arith.addi %add3A_370, %add3A_373 : vector<16xi32>
      %swap3A_375 = arith.index_cast %mul3A_347 : i32 to index
      %swap3A_376 = tpu.vector_load %arg6[%swap3A_375] {strides = array<i32>} : memref<25600xi32, #tpu.memory_space<vmem>>, vector<16xi32>,
      %swap3A_377 = vector.shape_cast %swap3A_376 : vector<16xi32> to vector<16xi32>
      %swap3A_378 = vector.shape_cast %add3A_374 : vector<16xi32> to vector<16xi32>
      tpu.vector_store %arg6[%swap3A_375], %swap3A_378 {strides = array<i32>} : memref<25600xi32, #tpu.memory_space<vmem>>, vector<16xi32>,
    }
    %scan3A_44 = arith.constant 160 : i32
    %scan3A_45 = arith.constant 0 : i32
    %scan3A_46 = arith.constant 40 : i32
    %scan3A_47 = arith.constant 20 : i32
    %scan3A_48 = arith.addi %scan3A_46, %scan3A_47 : i32
    %scan3A_49 = arith.constant 1 : i32
    scf.for %scan3A_244 = %scan3A_46 to %scan3A_48 step %scan3A_49  : i32 {
      %mul3A_245 = arith.constant 128 : i32
      %mul3A_246 = arith.muli %scan3A_244, %mul3A_245 : i32
      %dma_start3A = tpu.memref_slice %arg7[%mul3A_246] : memref<25600xf32, #tpu.memory_space<vmem>> -> memref<128xf32, #tpu.memory_space<vmem>>
      %dma_start3A_247 = tpu.memref_slice %arg6[%mul3A_246] : memref<25600xi32, #tpu.memory_space<vmem>> -> memref<128xi32, #tpu.memory_space<vmem>>
      %dma_start3A_248 = arith.constant 0 : i32
      %dma_start3A_249 = tpu.memref_slice %arg3[%dma_start3A_248] : memref<409600000xf32, #tpu.memory_space<hbm>> -> memref<409600000xf32, #tpu.memory_space<hbm>>
      tpu.enqueue_indirect_dma source(%dma_start3A_249 : memref<409600000xf32, #tpu.memory_space<hbm>>) target(%dma_start3A : memref<128xf32, #tpu.memory_space<vmem>>) offsets(%dma_start3A_247 : memref<128xi32, #tpu.memory_space<vmem>>) semaphore(%arg11 : memref<!tpu.dma_semaphore, #tpu.memory_space<semaphore_mem>>)
    }
    %scan3A_50 = arith.constant 20 : i32
    %scan3A_51 = arith.constant 0 : i32
    %scan3A_52 = arith.constant 480 : i32
    %scan3A_53 = arith.constant 160 : i32
    %scan3A_54 = arith.addi %scan3A_52, %scan3A_53 : i32
    %scan3A_55 = arith.constant 4 : i32
    scf.for %scan3A_244 = %scan3A_52 to %scan3A_54 step %scan3A_55  : i32 {
      %mul3A_245 = arith.constant 16 : i32
      %mul3A_246 = arith.muli %scan3A_244, %mul3A_245 : i32
      %and3A = arith.constant 7 : i32
      %and3A_247 = arith.andi %scan3A_244, %and3A : i32
      %shift_left3A = arith.constant 4 : i32
      %shift_left3A_248 = arith.shli %and3A_247, %shift_left3A : i32
      %shift_right_arithmetic3A = arith.constant 3 : i32
      %shift_right_arithmetic3A_249 = arith.shrsi %scan3A_244, %shift_right_arithmetic3A : i32
      %get3A = arith.index_cast %shift_right_arithmetic3A_249 : i32 to index
      %get3A_250 = arith.index_cast %shift_left3A_248 : i32 to index
      %get3A_251 = tpu.vector_load %arg5[%get3A, %get3A_250] {strides = array<i32>} : memref<200x128xi32, #tpu.memory_space<vmem>>, vector<1x16xi32>,
      %get3A_252 = vector.shape_cast %get3A_251 : vector<1x16xi32> to vector<16xi32>
      %shift_right_arithmetic3A_253 = arith.constant 3 : i32
      %shift_right_arithmetic3A_254 = vector.broadcast %shift_right_arithmetic3A_253 : i32 to vector<16xi32>
      %shift_right_arithmetic3A_255 = arith.shrsi %get3A_252, %shift_right_arithmetic3A_254 : vector<16xi32>
      %shift_left3A_256 = arith.constant 15 : i32
      %shift_left3A_257 = vector.broadcast %shift_left3A_256 : i32 to vector<16xi32>
      %shift_left3A_258 = arith.shli %shift_right_arithmetic3A_255, %shift_left3A_257 : vector<16xi32>
      %and3A_259 = arith.constant 7 : i32
      %and3A_260 = vector.broadcast %and3A_259 : i32 to vector<16xi32>
      %and3A_261 = arith.andi %get3A_252, %and3A_260 : vector<16xi32>
      %shift_left3A_262 = arith.constant 7 : i32
      %shift_left3A_263 = vector.broadcast %shift_left3A_262 : i32 to vector<16xi32>
      %shift_left3A_264 = arith.shli %and3A_261, %shift_left3A_263 : vector<16xi32>
      %add3A_265 = arith.addi %shift_left3A_258, %shift_left3A_264 : vector<16xi32>
      %add3A_266 = arith.addi %mul3A_13, %shift_left3A_248 : i32
      %add3A_267 = vector.broadcast %add3A_266 : i32 to vector<16xi32>
      %add3A_268 = arith.addi %add3A_267, %iota3A : vector<16xi32>
      %add3A_269 = arith.addi %add3A_265, %add3A_268 : vector<16xi32>
      %swap3A_270 = arith.index_cast %mul3A_246 : i32 to index
      %swap3A_271 = tpu.vector_load %arg6[%swap3A_270] {strides = array<i32>} : memref<25600xi32, #tpu.memory_space<vmem>>, vector<16xi32>,
      %swap3A_272 = vector.shape_cast %swap3A_271 : vector<16xi32> to vector<16xi32>
      %swap3A_273 = vector.shape_cast %add3A_269 : vector<16xi32> to vector<16xi32>
      tpu.vector_store %arg6[%swap3A_270], %swap3A_273 {strides = array<i32>} : memref<25600xi32, #tpu.memory_space<vmem>>, vector<16xi32>,
      %scan3A_274 = arith.constant 1 : i32
      %scan3A_275 = arith.addi %scan3A_244, %scan3A_274 : i32
      %mul3A_276 = arith.constant 16 : i32
      %mul3A_277 = arith.muli %scan3A_275, %mul3A_276 : i32
      %and3A_278 = arith.constant 7 : i32
      %and3A_279 = arith.andi %scan3A_275, %and3A_278 : i32
      %shift_left3A_280 = arith.constant 4 : i32
      %shift_left3A_281 = arith.shli %and3A_279, %shift_left3A_280 : i32
      %shift_right_arithmetic3A_282 = arith.constant 3 : i32
      %shift_right_arithmetic3A_283 = arith.shrsi %scan3A_275, %shift_right_arithmetic3A_282 : i32
      %get3A_284 = arith.index_cast %shift_right_arithmetic3A_283 : i32 to index
      %get3A_285 = arith.index_cast %shift_left3A_281 : i32 to index
      %get3A_286 = tpu.vector_load %arg5[%get3A_284, %get3A_285] {strides = array<i32>} : memref<200x128xi32, #tpu.memory_space<vmem>>, vector<1x16xi32>,
      %get3A_287 = vector.shape_cast %get3A_286 : vector<1x16xi32> to vector<16xi32>
      %shift_right_arithmetic3A_288 = arith.constant 3 : i32
      %shift_right_arithmetic3A_289 = vector.broadcast %shift_right_arithmetic3A_288 : i32 to vector<16xi32>
      %shift_right_arithmetic3A_290 = arith.shrsi %get3A_287, %shift_right_arithmetic3A_289 : vector<16xi32>
      %shift_left3A_291 = arith.constant 15 : i32
      %shift_left3A_292 = vector.broadcast %shift_left3A_291 : i32 to vector<16xi32>
      %shift_left3A_293 = arith.shli %shift_right_arithmetic3A_290, %shift_left3A_292 : vector<16xi32>
      %and3A_294 = arith.constant 7 : i32
      %and3A_295 = vector.broadcast %and3A_294 : i32 to vector<16xi32>
      %and3A_296 = arith.andi %get3A_287, %and3A_295 : vector<16xi32>
      %shift_left3A_297 = arith.constant 7 : i32
      %shift_left3A_298 = vector.broadcast %shift_left3A_297 : i32 to vector<16xi32>
      %shift_left3A_299 = arith.shli %and3A_296, %shift_left3A_298 : vector<16xi32>
      %add3A_300 = arith.addi %shift_left3A_293, %shift_left3A_299 : vector<16xi32>
      %add3A_301 = arith.addi %mul3A_13, %shift_left3A_281 : i32
      %add3A_302 = vector.broadcast %add3A_301 : i32 to vector<16xi32>
      %add3A_303 = arith.addi %add3A_302, %iota3A : vector<16xi32>
      %add3A_304 = arith.addi %add3A_300, %add3A_303 : vector<16xi32>
      %swap3A_305 = arith.index_cast %mul3A_277 : i32 to index
      %swap3A_306 = tpu.vector_load %arg6[%swap3A_305] {strides = array<i32>} : memref<25600xi32, #tpu.memory_space<vmem>>, vector<16xi32>,
      %swap3A_307 = vector.shape_cast %swap3A_306 : vector<16xi32> to vector<16xi32>
      %swap3A_308 = vector.shape_cast %add3A_304 : vector<16xi32> to vector<16xi32>
      tpu.vector_store %arg6[%swap3A_305], %swap3A_308 {strides = array<i32>} : memref<25600xi32, #tpu.memory_space<vmem>>, vector<16xi32>,
      %scan3A_309 = arith.constant 2 : i32
      %scan3A_310 = arith.addi %scan3A_244, %scan3A_309 : i32
      %mul3A_311 = arith.constant 16 : i32
      %mul3A_312 = arith.muli %scan3A_310, %mul3A_311 : i32
      %and3A_313 = arith.constant 7 : i32
      %and3A_314 = arith.andi %scan3A_310, %and3A_313 : i32
      %shift_left3A_315 = arith.constant 4 : i32
      %shift_left3A_316 = arith.shli %and3A_314, %shift_left3A_315 : i32
      %shift_right_arithmetic3A_317 = arith.constant 3 : i32
      %shift_right_arithmetic3A_318 = arith.shrsi %scan3A_310, %shift_right_arithmetic3A_317 : i32
      %get3A_319 = arith.index_cast %shift_right_arithmetic3A_318 : i32 to index
      %get3A_320 = arith.index_cast %shift_left3A_316 : i32 to index
      %get3A_321 = tpu.vector_load %arg5[%get3A_319, %get3A_320] {strides = array<i32>} : memref<200x128xi32, #tpu.memory_space<vmem>>, vector<1x16xi32>,
      %get3A_322 = vector.shape_cast %get3A_321 : vector<1x16xi32> to vector<16xi32>
      %shift_right_arithmetic3A_323 = arith.constant 3 : i32
      %shift_right_arithmetic3A_324 = vector.broadcast %shift_right_arithmetic3A_323 : i32 to vector<16xi32>
      %shift_right_arithmetic3A_325 = arith.shrsi %get3A_322, %shift_right_arithmetic3A_324 : vector<16xi32>
      %shift_left3A_326 = arith.constant 15 : i32
      %shift_left3A_327 = vector.broadcast %shift_left3A_326 : i32 to vector<16xi32>
      %shift_left3A_328 = arith.shli %shift_right_arithmetic3A_325, %shift_left3A_327 : vector<16xi32>
      %and3A_329 = arith.constant 7 : i32
      %and3A_330 = vector.broadcast %and3A_329 : i32 to vector<16xi32>
      %and3A_331 = arith.andi %get3A_322, %and3A_330 : vector<16xi32>
      %shift_left3A_332 = arith.constant 7 : i32
      %shift_left3A_333 = vector.broadcast %shift_left3A_332 : i32 to vector<16xi32>
      %shift_left3A_334 = arith.shli %and3A_331, %shift_left3A_333 : vector<16xi32>
      %add3A_335 = arith.addi %shift_left3A_328, %shift_left3A_334 : vector<16xi32>
      %add3A_336 = arith.addi %mul3A_13, %shift_left3A_316 : i32
      %add3A_337 = vector.broadcast %add3A_336 : i32 to vector<16xi32>
      %add3A_338 = arith.addi %add3A_337, %iota3A : vector<16xi32>
      %add3A_339 = arith.addi %add3A_335, %add3A_338 : vector<16xi32>
      %swap3A_340 = arith.index_cast %mul3A_312 : i32 to index
      %swap3A_341 = tpu.vector_load %arg6[%swap3A_340] {strides = array<i32>} : memref<25600xi32, #tpu.memory_space<vmem>>, vector<16xi32>,
      %swap3A_342 = vector.shape_cast %swap3A_341 : vector<16xi32> to vector<16xi32>
      %swap3A_343 = vector.shape_cast %add3A_339 : vector<16xi32> to vector<16xi32>
      tpu.vector_store %arg6[%swap3A_340], %swap3A_343 {strides = array<i32>} : memref<25600xi32, #tpu.memory_space<vmem>>, vector<16xi32>,
      %scan3A_344 = arith.constant 3 : i32
      %scan3A_345 = arith.addi %scan3A_244, %scan3A_344 : i32
      %mul3A_346 = arith.constant 16 : i32
      %mul3A_347 = arith.muli %scan3A_345, %mul3A_346 : i32
      %and3A_348 = arith.constant 7 : i32
      %and3A_349 = arith.andi %scan3A_345, %and3A_348 : i32
      %shift_left3A_350 = arith.constant 4 : i32
      %shift_left3A_351 = arith.shli %and3A_349, %shift_left3A_350 : i32
      %shift_right_arithmetic3A_352 = arith.constant 3 : i32
      %shift_right_arithmetic3A_353 = arith.shrsi %scan3A_345, %shift_right_arithmetic3A_352 : i32
      %get3A_354 = arith.index_cast %shift_right_arithmetic3A_353 : i32 to index
      %get3A_355 = arith.index_cast %shift_left3A_351 : i32 to index
      %get3A_356 = tpu.vector_load %arg5[%get3A_354, %get3A_355] {strides = array<i32>} : memref<200x128xi32, #tpu.memory_space<vmem>>, vector<1x16xi32>,
      %get3A_357 = vector.shape_cast %get3A_356 : vector<1x16xi32> to vector<16xi32>
      %shift_right_arithmetic3A_358 = arith.constant 3 : i32
      %shift_right_arithmetic3A_359 = vector.broadcast %shift_right_arithmetic3A_358 : i32 to vector<16xi32>
      %shift_right_arithmetic3A_360 = arith.shrsi %get3A_357, %shift_right_arithmetic3A_359 : vector<16xi32>
      %shift_left3A_361 = arith.constant 15 : i32
      %shift_left3A_362 = vector.broadcast %shift_left3A_361 : i32 to vector<16xi32>
      %shift_left3A_363 = arith.shli %shift_right_arithmetic3A_360, %shift_left3A_362 : vector<16xi32>
      %and3A_364 = arith.constant 7 : i32
      %and3A_365 = vector.broadcast %and3A_364 : i32 to vector<16xi32>
      %and3A_366 = arith.andi %get3A_357, %and3A_365 : vector<16xi32>
      %shift_left3A_367 = arith.constant 7 : i32
      %shift_left3A_368 = vector.broadcast %shift_left3A_367 : i32 to vector<16xi32>
      %shift_left3A_369 = arith.shli %and3A_366, %shift_left3A_368 : vector<16xi32>
      %add3A_370 = arith.addi %shift_left3A_363, %shift_left3A_369 : vector<16xi32>
      %add3A_371 = arith.addi %mul3A_13, %shift_left3A_351 : i32
      %add3A_372 = vector.broadcast %add3A_371 : i32 to vector<16xi32>
      %add3A_373 = arith.addi %add3A_372, %iota3A : vector<16xi32>
      %add3A_374 = arith.addi %add3A_370, %add3A_373 : vector<16xi32>
      %swap3A_375 = arith.index_cast %mul3A_347 : i32 to index
      %swap3A_376 = tpu.vector_load %arg6[%swap3A_375] {strides = array<i32>} : memref<25600xi32, #tpu.memory_space<vmem>>, vector<16xi32>,
      %swap3A_377 = vector.shape_cast %swap3A_376 : vector<16xi32> to vector<16xi32>
      %swap3A_378 = vector.shape_cast %add3A_374 : vector<16xi32> to vector<16xi32>
      tpu.vector_store %arg6[%swap3A_375], %swap3A_378 {strides = array<i32>} : memref<25600xi32, #tpu.memory_space<vmem>>, vector<16xi32>,
    }
    %scan3A_56 = arith.constant 160 : i32
    %scan3A_57 = arith.constant 0 : i32
    %scan3A_58 = arith.constant 60 : i32
    %scan3A_59 = arith.constant 20 : i32
    %scan3A_60 = arith.addi %scan3A_58, %scan3A_59 : i32
    %scan3A_61 = arith.constant 1 : i32
    scf.for %scan3A_244 = %scan3A_58 to %scan3A_60 step %scan3A_61  : i32 {
      %mul3A_245 = arith.constant 128 : i32
      %mul3A_246 = arith.muli %scan3A_244, %mul3A_245 : i32
      %dma_start3A = tpu.memref_slice %arg7[%mul3A_246] : memref<25600xf32, #tpu.memory_space<vmem>> -> memref<128xf32, #tpu.memory_space<vmem>>
      %dma_start3A_247 = tpu.memref_slice %arg6[%mul3A_246] : memref<25600xi32, #tpu.memory_space<vmem>> -> memref<128xi32, #tpu.memory_space<vmem>>
      %dma_start3A_248 = arith.constant 0 : i32
      %dma_start3A_249 = tpu.memref_slice %arg3[%dma_start3A_248] : memref<409600000xf32, #tpu.memory_space<hbm>> -> memref<409600000xf32, #tpu.memory_space<hbm>>
      tpu.enqueue_indirect_dma source(%dma_start3A_249 : memref<409600000xf32, #tpu.memory_space<hbm>>) target(%dma_start3A : memref<128xf32, #tpu.memory_space<vmem>>) offsets(%dma_start3A_247 : memref<128xi32, #tpu.memory_space<vmem>>) semaphore(%arg12 : memref<!tpu.dma_semaphore, #tpu.memory_space<semaphore_mem>>)
    }
    %scan3A_62 = arith.constant 20 : i32
    %dma_wait3A = arith.constant 0 : i32
    %dma_wait3A_63 = tpu.memref_slice %arg7[%dma_wait3A] : memref<25600xf32, #tpu.memory_space<vmem>> -> memref<2560xf32, #tpu.memory_space<vmem>>
    %dma_wait3A_64 = arith.constant 0 : i32
    %dma_wait3A_65 = tpu.memref_slice %arg3[%dma_wait3A_64] : memref<409600000xf32, #tpu.memory_space<hbm>> -> memref<2560xf32, #tpu.memory_space<hbm>>
    %dma_wait3A_66 = arith.constant 0 : i32
    %dma_wait3A_67 = tpu.memref_slice %arg7[%dma_wait3A_66] : memref<25600xf32, #tpu.memory_space<vmem>> -> memref<2560xf32, #tpu.memory_space<vmem>>
    %dma_wait3A_68 = arith.constant 0 : i32
    %dma_wait3A_69 = tpu.memref_slice %arg3[%dma_wait3A_68] : memref<409600000xf32, #tpu.memory_space<hbm>> -> memref<2560xf32, #tpu.memory_space<hbm>>
    tpu.wait_dma2 semaphore(%arg9 : memref<!tpu.dma_semaphore, #tpu.memory_space<semaphore_mem>>) src(%dma_wait3A_69 : memref<2560xf32, #tpu.memory_space<hbm>>) dst(%dma_wait3A_67 : memref<2560xf32, #tpu.memory_space<vmem>>)
    %scan3A_70 = arith.constant 0 : i32
    %scan3A_71 = arith.constant 160 : i32
    %scan3A_72 = arith.addi %scan3A_70, %scan3A_71 : i32
    %scan3A_73 = arith.constant 4 : i32
    %scan3A_74 = scf.for %scan3A_244 = %scan3A_70 to %scan3A_72 step %scan3A_73 iter_args(%scan3A_245 = %broadcast_in_dim3A_14) -> (vector<16xf32>)  : i32 {
      %mul3A_246 = arith.constant 16 : i32
      %mul3A_247 = arith.muli %scan3A_244, %mul3A_246 : i32
      %add3A_248 = arith.constant 0 : i32
      %add3A_249 = arith.addi %add3A_248, %mul3A_247 : i32
      %add3A_250 = arith.constant 0 : i32
      %add3A_251 = arith.addi %add3A_250, %scan3A_244 : i32
      %shift_right_arithmetic3A = arith.constant 3 : i32
      %shift_right_arithmetic3A_252 = arith.shrsi %add3A_251, %shift_right_arithmetic3A : i32
      %and3A = arith.constant 7 : i32
      %and3A_253 = arith.andi %add3A_251, %and3A : i32
      %shift_left3A = arith.constant 4 : i32
      %shift_left3A_254 = arith.shli %and3A_253, %shift_left3A : i32
      %get3A = arith.index_cast %shift_right_arithmetic3A_252 : i32 to index
      %get3A_255 = arith.index_cast %shift_left3A_254 : i32 to index
      %get3A_256 = tpu.vector_load %arg5[%get3A, %get3A_255] {strides = array<i32>} : memref<200x128xi32, #tpu.memory_space<vmem>>, vector<1x16xi32>,
      %get3A_257 = vector.shape_cast %get3A_256 : vector<1x16xi32> to vector<16xi32>
      %ne3A = arith.constant 0 : i32
      %ne3A_258 = vector.broadcast %ne3A : i32 to vector<16xi32>
      %ne3A_259 = arith.cmpi ne, %get3A_257, %ne3A_258 : vector<16xi32>
      %get3A_260 = arith.index_cast %add3A_249 : i32 to index
      %get3A_261 = tpu.vector_load %arg7[%get3A_260] {strides = array<i32>} : memref<25600xf32, #tpu.memory_space<vmem>>, vector<16xf32>,
      %get3A_262 = vector.shape_cast %get3A_261 : vector<16xf32> to vector<16xf32>
      %jit3A = arith.constant 0.000000e+00 : f32
      %broadcast_in_dim3A_263 = vector.broadcast %jit3A : f32 to vector<16xf32>
      %select_n3A = arith.select %ne3A_259, %get3A_262, %broadcast_in_dim3A_263 : vector<16xi1>, vector<16xf32>
      %add3A_264 = arith.addf %scan3A_245, %select_n3A : vector<16xf32>
      %add3A_265 = arith.constant 640 : i32
      %add3A_266 = arith.addi %add3A_265, %scan3A_244 : i32
      %mul3A_267 = arith.constant 16 : i32
      %mul3A_268 = arith.muli %scan3A_244, %mul3A_267 : i32
      %add3A_269 = arith.constant 10240 : i32
      %add3A_270 = arith.addi %add3A_269, %mul3A_268 : i32
      %and3A_271 = arith.constant 7 : i32
      %and3A_272 = arith.andi %add3A_266, %and3A_271 : i32
      %shift_left3A_273 = arith.constant 4 : i32
      %shift_left3A_274 = arith.shli %and3A_272, %shift_left3A_273 : i32
      %shift_right_arithmetic3A_275 = arith.constant 3 : i32
      %shift_right_arithmetic3A_276 = arith.shrsi %add3A_266, %shift_right_arithmetic3A_275 : i32
      %get3A_277 = arith.index_cast %shift_right_arithmetic3A_276 : i32 to index
      %get3A_278 = arith.index_cast %shift_left3A_274 : i32 to index
      %get3A_279 = tpu.vector_load %arg5[%get3A_277, %get3A_278] {strides = array<i32>} : memref<200x128xi32, #tpu.memory_space<vmem>>, vector<1x16xi32>,
      %get3A_280 = vector.shape_cast %get3A_279 : vector<1x16xi32> to vector<16xi32>
      %shift_right_arithmetic3A_281 = arith.constant 3 : i32
      %shift_right_arithmetic3A_282 = vector.broadcast %shift_right_arithmetic3A_281 : i32 to vector<16xi32>
      %shift_right_arithmetic3A_283 = arith.shrsi %get3A_280, %shift_right_arithmetic3A_282 : vector<16xi32>
      %shift_left3A_284 = arith.constant 15 : i32
      %shift_left3A_285 = vector.broadcast %shift_left3A_284 : i32 to vector<16xi32>
      %shift_left3A_286 = arith.shli %shift_right_arithmetic3A_283, %shift_left3A_285 : vector<16xi32>
      %and3A_287 = arith.constant 7 : i32
      %and3A_288 = vector.broadcast %and3A_287 : i32 to vector<16xi32>
      %and3A_289 = arith.andi %get3A_280, %and3A_288 : vector<16xi32>
      %shift_left3A_290 = arith.constant 7 : i32
      %shift_left3A_291 = vector.broadcast %shift_left3A_290 : i32 to vector<16xi32>
      %shift_left3A_292 = arith.shli %and3A_289, %shift_left3A_291 : vector<16xi32>
      %add3A_293 = arith.addi %shift_left3A_286, %shift_left3A_292 : vector<16xi32>
      %add3A_294 = arith.addi %mul3A_13, %shift_left3A_274 : i32
      %add3A_295 = vector.broadcast %add3A_294 : i32 to vector<16xi32>
      %add3A_296 = arith.addi %add3A_295, %iota3A : vector<16xi32>
      %add3A_297 = arith.addi %add3A_293, %add3A_296 : vector<16xi32>
      %swap3A_298 = arith.index_cast %add3A_270 : i32 to index
      %swap3A_299 = tpu.vector_load %arg6[%swap3A_298] {strides = array<i32>} : memref<25600xi32, #tpu.memory_space<vmem>>, vector<16xi32>,
      %swap3A_300 = vector.shape_cast %swap3A_299 : vector<16xi32> to vector<16xi32>
      %swap3A_301 = vector.shape_cast %add3A_297 : vector<16xi32> to vector<16xi32>
      tpu.vector_store %arg6[%swap3A_298], %swap3A_301 {strides = array<i32>} : memref<25600xi32, #tpu.memory_space<vmem>>, vector<16xi32>,
      %scan3A_302 = arith.constant 1 : i32
      %scan3A_303 = arith.addi %scan3A_244, %scan3A_302 : i32
      %mul3A_304 = arith.constant 16 : i32
      %mul3A_305 = arith.muli %scan3A_303, %mul3A_304 : i32
      %add3A_306 = arith.constant 0 : i32
      %add3A_307 = arith.addi %add3A_306, %mul3A_305 : i32
      %add3A_308 = arith.constant 0 : i32
      %add3A_309 = arith.addi %add3A_308, %scan3A_303 : i32
      %shift_right_arithmetic3A_310 = arith.constant 3 : i32
      %shift_right_arithmetic3A_311 = arith.shrsi %add3A_309, %shift_right_arithmetic3A_310 : i32
      %and3A_312 = arith.constant 7 : i32
      %and3A_313 = arith.andi %add3A_309, %and3A_312 : i32
      %shift_left3A_314 = arith.constant 4 : i32
      %shift_left3A_315 = arith.shli %and3A_313, %shift_left3A_314 : i32
      %get3A_316 = arith.index_cast %shift_right_arithmetic3A_311 : i32 to index
      %get3A_317 = arith.index_cast %shift_left3A_315 : i32 to index
      %get3A_318 = tpu.vector_load %arg5[%get3A_316, %get3A_317] {strides = array<i32>} : memref<200x128xi32, #tpu.memory_space<vmem>>, vector<1x16xi32>,
      %get3A_319 = vector.shape_cast %get3A_318 : vector<1x16xi32> to vector<16xi32>
      %ne3A_320 = arith.constant 0 : i32
      %ne3A_321 = vector.broadcast %ne3A_320 : i32 to vector<16xi32>
      %ne3A_322 = arith.cmpi ne, %get3A_319, %ne3A_321 : vector<16xi32>
      %get3A_323 = arith.index_cast %add3A_307 : i32 to index
      %get3A_324 = tpu.vector_load %arg7[%get3A_323] {strides = array<i32>} : memref<25600xf32, #tpu.memory_space<vmem>>, vector<16xf32>,
      %get3A_325 = vector.shape_cast %get3A_324 : vector<16xf32> to vector<16xf32>
      %jit3A_326 = arith.constant 0.000000e+00 : f32
      %broadcast_in_dim3A_327 = vector.broadcast %jit3A_326 : f32 to vector<16xf32>
      %select_n3A_328 = arith.select %ne3A_322, %get3A_325, %broadcast_in_dim3A_327 : vector<16xi1>, vector<16xf32>
      %add3A_329 = arith.addf %add3A_264, %select_n3A_328 : vector<16xf32>
      %add3A_330 = arith.constant 640 : i32
      %add3A_331 = arith.addi %add3A_330, %scan3A_303 : i32
      %mul3A_332 = arith.constant 16 : i32
      %mul3A_333 = arith.muli %scan3A_303, %mul3A_332 : i32
      %add3A_334 = arith.constant 10240 : i32
      %add3A_335 = arith.addi %add3A_334, %mul3A_333 : i32
      %and3A_336 = arith.constant 7 : i32
      %and3A_337 = arith.andi %add3A_331, %and3A_336 : i32
      %shift_left3A_338 = arith.constant 4 : i32
      %shift_left3A_339 = arith.shli %and3A_337, %shift_left3A_338 : i32
      %shift_right_arithmetic3A_340 = arith.constant 3 : i32
      %shift_right_arithmetic3A_341 = arith.shrsi %add3A_331, %shift_right_arithmetic3A_340 : i32
      %get3A_342 = arith.index_cast %shift_right_arithmetic3A_341 : i32 to index
      %get3A_343 = arith.index_cast %shift_left3A_339 : i32 to index
      %get3A_344 = tpu.vector_load %arg5[%get3A_342, %get3A_343] {strides = array<i32>} : memref<200x128xi32, #tpu.memory_space<vmem>>, vector<1x16xi32>,
      %get3A_345 = vector.shape_cast %get3A_344 : vector<1x16xi32> to vector<16xi32>
      %shift_right_arithmetic3A_346 = arith.constant 3 : i32
      %shift_right_arithmetic3A_347 = vector.broadcast %shift_right_arithmetic3A_346 : i32 to vector<16xi32>
      %shift_right_arithmetic3A_348 = arith.shrsi %get3A_345, %shift_right_arithmetic3A_347 : vector<16xi32>
      %shift_left3A_349 = arith.constant 15 : i32
      %shift_left3A_350 = vector.broadcast %shift_left3A_349 : i32 to vector<16xi32>
      %shift_left3A_351 = arith.shli %shift_right_arithmetic3A_348, %shift_left3A_350 : vector<16xi32>
      %and3A_352 = arith.constant 7 : i32
      %and3A_353 = vector.broadcast %and3A_352 : i32 to vector<16xi32>
      %and3A_354 = arith.andi %get3A_345, %and3A_353 : vector<16xi32>
      %shift_left3A_355 = arith.constant 7 : i32
      %shift_left3A_356 = vector.broadcast %shift_left3A_355 : i32 to vector<16xi32>
      %shift_left3A_357 = arith.shli %and3A_354, %shift_left3A_356 : vector<16xi32>
      %add3A_358 = arith.addi %shift_left3A_351, %shift_left3A_357 : vector<16xi32>
      %add3A_359 = arith.addi %mul3A_13, %shift_left3A_339 : i32
      %add3A_360 = vector.broadcast %add3A_359 : i32 to vector<16xi32>
      %add3A_361 = arith.addi %add3A_360, %iota3A : vector<16xi32>
      %add3A_362 = arith.addi %add3A_358, %add3A_361 : vector<16xi32>
      %swap3A_363 = arith.index_cast %add3A_335 : i32 to index
      %swap3A_364 = tpu.vector_load %arg6[%swap3A_363] {strides = array<i32>} : memref<25600xi32, #tpu.memory_space<vmem>>, vector<16xi32>,
      %swap3A_365 = vector.shape_cast %swap3A_364 : vector<16xi32> to vector<16xi32>
      %swap3A_366 = vector.shape_cast %add3A_362 : vector<16xi32> to vector<16xi32>
      tpu.vector_store %arg6[%swap3A_363], %swap3A_366 {strides = array<i32>} : memref<25600xi32, #tpu.memory_space<vmem>>, vector<16xi32>,
      %scan3A_367 = arith.constant 2 : i32
      %scan3A_368 = arith.addi %scan3A_244, %scan3A_367 : i32
      %mul3A_369 = arith.constant 16 : i32
      %mul3A_370 = arith.muli %scan3A_368, %mul3A_369 : i32
      %add3A_371 = arith.constant 0 : i32
      %add3A_372 = arith.addi %add3A_371, %mul3A_370 : i32
      %add3A_373 = arith.constant 0 : i32
      %add3A_374 = arith.addi %add3A_373, %scan3A_368 : i32
      %shift_right_arithmetic3A_375 = arith.constant 3 : i32
      %shift_right_arithmetic3A_376 = arith.shrsi %add3A_374, %shift_right_arithmetic3A_375 : i32
      %and3A_377 = arith.constant 7 : i32
      %and3A_378 = arith.andi %add3A_374, %and3A_377 : i32
      %shift_left3A_379 = arith.constant 4 : i32
      %shift_left3A_380 = arith.shli %and3A_378, %shift_left3A_379 : i32
      %get3A_381 = arith.index_cast %shift_right_arithmetic3A_376 : i32 to index
      %get3A_382 = arith.index_cast %shift_left3A_380 : i32 to index
      %get3A_383 = tpu.vector_load %arg5[%get3A_381, %get3A_382] {strides = array<i32>} : memref<200x128xi32, #tpu.memory_space<vmem>>, vector<1x16xi32>,
      %get3A_384 = vector.shape_cast %get3A_383 : vector<1x16xi32> to vector<16xi32>
      %ne3A_385 = arith.constant 0 : i32
      %ne3A_386 = vector.broadcast %ne3A_385 : i32 to vector<16xi32>
      %ne3A_387 = arith.cmpi ne, %get3A_384, %ne3A_386 : vector<16xi32>
      %get3A_388 = arith.index_cast %add3A_372 : i32 to index
      %get3A_389 = tpu.vector_load %arg7[%get3A_388] {strides = array<i32>} : memref<25600xf32, #tpu.memory_space<vmem>>, vector<16xf32>,
      %get3A_390 = vector.shape_cast %get3A_389 : vector<16xf32> to vector<16xf32>
      %jit3A_391 = arith.constant 0.000000e+00 : f32
      %broadcast_in_dim3A_392 = vector.broadcast %jit3A_391 : f32 to vector<16xf32>
      %select_n3A_393 = arith.select %ne3A_387, %get3A_390, %broadcast_in_dim3A_392 : vector<16xi1>, vector<16xf32>
      %add3A_394 = arith.addf %add3A_329, %select_n3A_393 : vector<16xf32>
      %add3A_395 = arith.constant 640 : i32
      %add3A_396 = arith.addi %add3A_395, %scan3A_368 : i32
      %mul3A_397 = arith.constant 16 : i32
      %mul3A_398 = arith.muli %scan3A_368, %mul3A_397 : i32
      %add3A_399 = arith.constant 10240 : i32
      %add3A_400 = arith.addi %add3A_399, %mul3A_398 : i32
      %and3A_401 = arith.constant 7 : i32
      %and3A_402 = arith.andi %add3A_396, %and3A_401 : i32
      %shift_left3A_403 = arith.constant 4 : i32
      %shift_left3A_404 = arith.shli %and3A_402, %shift_left3A_403 : i32
      %shift_right_arithmetic3A_405 = arith.constant 3 : i32
      %shift_right_arithmetic3A_406 = arith.shrsi %add3A_396, %shift_right_arithmetic3A_405 : i32
      %get3A_407 = arith.index_cast %shift_right_arithmetic3A_406 : i32 to index
      %get3A_408 = arith.index_cast %shift_left3A_404 : i32 to index
      %get3A_409 = tpu.vector_load %arg5[%get3A_407, %get3A_408] {strides = array<i32>} : memref<200x128xi32, #tpu.memory_space<vmem>>, vector<1x16xi32>,
      %get3A_410 = vector.shape_cast %get3A_409 : vector<1x16xi32> to vector<16xi32>
      %shift_right_arithmetic3A_411 = arith.constant 3 : i32
      %shift_right_arithmetic3A_412 = vector.broadcast %shift_right_arithmetic3A_411 : i32 to vector<16xi32>
      %shift_right_arithmetic3A_413 = arith.shrsi %get3A_410, %shift_right_arithmetic3A_412 : vector<16xi32>
      %shift_left3A_414 = arith.constant 15 : i32
      %shift_left3A_415 = vector.broadcast %shift_left3A_414 : i32 to vector<16xi32>
      %shift_left3A_416 = arith.shli %shift_right_arithmetic3A_413, %shift_left3A_415 : vector<16xi32>
      %and3A_417 = arith.constant 7 : i32
      %and3A_418 = vector.broadcast %and3A_417 : i32 to vector<16xi32>
      %and3A_419 = arith.andi %get3A_410, %and3A_418 : vector<16xi32>
      %shift_left3A_420 = arith.constant 7 : i32
      %shift_left3A_421 = vector.broadcast %shift_left3A_420 : i32 to vector<16xi32>
      %shift_left3A_422 = arith.shli %and3A_419, %shift_left3A_421 : vector<16xi32>
      %add3A_423 = arith.addi %shift_left3A_416, %shift_left3A_422 : vector<16xi32>
      %add3A_424 = arith.addi %mul3A_13, %shift_left3A_404 : i32
      %add3A_425 = vector.broadcast %add3A_424 : i32 to vector<16xi32>
      %add3A_426 = arith.addi %add3A_425, %iota3A : vector<16xi32>
      %add3A_427 = arith.addi %add3A_423, %add3A_426 : vector<16xi32>
      %swap3A_428 = arith.index_cast %add3A_400 : i32 to index
      %swap3A_429 = tpu.vector_load %arg6[%swap3A_428] {strides = array<i32>} : memref<25600xi32, #tpu.memory_space<vmem>>, vector<16xi32>,
      %swap3A_430 = vector.shape_cast %swap3A_429 : vector<16xi32> to vector<16xi32>
      %swap3A_431 = vector.shape_cast %add3A_427 : vector<16xi32> to vector<16xi32>
      tpu.vector_store %arg6[%swap3A_428], %swap3A_431 {strides = array<i32>} : memref<25600xi32, #tpu.memory_space<vmem>>, vector<16xi32>,
      %scan3A_432 = arith.constant 3 : i32
      %scan3A_433 = arith.addi %scan3A_244, %scan3A_432 : i32
      %mul3A_434 = arith.constant 16 : i32
      %mul3A_435 = arith.muli %scan3A_433, %mul3A_434 : i32
      %add3A_436 = arith.constant 0 : i32
      %add3A_437 = arith.addi %add3A_436, %mul3A_435 : i32
      %add3A_438 = arith.constant 0 : i32
      %add3A_439 = arith.addi %add3A_438, %scan3A_433 : i32
      %shift_right_arithmetic3A_440 = arith.constant 3 : i32
      %shift_right_arithmetic3A_441 = arith.shrsi %add3A_439, %shift_right_arithmetic3A_440 : i32
      %and3A_442 = arith.constant 7 : i32
      %and3A_443 = arith.andi %add3A_439, %and3A_442 : i32
      %shift_left3A_444 = arith.constant 4 : i32
      %shift_left3A_445 = arith.shli %and3A_443, %shift_left3A_444 : i32
      %get3A_446 = arith.index_cast %shift_right_arithmetic3A_441 : i32 to index
      %get3A_447 = arith.index_cast %shift_left3A_445 : i32 to index
      %get3A_448 = tpu.vector_load %arg5[%get3A_446, %get3A_447] {strides = array<i32>} : memref<200x128xi32, #tpu.memory_space<vmem>>, vector<1x16xi32>,
      %get3A_449 = vector.shape_cast %get3A_448 : vector<1x16xi32> to vector<16xi32>
      %ne3A_450 = arith.constant 0 : i32
      %ne3A_451 = vector.broadcast %ne3A_450 : i32 to vector<16xi32>
      %ne3A_452 = arith.cmpi ne, %get3A_449, %ne3A_451 : vector<16xi32>
      %get3A_453 = arith.index_cast %add3A_437 : i32 to index
      %get3A_454 = tpu.vector_load %arg7[%get3A_453] {strides = array<i32>} : memref<25600xf32, #tpu.memory_space<vmem>>, vector<16xf32>,
      %get3A_455 = vector.shape_cast %get3A_454 : vector<16xf32> to vector<16xf32>
      %jit3A_456 = arith.constant 0.000000e+00 : f32
      %broadcast_in_dim3A_457 = vector.broadcast %jit3A_456 : f32 to vector<16xf32>
      %select_n3A_458 = arith.select %ne3A_452, %get3A_455, %broadcast_in_dim3A_457 : vector<16xi1>, vector<16xf32>
      %add3A_459 = arith.addf %add3A_394, %select_n3A_458 : vector<16xf32>
      %add3A_460 = arith.constant 640 : i32
      %add3A_461 = arith.addi %add3A_460, %scan3A_433 : i32
      %mul3A_462 = arith.constant 16 : i32
      %mul3A_463 = arith.muli %scan3A_433, %mul3A_462 : i32
      %add3A_464 = arith.constant 10240 : i32
      %add3A_465 = arith.addi %add3A_464, %mul3A_463 : i32
      %and3A_466 = arith.constant 7 : i32
      %and3A_467 = arith.andi %add3A_461, %and3A_466 : i32
      %shift_left3A_468 = arith.constant 4 : i32
      %shift_left3A_469 = arith.shli %and3A_467, %shift_left3A_468 : i32
      %shift_right_arithmetic3A_470 = arith.constant 3 : i32
      %shift_right_arithmetic3A_471 = arith.shrsi %add3A_461, %shift_right_arithmetic3A_470 : i32
      %get3A_472 = arith.index_cast %shift_right_arithmetic3A_471 : i32 to index
      %get3A_473 = arith.index_cast %shift_left3A_469 : i32 to index
      %get3A_474 = tpu.vector_load %arg5[%get3A_472, %get3A_473] {strides = array<i32>} : memref<200x128xi32, #tpu.memory_space<vmem>>, vector<1x16xi32>,
      %get3A_475 = vector.shape_cast %get3A_474 : vector<1x16xi32> to vector<16xi32>
      %shift_right_arithmetic3A_476 = arith.constant 3 : i32
      %shift_right_arithmetic3A_477 = vector.broadcast %shift_right_arithmetic3A_476 : i32 to vector<16xi32>
      %shift_right_arithmetic3A_478 = arith.shrsi %get3A_475, %shift_right_arithmetic3A_477 : vector<16xi32>
      %shift_left3A_479 = arith.constant 15 : i32
      %shift_left3A_480 = vector.broadcast %shift_left3A_479 : i32 to vector<16xi32>
      %shift_left3A_481 = arith.shli %shift_right_arithmetic3A_478, %shift_left3A_480 : vector<16xi32>
      %and3A_482 = arith.constant 7 : i32
      %and3A_483 = vector.broadcast %and3A_482 : i32 to vector<16xi32>
      %and3A_484 = arith.andi %get3A_475, %and3A_483 : vector<16xi32>
      %shift_left3A_485 = arith.constant 7 : i32
      %shift_left3A_486 = vector.broadcast %shift_left3A_485 : i32 to vector<16xi32>
      %shift_left3A_487 = arith.shli %and3A_484, %shift_left3A_486 : vector<16xi32>
      %add3A_488 = arith.addi %shift_left3A_481, %shift_left3A_487 : vector<16xi32>
      %add3A_489 = arith.addi %mul3A_13, %shift_left3A_469 : i32
      %add3A_490 = vector.broadcast %add3A_489 : i32 to vector<16xi32>
      %add3A_491 = arith.addi %add3A_490, %iota3A : vector<16xi32>
      %add3A_492 = arith.addi %add3A_488, %add3A_491 : vector<16xi32>
      %swap3A_493 = arith.index_cast %add3A_465 : i32 to index
      %swap3A_494 = tpu.vector_load %arg6[%swap3A_493] {strides = array<i32>} : memref<25600xi32, #tpu.memory_space<vmem>>, vector<16xi32>,
      %swap3A_495 = vector.shape_cast %swap3A_494 : vector<16xi32> to vector<16xi32>
      %swap3A_496 = vector.shape_cast %add3A_492 : vector<16xi32> to vector<16xi32>
      tpu.vector_store %arg6[%swap3A_493], %swap3A_496 {strides = array<i32>} : memref<25600xi32, #tpu.memory_space<vmem>>, vector<16xi32>,
      scf.yield %add3A_459 : vector<16xf32>
    }
    %scan3A_75 = arith.constant 160 : i32
    %scan3A_76 = arith.constant 0 : i32
    %scan3A_77 = arith.constant 80 : i32
    %scan3A_78 = arith.constant 20 : i32
    %scan3A_79 = arith.addi %scan3A_77, %scan3A_78 : i32
    %scan3A_80 = arith.constant 1 : i32
    scf.for %scan3A_244 = %scan3A_77 to %scan3A_79 step %scan3A_80  : i32 {
      %mul3A_245 = arith.constant 128 : i32
      %mul3A_246 = arith.muli %scan3A_244, %mul3A_245 : i32
      %dma_start3A = tpu.memref_slice %arg7[%mul3A_246] : memref<25600xf32, #tpu.memory_space<vmem>> -> memref<128xf32, #tpu.memory_space<vmem>>
      %dma_start3A_247 = tpu.memref_slice %arg6[%mul3A_246] : memref<25600xi32, #tpu.memory_space<vmem>> -> memref<128xi32, #tpu.memory_space<vmem>>
      %dma_start3A_248 = arith.constant 0 : i32
      %dma_start3A_249 = tpu.memref_slice %arg3[%dma_start3A_248] : memref<409600000xf32, #tpu.memory_space<hbm>> -> memref<409600000xf32, #tpu.memory_space<hbm>>
      tpu.enqueue_indirect_dma source(%dma_start3A_249 : memref<409600000xf32, #tpu.memory_space<hbm>>) target(%dma_start3A : memref<128xf32, #tpu.memory_space<vmem>>) offsets(%dma_start3A_247 : memref<128xi32, #tpu.memory_space<vmem>>) semaphore(%arg13 : memref<!tpu.dma_semaphore, #tpu.memory_space<semaphore_mem>>)
    }
    %scan3A_81 = arith.constant 20 : i32
    %dma_wait3A_82 = arith.constant 2560 : i32
    %dma_wait3A_83 = tpu.memref_slice %arg7[%dma_wait3A_82] : memref<25600xf32, #tpu.memory_space<vmem>> -> memref<2560xf32, #tpu.memory_space<vmem>>
    %dma_wait3A_84 = arith.constant 0 : i32
    %dma_wait3A_85 = tpu.memref_slice %arg3[%dma_wait3A_84] : memref<409600000xf32, #tpu.memory_space<hbm>> -> memref<2560xf32, #tpu.memory_space<hbm>>
    %dma_wait3A_86 = arith.constant 2560 : i32
    %dma_wait3A_87 = tpu.memref_slice %arg7[%dma_wait3A_86] : memref<25600xf32, #tpu.memory_space<vmem>> -> memref<2560xf32, #tpu.memory_space<vmem>>
    %dma_wait3A_88 = arith.constant 0 : i32
    %dma_wait3A_89 = tpu.memref_slice %arg3[%dma_wait3A_88] : memref<409600000xf32, #tpu.memory_space<hbm>> -> memref<2560xf32, #tpu.memory_space<hbm>>
    tpu.wait_dma2 semaphore(%arg10 : memref<!tpu.dma_semaphore, #tpu.memory_space<semaphore_mem>>) src(%dma_wait3A_89 : memref<2560xf32, #tpu.memory_space<hbm>>) dst(%dma_wait3A_87 : memref<2560xf32, #tpu.memory_space<vmem>>)
    %scan3A_90 = arith.constant 0 : i32
    %scan3A_91 = arith.constant 160 : i32
    %scan3A_92 = arith.addi %scan3A_90, %scan3A_91 : i32
    %scan3A_93 = arith.constant 4 : i32
    %scan3A_94 = scf.for %scan3A_244 = %scan3A_90 to %scan3A_92 step %scan3A_93 iter_args(%scan3A_245 = %scan3A_74) -> (vector<16xf32>)  : i32 {
      %mul3A_246 = arith.constant 16 : i32
      %mul3A_247 = arith.muli %scan3A_244, %mul3A_246 : i32
      %add3A_248 = arith.constant 2560 : i32
      %add3A_249 = arith.addi %add3A_248, %mul3A_247 : i32
      %add3A_250 = arith.constant 160 : i32
      %add3A_251 = arith.addi %add3A_250, %scan3A_244 : i32
      %shift_right_arithmetic3A = arith.constant 3 : i32
      %shift_right_arithmetic3A_252 = arith.shrsi %add3A_251, %shift_right_arithmetic3A : i32
      %and3A = arith.constant 7 : i32
      %and3A_253 = arith.andi %add3A_251, %and3A : i32
      %shift_left3A = arith.constant 4 : i32
      %shift_left3A_254 = arith.shli %and3A_253, %shift_left3A : i32
      %get3A = arith.index_cast %shift_right_arithmetic3A_252 : i32 to index
      %get3A_255 = arith.index_cast %shift_left3A_254 : i32 to index
      %get3A_256 = tpu.vector_load %arg5[%get3A, %get3A_255] {strides = array<i32>} : memref<200x128xi32, #tpu.memory_space<vmem>>, vector<1x16xi32>,
      %get3A_257 = vector.shape_cast %get3A_256 : vector<1x16xi32> to vector<16xi32>
      %ne3A = arith.constant 0 : i32
      %ne3A_258 = vector.broadcast %ne3A : i32 to vector<16xi32>
      %ne3A_259 = arith.cmpi ne, %get3A_257, %ne3A_258 : vector<16xi32>
      %get3A_260 = arith.index_cast %add3A_249 : i32 to index
      %get3A_261 = tpu.vector_load %arg7[%get3A_260] {strides = array<i32>} : memref<25600xf32, #tpu.memory_space<vmem>>, vector<16xf32>,
      %get3A_262 = vector.shape_cast %get3A_261 : vector<16xf32> to vector<16xf32>
      %jit3A = arith.constant 0.000000e+00 : f32
      %broadcast_in_dim3A_263 = vector.broadcast %jit3A : f32 to vector<16xf32>
      %select_n3A = arith.select %ne3A_259, %get3A_262, %broadcast_in_dim3A_263 : vector<16xi1>, vector<16xf32>
      %add3A_264 = arith.addf %scan3A_245, %select_n3A : vector<16xf32>
      %add3A_265 = arith.constant 800 : i32
      %add3A_266 = arith.addi %add3A_265, %scan3A_244 : i32
      %mul3A_267 = arith.constant 16 : i32
      %mul3A_268 = arith.muli %scan3A_244, %mul3A_267 : i32
      %add3A_269 = arith.constant 12800 : i32
      %add3A_270 = arith.addi %add3A_269, %mul3A_268 : i32
      %and3A_271 = arith.constant 7 : i32
      %and3A_272 = arith.andi %add3A_266, %and3A_271 : i32
      %shift_left3A_273 = arith.constant 4 : i32
      %shift_left3A_274 = arith.shli %and3A_272, %shift_left3A_273 : i32
      %shift_right_arithmetic3A_275 = arith.constant 3 : i32
      %shift_right_arithmetic3A_276 = arith.shrsi %add3A_266, %shift_right_arithmetic3A_275 : i32
      %get3A_277 = arith.index_cast %shift_right_arithmetic3A_276 : i32 to index
      %get3A_278 = arith.index_cast %shift_left3A_274 : i32 to index
      %get3A_279 = tpu.vector_load %arg5[%get3A_277, %get3A_278] {strides = array<i32>} : memref<200x128xi32, #tpu.memory_space<vmem>>, vector<1x16xi32>,
      %get3A_280 = vector.shape_cast %get3A_279 : vector<1x16xi32> to vector<16xi32>
      %shift_right_arithmetic3A_281 = arith.constant 3 : i32
      %shift_right_arithmetic3A_282 = vector.broadcast %shift_right_arithmetic3A_281 : i32 to vector<16xi32>
      %shift_right_arithmetic3A_283 = arith.shrsi %get3A_280, %shift_right_arithmetic3A_282 : vector<16xi32>
      %shift_left3A_284 = arith.constant 15 : i32
      %shift_left3A_285 = vector.broadcast %shift_left3A_284 : i32 to vector<16xi32>
      %shift_left3A_286 = arith.shli %shift_right_arithmetic3A_283, %shift_left3A_285 : vector<16xi32>
      %and3A_287 = arith.constant 7 : i32
      %and3A_288 = vector.broadcast %and3A_287 : i32 to vector<16xi32>
      %and3A_289 = arith.andi %get3A_280, %and3A_288 : vector<16xi32>
      %shift_left3A_290 = arith.constant 7 : i32
      %shift_left3A_291 = vector.broadcast %shift_left3A_290 : i32 to vector<16xi32>
      %shift_left3A_292 = arith.shli %and3A_289, %shift_left3A_291 : vector<16xi32>
      %add3A_293 = arith.addi %shift_left3A_286, %shift_left3A_292 : vector<16xi32>
      %add3A_294 = arith.addi %mul3A_13, %shift_left3A_274 : i32
      %add3A_295 = vector.broadcast %add3A_294 : i32 to vector<16xi32>
      %add3A_296 = arith.addi %add3A_295, %iota3A : vector<16xi32>
      %add3A_297 = arith.addi %add3A_293, %add3A_296 : vector<16xi32>
      %swap3A_298 = arith.index_cast %add3A_270 : i32 to index
      %swap3A_299 = tpu.vector_load %arg6[%swap3A_298] {strides = array<i32>} : memref<25600xi32, #tpu.memory_space<vmem>>, vector<16xi32>,
      %swap3A_300 = vector.shape_cast %swap3A_299 : vector<16xi32> to vector<16xi32>
      %swap3A_301 = vector.shape_cast %add3A_297 : vector<16xi32> to vector<16xi32>
      tpu.vector_store %arg6[%swap3A_298], %swap3A_301 {strides = array<i32>} : memref<25600xi32, #tpu.memory_space<vmem>>, vector<16xi32>,
      %scan3A_302 = arith.constant 1 : i32
      %scan3A_303 = arith.addi %scan3A_244, %scan3A_302 : i32
      %mul3A_304 = arith.constant 16 : i32
      %mul3A_305 = arith.muli %scan3A_303, %mul3A_304 : i32
      %add3A_306 = arith.constant 2560 : i32
      %add3A_307 = arith.addi %add3A_306, %mul3A_305 : i32
      %add3A_308 = arith.constant 160 : i32
      %add3A_309 = arith.addi %add3A_308, %scan3A_303 : i32
      %shift_right_arithmetic3A_310 = arith.constant 3 : i32
      %shift_right_arithmetic3A_311 = arith.shrsi %add3A_309, %shift_right_arithmetic3A_310 : i32
      %and3A_312 = arith.constant 7 : i32
      %and3A_313 = arith.andi %add3A_309, %and3A_312 : i32
      %shift_left3A_314 = arith.constant 4 : i32
      %shift_left3A_315 = arith.shli %and3A_313, %shift_left3A_314 : i32
      %get3A_316 = arith.index_cast %shift_right_arithmetic3A_311 : i32 to index
      %get3A_317 = arith.index_cast %shift_left3A_315 : i32 to index
      %get3A_318 = tpu.vector_load %arg5[%get3A_316, %get3A_317] {strides = array<i32>} : memref<200x128xi32, #tpu.memory_space<vmem>>, vector<1x16xi32>,
      %get3A_319 = vector.shape_cast %get3A_318 : vector<1x16xi32> to vector<16xi32>
      %ne3A_320 = arith.constant 0 : i32
      %ne3A_321 = vector.broadcast %ne3A_320 : i32 to vector<16xi32>
      %ne3A_322 = arith.cmpi ne, %get3A_319, %ne3A_321 : vector<16xi32>
      %get3A_323 = arith.index_cast %add3A_307 : i32 to index
      %get3A_324 = tpu.vector_load %arg7[%get3A_323] {strides = array<i32>} : memref<25600xf32, #tpu.memory_space<vmem>>, vector<16xf32>,
      %get3A_325 = vector.shape_cast %get3A_324 : vector<16xf32> to vector<16xf32>
      %jit3A_326 = arith.constant 0.000000e+00 : f32
      %broadcast_in_dim3A_327 = vector.broadcast %jit3A_326 : f32 to vector<16xf32>
      %select_n3A_328 = arith.select %ne3A_322, %get3A_325, %broadcast_in_dim3A_327 : vector<16xi1>, vector<16xf32>
      %add3A_329 = arith.addf %add3A_264, %select_n3A_328 : vector<16xf32>
      %add3A_330 = arith.constant 800 : i32
      %add3A_331 = arith.addi %add3A_330, %scan3A_303 : i32
      %mul3A_332 = arith.constant 16 : i32
      %mul3A_333 = arith.muli %scan3A_303, %mul3A_332 : i32
      %add3A_334 = arith.constant 12800 : i32
      %add3A_335 = arith.addi %add3A_334, %mul3A_333 : i32
      %and3A_336 = arith.constant 7 : i32
      %and3A_337 = arith.andi %add3A_331, %and3A_336 : i32
      %shift_left3A_338 = arith.constant 4 : i32
      %shift_left3A_339 = arith.shli %and3A_337, %shift_left3A_338 : i32
      %shift_right_arithmetic3A_340 = arith.constant 3 : i32
      %shift_right_arithmetic3A_341 = arith.shrsi %add3A_331, %shift_right_arithmetic3A_340 : i32
      %get3A_342 = arith.index_cast %shift_right_arithmetic3A_341 : i32 to index
      %get3A_343 = arith.index_cast %shift_left3A_339 : i32 to index
      %get3A_344 = tpu.vector_load %arg5[%get3A_342, %get3A_343] {strides = array<i32>} : memref<200x128xi32, #tpu.memory_space<vmem>>, vector<1x16xi32>,
      %get3A_345 = vector.shape_cast %get3A_344 : vector<1x16xi32> to vector<16xi32>
      %shift_right_arithmetic3A_346 = arith.constant 3 : i32
      %shift_right_arithmetic3A_347 = vector.broadcast %shift_right_arithmetic3A_346 : i32 to vector<16xi32>
      %shift_right_arithmetic3A_348 = arith.shrsi %get3A_345, %shift_right_arithmetic3A_347 : vector<16xi32>
      %shift_left3A_349 = arith.constant 15 : i32
      %shift_left3A_350 = vector.broadcast %shift_left3A_349 : i32 to vector<16xi32>
      %shift_left3A_351 = arith.shli %shift_right_arithmetic3A_348, %shift_left3A_350 : vector<16xi32>
      %and3A_352 = arith.constant 7 : i32
      %and3A_353 = vector.broadcast %and3A_352 : i32 to vector<16xi32>
      %and3A_354 = arith.andi %get3A_345, %and3A_353 : vector<16xi32>
      %shift_left3A_355 = arith.constant 7 : i32
      %shift_left3A_356 = vector.broadcast %shift_left3A_355 : i32 to vector<16xi32>
      %shift_left3A_357 = arith.shli %and3A_354, %shift_left3A_356 : vector<16xi32>
      %add3A_358 = arith.addi %shift_left3A_351, %shift_left3A_357 : vector<16xi32>
      %add3A_359 = arith.addi %mul3A_13, %shift_left3A_339 : i32
      %add3A_360 = vector.broadcast %add3A_359 : i32 to vector<16xi32>
      %add3A_361 = arith.addi %add3A_360, %iota3A : vector<16xi32>
      %add3A_362 = arith.addi %add3A_358, %add3A_361 : vector<16xi32>
      %swap3A_363 = arith.index_cast %add3A_335 : i32 to index
      %swap3A_364 = tpu.vector_load %arg6[%swap3A_363] {strides = array<i32>} : memref<25600xi32, #tpu.memory_space<vmem>>, vector<16xi32>,
      %swap3A_365 = vector.shape_cast %swap3A_364 : vector<16xi32> to vector<16xi32>
      %swap3A_366 = vector.shape_cast %add3A_362 : vector<16xi32> to vector<16xi32>
      tpu.vector_store %arg6[%swap3A_363], %swap3A_366 {strides = array<i32>} : memref<25600xi32, #tpu.memory_space<vmem>>, vector<16xi32>,
      %scan3A_367 = arith.constant 2 : i32
      %scan3A_368 = arith.addi %scan3A_244, %scan3A_367 : i32
      %mul3A_369 = arith.constant 16 : i32
      %mul3A_370 = arith.muli %scan3A_368, %mul3A_369 : i32
      %add3A_371 = arith.constant 2560 : i32
      %add3A_372 = arith.addi %add3A_371, %mul3A_370 : i32
      %add3A_373 = arith.constant 160 : i32
      %add3A_374 = arith.addi %add3A_373, %scan3A_368 : i32
      %shift_right_arithmetic3A_375 = arith.constant 3 : i32
      %shift_right_arithmetic3A_376 = arith.shrsi %add3A_374, %shift_right_arithmetic3A_375 : i32
      %and3A_377 = arith.constant 7 : i32
      %and3A_378 = arith.andi %add3A_374, %and3A_377 : i32
      %shift_left3A_379 = arith.constant 4 : i32
      %shift_left3A_380 = arith.shli %and3A_378, %shift_left3A_379 : i32
      %get3A_381 = arith.index_cast %shift_right_arithmetic3A_376 : i32 to index
      %get3A_382 = arith.index_cast %shift_left3A_380 : i32 to index
      %get3A_383 = tpu.vector_load %arg5[%get3A_381, %get3A_382] {strides = array<i32>} : memref<200x128xi32, #tpu.memory_space<vmem>>, vector<1x16xi32>,
      %get3A_384 = vector.shape_cast %get3A_383 : vector<1x16xi32> to vector<16xi32>
      %ne3A_385 = arith.constant 0 : i32
      %ne3A_386 = vector.broadcast %ne3A_385 : i32 to vector<16xi32>
      %ne3A_387 = arith.cmpi ne, %get3A_384, %ne3A_386 : vector<16xi32>
      %get3A_388 = arith.index_cast %add3A_372 : i32 to index
      %get3A_389 = tpu.vector_load %arg7[%get3A_388] {strides = array<i32>} : memref<25600xf32, #tpu.memory_space<vmem>>, vector<16xf32>,
      %get3A_390 = vector.shape_cast %get3A_389 : vector<16xf32> to vector<16xf32>
      %jit3A_391 = arith.constant 0.000000e+00 : f32
      %broadcast_in_dim3A_392 = vector.broadcast %jit3A_391 : f32 to vector<16xf32>
      %select_n3A_393 = arith.select %ne3A_387, %get3A_390, %broadcast_in_dim3A_392 : vector<16xi1>, vector<16xf32>
      %add3A_394 = arith.addf %add3A_329, %select_n3A_393 : vector<16xf32>
      %add3A_395 = arith.constant 800 : i32
      %add3A_396 = arith.addi %add3A_395, %scan3A_368 : i32
      %mul3A_397 = arith.constant 16 : i32
      %mul3A_398 = arith.muli %scan3A_368, %mul3A_397 : i32
      %add3A_399 = arith.constant 12800 : i32
      %add3A_400 = arith.addi %add3A_399, %mul3A_398 : i32
      %and3A_401 = arith.constant 7 : i32
      %and3A_402 = arith.andi %add3A_396, %and3A_401 : i32
      %shift_left3A_403 = arith.constant 4 : i32
      %shift_left3A_404 = arith.shli %and3A_402, %shift_left3A_403 : i32
      %shift_right_arithmetic3A_405 = arith.constant 3 : i32
      %shift_right_arithmetic3A_406 = arith.shrsi %add3A_396, %shift_right_arithmetic3A_405 : i32
      %get3A_407 = arith.index_cast %shift_right_arithmetic3A_406 : i32 to index
      %get3A_408 = arith.index_cast %shift_left3A_404 : i32 to index
      %get3A_409 = tpu.vector_load %arg5[%get3A_407, %get3A_408] {strides = array<i32>} : memref<200x128xi32, #tpu.memory_space<vmem>>, vector<1x16xi32>,
      %get3A_410 = vector.shape_cast %get3A_409 : vector<1x16xi32> to vector<16xi32>
      %shift_right_arithmetic3A_411 = arith.constant 3 : i32
      %shift_right_arithmetic3A_412 = vector.broadcast %shift_right_arithmetic3A_411 : i32 to vector<16xi32>
      %shift_right_arithmetic3A_413 = arith.shrsi %get3A_410, %shift_right_arithmetic3A_412 : vector<16xi32>
      %shift_left3A_414 = arith.constant 15 : i32
      %shift_left3A_415 = vector.broadcast %shift_left3A_414 : i32 to vector<16xi32>
      %shift_left3A_416 = arith.shli %shift_right_arithmetic3A_413, %shift_left3A_415 : vector<16xi32>
      %and3A_417 = arith.constant 7 : i32
      %and3A_418 = vector.broadcast %and3A_417 : i32 to vector<16xi32>
      %and3A_419 = arith.andi %get3A_410, %and3A_418 : vector<16xi32>
      %shift_left3A_420 = arith.constant 7 : i32
      %shift_left3A_421 = vector.broadcast %shift_left3A_420 : i32 to vector<16xi32>
      %shift_left3A_422 = arith.shli %and3A_419, %shift_left3A_421 : vector<16xi32>
      %add3A_423 = arith.addi %shift_left3A_416, %shift_left3A_422 : vector<16xi32>
      %add3A_424 = arith.addi %mul3A_13, %shift_left3A_404 : i32
      %add3A_425 = vector.broadcast %add3A_424 : i32 to vector<16xi32>
      %add3A_426 = arith.addi %add3A_425, %iota3A : vector<16xi32>
      %add3A_427 = arith.addi %add3A_423, %add3A_426 : vector<16xi32>
      %swap3A_428 = arith.index_cast %add3A_400 : i32 to index
      %swap3A_429 = tpu.vector_load %arg6[%swap3A_428] {strides = array<i32>} : memref<25600xi32, #tpu.memory_space<vmem>>, vector<16xi32>,
      %swap3A_430 = vector.shape_cast %swap3A_429 : vector<16xi32> to vector<16xi32>
      %swap3A_431 = vector.shape_cast %add3A_427 : vector<16xi32> to vector<16xi32>
      tpu.vector_store %arg6[%swap3A_428], %swap3A_431 {strides = array<i32>} : memref<25600xi32, #tpu.memory_space<vmem>>, vector<16xi32>,
      %scan3A_432 = arith.constant 3 : i32
      %scan3A_433 = arith.addi %scan3A_244, %scan3A_432 : i32
      %mul3A_434 = arith.constant 16 : i32
      %mul3A_435 = arith.muli %scan3A_433, %mul3A_434 : i32
      %add3A_436 = arith.constant 2560 : i32
      %add3A_437 = arith.addi %add3A_436, %mul3A_435 : i32
      %add3A_438 = arith.constant 160 : i32
      %add3A_439 = arith.addi %add3A_438, %scan3A_433 : i32
      %shift_right_arithmetic3A_440 = arith.constant 3 : i32
      %shift_right_arithmetic3A_441 = arith.shrsi %add3A_439, %shift_right_arithmetic3A_440 : i32
      %and3A_442 = arith.constant 7 : i32
      %and3A_443 = arith.andi %add3A_439, %and3A_442 : i32
      %shift_left3A_444 = arith.constant 4 : i32
      %shift_left3A_445 = arith.shli %and3A_443, %shift_left3A_444 : i32
      %get3A_446 = arith.index_cast %shift_right_arithmetic3A_441 : i32 to index
      %get3A_447 = arith.index_cast %shift_left3A_445 : i32 to index
      %get3A_448 = tpu.vector_load %arg5[%get3A_446, %get3A_447] {strides = array<i32>} : memref<200x128xi32, #tpu.memory_space<vmem>>, vector<1x16xi32>,
      %get3A_449 = vector.shape_cast %get3A_448 : vector<1x16xi32> to vector<16xi32>
      %ne3A_450 = arith.constant 0 : i32
      %ne3A_451 = vector.broadcast %ne3A_450 : i32 to vector<16xi32>
      %ne3A_452 = arith.cmpi ne, %get3A_449, %ne3A_451 : vector<16xi32>
      %get3A_453 = arith.index_cast %add3A_437 : i32 to index
      %get3A_454 = tpu.vector_load %arg7[%get3A_453] {strides = array<i32>} : memref<25600xf32, #tpu.memory_space<vmem>>, vector<16xf32>,
      %get3A_455 = vector.shape_cast %get3A_454 : vector<16xf32> to vector<16xf32>
      %jit3A_456 = arith.constant 0.000000e+00 : f32
      %broadcast_in_dim3A_457 = vector.broadcast %jit3A_456 : f32 to vector<16xf32>
      %select_n3A_458 = arith.select %ne3A_452, %get3A_455, %broadcast_in_dim3A_457 : vector<16xi1>, vector<16xf32>
      %add3A_459 = arith.addf %add3A_394, %select_n3A_458 : vector<16xf32>
      %add3A_460 = arith.constant 800 : i32
      %add3A_461 = arith.addi %add3A_460, %scan3A_433 : i32
      %mul3A_462 = arith.constant 16 : i32
      %mul3A_463 = arith.muli %scan3A_433, %mul3A_462 : i32
      %add3A_464 = arith.constant 12800 : i32
      %add3A_465 = arith.addi %add3A_464, %mul3A_463 : i32
      %and3A_466 = arith.constant 7 : i32
      %and3A_467 = arith.andi %add3A_461, %and3A_466 : i32
      %shift_left3A_468 = arith.constant 4 : i32
      %shift_left3A_469 = arith.shli %and3A_467, %shift_left3A_468 : i32
      %shift_right_arithmetic3A_470 = arith.constant 3 : i32
      %shift_right_arithmetic3A_471 = arith.shrsi %add3A_461, %shift_right_arithmetic3A_470 : i32
      %get3A_472 = arith.index_cast %shift_right_arithmetic3A_471 : i32 to index
      %get3A_473 = arith.index_cast %shift_left3A_469 : i32 to index
      %get3A_474 = tpu.vector_load %arg5[%get3A_472, %get3A_473] {strides = array<i32>} : memref<200x128xi32, #tpu.memory_space<vmem>>, vector<1x16xi32>,
      %get3A_475 = vector.shape_cast %get3A_474 : vector<1x16xi32> to vector<16xi32>
      %shift_right_arithmetic3A_476 = arith.constant 3 : i32
      %shift_right_arithmetic3A_477 = vector.broadcast %shift_right_arithmetic3A_476 : i32 to vector<16xi32>
      %shift_right_arithmetic3A_478 = arith.shrsi %get3A_475, %shift_right_arithmetic3A_477 : vector<16xi32>
      %shift_left3A_479 = arith.constant 15 : i32
      %shift_left3A_480 = vector.broadcast %shift_left3A_479 : i32 to vector<16xi32>
      %shift_left3A_481 = arith.shli %shift_right_arithmetic3A_478, %shift_left3A_480 : vector<16xi32>
      %and3A_482 = arith.constant 7 : i32
      %and3A_483 = vector.broadcast %and3A_482 : i32 to vector<16xi32>
      %and3A_484 = arith.andi %get3A_475, %and3A_483 : vector<16xi32>
      %shift_left3A_485 = arith.constant 7 : i32
      %shift_left3A_486 = vector.broadcast %shift_left3A_485 : i32 to vector<16xi32>
      %shift_left3A_487 = arith.shli %and3A_484, %shift_left3A_486 : vector<16xi32>
      %add3A_488 = arith.addi %shift_left3A_481, %shift_left3A_487 : vector<16xi32>
      %add3A_489 = arith.addi %mul3A_13, %shift_left3A_469 : i32
      %add3A_490 = vector.broadcast %add3A_489 : i32 to vector<16xi32>
      %add3A_491 = arith.addi %add3A_490, %iota3A : vector<16xi32>
      %add3A_492 = arith.addi %add3A_488, %add3A_491 : vector<16xi32>
      %swap3A_493 = arith.index_cast %add3A_465 : i32 to index
      %swap3A_494 = tpu.vector_load %arg6[%swap3A_493] {strides = array<i32>} : memref<25600xi32, #tpu.memory_space<vmem>>, vector<16xi32>,
      %swap3A_495 = vector.shape_cast %swap3A_494 : vector<16xi32> to vector<16xi32>
      %swap3A_496 = vector.shape_cast %add3A_492 : vector<16xi32> to vector<16xi32>
      tpu.vector_store %arg6[%swap3A_493], %swap3A_496 {strides = array<i32>} : memref<25600xi32, #tpu.memory_space<vmem>>, vector<16xi32>,
      scf.yield %add3A_459 : vector<16xf32>
    }
    %scan3A_95 = arith.constant 160 : i32
    %scan3A_96 = arith.constant 0 : i32
    %scan3A_97 = arith.constant 100 : i32
    %scan3A_98 = arith.constant 20 : i32
    %scan3A_99 = arith.addi %scan3A_97, %scan3A_98 : i32
    %scan3A_100 = arith.constant 1 : i32
    scf.for %scan3A_244 = %scan3A_97 to %scan3A_99 step %scan3A_100  : i32 {
      %mul3A_245 = arith.constant 128 : i32
      %mul3A_246 = arith.muli %scan3A_244, %mul3A_245 : i32
      %dma_start3A = tpu.memref_slice %arg7[%mul3A_246] : memref<25600xf32, #tpu.memory_space<vmem>> -> memref<128xf32, #tpu.memory_space<vmem>>
      %dma_start3A_247 = tpu.memref_slice %arg6[%mul3A_246] : memref<25600xi32, #tpu.memory_space<vmem>> -> memref<128xi32, #tpu.memory_space<vmem>>
      %dma_start3A_248 = arith.constant 0 : i32
      %dma_start3A_249 = tpu.memref_slice %arg3[%dma_start3A_248] : memref<409600000xf32, #tpu.memory_space<hbm>> -> memref<409600000xf32, #tpu.memory_space<hbm>>
      tpu.enqueue_indirect_dma source(%dma_start3A_249 : memref<409600000xf32, #tpu.memory_space<hbm>>) target(%dma_start3A : memref<128xf32, #tpu.memory_space<vmem>>) offsets(%dma_start3A_247 : memref<128xi32, #tpu.memory_space<vmem>>) semaphore(%arg9 : memref<!tpu.dma_semaphore, #tpu.memory_space<semaphore_mem>>)
    }
    %scan3A_101 = arith.constant 20 : i32
    %dma_wait3A_102 = arith.constant 5120 : i32
    %dma_wait3A_103 = tpu.memref_slice %arg7[%dma_wait3A_102] : memref<25600xf32, #tpu.memory_space<vmem>> -> memref<2560xf32, #tpu.memory_space<vmem>>
    %dma_wait3A_104 = arith.constant 0 : i32
    %dma_wait3A_105 = tpu.memref_slice %arg3[%dma_wait3A_104] : memref<409600000xf32, #tpu.memory_space<hbm>> -> memref<2560xf32, #tpu.memory_space<hbm>>
    %dma_wait3A_106 = arith.constant 5120 : i32
    %dma_wait3A_107 = tpu.memref_slice %arg7[%dma_wait3A_106] : memref<25600xf32, #tpu.memory_space<vmem>> -> memref<2560xf32, #tpu.memory_space<vmem>>
    %dma_wait3A_108 = arith.constant 0 : i32
    %dma_wait3A_109 = tpu.memref_slice %arg3[%dma_wait3A_108] : memref<409600000xf32, #tpu.memory_space<hbm>> -> memref<2560xf32, #tpu.memory_space<hbm>>
    tpu.wait_dma2 semaphore(%arg11 : memref<!tpu.dma_semaphore, #tpu.memory_space<semaphore_mem>>) src(%dma_wait3A_109 : memref<2560xf32, #tpu.memory_space<hbm>>) dst(%dma_wait3A_107 : memref<2560xf32, #tpu.memory_space<vmem>>)
    %scan3A_110 = arith.constant 0 : i32
    %scan3A_111 = arith.constant 160 : i32
    %scan3A_112 = arith.addi %scan3A_110, %scan3A_111 : i32
    %scan3A_113 = arith.constant 4 : i32
    %scan3A_114 = scf.for %scan3A_244 = %scan3A_110 to %scan3A_112 step %scan3A_113 iter_args(%scan3A_245 = %scan3A_94) -> (vector<16xf32>)  : i32 {
      %mul3A_246 = arith.constant 16 : i32
      %mul3A_247 = arith.muli %scan3A_244, %mul3A_246 : i32
      %add3A_248 = arith.constant 5120 : i32
      %add3A_249 = arith.addi %add3A_248, %mul3A_247 : i32
      %add3A_250 = arith.constant 320 : i32
      %add3A_251 = arith.addi %add3A_250, %scan3A_244 : i32
      %shift_right_arithmetic3A = arith.constant 3 : i32
      %shift_right_arithmetic3A_252 = arith.shrsi %add3A_251, %shift_right_arithmetic3A : i32
      %and3A = arith.constant 7 : i32
      %and3A_253 = arith.andi %add3A_251, %and3A : i32
      %shift_left3A = arith.constant 4 : i32
      %shift_left3A_254 = arith.shli %and3A_253, %shift_left3A : i32
      %get3A = arith.index_cast %shift_right_arithmetic3A_252 : i32 to index
      %get3A_255 = arith.index_cast %shift_left3A_254 : i32 to index
      %get3A_256 = tpu.vector_load %arg5[%get3A, %get3A_255] {strides = array<i32>} : memref<200x128xi32, #tpu.memory_space<vmem>>, vector<1x16xi32>,
      %get3A_257 = vector.shape_cast %get3A_256 : vector<1x16xi32> to vector<16xi32>
      %ne3A = arith.constant 0 : i32
      %ne3A_258 = vector.broadcast %ne3A : i32 to vector<16xi32>
      %ne3A_259 = arith.cmpi ne, %get3A_257, %ne3A_258 : vector<16xi32>
      %get3A_260 = arith.index_cast %add3A_249 : i32 to index
      %get3A_261 = tpu.vector_load %arg7[%get3A_260] {strides = array<i32>} : memref<25600xf32, #tpu.memory_space<vmem>>, vector<16xf32>,
      %get3A_262 = vector.shape_cast %get3A_261 : vector<16xf32> to vector<16xf32>
      %jit3A = arith.constant 0.000000e+00 : f32
      %broadcast_in_dim3A_263 = vector.broadcast %jit3A : f32 to vector<16xf32>
      %select_n3A = arith.select %ne3A_259, %get3A_262, %broadcast_in_dim3A_263 : vector<16xi1>, vector<16xf32>
      %add3A_264 = arith.addf %scan3A_245, %select_n3A : vector<16xf32>
      %add3A_265 = arith.constant 960 : i32
      %add3A_266 = arith.addi %add3A_265, %scan3A_244 : i32
      %mul3A_267 = arith.constant 16 : i32
      %mul3A_268 = arith.muli %scan3A_244, %mul3A_267 : i32
      %add3A_269 = arith.constant 15360 : i32
      %add3A_270 = arith.addi %add3A_269, %mul3A_268 : i32
      %and3A_271 = arith.constant 7 : i32
      %and3A_272 = arith.andi %add3A_266, %and3A_271 : i32
      %shift_left3A_273 = arith.constant 4 : i32
      %shift_left3A_274 = arith.shli %and3A_272, %shift_left3A_273 : i32
      %shift_right_arithmetic3A_275 = arith.constant 3 : i32
      %shift_right_arithmetic3A_276 = arith.shrsi %add3A_266, %shift_right_arithmetic3A_275 : i32
      %get3A_277 = arith.index_cast %shift_right_arithmetic3A_276 : i32 to index
      %get3A_278 = arith.index_cast %shift_left3A_274 : i32 to index
      %get3A_279 = tpu.vector_load %arg5[%get3A_277, %get3A_278] {strides = array<i32>} : memref<200x128xi32, #tpu.memory_space<vmem>>, vector<1x16xi32>,
      %get3A_280 = vector.shape_cast %get3A_279 : vector<1x16xi32> to vector<16xi32>
      %shift_right_arithmetic3A_281 = arith.constant 3 : i32
      %shift_right_arithmetic3A_282 = vector.broadcast %shift_right_arithmetic3A_281 : i32 to vector<16xi32>
      %shift_right_arithmetic3A_283 = arith.shrsi %get3A_280, %shift_right_arithmetic3A_282 : vector<16xi32>
      %shift_left3A_284 = arith.constant 15 : i32
      %shift_left3A_285 = vector.broadcast %shift_left3A_284 : i32 to vector<16xi32>
      %shift_left3A_286 = arith.shli %shift_right_arithmetic3A_283, %shift_left3A_285 : vector<16xi32>
      %and3A_287 = arith.constant 7 : i32
      %and3A_288 = vector.broadcast %and3A_287 : i32 to vector<16xi32>
      %and3A_289 = arith.andi %get3A_280, %and3A_288 : vector<16xi32>
      %shift_left3A_290 = arith.constant 7 : i32
      %shift_left3A_291 = vector.broadcast %shift_left3A_290 : i32 to vector<16xi32>
      %shift_left3A_292 = arith.shli %and3A_289, %shift_left3A_291 : vector<16xi32>
      %add3A_293 = arith.addi %shift_left3A_286, %shift_left3A_292 : vector<16xi32>
      %add3A_294 = arith.addi %mul3A_13, %shift_left3A_274 : i32
      %add3A_295 = vector.broadcast %add3A_294 : i32 to vector<16xi32>
      %add3A_296 = arith.addi %add3A_295, %iota3A : vector<16xi32>
      %add3A_297 = arith.addi %add3A_293, %add3A_296 : vector<16xi32>
      %swap3A_298 = arith.index_cast %add3A_270 : i32 to index
      %swap3A_299 = tpu.vector_load %arg6[%swap3A_298] {strides = array<i32>} : memref<25600xi32, #tpu.memory_space<vmem>>, vector<16xi32>,
      %swap3A_300 = vector.shape_cast %swap3A_299 : vector<16xi32> to vector<16xi32>
      %swap3A_301 = vector.shape_cast %add3A_297 : vector<16xi32> to vector<16xi32>
      tpu.vector_store %arg6[%swap3A_298], %swap3A_301 {strides = array<i32>} : memref<25600xi32, #tpu.memory_space<vmem>>, vector<16xi32>,
      %scan3A_302 = arith.constant 1 : i32
      %scan3A_303 = arith.addi %scan3A_244, %scan3A_302 : i32
      %mul3A_304 = arith.constant 16 : i32
      %mul3A_305 = arith.muli %scan3A_303, %mul3A_304 : i32
      %add3A_306 = arith.constant 5120 : i32
      %add3A_307 = arith.addi %add3A_306, %mul3A_305 : i32
      %add3A_308 = arith.constant 320 : i32
      %add3A_309 = arith.addi %add3A_308, %scan3A_303 : i32
      %shift_right_arithmetic3A_310 = arith.constant 3 : i32
      %shift_right_arithmetic3A_311 = arith.shrsi %add3A_309, %shift_right_arithmetic3A_310 : i32
      %and3A_312 = arith.constant 7 : i32
      %and3A_313 = arith.andi %add3A_309, %and3A_312 : i32
      %shift_left3A_314 = arith.constant 4 : i32
      %shift_left3A_315 = arith.shli %and3A_313, %shift_left3A_314 : i32
      %get3A_316 = arith.index_cast %shift_right_arithmetic3A_311 : i32 to index
      %get3A_317 = arith.index_cast %shift_left3A_315 : i32 to index
      %get3A_318 = tpu.vector_load %arg5[%get3A_316, %get3A_317] {strides = array<i32>} : memref<200x128xi32, #tpu.memory_space<vmem>>, vector<1x16xi32>,
      %get3A_319 = vector.shape_cast %get3A_318 : vector<1x16xi32> to vector<16xi32>
      %ne3A_320 = arith.constant 0 : i32
      %ne3A_321 = vector.broadcast %ne3A_320 : i32 to vector<16xi32>
      %ne3A_322 = arith.cmpi ne, %get3A_319, %ne3A_321 : vector<16xi32>
      %get3A_323 = arith.index_cast %add3A_307 : i32 to index
      %get3A_324 = tpu.vector_load %arg7[%get3A_323] {strides = array<i32>} : memref<25600xf32, #tpu.memory_space<vmem>>, vector<16xf32>,
      %get3A_325 = vector.shape_cast %get3A_324 : vector<16xf32> to vector<16xf32>
      %jit3A_326 = arith.constant 0.000000e+00 : f32
      %broadcast_in_dim3A_327 = vector.broadcast %jit3A_326 : f32 to vector<16xf32>
      %select_n3A_328 = arith.select %ne3A_322, %get3A_325, %broadcast_in_dim3A_327 : vector<16xi1>, vector<16xf32>
      %add3A_329 = arith.addf %add3A_264, %select_n3A_328 : vector<16xf32>
      %add3A_330 = arith.constant 960 : i32
      %add3A_331 = arith.addi %add3A_330, %scan3A_303 : i32
      %mul3A_332 = arith.constant 16 : i32
      %mul3A_333 = arith.muli %scan3A_303, %mul3A_332 : i32
      %add3A_334 = arith.constant 15360 : i32
      %add3A_335 = arith.addi %add3A_334, %mul3A_333 : i32
      %and3A_336 = arith.constant 7 : i32
      %and3A_337 = arith.andi %add3A_331, %and3A_336 : i32
      %shift_left3A_338 = arith.constant 4 : i32
      %shift_left3A_339 = arith.shli %and3A_337, %shift_left3A_338 : i32
      %shift_right_arithmetic3A_340 = arith.constant 3 : i32
      %shift_right_arithmetic3A_341 = arith.shrsi %add3A_331, %shift_right_arithmetic3A_340 : i32
      %get3A_342 = arith.index_cast %shift_right_arithmetic3A_341 : i32 to index
      %get3A_343 = arith.index_cast %shift_left3A_339 : i32 to index
      %get3A_344 = tpu.vector_load %arg5[%get3A_342, %get3A_343] {strides = array<i32>} : memref<200x128xi32, #tpu.memory_space<vmem>>, vector<1x16xi32>,
      %get3A_345 = vector.shape_cast %get3A_344 : vector<1x16xi32> to vector<16xi32>
      %shift_right_arithmetic3A_346 = arith.constant 3 : i32
      %shift_right_arithmetic3A_347 = vector.broadcast %shift_right_arithmetic3A_346 : i32 to vector<16xi32>
      %shift_right_arithmetic3A_348 = arith.shrsi %get3A_345, %shift_right_arithmetic3A_347 : vector<16xi32>
      %shift_left3A_349 = arith.constant 15 : i32
      %shift_left3A_350 = vector.broadcast %shift_left3A_349 : i32 to vector<16xi32>
      %shift_left3A_351 = arith.shli %shift_right_arithmetic3A_348, %shift_left3A_350 : vector<16xi32>
      %and3A_352 = arith.constant 7 : i32
      %and3A_353 = vector.broadcast %and3A_352 : i32 to vector<16xi32>
      %and3A_354 = arith.andi %get3A_345, %and3A_353 : vector<16xi32>
      %shift_left3A_355 = arith.constant 7 : i32
      %shift_left3A_356 = vector.broadcast %shift_left3A_355 : i32 to vector<16xi32>
      %shift_left3A_357 = arith.shli %and3A_354, %shift_left3A_356 : vector<16xi32>
      %add3A_358 = arith.addi %shift_left3A_351, %shift_left3A_357 : vector<16xi32>
      %add3A_359 = arith.addi %mul3A_13, %shift_left3A_339 : i32
      %add3A_360 = vector.broadcast %add3A_359 : i32 to vector<16xi32>
      %add3A_361 = arith.addi %add3A_360, %iota3A : vector<16xi32>
      %add3A_362 = arith.addi %add3A_358, %add3A_361 : vector<16xi32>
      %swap3A_363 = arith.index_cast %add3A_335 : i32 to index
      %swap3A_364 = tpu.vector_load %arg6[%swap3A_363] {strides = array<i32>} : memref<25600xi32, #tpu.memory_space<vmem>>, vector<16xi32>,
      %swap3A_365 = vector.shape_cast %swap3A_364 : vector<16xi32> to vector<16xi32>
      %swap3A_366 = vector.shape_cast %add3A_362 : vector<16xi32> to vector<16xi32>
      tpu.vector_store %arg6[%swap3A_363], %swap3A_366 {strides = array<i32>} : memref<25600xi32, #tpu.memory_space<vmem>>, vector<16xi32>,
      %scan3A_367 = arith.constant 2 : i32
      %scan3A_368 = arith.addi %scan3A_244, %scan3A_367 : i32
      %mul3A_369 = arith.constant 16 : i32
      %mul3A_370 = arith.muli %scan3A_368, %mul3A_369 : i32
      %add3A_371 = arith.constant 5120 : i32
      %add3A_372 = arith.addi %add3A_371, %mul3A_370 : i32
      %add3A_373 = arith.constant 320 : i32
      %add3A_374 = arith.addi %add3A_373, %scan3A_368 : i32
      %shift_right_arithmetic3A_375 = arith.constant 3 : i32
      %shift_right_arithmetic3A_376 = arith.shrsi %add3A_374, %shift_right_arithmetic3A_375 : i32
      %and3A_377 = arith.constant 7 : i32
      %and3A_378 = arith.andi %add3A_374, %and3A_377 : i32
      %shift_left3A_379 = arith.constant 4 : i32
      %shift_left3A_380 = arith.shli %and3A_378, %shift_left3A_379 : i32
      %get3A_381 = arith.index_cast %shift_right_arithmetic3A_376 : i32 to index
      %get3A_382 = arith.index_cast %shift_left3A_380 : i32 to index
      %get3A_383 = tpu.vector_load %arg5[%get3A_381, %get3A_382] {strides = array<i32>} : memref<200x128xi32, #tpu.memory_space<vmem>>, vector<1x16xi32>,
      %get3A_384 = vector.shape_cast %get3A_383 : vector<1x16xi32> to vector<16xi32>
      %ne3A_385 = arith.constant 0 : i32
      %ne3A_386 = vector.broadcast %ne3A_385 : i32 to vector<16xi32>
      %ne3A_387 = arith.cmpi ne, %get3A_384, %ne3A_386 : vector<16xi32>
      %get3A_388 = arith.index_cast %add3A_372 : i32 to index
      %get3A_389 = tpu.vector_load %arg7[%get3A_388] {strides = array<i32>} : memref<25600xf32, #tpu.memory_space<vmem>>, vector<16xf32>,
      %get3A_390 = vector.shape_cast %get3A_389 : vector<16xf32> to vector<16xf32>
      %jit3A_391 = arith.constant 0.000000e+00 : f32
      %broadcast_in_dim3A_392 = vector.broadcast %jit3A_391 : f32 to vector<16xf32>
      %select_n3A_393 = arith.select %ne3A_387, %get3A_390, %broadcast_in_dim3A_392 : vector<16xi1>, vector<16xf32>
      %add3A_394 = arith.addf %add3A_329, %select_n3A_393 : vector<16xf32>
      %add3A_395 = arith.constant 960 : i32
      %add3A_396 = arith.addi %add3A_395, %scan3A_368 : i32
      %mul3A_397 = arith.constant 16 : i32
      %mul3A_398 = arith.muli %scan3A_368, %mul3A_397 : i32
      %add3A_399 = arith.constant 15360 : i32
      %add3A_400 = arith.addi %add3A_399, %mul3A_398 : i32
      %and3A_401 = arith.constant 7 : i32
      %and3A_402 = arith.andi %add3A_396, %and3A_401 : i32
      %shift_left3A_403 = arith.constant 4 : i32
      %shift_left3A_404 = arith.shli %and3A_402, %shift_left3A_403 : i32
      %shift_right_arithmetic3A_405 = arith.constant 3 : i32
      %shift_right_arithmetic3A_406 = arith.shrsi %add3A_396, %shift_right_arithmetic3A_405 : i32
      %get3A_407 = arith.index_cast %shift_right_arithmetic3A_406 : i32 to index
      %get3A_408 = arith.index_cast %shift_left3A_404 : i32 to index
      %get3A_409 = tpu.vector_load %arg5[%get3A_407, %get3A_408] {strides = array<i32>} : memref<200x128xi32, #tpu.memory_space<vmem>>, vector<1x16xi32>,
      %get3A_410 = vector.shape_cast %get3A_409 : vector<1x16xi32> to vector<16xi32>
      %shift_right_arithmetic3A_411 = arith.constant 3 : i32
      %shift_right_arithmetic3A_412 = vector.broadcast %shift_right_arithmetic3A_411 : i32 to vector<16xi32>
      %shift_right_arithmetic3A_413 = arith.shrsi %get3A_410, %shift_right_arithmetic3A_412 : vector<16xi32>
      %shift_left3A_414 = arith.constant 15 : i32
      %shift_left3A_415 = vector.broadcast %shift_left3A_414 : i32 to vector<16xi32>
      %shift_left3A_416 = arith.shli %shift_right_arithmetic3A_413, %shift_left3A_415 : vector<16xi32>
      %and3A_417 = arith.constant 7 : i32
      %and3A_418 = vector.broadcast %and3A_417 : i32 to vector<16xi32>
      %and3A_419 = arith.andi %get3A_410, %and3A_418 : vector<16xi32>
      %shift_left3A_420 = arith.constant 7 : i32
      %shift_left3A_421 = vector.broadcast %shift_left3A_420 : i32 to vector<16xi32>
      %shift_left3A_422 = arith.shli %and3A_419, %shift_left3A_421 : vector<16xi32>
      %add3A_423 = arith.addi %shift_left3A_416, %shift_left3A_422 : vector<16xi32>
      %add3A_424 = arith.addi %mul3A_13, %shift_left3A_404 : i32
      %add3A_425 = vector.broadcast %add3A_424 : i32 to vector<16xi32>
      %add3A_426 = arith.addi %add3A_425, %iota3A : vector<16xi32>
      %add3A_427 = arith.addi %add3A_423, %add3A_426 : vector<16xi32>
      %swap3A_428 = arith.index_cast %add3A_400 : i32 to index
      %swap3A_429 = tpu.vector_load %arg6[%swap3A_428] {strides = array<i32>} : memref<25600xi32, #tpu.memory_space<vmem>>, vector<16xi32>,
      %swap3A_430 = vector.shape_cast %swap3A_429 : vector<16xi32> to vector<16xi32>
      %swap3A_431 = vector.shape_cast %add3A_427 : vector<16xi32> to vector<16xi32>
      tpu.vector_store %arg6[%swap3A_428], %swap3A_431 {strides = array<i32>} : memref<25600xi32, #tpu.memory_space<vmem>>, vector<16xi32>,
      %scan3A_432 = arith.constant 3 : i32
      %scan3A_433 = arith.addi %scan3A_244, %scan3A_432 : i32
      %mul3A_434 = arith.constant 16 : i32
      %mul3A_435 = arith.muli %scan3A_433, %mul3A_434 : i32
      %add3A_436 = arith.constant 5120 : i32
      %add3A_437 = arith.addi %add3A_436, %mul3A_435 : i32
      %add3A_438 = arith.constant 320 : i32
      %add3A_439 = arith.addi %add3A_438, %scan3A_433 : i32
      %shift_right_arithmetic3A_440 = arith.constant 3 : i32
      %shift_right_arithmetic3A_441 = arith.shrsi %add3A_439, %shift_right_arithmetic3A_440 : i32
      %and3A_442 = arith.constant 7 : i32
      %and3A_443 = arith.andi %add3A_439, %and3A_442 : i32
      %shift_left3A_444 = arith.constant 4 : i32
      %shift_left3A_445 = arith.shli %and3A_443, %shift_left3A_444 : i32
      %get3A_446 = arith.index_cast %shift_right_arithmetic3A_441 : i32 to index
      %get3A_447 = arith.index_cast %shift_left3A_445 : i32 to index
      %get3A_448 = tpu.vector_load %arg5[%get3A_446, %get3A_447] {strides = array<i32>} : memref<200x128xi32, #tpu.memory_space<vmem>>, vector<1x16xi32>,
      %get3A_449 = vector.shape_cast %get3A_448 : vector<1x16xi32> to vector<16xi32>
      %ne3A_450 = arith.constant 0 : i32
      %ne3A_451 = vector.broadcast %ne3A_450 : i32 to vector<16xi32>
      %ne3A_452 = arith.cmpi ne, %get3A_449, %ne3A_451 : vector<16xi32>
      %get3A_453 = arith.index_cast %add3A_437 : i32 to index
      %get3A_454 = tpu.vector_load %arg7[%get3A_453] {strides = array<i32>} : memref<25600xf32, #tpu.memory_space<vmem>>, vector<16xf32>,
      %get3A_455 = vector.shape_cast %get3A_454 : vector<16xf32> to vector<16xf32>
      %jit3A_456 = arith.constant 0.000000e+00 : f32
      %broadcast_in_dim3A_457 = vector.broadcast %jit3A_456 : f32 to vector<16xf32>
      %select_n3A_458 = arith.select %ne3A_452, %get3A_455, %broadcast_in_dim3A_457 : vector<16xi1>, vector<16xf32>
      %add3A_459 = arith.addf %add3A_394, %select_n3A_458 : vector<16xf32>
      %add3A_460 = arith.constant 960 : i32
      %add3A_461 = arith.addi %add3A_460, %scan3A_433 : i32
      %mul3A_462 = arith.constant 16 : i32
      %mul3A_463 = arith.muli %scan3A_433, %mul3A_462 : i32
      %add3A_464 = arith.constant 15360 : i32
      %add3A_465 = arith.addi %add3A_464, %mul3A_463 : i32
      %and3A_466 = arith.constant 7 : i32
      %and3A_467 = arith.andi %add3A_461, %and3A_466 : i32
      %shift_left3A_468 = arith.constant 4 : i32
      %shift_left3A_469 = arith.shli %and3A_467, %shift_left3A_468 : i32
      %shift_right_arithmetic3A_470 = arith.constant 3 : i32
      %shift_right_arithmetic3A_471 = arith.shrsi %add3A_461, %shift_right_arithmetic3A_470 : i32
      %get3A_472 = arith.index_cast %shift_right_arithmetic3A_471 : i32 to index
      %get3A_473 = arith.index_cast %shift_left3A_469 : i32 to index
      %get3A_474 = tpu.vector_load %arg5[%get3A_472, %get3A_473] {strides = array<i32>} : memref<200x128xi32, #tpu.memory_space<vmem>>, vector<1x16xi32>,
      %get3A_475 = vector.shape_cast %get3A_474 : vector<1x16xi32> to vector<16xi32>
      %shift_right_arithmetic3A_476 = arith.constant 3 : i32
      %shift_right_arithmetic3A_477 = vector.broadcast %shift_right_arithmetic3A_476 : i32 to vector<16xi32>
      %shift_right_arithmetic3A_478 = arith.shrsi %get3A_475, %shift_right_arithmetic3A_477 : vector<16xi32>
      %shift_left3A_479 = arith.constant 15 : i32
      %shift_left3A_480 = vector.broadcast %shift_left3A_479 : i32 to vector<16xi32>
      %shift_left3A_481 = arith.shli %shift_right_arithmetic3A_478, %shift_left3A_480 : vector<16xi32>
      %and3A_482 = arith.constant 7 : i32
      %and3A_483 = vector.broadcast %and3A_482 : i32 to vector<16xi32>
      %and3A_484 = arith.andi %get3A_475, %and3A_483 : vector<16xi32>
      %shift_left3A_485 = arith.constant 7 : i32
      %shift_left3A_486 = vector.broadcast %shift_left3A_485 : i32 to vector<16xi32>
      %shift_left3A_487 = arith.shli %and3A_484, %shift_left3A_486 : vector<16xi32>
      %add3A_488 = arith.addi %shift_left3A_481, %shift_left3A_487 : vector<16xi32>
      %add3A_489 = arith.addi %mul3A_13, %shift_left3A_469 : i32
      %add3A_490 = vector.broadcast %add3A_489 : i32 to vector<16xi32>
      %add3A_491 = arith.addi %add3A_490, %iota3A : vector<16xi32>
      %add3A_492 = arith.addi %add3A_488, %add3A_491 : vector<16xi32>
      %swap3A_493 = arith.index_cast %add3A_465 : i32 to index
      %swap3A_494 = tpu.vector_load %arg6[%swap3A_493] {strides = array<i32>} : memref<25600xi32, #tpu.memory_space<vmem>>, vector<16xi32>,
      %swap3A_495 = vector.shape_cast %swap3A_494 : vector<16xi32> to vector<16xi32>
      %swap3A_496 = vector.shape_cast %add3A_492 : vector<16xi32> to vector<16xi32>
      tpu.vector_store %arg6[%swap3A_493], %swap3A_496 {strides = array<i32>} : memref<25600xi32, #tpu.memory_space<vmem>>, vector<16xi32>,
      scf.yield %add3A_459 : vector<16xf32>
    }
    %scan3A_115 = arith.constant 160 : i32
    %scan3A_116 = arith.constant 0 : i32
    %scan3A_117 = arith.constant 120 : i32
    %scan3A_118 = arith.constant 20 : i32
    %scan3A_119 = arith.addi %scan3A_117, %scan3A_118 : i32
    %scan3A_120 = arith.constant 1 : i32
    scf.for %scan3A_244 = %scan3A_117 to %scan3A_119 step %scan3A_120  : i32 {
      %mul3A_245 = arith.constant 128 : i32
      %mul3A_246 = arith.muli %scan3A_244, %mul3A_245 : i32
      %dma_start3A = tpu.memref_slice %arg7[%mul3A_246] : memref<25600xf32, #tpu.memory_space<vmem>> -> memref<128xf32, #tpu.memory_space<vmem>>
      %dma_start3A_247 = tpu.memref_slice %arg6[%mul3A_246] : memref<25600xi32, #tpu.memory_space<vmem>> -> memref<128xi32, #tpu.memory_space<vmem>>
      %dma_start3A_248 = arith.constant 0 : i32
      %dma_start3A_249 = tpu.memref_slice %arg3[%dma_start3A_248] : memref<409600000xf32, #tpu.memory_space<hbm>> -> memref<409600000xf32, #tpu.memory_space<hbm>>
      tpu.enqueue_indirect_dma source(%dma_start3A_249 : memref<409600000xf32, #tpu.memory_space<hbm>>) target(%dma_start3A : memref<128xf32, #tpu.memory_space<vmem>>) offsets(%dma_start3A_247 : memref<128xi32, #tpu.memory_space<vmem>>) semaphore(%arg10 : memref<!tpu.dma_semaphore, #tpu.memory_space<semaphore_mem>>)
    }
    %scan3A_121 = arith.constant 20 : i32
    %dma_wait3A_122 = arith.constant 7680 : i32
    %dma_wait3A_123 = tpu.memref_slice %arg7[%dma_wait3A_122] : memref<25600xf32, #tpu.memory_space<vmem>> -> memref<2560xf32, #tpu.memory_space<vmem>>
    %dma_wait3A_124 = arith.constant 0 : i32
    %dma_wait3A_125 = tpu.memref_slice %arg3[%dma_wait3A_124] : memref<409600000xf32, #tpu.memory_space<hbm>> -> memref<2560xf32, #tpu.memory_space<hbm>>
    %dma_wait3A_126 = arith.constant 7680 : i32
    %dma_wait3A_127 = tpu.memref_slice %arg7[%dma_wait3A_126] : memref<25600xf32, #tpu.memory_space<vmem>> -> memref<2560xf32, #tpu.memory_space<vmem>>
    %dma_wait3A_128 = arith.constant 0 : i32
    %dma_wait3A_129 = tpu.memref_slice %arg3[%dma_wait3A_128] : memref<409600000xf32, #tpu.memory_space<hbm>> -> memref<2560xf32, #tpu.memory_space<hbm>>
    tpu.wait_dma2 semaphore(%arg12 : memref<!tpu.dma_semaphore, #tpu.memory_space<semaphore_mem>>) src(%dma_wait3A_129 : memref<2560xf32, #tpu.memory_space<hbm>>) dst(%dma_wait3A_127 : memref<2560xf32, #tpu.memory_space<vmem>>)
    %scan3A_130 = arith.constant 0 : i32
    %scan3A_131 = arith.constant 160 : i32
    %scan3A_132 = arith.addi %scan3A_130, %scan3A_131 : i32
    %scan3A_133 = arith.constant 4 : i32
    %scan3A_134 = scf.for %scan3A_244 = %scan3A_130 to %scan3A_132 step %scan3A_133 iter_args(%scan3A_245 = %scan3A_114) -> (vector<16xf32>)  : i32 {
      %mul3A_246 = arith.constant 16 : i32
      %mul3A_247 = arith.muli %scan3A_244, %mul3A_246 : i32
      %add3A_248 = arith.constant 7680 : i32
      %add3A_249 = arith.addi %add3A_248, %mul3A_247 : i32
      %add3A_250 = arith.constant 480 : i32
      %add3A_251 = arith.addi %add3A_250, %scan3A_244 : i32
      %shift_right_arithmetic3A = arith.constant 3 : i32
      %shift_right_arithmetic3A_252 = arith.shrsi %add3A_251, %shift_right_arithmetic3A : i32
      %and3A = arith.constant 7 : i32
      %and3A_253 = arith.andi %add3A_251, %and3A : i32
      %shift_left3A = arith.constant 4 : i32
      %shift_left3A_254 = arith.shli %and3A_253, %shift_left3A : i32
      %get3A = arith.index_cast %shift_right_arithmetic3A_252 : i32 to index
      %get3A_255 = arith.index_cast %shift_left3A_254 : i32 to index
      %get3A_256 = tpu.vector_load %arg5[%get3A, %get3A_255] {strides = array<i32>} : memref<200x128xi32, #tpu.memory_space<vmem>>, vector<1x16xi32>,
      %get3A_257 = vector.shape_cast %get3A_256 : vector<1x16xi32> to vector<16xi32>
      %ne3A = arith.constant 0 : i32
      %ne3A_258 = vector.broadcast %ne3A : i32 to vector<16xi32>
      %ne3A_259 = arith.cmpi ne, %get3A_257, %ne3A_258 : vector<16xi32>
      %get3A_260 = arith.index_cast %add3A_249 : i32 to index
      %get3A_261 = tpu.vector_load %arg7[%get3A_260] {strides = array<i32>} : memref<25600xf32, #tpu.memory_space<vmem>>, vector<16xf32>,
      %get3A_262 = vector.shape_cast %get3A_261 : vector<16xf32> to vector<16xf32>
      %jit3A = arith.constant 0.000000e+00 : f32
      %broadcast_in_dim3A_263 = vector.broadcast %jit3A : f32 to vector<16xf32>
      %select_n3A = arith.select %ne3A_259, %get3A_262, %broadcast_in_dim3A_263 : vector<16xi1>, vector<16xf32>
      %add3A_264 = arith.addf %scan3A_245, %select_n3A : vector<16xf32>
      %add3A_265 = arith.constant 1120 : i32
      %add3A_266 = arith.addi %add3A_265, %scan3A_244 : i32
      %mul3A_267 = arith.constant 16 : i32
      %mul3A_268 = arith.muli %scan3A_244, %mul3A_267 : i32
      %add3A_269 = arith.constant 17920 : i32
      %add3A_270 = arith.addi %add3A_269, %mul3A_268 : i32
      %and3A_271 = arith.constant 7 : i32
      %and3A_272 = arith.andi %add3A_266, %and3A_271 : i32
      %shift_left3A_273 = arith.constant 4 : i32
      %shift_left3A_274 = arith.shli %and3A_272, %shift_left3A_273 : i32
      %shift_right_arithmetic3A_275 = arith.constant 3 : i32
      %shift_right_arithmetic3A_276 = arith.shrsi %add3A_266, %shift_right_arithmetic3A_275 : i32
      %get3A_277 = arith.index_cast %shift_right_arithmetic3A_276 : i32 to index
      %get3A_278 = arith.index_cast %shift_left3A_274 : i32 to index
      %get3A_279 = tpu.vector_load %arg5[%get3A_277, %get3A_278] {strides = array<i32>} : memref<200x128xi32, #tpu.memory_space<vmem>>, vector<1x16xi32>,
      %get3A_280 = vector.shape_cast %get3A_279 : vector<1x16xi32> to vector<16xi32>
      %shift_right_arithmetic3A_281 = arith.constant 3 : i32
      %shift_right_arithmetic3A_282 = vector.broadcast %shift_right_arithmetic3A_281 : i32 to vector<16xi32>
      %shift_right_arithmetic3A_283 = arith.shrsi %get3A_280, %shift_right_arithmetic3A_282 : vector<16xi32>
      %shift_left3A_284 = arith.constant 15 : i32
      %shift_left3A_285 = vector.broadcast %shift_left3A_284 : i32 to vector<16xi32>
      %shift_left3A_286 = arith.shli %shift_right_arithmetic3A_283, %shift_left3A_285 : vector<16xi32>
      %and3A_287 = arith.constant 7 : i32
      %and3A_288 = vector.broadcast %and3A_287 : i32 to vector<16xi32>
      %and3A_289 = arith.andi %get3A_280, %and3A_288 : vector<16xi32>
      %shift_left3A_290 = arith.constant 7 : i32
      %shift_left3A_291 = vector.broadcast %shift_left3A_290 : i32 to vector<16xi32>
      %shift_left3A_292 = arith.shli %and3A_289, %shift_left3A_291 : vector<16xi32>
      %add3A_293 = arith.addi %shift_left3A_286, %shift_left3A_292 : vector<16xi32>
      %add3A_294 = arith.addi %mul3A_13, %shift_left3A_274 : i32
      %add3A_295 = vector.broadcast %add3A_294 : i32 to vector<16xi32>
      %add3A_296 = arith.addi %add3A_295, %iota3A : vector<16xi32>
      %add3A_297 = arith.addi %add3A_293, %add3A_296 : vector<16xi32>
      %swap3A_298 = arith.index_cast %add3A_270 : i32 to index
      %swap3A_299 = tpu.vector_load %arg6[%swap3A_298] {strides = array<i32>} : memref<25600xi32, #tpu.memory_space<vmem>>, vector<16xi32>,
      %swap3A_300 = vector.shape_cast %swap3A_299 : vector<16xi32> to vector<16xi32>
      %swap3A_301 = vector.shape_cast %add3A_297 : vector<16xi32> to vector<16xi32>
      tpu.vector_store %arg6[%swap3A_298], %swap3A_301 {strides = array<i32>} : memref<25600xi32, #tpu.memory_space<vmem>>, vector<16xi32>,
      %scan3A_302 = arith.constant 1 : i32
      %scan3A_303 = arith.addi %scan3A_244, %scan3A_302 : i32
      %mul3A_304 = arith.constant 16 : i32
      %mul3A_305 = arith.muli %scan3A_303, %mul3A_304 : i32
      %add3A_306 = arith.constant 7680 : i32
      %add3A_307 = arith.addi %add3A_306, %mul3A_305 : i32
      %add3A_308 = arith.constant 480 : i32
      %add3A_309 = arith.addi %add3A_308, %scan3A_303 : i32
      %shift_right_arithmetic3A_310 = arith.constant 3 : i32
      %shift_right_arithmetic3A_311 = arith.shrsi %add3A_309, %shift_right_arithmetic3A_310 : i32
      %and3A_312 = arith.constant 7 : i32
      %and3A_313 = arith.andi %add3A_309, %and3A_312 : i32
      %shift_left3A_314 = arith.constant 4 : i32
      %shift_left3A_315 = arith.shli %and3A_313, %shift_left3A_314 : i32
      %get3A_316 = arith.index_cast %shift_right_arithmetic3A_311 : i32 to index
      %get3A_317 = arith.index_cast %shift_left3A_315 : i32 to index
      %get3A_318 = tpu.vector_load %arg5[%get3A_316, %get3A_317] {strides = array<i32>} : memref<200x128xi32, #tpu.memory_space<vmem>>, vector<1x16xi32>,
      %get3A_319 = vector.shape_cast %get3A_318 : vector<1x16xi32> to vector<16xi32>
      %ne3A_320 = arith.constant 0 : i32
      %ne3A_321 = vector.broadcast %ne3A_320 : i32 to vector<16xi32>
      %ne3A_322 = arith.cmpi ne, %get3A_319, %ne3A_321 : vector<16xi32>
      %get3A_323 = arith.index_cast %add3A_307 : i32 to index
      %get3A_324 = tpu.vector_load %arg7[%get3A_323] {strides = array<i32>} : memref<25600xf32, #tpu.memory_space<vmem>>, vector<16xf32>,
      %get3A_325 = vector.shape_cast %get3A_324 : vector<16xf32> to vector<16xf32>
      %jit3A_326 = arith.constant 0.000000e+00 : f32
      %broadcast_in_dim3A_327 = vector.broadcast %jit3A_326 : f32 to vector<16xf32>
      %select_n3A_328 = arith.select %ne3A_322, %get3A_325, %broadcast_in_dim3A_327 : vector<16xi1>, vector<16xf32>
      %add3A_329 = arith.addf %add3A_264, %select_n3A_328 : vector<16xf32>
      %add3A_330 = arith.constant 1120 : i32
      %add3A_331 = arith.addi %add3A_330, %scan3A_303 : i32
      %mul3A_332 = arith.constant 16 : i32
      %mul3A_333 = arith.muli %scan3A_303, %mul3A_332 : i32
      %add3A_334 = arith.constant 17920 : i32
      %add3A_335 = arith.addi %add3A_334, %mul3A_333 : i32
      %and3A_336 = arith.constant 7 : i32
      %and3A_337 = arith.andi %add3A_331, %and3A_336 : i32
      %shift_left3A_338 = arith.constant 4 : i32
      %shift_left3A_339 = arith.shli %and3A_337, %shift_left3A_338 : i32
      %shift_right_arithmetic3A_340 = arith.constant 3 : i32
      %shift_right_arithmetic3A_341 = arith.shrsi %add3A_331, %shift_right_arithmetic3A_340 : i32
      %get3A_342 = arith.index_cast %shift_right_arithmetic3A_341 : i32 to index
      %get3A_343 = arith.index_cast %shift_left3A_339 : i32 to index
      %get3A_344 = tpu.vector_load %arg5[%get3A_342, %get3A_343] {strides = array<i32>} : memref<200x128xi32, #tpu.memory_space<vmem>>, vector<1x16xi32>,
      %get3A_345 = vector.shape_cast %get3A_344 : vector<1x16xi32> to vector<16xi32>
      %shift_right_arithmetic3A_346 = arith.constant 3 : i32
      %shift_right_arithmetic3A_347 = vector.broadcast %shift_right_arithmetic3A_346 : i32 to vector<16xi32>
      %shift_right_arithmetic3A_348 = arith.shrsi %get3A_345, %shift_right_arithmetic3A_347 : vector<16xi32>
      %shift_left3A_349 = arith.constant 15 : i32
      %shift_left3A_350 = vector.broadcast %shift_left3A_349 : i32 to vector<16xi32>
      %shift_left3A_351 = arith.shli %shift_right_arithmetic3A_348, %shift_left3A_350 : vector<16xi32>
      %and3A_352 = arith.constant 7 : i32
      %and3A_353 = vector.broadcast %and3A_352 : i32 to vector<16xi32>
      %and3A_354 = arith.andi %get3A_345, %and3A_353 : vector<16xi32>
      %shift_left3A_355 = arith.constant 7 : i32
      %shift_left3A_356 = vector.broadcast %shift_left3A_355 : i32 to vector<16xi32>
      %shift_left3A_357 = arith.shli %and3A_354, %shift_left3A_356 : vector<16xi32>
      %add3A_358 = arith.addi %shift_left3A_351, %shift_left3A_357 : vector<16xi32>
      %add3A_359 = arith.addi %mul3A_13, %shift_left3A_339 : i32
      %add3A_360 = vector.broadcast %add3A_359 : i32 to vector<16xi32>
      %add3A_361 = arith.addi %add3A_360, %iota3A : vector<16xi32>
      %add3A_362 = arith.addi %add3A_358, %add3A_361 : vector<16xi32>
      %swap3A_363 = arith.index_cast %add3A_335 : i32 to index
      %swap3A_364 = tpu.vector_load %arg6[%swap3A_363] {strides = array<i32>} : memref<25600xi32, #tpu.memory_space<vmem>>, vector<16xi32>,
      %swap3A_365 = vector.shape_cast %swap3A_364 : vector<16xi32> to vector<16xi32>
      %swap3A_366 = vector.shape_cast %add3A_362 : vector<16xi32> to vector<16xi32>
      tpu.vector_store %arg6[%swap3A_363], %swap3A_366 {strides = array<i32>} : memref<25600xi32, #tpu.memory_space<vmem>>, vector<16xi32>,
      %scan3A_367 = arith.constant 2 : i32
      %scan3A_368 = arith.addi %scan3A_244, %scan3A_367 : i32
      %mul3A_369 = arith.constant 16 : i32
      %mul3A_370 = arith.muli %scan3A_368, %mul3A_369 : i32
      %add3A_371 = arith.constant 7680 : i32
      %add3A_372 = arith.addi %add3A_371, %mul3A_370 : i32
      %add3A_373 = arith.constant 480 : i32
      %add3A_374 = arith.addi %add3A_373, %scan3A_368 : i32
      %shift_right_arithmetic3A_375 = arith.constant 3 : i32
      %shift_right_arithmetic3A_376 = arith.shrsi %add3A_374, %shift_right_arithmetic3A_375 : i32
      %and3A_377 = arith.constant 7 : i32
      %and3A_378 = arith.andi %add3A_374, %and3A_377 : i32
      %shift_left3A_379 = arith.constant 4 : i32
      %shift_left3A_380 = arith.shli %and3A_378, %shift_left3A_379 : i32
      %get3A_381 = arith.index_cast %shift_right_arithmetic3A_376 : i32 to index
      %get3A_382 = arith.index_cast %shift_left3A_380 : i32 to index
      %get3A_383 = tpu.vector_load %arg5[%get3A_381, %get3A_382] {strides = array<i32>} : memref<200x128xi32, #tpu.memory_space<vmem>>, vector<1x16xi32>,
      %get3A_384 = vector.shape_cast %get3A_383 : vector<1x16xi32> to vector<16xi32>
      %ne3A_385 = arith.constant 0 : i32
      %ne3A_386 = vector.broadcast %ne3A_385 : i32 to vector<16xi32>
      %ne3A_387 = arith.cmpi ne, %get3A_384, %ne3A_386 : vector<16xi32>
      %get3A_388 = arith.index_cast %add3A_372 : i32 to index
      %get3A_389 = tpu.vector_load %arg7[%get3A_388] {strides = array<i32>} : memref<25600xf32, #tpu.memory_space<vmem>>, vector<16xf32>,
      %get3A_390 = vector.shape_cast %get3A_389 : vector<16xf32> to vector<16xf32>
      %jit3A_391 = arith.constant 0.000000e+00 : f32
      %broadcast_in_dim3A_392 = vector.broadcast %jit3A_391 : f32 to vector<16xf32>
      %select_n3A_393 = arith.select %ne3A_387, %get3A_390, %broadcast_in_dim3A_392 : vector<16xi1>, vector<16xf32>
      %add3A_394 = arith.addf %add3A_329, %select_n3A_393 : vector<16xf32>
      %add3A_395 = arith.constant 1120 : i32
      %add3A_396 = arith.addi %add3A_395, %scan3A_368 : i32
      %mul3A_397 = arith.constant 16 : i32
      %mul3A_398 = arith.muli %scan3A_368, %mul3A_397 : i32
      %add3A_399 = arith.constant 17920 : i32
      %add3A_400 = arith.addi %add3A_399, %mul3A_398 : i32
      %and3A_401 = arith.constant 7 : i32
      %and3A_402 = arith.andi %add3A_396, %and3A_401 : i32
      %shift_left3A_403 = arith.constant 4 : i32
      %shift_left3A_404 = arith.shli %and3A_402, %shift_left3A_403 : i32
      %shift_right_arithmetic3A_405 = arith.constant 3 : i32
      %shift_right_arithmetic3A_406 = arith.shrsi %add3A_396, %shift_right_arithmetic3A_405 : i32
      %get3A_407 = arith.index_cast %shift_right_arithmetic3A_406 : i32 to index
      %get3A_408 = arith.index_cast %shift_left3A_404 : i32 to index
      %get3A_409 = tpu.vector_load %arg5[%get3A_407, %get3A_408] {strides = array<i32>} : memref<200x128xi32, #tpu.memory_space<vmem>>, vector<1x16xi32>,
      %get3A_410 = vector.shape_cast %get3A_409 : vector<1x16xi32> to vector<16xi32>
      %shift_right_arithmetic3A_411 = arith.constant 3 : i32
      %shift_right_arithmetic3A_412 = vector.broadcast %shift_right_arithmetic3A_411 : i32 to vector<16xi32>
      %shift_right_arithmetic3A_413 = arith.shrsi %get3A_410, %shift_right_arithmetic3A_412 : vector<16xi32>
      %shift_left3A_414 = arith.constant 15 : i32
      %shift_left3A_415 = vector.broadcast %shift_left3A_414 : i32 to vector<16xi32>
      %shift_left3A_416 = arith.shli %shift_right_arithmetic3A_413, %shift_left3A_415 : vector<16xi32>
      %and3A_417 = arith.constant 7 : i32
      %and3A_418 = vector.broadcast %and3A_417 : i32 to vector<16xi32>
      %and3A_419 = arith.andi %get3A_410, %and3A_418 : vector<16xi32>
      %shift_left3A_420 = arith.constant 7 : i32
      %shift_left3A_421 = vector.broadcast %shift_left3A_420 : i32 to vector<16xi32>
      %shift_left3A_422 = arith.shli %and3A_419, %shift_left3A_421 : vector<16xi32>
      %add3A_423 = arith.addi %shift_left3A_416, %shift_left3A_422 : vector<16xi32>
      %add3A_424 = arith.addi %mul3A_13, %shift_left3A_404 : i32
      %add3A_425 = vector.broadcast %add3A_424 : i32 to vector<16xi32>
      %add3A_426 = arith.addi %add3A_425, %iota3A : vector<16xi32>
      %add3A_427 = arith.addi %add3A_423, %add3A_426 : vector<16xi32>
      %swap3A_428 = arith.index_cast %add3A_400 : i32 to index
      %swap3A_429 = tpu.vector_load %arg6[%swap3A_428] {strides = array<i32>} : memref<25600xi32, #tpu.memory_space<vmem>>, vector<16xi32>,
      %swap3A_430 = vector.shape_cast %swap3A_429 : vector<16xi32> to vector<16xi32>
      %swap3A_431 = vector.shape_cast %add3A_427 : vector<16xi32> to vector<16xi32>
      tpu.vector_store %arg6[%swap3A_428], %swap3A_431 {strides = array<i32>} : memref<25600xi32, #tpu.memory_space<vmem>>, vector<16xi32>,
      %scan3A_432 = arith.constant 3 : i32
      %scan3A_433 = arith.addi %scan3A_244, %scan3A_432 : i32
      %mul3A_434 = arith.constant 16 : i32
      %mul3A_435 = arith.muli %scan3A_433, %mul3A_434 : i32
      %add3A_436 = arith.constant 7680 : i32
      %add3A_437 = arith.addi %add3A_436, %mul3A_435 : i32
      %add3A_438 = arith.constant 480 : i32
      %add3A_439 = arith.addi %add3A_438, %scan3A_433 : i32
      %shift_right_arithmetic3A_440 = arith.constant 3 : i32
      %shift_right_arithmetic3A_441 = arith.shrsi %add3A_439, %shift_right_arithmetic3A_440 : i32
      %and3A_442 = arith.constant 7 : i32
      %and3A_443 = arith.andi %add3A_439, %and3A_442 : i32
      %shift_left3A_444 = arith.constant 4 : i32
      %shift_left3A_445 = arith.shli %and3A_443, %shift_left3A_444 : i32
      %get3A_446 = arith.index_cast %shift_right_arithmetic3A_441 : i32 to index
      %get3A_447 = arith.index_cast %shift_left3A_445 : i32 to index
      %get3A_448 = tpu.vector_load %arg5[%get3A_446, %get3A_447] {strides = array<i32>} : memref<200x128xi32, #tpu.memory_space<vmem>>, vector<1x16xi32>,
      %get3A_449 = vector.shape_cast %get3A_448 : vector<1x16xi32> to vector<16xi32>
      %ne3A_450 = arith.constant 0 : i32
      %ne3A_451 = vector.broadcast %ne3A_450 : i32 to vector<16xi32>
      %ne3A_452 = arith.cmpi ne, %get3A_449, %ne3A_451 : vector<16xi32>
      %get3A_453 = arith.index_cast %add3A_437 : i32 to index
      %get3A_454 = tpu.vector_load %arg7[%get3A_453] {strides = array<i32>} : memref<25600xf32, #tpu.memory_space<vmem>>, vector<16xf32>,
      %get3A_455 = vector.shape_cast %get3A_454 : vector<16xf32> to vector<16xf32>
      %jit3A_456 = arith.constant 0.000000e+00 : f32
      %broadcast_in_dim3A_457 = vector.broadcast %jit3A_456 : f32 to vector<16xf32>
      %select_n3A_458 = arith.select %ne3A_452, %get3A_455, %broadcast_in_dim3A_457 : vector<16xi1>, vector<16xf32>
      %add3A_459 = arith.addf %add3A_394, %select_n3A_458 : vector<16xf32>
      %add3A_460 = arith.constant 1120 : i32
      %add3A_461 = arith.addi %add3A_460, %scan3A_433 : i32
      %mul3A_462 = arith.constant 16 : i32
      %mul3A_463 = arith.muli %scan3A_433, %mul3A_462 : i32
      %add3A_464 = arith.constant 17920 : i32
      %add3A_465 = arith.addi %add3A_464, %mul3A_463 : i32
      %and3A_466 = arith.constant 7 : i32
      %and3A_467 = arith.andi %add3A_461, %and3A_466 : i32
      %shift_left3A_468 = arith.constant 4 : i32
      %shift_left3A_469 = arith.shli %and3A_467, %shift_left3A_468 : i32
      %shift_right_arithmetic3A_470 = arith.constant 3 : i32
      %shift_right_arithmetic3A_471 = arith.shrsi %add3A_461, %shift_right_arithmetic3A_470 : i32
      %get3A_472 = arith.index_cast %shift_right_arithmetic3A_471 : i32 to index
      %get3A_473 = arith.index_cast %shift_left3A_469 : i32 to index
      %get3A_474 = tpu.vector_load %arg5[%get3A_472, %get3A_473] {strides = array<i32>} : memref<200x128xi32, #tpu.memory_space<vmem>>, vector<1x16xi32>,
      %get3A_475 = vector.shape_cast %get3A_474 : vector<1x16xi32> to vector<16xi32>
      %shift_right_arithmetic3A_476 = arith.constant 3 : i32
      %shift_right_arithmetic3A_477 = vector.broadcast %shift_right_arithmetic3A_476 : i32 to vector<16xi32>
      %shift_right_arithmetic3A_478 = arith.shrsi %get3A_475, %shift_right_arithmetic3A_477 : vector<16xi32>
      %shift_left3A_479 = arith.constant 15 : i32
      %shift_left3A_480 = vector.broadcast %shift_left3A_479 : i32 to vector<16xi32>
      %shift_left3A_481 = arith.shli %shift_right_arithmetic3A_478, %shift_left3A_480 : vector<16xi32>
      %and3A_482 = arith.constant 7 : i32
      %and3A_483 = vector.broadcast %and3A_482 : i32 to vector<16xi32>
      %and3A_484 = arith.andi %get3A_475, %and3A_483 : vector<16xi32>
      %shift_left3A_485 = arith.constant 7 : i32
      %shift_left3A_486 = vector.broadcast %shift_left3A_485 : i32 to vector<16xi32>
      %shift_left3A_487 = arith.shli %and3A_484, %shift_left3A_486 : vector<16xi32>
      %add3A_488 = arith.addi %shift_left3A_481, %shift_left3A_487 : vector<16xi32>
      %add3A_489 = arith.addi %mul3A_13, %shift_left3A_469 : i32
      %add3A_490 = vector.broadcast %add3A_489 : i32 to vector<16xi32>
      %add3A_491 = arith.addi %add3A_490, %iota3A : vector<16xi32>
      %add3A_492 = arith.addi %add3A_488, %add3A_491 : vector<16xi32>
      %swap3A_493 = arith.index_cast %add3A_465 : i32 to index
      %swap3A_494 = tpu.vector_load %arg6[%swap3A_493] {strides = array<i32>} : memref<25600xi32, #tpu.memory_space<vmem>>, vector<16xi32>,
      %swap3A_495 = vector.shape_cast %swap3A_494 : vector<16xi32> to vector<16xi32>
      %swap3A_496 = vector.shape_cast %add3A_492 : vector<16xi32> to vector<16xi32>
      tpu.vector_store %arg6[%swap3A_493], %swap3A_496 {strides = array<i32>} : memref<25600xi32, #tpu.memory_space<vmem>>, vector<16xi32>,
      scf.yield %add3A_459 : vector<16xf32>
    }
    %scan3A_135 = arith.constant 160 : i32
    %scan3A_136 = arith.constant 0 : i32
    %scan3A_137 = arith.constant 140 : i32
    %scan3A_138 = arith.constant 20 : i32
    %scan3A_139 = arith.addi %scan3A_137, %scan3A_138 : i32
    %scan3A_140 = arith.constant 1 : i32
    scf.for %scan3A_244 = %scan3A_137 to %scan3A_139 step %scan3A_140  : i32 {
      %mul3A_245 = arith.constant 128 : i32
      %mul3A_246 = arith.muli %scan3A_244, %mul3A_245 : i32
      %dma_start3A = tpu.memref_slice %arg7[%mul3A_246] : memref<25600xf32, #tpu.memory_space<vmem>> -> memref<128xf32, #tpu.memory_space<vmem>>
      %dma_start3A_247 = tpu.memref_slice %arg6[%mul3A_246] : memref<25600xi32, #tpu.memory_space<vmem>> -> memref<128xi32, #tpu.memory_space<vmem>>
      %dma_start3A_248 = arith.constant 0 : i32
      %dma_start3A_249 = tpu.memref_slice %arg3[%dma_start3A_248] : memref<409600000xf32, #tpu.memory_space<hbm>> -> memref<409600000xf32, #tpu.memory_space<hbm>>
      tpu.enqueue_indirect_dma source(%dma_start3A_249 : memref<409600000xf32, #tpu.memory_space<hbm>>) target(%dma_start3A : memref<128xf32, #tpu.memory_space<vmem>>) offsets(%dma_start3A_247 : memref<128xi32, #tpu.memory_space<vmem>>) semaphore(%arg11 : memref<!tpu.dma_semaphore, #tpu.memory_space<semaphore_mem>>)
    }
    %scan3A_141 = arith.constant 20 : i32
    %dma_wait3A_142 = arith.constant 10240 : i32
    %dma_wait3A_143 = tpu.memref_slice %arg7[%dma_wait3A_142] : memref<25600xf32, #tpu.memory_space<vmem>> -> memref<2560xf32, #tpu.memory_space<vmem>>
    %dma_wait3A_144 = arith.constant 0 : i32
    %dma_wait3A_145 = tpu.memref_slice %arg3[%dma_wait3A_144] : memref<409600000xf32, #tpu.memory_space<hbm>> -> memref<2560xf32, #tpu.memory_space<hbm>>
    %dma_wait3A_146 = arith.constant 10240 : i32
    %dma_wait3A_147 = tpu.memref_slice %arg7[%dma_wait3A_146] : memref<25600xf32, #tpu.memory_space<vmem>> -> memref<2560xf32, #tpu.memory_space<vmem>>
    %dma_wait3A_148 = arith.constant 0 : i32
    %dma_wait3A_149 = tpu.memref_slice %arg3[%dma_wait3A_148] : memref<409600000xf32, #tpu.memory_space<hbm>> -> memref<2560xf32, #tpu.memory_space<hbm>>
    tpu.wait_dma2 semaphore(%arg13 : memref<!tpu.dma_semaphore, #tpu.memory_space<semaphore_mem>>) src(%dma_wait3A_149 : memref<2560xf32, #tpu.memory_space<hbm>>) dst(%dma_wait3A_147 : memref<2560xf32, #tpu.memory_space<vmem>>)
    %scan3A_150 = arith.constant 0 : i32
    %scan3A_151 = arith.constant 160 : i32
    %scan3A_152 = arith.addi %scan3A_150, %scan3A_151 : i32
    %scan3A_153 = arith.constant 4 : i32
    %scan3A_154 = scf.for %scan3A_244 = %scan3A_150 to %scan3A_152 step %scan3A_153 iter_args(%scan3A_245 = %scan3A_134) -> (vector<16xf32>)  : i32 {
      %mul3A_246 = arith.constant 16 : i32
      %mul3A_247 = arith.muli %scan3A_244, %mul3A_246 : i32
      %add3A_248 = arith.constant 10240 : i32
      %add3A_249 = arith.addi %add3A_248, %mul3A_247 : i32
      %add3A_250 = arith.constant 640 : i32
      %add3A_251 = arith.addi %add3A_250, %scan3A_244 : i32
      %shift_right_arithmetic3A = arith.constant 3 : i32
      %shift_right_arithmetic3A_252 = arith.shrsi %add3A_251, %shift_right_arithmetic3A : i32
      %and3A = arith.constant 7 : i32
      %and3A_253 = arith.andi %add3A_251, %and3A : i32
      %shift_left3A = arith.constant 4 : i32
      %shift_left3A_254 = arith.shli %and3A_253, %shift_left3A : i32
      %get3A = arith.index_cast %shift_right_arithmetic3A_252 : i32 to index
      %get3A_255 = arith.index_cast %shift_left3A_254 : i32 to index
      %get3A_256 = tpu.vector_load %arg5[%get3A, %get3A_255] {strides = array<i32>} : memref<200x128xi32, #tpu.memory_space<vmem>>, vector<1x16xi32>,
      %get3A_257 = vector.shape_cast %get3A_256 : vector<1x16xi32> to vector<16xi32>
      %ne3A = arith.constant 0 : i32
      %ne3A_258 = vector.broadcast %ne3A : i32 to vector<16xi32>
      %ne3A_259 = arith.cmpi ne, %get3A_257, %ne3A_258 : vector<16xi32>
      %get3A_260 = arith.index_cast %add3A_249 : i32 to index
      %get3A_261 = tpu.vector_load %arg7[%get3A_260] {strides = array<i32>} : memref<25600xf32, #tpu.memory_space<vmem>>, vector<16xf32>,
      %get3A_262 = vector.shape_cast %get3A_261 : vector<16xf32> to vector<16xf32>
      %jit3A = arith.constant 0.000000e+00 : f32
      %broadcast_in_dim3A_263 = vector.broadcast %jit3A : f32 to vector<16xf32>
      %select_n3A = arith.select %ne3A_259, %get3A_262, %broadcast_in_dim3A_263 : vector<16xi1>, vector<16xf32>
      %add3A_264 = arith.addf %scan3A_245, %select_n3A : vector<16xf32>
      %add3A_265 = arith.constant 1280 : i32
      %add3A_266 = arith.addi %add3A_265, %scan3A_244 : i32
      %mul3A_267 = arith.constant 16 : i32
      %mul3A_268 = arith.muli %scan3A_244, %mul3A_267 : i32
      %add3A_269 = arith.constant 20480 : i32
      %add3A_270 = arith.addi %add3A_269, %mul3A_268 : i32
      %and3A_271 = arith.constant 7 : i32
      %and3A_272 = arith.andi %add3A_266, %and3A_271 : i32
      %shift_left3A_273 = arith.constant 4 : i32
      %shift_left3A_274 = arith.shli %and3A_272, %shift_left3A_273 : i32
      %shift_right_arithmetic3A_275 = arith.constant 3 : i32
      %shift_right_arithmetic3A_276 = arith.shrsi %add3A_266, %shift_right_arithmetic3A_275 : i32
      %get3A_277 = arith.index_cast %shift_right_arithmetic3A_276 : i32 to index
      %get3A_278 = arith.index_cast %shift_left3A_274 : i32 to index
      %get3A_279 = tpu.vector_load %arg5[%get3A_277, %get3A_278] {strides = array<i32>} : memref<200x128xi32, #tpu.memory_space<vmem>>, vector<1x16xi32>,
      %get3A_280 = vector.shape_cast %get3A_279 : vector<1x16xi32> to vector<16xi32>
      %shift_right_arithmetic3A_281 = arith.constant 3 : i32
      %shift_right_arithmetic3A_282 = vector.broadcast %shift_right_arithmetic3A_281 : i32 to vector<16xi32>
      %shift_right_arithmetic3A_283 = arith.shrsi %get3A_280, %shift_right_arithmetic3A_282 : vector<16xi32>
      %shift_left3A_284 = arith.constant 15 : i32
      %shift_left3A_285 = vector.broadcast %shift_left3A_284 : i32 to vector<16xi32>
      %shift_left3A_286 = arith.shli %shift_right_arithmetic3A_283, %shift_left3A_285 : vector<16xi32>
      %and3A_287 = arith.constant 7 : i32
      %and3A_288 = vector.broadcast %and3A_287 : i32 to vector<16xi32>
      %and3A_289 = arith.andi %get3A_280, %and3A_288 : vector<16xi32>
      %shift_left3A_290 = arith.constant 7 : i32
      %shift_left3A_291 = vector.broadcast %shift_left3A_290 : i32 to vector<16xi32>
      %shift_left3A_292 = arith.shli %and3A_289, %shift_left3A_291 : vector<16xi32>
      %add3A_293 = arith.addi %shift_left3A_286, %shift_left3A_292 : vector<16xi32>
      %add3A_294 = arith.addi %mul3A_13, %shift_left3A_274 : i32
      %add3A_295 = vector.broadcast %add3A_294 : i32 to vector<16xi32>
      %add3A_296 = arith.addi %add3A_295, %iota3A : vector<16xi32>
      %add3A_297 = arith.addi %add3A_293, %add3A_296 : vector<16xi32>
      %swap3A_298 = arith.index_cast %add3A_270 : i32 to index
      %swap3A_299 = tpu.vector_load %arg6[%swap3A_298] {strides = array<i32>} : memref<25600xi32, #tpu.memory_space<vmem>>, vector<16xi32>,
      %swap3A_300 = vector.shape_cast %swap3A_299 : vector<16xi32> to vector<16xi32>
      %swap3A_301 = vector.shape_cast %add3A_297 : vector<16xi32> to vector<16xi32>
      tpu.vector_store %arg6[%swap3A_298], %swap3A_301 {strides = array<i32>} : memref<25600xi32, #tpu.memory_space<vmem>>, vector<16xi32>,
      %scan3A_302 = arith.constant 1 : i32
      %scan3A_303 = arith.addi %scan3A_244, %scan3A_302 : i32
      %mul3A_304 = arith.constant 16 : i32
      %mul3A_305 = arith.muli %scan3A_303, %mul3A_304 : i32
      %add3A_306 = arith.constant 10240 : i32
      %add3A_307 = arith.addi %add3A_306, %mul3A_305 : i32
      %add3A_308 = arith.constant 640 : i32
      %add3A_309 = arith.addi %add3A_308, %scan3A_303 : i32
      %shift_right_arithmetic3A_310 = arith.constant 3 : i32
      %shift_right_arithmetic3A_311 = arith.shrsi %add3A_309, %shift_right_arithmetic3A_310 : i32
      %and3A_312 = arith.constant 7 : i32
      %and3A_313 = arith.andi %add3A_309, %and3A_312 : i32
      %shift_left3A_314 = arith.constant 4 : i32
      %shift_left3A_315 = arith.shli %and3A_313, %shift_left3A_314 : i32
      %get3A_316 = arith.index_cast %shift_right_arithmetic3A_311 : i32 to index
      %get3A_317 = arith.index_cast %shift_left3A_315 : i32 to index
      %get3A_318 = tpu.vector_load %arg5[%get3A_316, %get3A_317] {strides = array<i32>} : memref<200x128xi32, #tpu.memory_space<vmem>>, vector<1x16xi32>,
      %get3A_319 = vector.shape_cast %get3A_318 : vector<1x16xi32> to vector<16xi32>
      %ne3A_320 = arith.constant 0 : i32
      %ne3A_321 = vector.broadcast %ne3A_320 : i32 to vector<16xi32>
      %ne3A_322 = arith.cmpi ne, %get3A_319, %ne3A_321 : vector<16xi32>
      %get3A_323 = arith.index_cast %add3A_307 : i32 to index
      %get3A_324 = tpu.vector_load %arg7[%get3A_323] {strides = array<i32>} : memref<25600xf32, #tpu.memory_space<vmem>>, vector<16xf32>,
      %get3A_325 = vector.shape_cast %get3A_324 : vector<16xf32> to vector<16xf32>
      %jit3A_326 = arith.constant 0.000000e+00 : f32
      %broadcast_in_dim3A_327 = vector.broadcast %jit3A_326 : f32 to vector<16xf32>
      %select_n3A_328 = arith.select %ne3A_322, %get3A_325, %broadcast_in_dim3A_327 : vector<16xi1>, vector<16xf32>
      %add3A_329 = arith.addf %add3A_264, %select_n3A_328 : vector<16xf32>
      %add3A_330 = arith.constant 1280 : i32
      %add3A_331 = arith.addi %add3A_330, %scan3A_303 : i32
      %mul3A_332 = arith.constant 16 : i32
      %mul3A_333 = arith.muli %scan3A_303, %mul3A_332 : i32
      %add3A_334 = arith.constant 20480 : i32
      %add3A_335 = arith.addi %add3A_334, %mul3A_333 : i32
      %and3A_336 = arith.constant 7 : i32
      %and3A_337 = arith.andi %add3A_331, %and3A_336 : i32
      %shift_left3A_338 = arith.constant 4 : i32
      %shift_left3A_339 = arith.shli %and3A_337, %shift_left3A_338 : i32
      %shift_right_arithmetic3A_340 = arith.constant 3 : i32
      %shift_right_arithmetic3A_341 = arith.shrsi %add3A_331, %shift_right_arithmetic3A_340 : i32
      %get3A_342 = arith.index_cast %shift_right_arithmetic3A_341 : i32 to index
      %get3A_343 = arith.index_cast %shift_left3A_339 : i32 to index
      %get3A_344 = tpu.vector_load %arg5[%get3A_342, %get3A_343] {strides = array<i32>} : memref<200x128xi32, #tpu.memory_space<vmem>>, vector<1x16xi32>,
      %get3A_345 = vector.shape_cast %get3A_344 : vector<1x16xi32> to vector<16xi32>
      %shift_right_arithmetic3A_346 = arith.constant 3 : i32
      %shift_right_arithmetic3A_347 = vector.broadcast %shift_right_arithmetic3A_346 : i32 to vector<16xi32>
      %shift_right_arithmetic3A_348 = arith.shrsi %get3A_345, %shift_right_arithmetic3A_347 : vector<16xi32>
      %shift_left3A_349 = arith.constant 15 : i32
      %shift_left3A_350 = vector.broadcast %shift_left3A_349 : i32 to vector<16xi32>
      %shift_left3A_351 = arith.shli %shift_right_arithmetic3A_348, %shift_left3A_350 : vector<16xi32>
      %and3A_352 = arith.constant 7 : i32
      %and3A_353 = vector.broadcast %and3A_352 : i32 to vector<16xi32>
      %and3A_354 = arith.andi %get3A_345, %and3A_353 : vector<16xi32>
      %shift_left3A_355 = arith.constant 7 : i32
      %shift_left3A_356 = vector.broadcast %shift_left3A_355 : i32 to vector<16xi32>
      %shift_left3A_357 = arith.shli %and3A_354, %shift_left3A_356 : vector<16xi32>
      %add3A_358 = arith.addi %shift_left3A_351, %shift_left3A_357 : vector<16xi32>
      %add3A_359 = arith.addi %mul3A_13, %shift_left3A_339 : i32
      %add3A_360 = vector.broadcast %add3A_359 : i32 to vector<16xi32>
      %add3A_361 = arith.addi %add3A_360, %iota3A : vector<16xi32>
      %add3A_362 = arith.addi %add3A_358, %add3A_361 : vector<16xi32>
      %swap3A_363 = arith.index_cast %add3A_335 : i32 to index
      %swap3A_364 = tpu.vector_load %arg6[%swap3A_363] {strides = array<i32>} : memref<25600xi32, #tpu.memory_space<vmem>>, vector<16xi32>,
      %swap3A_365 = vector.shape_cast %swap3A_364 : vector<16xi32> to vector<16xi32>
      %swap3A_366 = vector.shape_cast %add3A_362 : vector<16xi32> to vector<16xi32>
      tpu.vector_store %arg6[%swap3A_363], %swap3A_366 {strides = array<i32>} : memref<25600xi32, #tpu.memory_space<vmem>>, vector<16xi32>,
      %scan3A_367 = arith.constant 2 : i32
      %scan3A_368 = arith.addi %scan3A_244, %scan3A_367 : i32
      %mul3A_369 = arith.constant 16 : i32
      %mul3A_370 = arith.muli %scan3A_368, %mul3A_369 : i32
      %add3A_371 = arith.constant 10240 : i32
      %add3A_372 = arith.addi %add3A_371, %mul3A_370 : i32
      %add3A_373 = arith.constant 640 : i32
      %add3A_374 = arith.addi %add3A_373, %scan3A_368 : i32
      %shift_right_arithmetic3A_375 = arith.constant 3 : i32
      %shift_right_arithmetic3A_376 = arith.shrsi %add3A_374, %shift_right_arithmetic3A_375 : i32
      %and3A_377 = arith.constant 7 : i32
      %and3A_378 = arith.andi %add3A_374, %and3A_377 : i32
      %shift_left3A_379 = arith.constant 4 : i32
      %shift_left3A_380 = arith.shli %and3A_378, %shift_left3A_379 : i32
      %get3A_381 = arith.index_cast %shift_right_arithmetic3A_376 : i32 to index
      %get3A_382 = arith.index_cast %shift_left3A_380 : i32 to index
      %get3A_383 = tpu.vector_load %arg5[%get3A_381, %get3A_382] {strides = array<i32>} : memref<200x128xi32, #tpu.memory_space<vmem>>, vector<1x16xi32>,
      %get3A_384 = vector.shape_cast %get3A_383 : vector<1x16xi32> to vector<16xi32>
      %ne3A_385 = arith.constant 0 : i32
      %ne3A_386 = vector.broadcast %ne3A_385 : i32 to vector<16xi32>
      %ne3A_387 = arith.cmpi ne, %get3A_384, %ne3A_386 : vector<16xi32>
      %get3A_388 = arith.index_cast %add3A_372 : i32 to index
      %get3A_389 = tpu.vector_load %arg7[%get3A_388] {strides = array<i32>} : memref<25600xf32, #tpu.memory_space<vmem>>, vector<16xf32>,
      %get3A_390 = vector.shape_cast %get3A_389 : vector<16xf32> to vector<16xf32>
      %jit3A_391 = arith.constant 0.000000e+00 : f32
      %broadcast_in_dim3A_392 = vector.broadcast %jit3A_391 : f32 to vector<16xf32>
      %select_n3A_393 = arith.select %ne3A_387, %get3A_390, %broadcast_in_dim3A_392 : vector<16xi1>, vector<16xf32>
      %add3A_394 = arith.addf %add3A_329, %select_n3A_393 : vector<16xf32>
      %add3A_395 = arith.constant 1280 : i32
      %add3A_396 = arith.addi %add3A_395, %scan3A_368 : i32
      %mul3A_397 = arith.constant 16 : i32
      %mul3A_398 = arith.muli %scan3A_368, %mul3A_397 : i32
      %add3A_399 = arith.constant 20480 : i32
      %add3A_400 = arith.addi %add3A_399, %mul3A_398 : i32
      %and3A_401 = arith.constant 7 : i32
      %and3A_402 = arith.andi %add3A_396, %and3A_401 : i32
      %shift_left3A_403 = arith.constant 4 : i32
      %shift_left3A_404 = arith.shli %and3A_402, %shift_left3A_403 : i32
      %shift_right_arithmetic3A_405 = arith.constant 3 : i32
      %shift_right_arithmetic3A_406 = arith.shrsi %add3A_396, %shift_right_arithmetic3A_405 : i32
      %get3A_407 = arith.index_cast %shift_right_arithmetic3A_406 : i32 to index
      %get3A_408 = arith.index_cast %shift_left3A_404 : i32 to index
      %get3A_409 = tpu.vector_load %arg5[%get3A_407, %get3A_408] {strides = array<i32>} : memref<200x128xi32, #tpu.memory_space<vmem>>, vector<1x16xi32>,
      %get3A_410 = vector.shape_cast %get3A_409 : vector<1x16xi32> to vector<16xi32>
      %shift_right_arithmetic3A_411 = arith.constant 3 : i32
      %shift_right_arithmetic3A_412 = vector.broadcast %shift_right_arithmetic3A_411 : i32 to vector<16xi32>
      %shift_right_arithmetic3A_413 = arith.shrsi %get3A_410, %shift_right_arithmetic3A_412 : vector<16xi32>
      %shift_left3A_414 = arith.constant 15 : i32
      %shift_left3A_415 = vector.broadcast %shift_left3A_414 : i32 to vector<16xi32>
      %shift_left3A_416 = arith.shli %shift_right_arithmetic3A_413, %shift_left3A_415 : vector<16xi32>
      %and3A_417 = arith.constant 7 : i32
      %and3A_418 = vector.broadcast %and3A_417 : i32 to vector<16xi32>
      %and3A_419 = arith.andi %get3A_410, %and3A_418 : vector<16xi32>
      %shift_left3A_420 = arith.constant 7 : i32
      %shift_left3A_421 = vector.broadcast %shift_left3A_420 : i32 to vector<16xi32>
      %shift_left3A_422 = arith.shli %and3A_419, %shift_left3A_421 : vector<16xi32>
      %add3A_423 = arith.addi %shift_left3A_416, %shift_left3A_422 : vector<16xi32>
      %add3A_424 = arith.addi %mul3A_13, %shift_left3A_404 : i32
      %add3A_425 = vector.broadcast %add3A_424 : i32 to vector<16xi32>
      %add3A_426 = arith.addi %add3A_425, %iota3A : vector<16xi32>
      %add3A_427 = arith.addi %add3A_423, %add3A_426 : vector<16xi32>
      %swap3A_428 = arith.index_cast %add3A_400 : i32 to index
      %swap3A_429 = tpu.vector_load %arg6[%swap3A_428] {strides = array<i32>} : memref<25600xi32, #tpu.memory_space<vmem>>, vector<16xi32>,
      %swap3A_430 = vector.shape_cast %swap3A_429 : vector<16xi32> to vector<16xi32>
      %swap3A_431 = vector.shape_cast %add3A_427 : vector<16xi32> to vector<16xi32>
      tpu.vector_store %arg6[%swap3A_428], %swap3A_431 {strides = array<i32>} : memref<25600xi32, #tpu.memory_space<vmem>>, vector<16xi32>,
      %scan3A_432 = arith.constant 3 : i32
      %scan3A_433 = arith.addi %scan3A_244, %scan3A_432 : i32
      %mul3A_434 = arith.constant 16 : i32
      %mul3A_435 = arith.muli %scan3A_433, %mul3A_434 : i32
      %add3A_436 = arith.constant 10240 : i32
      %add3A_437 = arith.addi %add3A_436, %mul3A_435 : i32
      %add3A_438 = arith.constant 640 : i32
      %add3A_439 = arith.addi %add3A_438, %scan3A_433 : i32
      %shift_right_arithmetic3A_440 = arith.constant 3 : i32
      %shift_right_arithmetic3A_441 = arith.shrsi %add3A_439, %shift_right_arithmetic3A_440 : i32
      %and3A_442 = arith.constant 7 : i32
      %and3A_443 = arith.andi %add3A_439, %and3A_442 : i32
      %shift_left3A_444 = arith.constant 4 : i32
      %shift_left3A_445 = arith.shli %and3A_443, %shift_left3A_444 : i32
      %get3A_446 = arith.index_cast %shift_right_arithmetic3A_441 : i32 to index
      %get3A_447 = arith.index_cast %shift_left3A_445 : i32 to index
      %get3A_448 = tpu.vector_load %arg5[%get3A_446, %get3A_447] {strides = array<i32>} : memref<200x128xi32, #tpu.memory_space<vmem>>, vector<1x16xi32>,
      %get3A_449 = vector.shape_cast %get3A_448 : vector<1x16xi32> to vector<16xi32>
      %ne3A_450 = arith.constant 0 : i32
      %ne3A_451 = vector.broadcast %ne3A_450 : i32 to vector<16xi32>
      %ne3A_452 = arith.cmpi ne, %get3A_449, %ne3A_451 : vector<16xi32>
      %get3A_453 = arith.index_cast %add3A_437 : i32 to index
      %get3A_454 = tpu.vector_load %arg7[%get3A_453] {strides = array<i32>} : memref<25600xf32, #tpu.memory_space<vmem>>, vector<16xf32>,
      %get3A_455 = vector.shape_cast %get3A_454 : vector<16xf32> to vector<16xf32>
      %jit3A_456 = arith.constant 0.000000e+00 : f32
      %broadcast_in_dim3A_457 = vector.broadcast %jit3A_456 : f32 to vector<16xf32>
      %select_n3A_458 = arith.select %ne3A_452, %get3A_455, %broadcast_in_dim3A_457 : vector<16xi1>, vector<16xf32>
      %add3A_459 = arith.addf %add3A_394, %select_n3A_458 : vector<16xf32>
      %add3A_460 = arith.constant 1280 : i32
      %add3A_461 = arith.addi %add3A_460, %scan3A_433 : i32
      %mul3A_462 = arith.constant 16 : i32
      %mul3A_463 = arith.muli %scan3A_433, %mul3A_462 : i32
      %add3A_464 = arith.constant 20480 : i32
      %add3A_465 = arith.addi %add3A_464, %mul3A_463 : i32
      %and3A_466 = arith.constant 7 : i32
      %and3A_467 = arith.andi %add3A_461, %and3A_466 : i32
      %shift_left3A_468 = arith.constant 4 : i32
      %shift_left3A_469 = arith.shli %and3A_467, %shift_left3A_468 : i32
      %shift_right_arithmetic3A_470 = arith.constant 3 : i32
      %shift_right_arithmetic3A_471 = arith.shrsi %add3A_461, %shift_right_arithmetic3A_470 : i32
      %get3A_472 = arith.index_cast %shift_right_arithmetic3A_471 : i32 to index
      %get3A_473 = arith.index_cast %shift_left3A_469 : i32 to index
      %get3A_474 = tpu.vector_load %arg5[%get3A_472, %get3A_473] {strides = array<i32>} : memref<200x128xi32, #tpu.memory_space<vmem>>, vector<1x16xi32>,
      %get3A_475 = vector.shape_cast %get3A_474 : vector<1x16xi32> to vector<16xi32>
      %shift_right_arithmetic3A_476 = arith.constant 3 : i32
      %shift_right_arithmetic3A_477 = vector.broadcast %shift_right_arithmetic3A_476 : i32 to vector<16xi32>
      %shift_right_arithmetic3A_478 = arith.shrsi %get3A_475, %shift_right_arithmetic3A_477 : vector<16xi32>
      %shift_left3A_479 = arith.constant 15 : i32
      %shift_left3A_480 = vector.broadcast %shift_left3A_479 : i32 to vector<16xi32>
      %shift_left3A_481 = arith.shli %shift_right_arithmetic3A_478, %shift_left3A_480 : vector<16xi32>
      %and3A_482 = arith.constant 7 : i32
      %and3A_483 = vector.broadcast %and3A_482 : i32 to vector<16xi32>
      %and3A_484 = arith.andi %get3A_475, %and3A_483 : vector<16xi32>
      %shift_left3A_485 = arith.constant 7 : i32
      %shift_left3A_486 = vector.broadcast %shift_left3A_485 : i32 to vector<16xi32>
      %shift_left3A_487 = arith.shli %and3A_484, %shift_left3A_486 : vector<16xi32>
      %add3A_488 = arith.addi %shift_left3A_481, %shift_left3A_487 : vector<16xi32>
      %add3A_489 = arith.addi %mul3A_13, %shift_left3A_469 : i32
      %add3A_490 = vector.broadcast %add3A_489 : i32 to vector<16xi32>
      %add3A_491 = arith.addi %add3A_490, %iota3A : vector<16xi32>
      %add3A_492 = arith.addi %add3A_488, %add3A_491 : vector<16xi32>
      %swap3A_493 = arith.index_cast %add3A_465 : i32 to index
      %swap3A_494 = tpu.vector_load %arg6[%swap3A_493] {strides = array<i32>} : memref<25600xi32, #tpu.memory_space<vmem>>, vector<16xi32>,
      %swap3A_495 = vector.shape_cast %swap3A_494 : vector<16xi32> to vector<16xi32>
      %swap3A_496 = vector.shape_cast %add3A_492 : vector<16xi32> to vector<16xi32>
      tpu.vector_store %arg6[%swap3A_493], %swap3A_496 {strides = array<i32>} : memref<25600xi32, #tpu.memory_space<vmem>>, vector<16xi32>,
      scf.yield %add3A_459 : vector<16xf32>
    }
    %scan3A_155 = arith.constant 160 : i32
    %scan3A_156 = arith.constant 0 : i32
    %scan3A_157 = arith.constant 160 : i32
    %scan3A_158 = arith.constant 20 : i32
    %scan3A_159 = arith.addi %scan3A_157, %scan3A_158 : i32
    %scan3A_160 = arith.constant 1 : i32
    scf.for %scan3A_244 = %scan3A_157 to %scan3A_159 step %scan3A_160  : i32 {
      %mul3A_245 = arith.constant 128 : i32
      %mul3A_246 = arith.muli %scan3A_244, %mul3A_245 : i32
      %dma_start3A = tpu.memref_slice %arg7[%mul3A_246] : memref<25600xf32, #tpu.memory_space<vmem>> -> memref<128xf32, #tpu.memory_space<vmem>>
      %dma_start3A_247 = tpu.memref_slice %arg6[%mul3A_246] : memref<25600xi32, #tpu.memory_space<vmem>> -> memref<128xi32, #tpu.memory_space<vmem>>
      %dma_start3A_248 = arith.constant 0 : i32
      %dma_start3A_249 = tpu.memref_slice %arg3[%dma_start3A_248] : memref<409600000xf32, #tpu.memory_space<hbm>> -> memref<409600000xf32, #tpu.memory_space<hbm>>
      tpu.enqueue_indirect_dma source(%dma_start3A_249 : memref<409600000xf32, #tpu.memory_space<hbm>>) target(%dma_start3A : memref<128xf32, #tpu.memory_space<vmem>>) offsets(%dma_start3A_247 : memref<128xi32, #tpu.memory_space<vmem>>) semaphore(%arg12 : memref<!tpu.dma_semaphore, #tpu.memory_space<semaphore_mem>>)
    }
    %scan3A_161 = arith.constant 20 : i32
    %dma_wait3A_162 = arith.constant 12800 : i32
    %dma_wait3A_163 = tpu.memref_slice %arg7[%dma_wait3A_162] : memref<25600xf32, #tpu.memory_space<vmem>> -> memref<2560xf32, #tpu.memory_space<vmem>>
    %dma_wait3A_164 = arith.constant 0 : i32
    %dma_wait3A_165 = tpu.memref_slice %arg3[%dma_wait3A_164] : memref<409600000xf32, #tpu.memory_space<hbm>> -> memref<2560xf32, #tpu.memory_space<hbm>>
    %dma_wait3A_166 = arith.constant 12800 : i32
    %dma_wait3A_167 = tpu.memref_slice %arg7[%dma_wait3A_166] : memref<25600xf32, #tpu.memory_space<vmem>> -> memref<2560xf32, #tpu.memory_space<vmem>>
    %dma_wait3A_168 = arith.constant 0 : i32
    %dma_wait3A_169 = tpu.memref_slice %arg3[%dma_wait3A_168] : memref<409600000xf32, #tpu.memory_space<hbm>> -> memref<2560xf32, #tpu.memory_space<hbm>>
    tpu.wait_dma2 semaphore(%arg9 : memref<!tpu.dma_semaphore, #tpu.memory_space<semaphore_mem>>) src(%dma_wait3A_169 : memref<2560xf32, #tpu.memory_space<hbm>>) dst(%dma_wait3A_167 : memref<2560xf32, #tpu.memory_space<vmem>>)
    %scan3A_170 = arith.constant 0 : i32
    %scan3A_171 = arith.constant 160 : i32
    %scan3A_172 = arith.addi %scan3A_170, %scan3A_171 : i32
    %scan3A_173 = arith.constant 4 : i32
    %scan3A_174 = scf.for %scan3A_244 = %scan3A_170 to %scan3A_172 step %scan3A_173 iter_args(%scan3A_245 = %scan3A_154) -> (vector<16xf32>)  : i32 {
      %mul3A_246 = arith.constant 16 : i32
      %mul3A_247 = arith.muli %scan3A_244, %mul3A_246 : i32
      %add3A_248 = arith.constant 12800 : i32
      %add3A_249 = arith.addi %add3A_248, %mul3A_247 : i32
      %add3A_250 = arith.constant 800 : i32
      %add3A_251 = arith.addi %add3A_250, %scan3A_244 : i32
      %shift_right_arithmetic3A = arith.constant 3 : i32
      %shift_right_arithmetic3A_252 = arith.shrsi %add3A_251, %shift_right_arithmetic3A : i32
      %and3A = arith.constant 7 : i32
      %and3A_253 = arith.andi %add3A_251, %and3A : i32
      %shift_left3A = arith.constant 4 : i32
      %shift_left3A_254 = arith.shli %and3A_253, %shift_left3A : i32
      %get3A = arith.index_cast %shift_right_arithmetic3A_252 : i32 to index
      %get3A_255 = arith.index_cast %shift_left3A_254 : i32 to index
      %get3A_256 = tpu.vector_load %arg5[%get3A, %get3A_255] {strides = array<i32>} : memref<200x128xi32, #tpu.memory_space<vmem>>, vector<1x16xi32>,
      %get3A_257 = vector.shape_cast %get3A_256 : vector<1x16xi32> to vector<16xi32>
      %ne3A = arith.constant 0 : i32
      %ne3A_258 = vector.broadcast %ne3A : i32 to vector<16xi32>
      %ne3A_259 = arith.cmpi ne, %get3A_257, %ne3A_258 : vector<16xi32>
      %get3A_260 = arith.index_cast %add3A_249 : i32 to index
      %get3A_261 = tpu.vector_load %arg7[%get3A_260] {strides = array<i32>} : memref<25600xf32, #tpu.memory_space<vmem>>, vector<16xf32>,
      %get3A_262 = vector.shape_cast %get3A_261 : vector<16xf32> to vector<16xf32>
      %jit3A = arith.constant 0.000000e+00 : f32
      %broadcast_in_dim3A_263 = vector.broadcast %jit3A : f32 to vector<16xf32>
      %select_n3A = arith.select %ne3A_259, %get3A_262, %broadcast_in_dim3A_263 : vector<16xi1>, vector<16xf32>
      %add3A_264 = arith.addf %scan3A_245, %select_n3A : vector<16xf32>
      %add3A_265 = arith.constant 1440 : i32
      %add3A_266 = arith.addi %add3A_265, %scan3A_244 : i32
      %mul3A_267 = arith.constant 16 : i32
      %mul3A_268 = arith.muli %scan3A_244, %mul3A_267 : i32
      %add3A_269 = arith.constant 23040 : i32
      %add3A_270 = arith.addi %add3A_269, %mul3A_268 : i32
      %and3A_271 = arith.constant 7 : i32
      %and3A_272 = arith.andi %add3A_266, %and3A_271 : i32
      %shift_left3A_273 = arith.constant 4 : i32
      %shift_left3A_274 = arith.shli %and3A_272, %shift_left3A_273 : i32
      %shift_right_arithmetic3A_275 = arith.constant 3 : i32
      %shift_right_arithmetic3A_276 = arith.shrsi %add3A_266, %shift_right_arithmetic3A_275 : i32
      %get3A_277 = arith.index_cast %shift_right_arithmetic3A_276 : i32 to index
      %get3A_278 = arith.index_cast %shift_left3A_274 : i32 to index
      %get3A_279 = tpu.vector_load %arg5[%get3A_277, %get3A_278] {strides = array<i32>} : memref<200x128xi32, #tpu.memory_space<vmem>>, vector<1x16xi32>,
      %get3A_280 = vector.shape_cast %get3A_279 : vector<1x16xi32> to vector<16xi32>
      %shift_right_arithmetic3A_281 = arith.constant 3 : i32
      %shift_right_arithmetic3A_282 = vector.broadcast %shift_right_arithmetic3A_281 : i32 to vector<16xi32>
      %shift_right_arithmetic3A_283 = arith.shrsi %get3A_280, %shift_right_arithmetic3A_282 : vector<16xi32>
      %shift_left3A_284 = arith.constant 15 : i32
      %shift_left3A_285 = vector.broadcast %shift_left3A_284 : i32 to vector<16xi32>
      %shift_left3A_286 = arith.shli %shift_right_arithmetic3A_283, %shift_left3A_285 : vector<16xi32>
      %and3A_287 = arith.constant 7 : i32
      %and3A_288 = vector.broadcast %and3A_287 : i32 to vector<16xi32>
      %and3A_289 = arith.andi %get3A_280, %and3A_288 : vector<16xi32>
      %shift_left3A_290 = arith.constant 7 : i32
      %shift_left3A_291 = vector.broadcast %shift_left3A_290 : i32 to vector<16xi32>
      %shift_left3A_292 = arith.shli %and3A_289, %shift_left3A_291 : vector<16xi32>
      %add3A_293 = arith.addi %shift_left3A_286, %shift_left3A_292 : vector<16xi32>
      %add3A_294 = arith.addi %mul3A_13, %shift_left3A_274 : i32
      %add3A_295 = vector.broadcast %add3A_294 : i32 to vector<16xi32>
      %add3A_296 = arith.addi %add3A_295, %iota3A : vector<16xi32>
      %add3A_297 = arith.addi %add3A_293, %add3A_296 : vector<16xi32>
      %swap3A_298 = arith.index_cast %add3A_270 : i32 to index
      %swap3A_299 = tpu.vector_load %arg6[%swap3A_298] {strides = array<i32>} : memref<25600xi32, #tpu.memory_space<vmem>>, vector<16xi32>,
      %swap3A_300 = vector.shape_cast %swap3A_299 : vector<16xi32> to vector<16xi32>
      %swap3A_301 = vector.shape_cast %add3A_297 : vector<16xi32> to vector<16xi32>
      tpu.vector_store %arg6[%swap3A_298], %swap3A_301 {strides = array<i32>} : memref<25600xi32, #tpu.memory_space<vmem>>, vector<16xi32>,
      %scan3A_302 = arith.constant 1 : i32
      %scan3A_303 = arith.addi %scan3A_244, %scan3A_302 : i32
      %mul3A_304 = arith.constant 16 : i32
      %mul3A_305 = arith.muli %scan3A_303, %mul3A_304 : i32
      %add3A_306 = arith.constant 12800 : i32
      %add3A_307 = arith.addi %add3A_306, %mul3A_305 : i32
      %add3A_308 = arith.constant 800 : i32
      %add3A_309 = arith.addi %add3A_308, %scan3A_303 : i32
      %shift_right_arithmetic3A_310 = arith.constant 3 : i32
      %shift_right_arithmetic3A_311 = arith.shrsi %add3A_309, %shift_right_arithmetic3A_310 : i32
      %and3A_312 = arith.constant 7 : i32
      %and3A_313 = arith.andi %add3A_309, %and3A_312 : i32
      %shift_left3A_314 = arith.constant 4 : i32
      %shift_left3A_315 = arith.shli %and3A_313, %shift_left3A_314 : i32
      %get3A_316 = arith.index_cast %shift_right_arithmetic3A_311 : i32 to index
      %get3A_317 = arith.index_cast %shift_left3A_315 : i32 to index
      %get3A_318 = tpu.vector_load %arg5[%get3A_316, %get3A_317] {strides = array<i32>} : memref<200x128xi32, #tpu.memory_space<vmem>>, vector<1x16xi32>,
      %get3A_319 = vector.shape_cast %get3A_318 : vector<1x16xi32> to vector<16xi32>
      %ne3A_320 = arith.constant 0 : i32
      %ne3A_321 = vector.broadcast %ne3A_320 : i32 to vector<16xi32>
      %ne3A_322 = arith.cmpi ne, %get3A_319, %ne3A_321 : vector<16xi32>
      %get3A_323 = arith.index_cast %add3A_307 : i32 to index
      %get3A_324 = tpu.vector_load %arg7[%get3A_323] {strides = array<i32>} : memref<25600xf32, #tpu.memory_space<vmem>>, vector<16xf32>,
      %get3A_325 = vector.shape_cast %get3A_324 : vector<16xf32> to vector<16xf32>
      %jit3A_326 = arith.constant 0.000000e+00 : f32
      %broadcast_in_dim3A_327 = vector.broadcast %jit3A_326 : f32 to vector<16xf32>
      %select_n3A_328 = arith.select %ne3A_322, %get3A_325, %broadcast_in_dim3A_327 : vector<16xi1>, vector<16xf32>
      %add3A_329 = arith.addf %add3A_264, %select_n3A_328 : vector<16xf32>
      %add3A_330 = arith.constant 1440 : i32
      %add3A_331 = arith.addi %add3A_330, %scan3A_303 : i32
      %mul3A_332 = arith.constant 16 : i32
      %mul3A_333 = arith.muli %scan3A_303, %mul3A_332 : i32
      %add3A_334 = arith.constant 23040 : i32
      %add3A_335 = arith.addi %add3A_334, %mul3A_333 : i32
      %and3A_336 = arith.constant 7 : i32
      %and3A_337 = arith.andi %add3A_331, %and3A_336 : i32
      %shift_left3A_338 = arith.constant 4 : i32
      %shift_left3A_339 = arith.shli %and3A_337, %shift_left3A_338 : i32
      %shift_right_arithmetic3A_340 = arith.constant 3 : i32
      %shift_right_arithmetic3A_341 = arith.shrsi %add3A_331, %shift_right_arithmetic3A_340 : i32
      %get3A_342 = arith.index_cast %shift_right_arithmetic3A_341 : i32 to index
      %get3A_343 = arith.index_cast %shift_left3A_339 : i32 to index
      %get3A_344 = tpu.vector_load %arg5[%get3A_342, %get3A_343] {strides = array<i32>} : memref<200x128xi32, #tpu.memory_space<vmem>>, vector<1x16xi32>,
      %get3A_345 = vector.shape_cast %get3A_344 : vector<1x16xi32> to vector<16xi32>
      %shift_right_arithmetic3A_346 = arith.constant 3 : i32
      %shift_right_arithmetic3A_347 = vector.broadcast %shift_right_arithmetic3A_346 : i32 to vector<16xi32>
      %shift_right_arithmetic3A_348 = arith.shrsi %get3A_345, %shift_right_arithmetic3A_347 : vector<16xi32>
      %shift_left3A_349 = arith.constant 15 : i32
      %shift_left3A_350 = vector.broadcast %shift_left3A_349 : i32 to vector<16xi32>
      %shift_left3A_351 = arith.shli %shift_right_arithmetic3A_348, %shift_left3A_350 : vector<16xi32>
      %and3A_352 = arith.constant 7 : i32
      %and3A_353 = vector.broadcast %and3A_352 : i32 to vector<16xi32>
      %and3A_354 = arith.andi %get3A_345, %and3A_353 : vector<16xi32>
      %shift_left3A_355 = arith.constant 7 : i32
      %shift_left3A_356 = vector.broadcast %shift_left3A_355 : i32 to vector<16xi32>
      %shift_left3A_357 = arith.shli %and3A_354, %shift_left3A_356 : vector<16xi32>
      %add3A_358 = arith.addi %shift_left3A_351, %shift_left3A_357 : vector<16xi32>
      %add3A_359 = arith.addi %mul3A_13, %shift_left3A_339 : i32
      %add3A_360 = vector.broadcast %add3A_359 : i32 to vector<16xi32>
      %add3A_361 = arith.addi %add3A_360, %iota3A : vector<16xi32>
      %add3A_362 = arith.addi %add3A_358, %add3A_361 : vector<16xi32>
      %swap3A_363 = arith.index_cast %add3A_335 : i32 to index
      %swap3A_364 = tpu.vector_load %arg6[%swap3A_363] {strides = array<i32>} : memref<25600xi32, #tpu.memory_space<vmem>>, vector<16xi32>,
      %swap3A_365 = vector.shape_cast %swap3A_364 : vector<16xi32> to vector<16xi32>
      %swap3A_366 = vector.shape_cast %add3A_362 : vector<16xi32> to vector<16xi32>
      tpu.vector_store %arg6[%swap3A_363], %swap3A_366 {strides = array<i32>} : memref<25600xi32, #tpu.memory_space<vmem>>, vector<16xi32>,
      %scan3A_367 = arith.constant 2 : i32
      %scan3A_368 = arith.addi %scan3A_244, %scan3A_367 : i32
      %mul3A_369 = arith.constant 16 : i32
      %mul3A_370 = arith.muli %scan3A_368, %mul3A_369 : i32
      %add3A_371 = arith.constant 12800 : i32
      %add3A_372 = arith.addi %add3A_371, %mul3A_370 : i32
      %add3A_373 = arith.constant 800 : i32
      %add3A_374 = arith.addi %add3A_373, %scan3A_368 : i32
      %shift_right_arithmetic3A_375 = arith.constant 3 : i32
      %shift_right_arithmetic3A_376 = arith.shrsi %add3A_374, %shift_right_arithmetic3A_375 : i32
      %and3A_377 = arith.constant 7 : i32
      %and3A_378 = arith.andi %add3A_374, %and3A_377 : i32
      %shift_left3A_379 = arith.constant 4 : i32
      %shift_left3A_380 = arith.shli %and3A_378, %shift_left3A_379 : i32
      %get3A_381 = arith.index_cast %shift_right_arithmetic3A_376 : i32 to index
      %get3A_382 = arith.index_cast %shift_left3A_380 : i32 to index
      %get3A_383 = tpu.vector_load %arg5[%get3A_381, %get3A_382] {strides = array<i32>} : memref<200x128xi32, #tpu.memory_space<vmem>>, vector<1x16xi32>,
      %get3A_384 = vector.shape_cast %get3A_383 : vector<1x16xi32> to vector<16xi32>
      %ne3A_385 = arith.constant 0 : i32
      %ne3A_386 = vector.broadcast %ne3A_385 : i32 to vector<16xi32>
      %ne3A_387 = arith.cmpi ne, %get3A_384, %ne3A_386 : vector<16xi32>
      %get3A_388 = arith.index_cast %add3A_372 : i32 to index
      %get3A_389 = tpu.vector_load %arg7[%get3A_388] {strides = array<i32>} : memref<25600xf32, #tpu.memory_space<vmem>>, vector<16xf32>,
      %get3A_390 = vector.shape_cast %get3A_389 : vector<16xf32> to vector<16xf32>
      %jit3A_391 = arith.constant 0.000000e+00 : f32
      %broadcast_in_dim3A_392 = vector.broadcast %jit3A_391 : f32 to vector<16xf32>
      %select_n3A_393 = arith.select %ne3A_387, %get3A_390, %broadcast_in_dim3A_392 : vector<16xi1>, vector<16xf32>
      %add3A_394 = arith.addf %add3A_329, %select_n3A_393 : vector<16xf32>
      %add3A_395 = arith.constant 1440 : i32
      %add3A_396 = arith.addi %add3A_395, %scan3A_368 : i32
      %mul3A_397 = arith.constant 16 : i32
      %mul3A_398 = arith.muli %scan3A_368, %mul3A_397 : i32
      %add3A_399 = arith.constant 23040 : i32
      %add3A_400 = arith.addi %add3A_399, %mul3A_398 : i32
      %and3A_401 = arith.constant 7 : i32
      %and3A_402 = arith.andi %add3A_396, %and3A_401 : i32
      %shift_left3A_403 = arith.constant 4 : i32
      %shift_left3A_404 = arith.shli %and3A_402, %shift_left3A_403 : i32
      %shift_right_arithmetic3A_405 = arith.constant 3 : i32
      %shift_right_arithmetic3A_406 = arith.shrsi %add3A_396, %shift_right_arithmetic3A_405 : i32
      %get3A_407 = arith.index_cast %shift_right_arithmetic3A_406 : i32 to index
      %get3A_408 = arith.index_cast %shift_left3A_404 : i32 to index
      %get3A_409 = tpu.vector_load %arg5[%get3A_407, %get3A_408] {strides = array<i32>} : memref<200x128xi32, #tpu.memory_space<vmem>>, vector<1x16xi32>,
      %get3A_410 = vector.shape_cast %get3A_409 : vector<1x16xi32> to vector<16xi32>
      %shift_right_arithmetic3A_411 = arith.constant 3 : i32
      %shift_right_arithmetic3A_412 = vector.broadcast %shift_right_arithmetic3A_411 : i32 to vector<16xi32>
      %shift_right_arithmetic3A_413 = arith.shrsi %get3A_410, %shift_right_arithmetic3A_412 : vector<16xi32>
      %shift_left3A_414 = arith.constant 15 : i32
      %shift_left3A_415 = vector.broadcast %shift_left3A_414 : i32 to vector<16xi32>
      %shift_left3A_416 = arith.shli %shift_right_arithmetic3A_413, %shift_left3A_415 : vector<16xi32>
      %and3A_417 = arith.constant 7 : i32
      %and3A_418 = vector.broadcast %and3A_417 : i32 to vector<16xi32>
      %and3A_419 = arith.andi %get3A_410, %and3A_418 : vector<16xi32>
      %shift_left3A_420 = arith.constant 7 : i32
      %shift_left3A_421 = vector.broadcast %shift_left3A_420 : i32 to vector<16xi32>
      %shift_left3A_422 = arith.shli %and3A_419, %shift_left3A_421 : vector<16xi32>
      %add3A_423 = arith.addi %shift_left3A_416, %shift_left3A_422 : vector<16xi32>
      %add3A_424 = arith.addi %mul3A_13, %shift_left3A_404 : i32
      %add3A_425 = vector.broadcast %add3A_424 : i32 to vector<16xi32>
      %add3A_426 = arith.addi %add3A_425, %iota3A : vector<16xi32>
      %add3A_427 = arith.addi %add3A_423, %add3A_426 : vector<16xi32>
      %swap3A_428 = arith.index_cast %add3A_400 : i32 to index
      %swap3A_429 = tpu.vector_load %arg6[%swap3A_428] {strides = array<i32>} : memref<25600xi32, #tpu.memory_space<vmem>>, vector<16xi32>,
      %swap3A_430 = vector.shape_cast %swap3A_429 : vector<16xi32> to vector<16xi32>
      %swap3A_431 = vector.shape_cast %add3A_427 : vector<16xi32> to vector<16xi32>
      tpu.vector_store %arg6[%swap3A_428], %swap3A_431 {strides = array<i32>} : memref<25600xi32, #tpu.memory_space<vmem>>, vector<16xi32>,
      %scan3A_432 = arith.constant 3 : i32
      %scan3A_433 = arith.addi %scan3A_244, %scan3A_432 : i32
      %mul3A_434 = arith.constant 16 : i32
      %mul3A_435 = arith.muli %scan3A_433, %mul3A_434 : i32
      %add3A_436 = arith.constant 12800 : i32
      %add3A_437 = arith.addi %add3A_436, %mul3A_435 : i32
      %add3A_438 = arith.constant 800 : i32
      %add3A_439 = arith.addi %add3A_438, %scan3A_433 : i32
      %shift_right_arithmetic3A_440 = arith.constant 3 : i32
      %shift_right_arithmetic3A_441 = arith.shrsi %add3A_439, %shift_right_arithmetic3A_440 : i32
      %and3A_442 = arith.constant 7 : i32
      %and3A_443 = arith.andi %add3A_439, %and3A_442 : i32
      %shift_left3A_444 = arith.constant 4 : i32
      %shift_left3A_445 = arith.shli %and3A_443, %shift_left3A_444 : i32
      %get3A_446 = arith.index_cast %shift_right_arithmetic3A_441 : i32 to index
      %get3A_447 = arith.index_cast %shift_left3A_445 : i32 to index
      %get3A_448 = tpu.vector_load %arg5[%get3A_446, %get3A_447] {strides = array<i32>} : memref<200x128xi32, #tpu.memory_space<vmem>>, vector<1x16xi32>,
      %get3A_449 = vector.shape_cast %get3A_448 : vector<1x16xi32> to vector<16xi32>
      %ne3A_450 = arith.constant 0 : i32
      %ne3A_451 = vector.broadcast %ne3A_450 : i32 to vector<16xi32>
      %ne3A_452 = arith.cmpi ne, %get3A_449, %ne3A_451 : vector<16xi32>
      %get3A_453 = arith.index_cast %add3A_437 : i32 to index
      %get3A_454 = tpu.vector_load %arg7[%get3A_453] {strides = array<i32>} : memref<25600xf32, #tpu.memory_space<vmem>>, vector<16xf32>,
      %get3A_455 = vector.shape_cast %get3A_454 : vector<16xf32> to vector<16xf32>
      %jit3A_456 = arith.constant 0.000000e+00 : f32
      %broadcast_in_dim3A_457 = vector.broadcast %jit3A_456 : f32 to vector<16xf32>
      %select_n3A_458 = arith.select %ne3A_452, %get3A_455, %broadcast_in_dim3A_457 : vector<16xi1>, vector<16xf32>
      %add3A_459 = arith.addf %add3A_394, %select_n3A_458 : vector<16xf32>
      %add3A_460 = arith.constant 1440 : i32
      %add3A_461 = arith.addi %add3A_460, %scan3A_433 : i32
      %mul3A_462 = arith.constant 16 : i32
      %mul3A_463 = arith.muli %scan3A_433, %mul3A_462 : i32
      %add3A_464 = arith.constant 23040 : i32
      %add3A_465 = arith.addi %add3A_464, %mul3A_463 : i32
      %and3A_466 = arith.constant 7 : i32
      %and3A_467 = arith.andi %add3A_461, %and3A_466 : i32
      %shift_left3A_468 = arith.constant 4 : i32
      %shift_left3A_469 = arith.shli %and3A_467, %shift_left3A_468 : i32
      %shift_right_arithmetic3A_470 = arith.constant 3 : i32
      %shift_right_arithmetic3A_471 = arith.shrsi %add3A_461, %shift_right_arithmetic3A_470 : i32
      %get3A_472 = arith.index_cast %shift_right_arithmetic3A_471 : i32 to index
      %get3A_473 = arith.index_cast %shift_left3A_469 : i32 to index
      %get3A_474 = tpu.vector_load %arg5[%get3A_472, %get3A_473] {strides = array<i32>} : memref<200x128xi32, #tpu.memory_space<vmem>>, vector<1x16xi32>,
      %get3A_475 = vector.shape_cast %get3A_474 : vector<1x16xi32> to vector<16xi32>
      %shift_right_arithmetic3A_476 = arith.constant 3 : i32
      %shift_right_arithmetic3A_477 = vector.broadcast %shift_right_arithmetic3A_476 : i32 to vector<16xi32>
      %shift_right_arithmetic3A_478 = arith.shrsi %get3A_475, %shift_right_arithmetic3A_477 : vector<16xi32>
      %shift_left3A_479 = arith.constant 15 : i32
      %shift_left3A_480 = vector.broadcast %shift_left3A_479 : i32 to vector<16xi32>
      %shift_left3A_481 = arith.shli %shift_right_arithmetic3A_478, %shift_left3A_480 : vector<16xi32>
      %and3A_482 = arith.constant 7 : i32
      %and3A_483 = vector.broadcast %and3A_482 : i32 to vector<16xi32>
      %and3A_484 = arith.andi %get3A_475, %and3A_483 : vector<16xi32>
      %shift_left3A_485 = arith.constant 7 : i32
      %shift_left3A_486 = vector.broadcast %shift_left3A_485 : i32 to vector<16xi32>
      %shift_left3A_487 = arith.shli %and3A_484, %shift_left3A_486 : vector<16xi32>
      %add3A_488 = arith.addi %shift_left3A_481, %shift_left3A_487 : vector<16xi32>
      %add3A_489 = arith.addi %mul3A_13, %shift_left3A_469 : i32
      %add3A_490 = vector.broadcast %add3A_489 : i32 to vector<16xi32>
      %add3A_491 = arith.addi %add3A_490, %iota3A : vector<16xi32>
      %add3A_492 = arith.addi %add3A_488, %add3A_491 : vector<16xi32>
      %swap3A_493 = arith.index_cast %add3A_465 : i32 to index
      %swap3A_494 = tpu.vector_load %arg6[%swap3A_493] {strides = array<i32>} : memref<25600xi32, #tpu.memory_space<vmem>>, vector<16xi32>,
      %swap3A_495 = vector.shape_cast %swap3A_494 : vector<16xi32> to vector<16xi32>
      %swap3A_496 = vector.shape_cast %add3A_492 : vector<16xi32> to vector<16xi32>
      tpu.vector_store %arg6[%swap3A_493], %swap3A_496 {strides = array<i32>} : memref<25600xi32, #tpu.memory_space<vmem>>, vector<16xi32>,
      scf.yield %add3A_459 : vector<16xf32>
    }
    %scan3A_175 = arith.constant 160 : i32
    %scan3A_176 = arith.constant 0 : i32
    %scan3A_177 = arith.constant 180 : i32
    %scan3A_178 = arith.constant 20 : i32
    %scan3A_179 = arith.addi %scan3A_177, %scan3A_178 : i32
    %scan3A_180 = arith.constant 1 : i32
    scf.for %scan3A_244 = %scan3A_177 to %scan3A_179 step %scan3A_180  : i32 {
      %mul3A_245 = arith.constant 128 : i32
      %mul3A_246 = arith.muli %scan3A_244, %mul3A_245 : i32
      %dma_start3A = tpu.memref_slice %arg7[%mul3A_246] : memref<25600xf32, #tpu.memory_space<vmem>> -> memref<128xf32, #tpu.memory_space<vmem>>
      %dma_start3A_247 = tpu.memref_slice %arg6[%mul3A_246] : memref<25600xi32, #tpu.memory_space<vmem>> -> memref<128xi32, #tpu.memory_space<vmem>>
      %dma_start3A_248 = arith.constant 0 : i32
      %dma_start3A_249 = tpu.memref_slice %arg3[%dma_start3A_248] : memref<409600000xf32, #tpu.memory_space<hbm>> -> memref<409600000xf32, #tpu.memory_space<hbm>>
      tpu.enqueue_indirect_dma source(%dma_start3A_249 : memref<409600000xf32, #tpu.memory_space<hbm>>) target(%dma_start3A : memref<128xf32, #tpu.memory_space<vmem>>) offsets(%dma_start3A_247 : memref<128xi32, #tpu.memory_space<vmem>>) semaphore(%arg13 : memref<!tpu.dma_semaphore, #tpu.memory_space<semaphore_mem>>)
    }
    %scan3A_181 = arith.constant 20 : i32
    %dma_wait3A_182 = arith.constant 15360 : i32
    %dma_wait3A_183 = tpu.memref_slice %arg7[%dma_wait3A_182] : memref<25600xf32, #tpu.memory_space<vmem>> -> memref<2560xf32, #tpu.memory_space<vmem>>
    %dma_wait3A_184 = arith.constant 0 : i32
    %dma_wait3A_185 = tpu.memref_slice %arg3[%dma_wait3A_184] : memref<409600000xf32, #tpu.memory_space<hbm>> -> memref<2560xf32, #tpu.memory_space<hbm>>
    %dma_wait3A_186 = arith.constant 15360 : i32
    %dma_wait3A_187 = tpu.memref_slice %arg7[%dma_wait3A_186] : memref<25600xf32, #tpu.memory_space<vmem>> -> memref<2560xf32, #tpu.memory_space<vmem>>
    %dma_wait3A_188 = arith.constant 0 : i32
    %dma_wait3A_189 = tpu.memref_slice %arg3[%dma_wait3A_188] : memref<409600000xf32, #tpu.memory_space<hbm>> -> memref<2560xf32, #tpu.memory_space<hbm>>
    tpu.wait_dma2 semaphore(%arg10 : memref<!tpu.dma_semaphore, #tpu.memory_space<semaphore_mem>>) src(%dma_wait3A_189 : memref<2560xf32, #tpu.memory_space<hbm>>) dst(%dma_wait3A_187 : memref<2560xf32, #tpu.memory_space<vmem>>)
    %scan3A_190 = arith.constant 960 : i32
    %scan3A_191 = arith.constant 160 : i32
    %scan3A_192 = arith.addi %scan3A_190, %scan3A_191 : i32
    %scan3A_193 = arith.constant 4 : i32
    %scan3A_194 = scf.for %scan3A_244 = %scan3A_190 to %scan3A_192 step %scan3A_193 iter_args(%scan3A_245 = %scan3A_174) -> (vector<16xf32>)  : i32 {
      %mul3A_246 = arith.constant 16 : i32
      %mul3A_247 = arith.muli %scan3A_244, %mul3A_246 : i32
      %shift_right_arithmetic3A = arith.constant 3 : i32
      %shift_right_arithmetic3A_248 = arith.shrsi %scan3A_244, %shift_right_arithmetic3A : i32
      %and3A = arith.constant 7 : i32
      %and3A_249 = arith.andi %scan3A_244, %and3A : i32
      %shift_left3A = arith.constant 4 : i32
      %shift_left3A_250 = arith.shli %and3A_249, %shift_left3A : i32
      %get3A = arith.index_cast %shift_right_arithmetic3A_248 : i32 to index
      %get3A_251 = arith.index_cast %shift_left3A_250 : i32 to index
      %get3A_252 = tpu.vector_load %arg5[%get3A, %get3A_251] {strides = array<i32>} : memref<200x128xi32, #tpu.memory_space<vmem>>, vector<1x16xi32>,
      %get3A_253 = vector.shape_cast %get3A_252 : vector<1x16xi32> to vector<16xi32>
      %ne3A = arith.constant 0 : i32
      %ne3A_254 = vector.broadcast %ne3A : i32 to vector<16xi32>
      %ne3A_255 = arith.cmpi ne, %get3A_253, %ne3A_254 : vector<16xi32>
      %get3A_256 = arith.index_cast %mul3A_247 : i32 to index
      %get3A_257 = tpu.vector_load %arg7[%get3A_256] {strides = array<i32>} : memref<25600xf32, #tpu.memory_space<vmem>>, vector<16xf32>,
      %get3A_258 = vector.shape_cast %get3A_257 : vector<16xf32> to vector<16xf32>
      %jit3A = arith.constant 0.000000e+00 : f32
      %broadcast_in_dim3A_259 = vector.broadcast %jit3A : f32 to vector<16xf32>
      %select_n3A = arith.select %ne3A_255, %get3A_258, %broadcast_in_dim3A_259 : vector<16xi1>, vector<16xf32>
      %add3A_260 = arith.addf %scan3A_245, %select_n3A : vector<16xf32>
      %scan3A_261 = arith.constant 1 : i32
      %scan3A_262 = arith.addi %scan3A_244, %scan3A_261 : i32
      %mul3A_263 = arith.constant 16 : i32
      %mul3A_264 = arith.muli %scan3A_262, %mul3A_263 : i32
      %shift_right_arithmetic3A_265 = arith.constant 3 : i32
      %shift_right_arithmetic3A_266 = arith.shrsi %scan3A_262, %shift_right_arithmetic3A_265 : i32
      %and3A_267 = arith.constant 7 : i32
      %and3A_268 = arith.andi %scan3A_262, %and3A_267 : i32
      %shift_left3A_269 = arith.constant 4 : i32
      %shift_left3A_270 = arith.shli %and3A_268, %shift_left3A_269 : i32
      %get3A_271 = arith.index_cast %shift_right_arithmetic3A_266 : i32 to index
      %get3A_272 = arith.index_cast %shift_left3A_270 : i32 to index
      %get3A_273 = tpu.vector_load %arg5[%get3A_271, %get3A_272] {strides = array<i32>} : memref<200x128xi32, #tpu.memory_space<vmem>>, vector<1x16xi32>,
      %get3A_274 = vector.shape_cast %get3A_273 : vector<1x16xi32> to vector<16xi32>
      %ne3A_275 = arith.constant 0 : i32
      %ne3A_276 = vector.broadcast %ne3A_275 : i32 to vector<16xi32>
      %ne3A_277 = arith.cmpi ne, %get3A_274, %ne3A_276 : vector<16xi32>
      %get3A_278 = arith.index_cast %mul3A_264 : i32 to index
      %get3A_279 = tpu.vector_load %arg7[%get3A_278] {strides = array<i32>} : memref<25600xf32, #tpu.memory_space<vmem>>, vector<16xf32>,
      %get3A_280 = vector.shape_cast %get3A_279 : vector<16xf32> to vector<16xf32>
      %jit3A_281 = arith.constant 0.000000e+00 : f32
      %broadcast_in_dim3A_282 = vector.broadcast %jit3A_281 : f32 to vector<16xf32>
      %select_n3A_283 = arith.select %ne3A_277, %get3A_280, %broadcast_in_dim3A_282 : vector<16xi1>, vector<16xf32>
      %add3A_284 = arith.addf %add3A_260, %select_n3A_283 : vector<16xf32>
      %scan3A_285 = arith.constant 2 : i32
      %scan3A_286 = arith.addi %scan3A_244, %scan3A_285 : i32
      %mul3A_287 = arith.constant 16 : i32
      %mul3A_288 = arith.muli %scan3A_286, %mul3A_287 : i32
      %shift_right_arithmetic3A_289 = arith.constant 3 : i32
      %shift_right_arithmetic3A_290 = arith.shrsi %scan3A_286, %shift_right_arithmetic3A_289 : i32
      %and3A_291 = arith.constant 7 : i32
      %and3A_292 = arith.andi %scan3A_286, %and3A_291 : i32
      %shift_left3A_293 = arith.constant 4 : i32
      %shift_left3A_294 = arith.shli %and3A_292, %shift_left3A_293 : i32
      %get3A_295 = arith.index_cast %shift_right_arithmetic3A_290 : i32 to index
      %get3A_296 = arith.index_cast %shift_left3A_294 : i32 to index
      %get3A_297 = tpu.vector_load %arg5[%get3A_295, %get3A_296] {strides = array<i32>} : memref<200x128xi32, #tpu.memory_space<vmem>>, vector<1x16xi32>,
      %get3A_298 = vector.shape_cast %get3A_297 : vector<1x16xi32> to vector<16xi32>
      %ne3A_299 = arith.constant 0 : i32
      %ne3A_300 = vector.broadcast %ne3A_299 : i32 to vector<16xi32>
      %ne3A_301 = arith.cmpi ne, %get3A_298, %ne3A_300 : vector<16xi32>
      %get3A_302 = arith.index_cast %mul3A_288 : i32 to index
      %get3A_303 = tpu.vector_load %arg7[%get3A_302] {strides = array<i32>} : memref<25600xf32, #tpu.memory_space<vmem>>, vector<16xf32>,
      %get3A_304 = vector.shape_cast %get3A_303 : vector<16xf32> to vector<16xf32>
      %jit3A_305 = arith.constant 0.000000e+00 : f32
      %broadcast_in_dim3A_306 = vector.broadcast %jit3A_305 : f32 to vector<16xf32>
      %select_n3A_307 = arith.select %ne3A_301, %get3A_304, %broadcast_in_dim3A_306 : vector<16xi1>, vector<16xf32>
      %add3A_308 = arith.addf %add3A_284, %select_n3A_307 : vector<16xf32>
      %scan3A_309 = arith.constant 3 : i32
      %scan3A_310 = arith.addi %scan3A_244, %scan3A_309 : i32
      %mul3A_311 = arith.constant 16 : i32
      %mul3A_312 = arith.muli %scan3A_310, %mul3A_311 : i32
      %shift_right_arithmetic3A_313 = arith.constant 3 : i32
      %shift_right_arithmetic3A_314 = arith.shrsi %scan3A_310, %shift_right_arithmetic3A_313 : i32
      %and3A_315 = arith.constant 7 : i32
      %and3A_316 = arith.andi %scan3A_310, %and3A_315 : i32
      %shift_left3A_317 = arith.constant 4 : i32
      %shift_left3A_318 = arith.shli %and3A_316, %shift_left3A_317 : i32
      %get3A_319 = arith.index_cast %shift_right_arithmetic3A_314 : i32 to index
      %get3A_320 = arith.index_cast %shift_left3A_318 : i32 to index
      %get3A_321 = tpu.vector_load %arg5[%get3A_319, %get3A_320] {strides = array<i32>} : memref<200x128xi32, #tpu.memory_space<vmem>>, vector<1x16xi32>,
      %get3A_322 = vector.shape_cast %get3A_321 : vector<1x16xi32> to vector<16xi32>
      %ne3A_323 = arith.constant 0 : i32
      %ne3A_324 = vector.broadcast %ne3A_323 : i32 to vector<16xi32>
      %ne3A_325 = arith.cmpi ne, %get3A_322, %ne3A_324 : vector<16xi32>
      %get3A_326 = arith.index_cast %mul3A_312 : i32 to index
      %get3A_327 = tpu.vector_load %arg7[%get3A_326] {strides = array<i32>} : memref<25600xf32, #tpu.memory_space<vmem>>, vector<16xf32>,
      %get3A_328 = vector.shape_cast %get3A_327 : vector<16xf32> to vector<16xf32>
      %jit3A_329 = arith.constant 0.000000e+00 : f32
      %broadcast_in_dim3A_330 = vector.broadcast %jit3A_329 : f32 to vector<16xf32>
      %select_n3A_331 = arith.select %ne3A_325, %get3A_328, %broadcast_in_dim3A_330 : vector<16xi1>, vector<16xf32>
      %add3A_332 = arith.addf %add3A_308, %select_n3A_331 : vector<16xf32>
      scf.yield %add3A_332 : vector<16xf32>
    }
    %scan3A_195 = arith.constant 160 : i32
    %dma_wait3A_196 = arith.constant 17920 : i32
    %dma_wait3A_197 = tpu.memref_slice %arg7[%dma_wait3A_196] : memref<25600xf32, #tpu.memory_space<vmem>> -> memref<2560xf32, #tpu.memory_space<vmem>>
    %dma_wait3A_198 = arith.constant 0 : i32
    %dma_wait3A_199 = tpu.memref_slice %arg3[%dma_wait3A_198] : memref<409600000xf32, #tpu.memory_space<hbm>> -> memref<2560xf32, #tpu.memory_space<hbm>>
    %dma_wait3A_200 = arith.constant 17920 : i32
    %dma_wait3A_201 = tpu.memref_slice %arg7[%dma_wait3A_200] : memref<25600xf32, #tpu.memory_space<vmem>> -> memref<2560xf32, #tpu.memory_space<vmem>>
    %dma_wait3A_202 = arith.constant 0 : i32
    %dma_wait3A_203 = tpu.memref_slice %arg3[%dma_wait3A_202] : memref<409600000xf32, #tpu.memory_space<hbm>> -> memref<2560xf32, #tpu.memory_space<hbm>>
    tpu.wait_dma2 semaphore(%arg11 : memref<!tpu.dma_semaphore, #tpu.memory_space<semaphore_mem>>) src(%dma_wait3A_203 : memref<2560xf32, #tpu.memory_space<hbm>>) dst(%dma_wait3A_201 : memref<2560xf32, #tpu.memory_space<vmem>>)
    %scan3A_204 = arith.constant 1120 : i32
    %scan3A_205 = arith.constant 160 : i32
    %scan3A_206 = arith.addi %scan3A_204, %scan3A_205 : i32
    %scan3A_207 = arith.constant 4 : i32
    %scan3A_208 = scf.for %scan3A_244 = %scan3A_204 to %scan3A_206 step %scan3A_207 iter_args(%scan3A_245 = %scan3A_194) -> (vector<16xf32>)  : i32 {
      %mul3A_246 = arith.constant 16 : i32
      %mul3A_247 = arith.muli %scan3A_244, %mul3A_246 : i32
      %shift_right_arithmetic3A = arith.constant 3 : i32
      %shift_right_arithmetic3A_248 = arith.shrsi %scan3A_244, %shift_right_arithmetic3A : i32
      %and3A = arith.constant 7 : i32
      %and3A_249 = arith.andi %scan3A_244, %and3A : i32
      %shift_left3A = arith.constant 4 : i32
      %shift_left3A_250 = arith.shli %and3A_249, %shift_left3A : i32
      %get3A = arith.index_cast %shift_right_arithmetic3A_248 : i32 to index
      %get3A_251 = arith.index_cast %shift_left3A_250 : i32 to index
      %get3A_252 = tpu.vector_load %arg5[%get3A, %get3A_251] {strides = array<i32>} : memref<200x128xi32, #tpu.memory_space<vmem>>, vector<1x16xi32>,
      %get3A_253 = vector.shape_cast %get3A_252 : vector<1x16xi32> to vector<16xi32>
      %ne3A = arith.constant 0 : i32
      %ne3A_254 = vector.broadcast %ne3A : i32 to vector<16xi32>
      %ne3A_255 = arith.cmpi ne, %get3A_253, %ne3A_254 : vector<16xi32>
      %get3A_256 = arith.index_cast %mul3A_247 : i32 to index
      %get3A_257 = tpu.vector_load %arg7[%get3A_256] {strides = array<i32>} : memref<25600xf32, #tpu.memory_space<vmem>>, vector<16xf32>,
      %get3A_258 = vector.shape_cast %get3A_257 : vector<16xf32> to vector<16xf32>
      %jit3A = arith.constant 0.000000e+00 : f32
      %broadcast_in_dim3A_259 = vector.broadcast %jit3A : f32 to vector<16xf32>
      %select_n3A = arith.select %ne3A_255, %get3A_258, %broadcast_in_dim3A_259 : vector<16xi1>, vector<16xf32>
      %add3A_260 = arith.addf %scan3A_245, %select_n3A : vector<16xf32>
      %scan3A_261 = arith.constant 1 : i32
      %scan3A_262 = arith.addi %scan3A_244, %scan3A_261 : i32
      %mul3A_263 = arith.constant 16 : i32
      %mul3A_264 = arith.muli %scan3A_262, %mul3A_263 : i32
      %shift_right_arithmetic3A_265 = arith.constant 3 : i32
      %shift_right_arithmetic3A_266 = arith.shrsi %scan3A_262, %shift_right_arithmetic3A_265 : i32
      %and3A_267 = arith.constant 7 : i32
      %and3A_268 = arith.andi %scan3A_262, %and3A_267 : i32
      %shift_left3A_269 = arith.constant 4 : i32
      %shift_left3A_270 = arith.shli %and3A_268, %shift_left3A_269 : i32
      %get3A_271 = arith.index_cast %shift_right_arithmetic3A_266 : i32 to index
      %get3A_272 = arith.index_cast %shift_left3A_270 : i32 to index
      %get3A_273 = tpu.vector_load %arg5[%get3A_271, %get3A_272] {strides = array<i32>} : memref<200x128xi32, #tpu.memory_space<vmem>>, vector<1x16xi32>,
      %get3A_274 = vector.shape_cast %get3A_273 : vector<1x16xi32> to vector<16xi32>
      %ne3A_275 = arith.constant 0 : i32
      %ne3A_276 = vector.broadcast %ne3A_275 : i32 to vector<16xi32>
      %ne3A_277 = arith.cmpi ne, %get3A_274, %ne3A_276 : vector<16xi32>
      %get3A_278 = arith.index_cast %mul3A_264 : i32 to index
      %get3A_279 = tpu.vector_load %arg7[%get3A_278] {strides = array<i32>} : memref<25600xf32, #tpu.memory_space<vmem>>, vector<16xf32>,
      %get3A_280 = vector.shape_cast %get3A_279 : vector<16xf32> to vector<16xf32>
      %jit3A_281 = arith.constant 0.000000e+00 : f32
      %broadcast_in_dim3A_282 = vector.broadcast %jit3A_281 : f32 to vector<16xf32>
      %select_n3A_283 = arith.select %ne3A_277, %get3A_280, %broadcast_in_dim3A_282 : vector<16xi1>, vector<16xf32>
      %add3A_284 = arith.addf %add3A_260, %select_n3A_283 : vector<16xf32>
      %scan3A_285 = arith.constant 2 : i32
      %scan3A_286 = arith.addi %scan3A_244, %scan3A_285 : i32
      %mul3A_287 = arith.constant 16 : i32
      %mul3A_288 = arith.muli %scan3A_286, %mul3A_287 : i32
      %shift_right_arithmetic3A_289 = arith.constant 3 : i32
      %shift_right_arithmetic3A_290 = arith.shrsi %scan3A_286, %shift_right_arithmetic3A_289 : i32
      %and3A_291 = arith.constant 7 : i32
      %and3A_292 = arith.andi %scan3A_286, %and3A_291 : i32
      %shift_left3A_293 = arith.constant 4 : i32
      %shift_left3A_294 = arith.shli %and3A_292, %shift_left3A_293 : i32
      %get3A_295 = arith.index_cast %shift_right_arithmetic3A_290 : i32 to index
      %get3A_296 = arith.index_cast %shift_left3A_294 : i32 to index
      %get3A_297 = tpu.vector_load %arg5[%get3A_295, %get3A_296] {strides = array<i32>} : memref<200x128xi32, #tpu.memory_space<vmem>>, vector<1x16xi32>,
      %get3A_298 = vector.shape_cast %get3A_297 : vector<1x16xi32> to vector<16xi32>
      %ne3A_299 = arith.constant 0 : i32
      %ne3A_300 = vector.broadcast %ne3A_299 : i32 to vector<16xi32>
      %ne3A_301 = arith.cmpi ne, %get3A_298, %ne3A_300 : vector<16xi32>
      %get3A_302 = arith.index_cast %mul3A_288 : i32 to index
      %get3A_303 = tpu.vector_load %arg7[%get3A_302] {strides = array<i32>} : memref<25600xf32, #tpu.memory_space<vmem>>, vector<16xf32>,
      %get3A_304 = vector.shape_cast %get3A_303 : vector<16xf32> to vector<16xf32>
      %jit3A_305 = arith.constant 0.000000e+00 : f32
      %broadcast_in_dim3A_306 = vector.broadcast %jit3A_305 : f32 to vector<16xf32>
      %select_n3A_307 = arith.select %ne3A_301, %get3A_304, %broadcast_in_dim3A_306 : vector<16xi1>, vector<16xf32>
      %add3A_308 = arith.addf %add3A_284, %select_n3A_307 : vector<16xf32>
      %scan3A_309 = arith.constant 3 : i32
      %scan3A_310 = arith.addi %scan3A_244, %scan3A_309 : i32
      %mul3A_311 = arith.constant 16 : i32
      %mul3A_312 = arith.muli %scan3A_310, %mul3A_311 : i32
      %shift_right_arithmetic3A_313 = arith.constant 3 : i32
      %shift_right_arithmetic3A_314 = arith.shrsi %scan3A_310, %shift_right_arithmetic3A_313 : i32
      %and3A_315 = arith.constant 7 : i32
      %and3A_316 = arith.andi %scan3A_310, %and3A_315 : i32
      %shift_left3A_317 = arith.constant 4 : i32
      %shift_left3A_318 = arith.shli %and3A_316, %shift_left3A_317 : i32
      %get3A_319 = arith.index_cast %shift_right_arithmetic3A_314 : i32 to index
      %get3A_320 = arith.index_cast %shift_left3A_318 : i32 to index
      %get3A_321 = tpu.vector_load %arg5[%get3A_319, %get3A_320] {strides = array<i32>} : memref<200x128xi32, #tpu.memory_space<vmem>>, vector<1x16xi32>,
      %get3A_322 = vector.shape_cast %get3A_321 : vector<1x16xi32> to vector<16xi32>
      %ne3A_323 = arith.constant 0 : i32
      %ne3A_324 = vector.broadcast %ne3A_323 : i32 to vector<16xi32>
      %ne3A_325 = arith.cmpi ne, %get3A_322, %ne3A_324 : vector<16xi32>
      %get3A_326 = arith.index_cast %mul3A_312 : i32 to index
      %get3A_327 = tpu.vector_load %arg7[%get3A_326] {strides = array<i32>} : memref<25600xf32, #tpu.memory_space<vmem>>, vector<16xf32>,
      %get3A_328 = vector.shape_cast %get3A_327 : vector<16xf32> to vector<16xf32>
      %jit3A_329 = arith.constant 0.000000e+00 : f32
      %broadcast_in_dim3A_330 = vector.broadcast %jit3A_329 : f32 to vector<16xf32>
      %select_n3A_331 = arith.select %ne3A_325, %get3A_328, %broadcast_in_dim3A_330 : vector<16xi1>, vector<16xf32>
      %add3A_332 = arith.addf %add3A_308, %select_n3A_331 : vector<16xf32>
      scf.yield %add3A_332 : vector<16xf32>
    }
    %scan3A_209 = arith.constant 160 : i32
    %dma_wait3A_210 = arith.constant 20480 : i32
    %dma_wait3A_211 = tpu.memref_slice %arg7[%dma_wait3A_210] : memref<25600xf32, #tpu.memory_space<vmem>> -> memref<2560xf32, #tpu.memory_space<vmem>>
    %dma_wait3A_212 = arith.constant 0 : i32
    %dma_wait3A_213 = tpu.memref_slice %arg3[%dma_wait3A_212] : memref<409600000xf32, #tpu.memory_space<hbm>> -> memref<2560xf32, #tpu.memory_space<hbm>>
    %dma_wait3A_214 = arith.constant 20480 : i32
    %dma_wait3A_215 = tpu.memref_slice %arg7[%dma_wait3A_214] : memref<25600xf32, #tpu.memory_space<vmem>> -> memref<2560xf32, #tpu.memory_space<vmem>>
    %dma_wait3A_216 = arith.constant 0 : i32
    %dma_wait3A_217 = tpu.memref_slice %arg3[%dma_wait3A_216] : memref<409600000xf32, #tpu.memory_space<hbm>> -> memref<2560xf32, #tpu.memory_space<hbm>>
    tpu.wait_dma2 semaphore(%arg12 : memref<!tpu.dma_semaphore, #tpu.memory_space<semaphore_mem>>) src(%dma_wait3A_217 : memref<2560xf32, #tpu.memory_space<hbm>>) dst(%dma_wait3A_215 : memref<2560xf32, #tpu.memory_space<vmem>>)
    %scan3A_218 = arith.constant 1280 : i32
    %scan3A_219 = arith.constant 160 : i32
    %scan3A_220 = arith.addi %scan3A_218, %scan3A_219 : i32
    %scan3A_221 = arith.constant 4 : i32
    %scan3A_222 = scf.for %scan3A_244 = %scan3A_218 to %scan3A_220 step %scan3A_221 iter_args(%scan3A_245 = %scan3A_208) -> (vector<16xf32>)  : i32 {
      %mul3A_246 = arith.constant 16 : i32
      %mul3A_247 = arith.muli %scan3A_244, %mul3A_246 : i32
      %shift_right_arithmetic3A = arith.constant 3 : i32
      %shift_right_arithmetic3A_248 = arith.shrsi %scan3A_244, %shift_right_arithmetic3A : i32
      %and3A = arith.constant 7 : i32
      %and3A_249 = arith.andi %scan3A_244, %and3A : i32
      %shift_left3A = arith.constant 4 : i32
      %shift_left3A_250 = arith.shli %and3A_249, %shift_left3A : i32
      %get3A = arith.index_cast %shift_right_arithmetic3A_248 : i32 to index
      %get3A_251 = arith.index_cast %shift_left3A_250 : i32 to index
      %get3A_252 = tpu.vector_load %arg5[%get3A, %get3A_251] {strides = array<i32>} : memref<200x128xi32, #tpu.memory_space<vmem>>, vector<1x16xi32>,
      %get3A_253 = vector.shape_cast %get3A_252 : vector<1x16xi32> to vector<16xi32>
      %ne3A = arith.constant 0 : i32
      %ne3A_254 = vector.broadcast %ne3A : i32 to vector<16xi32>
      %ne3A_255 = arith.cmpi ne, %get3A_253, %ne3A_254 : vector<16xi32>
      %get3A_256 = arith.index_cast %mul3A_247 : i32 to index
      %get3A_257 = tpu.vector_load %arg7[%get3A_256] {strides = array<i32>} : memref<25600xf32, #tpu.memory_space<vmem>>, vector<16xf32>,
      %get3A_258 = vector.shape_cast %get3A_257 : vector<16xf32> to vector<16xf32>
      %jit3A = arith.constant 0.000000e+00 : f32
      %broadcast_in_dim3A_259 = vector.broadcast %jit3A : f32 to vector<16xf32>
      %select_n3A = arith.select %ne3A_255, %get3A_258, %broadcast_in_dim3A_259 : vector<16xi1>, vector<16xf32>
      %add3A_260 = arith.addf %scan3A_245, %select_n3A : vector<16xf32>
      %scan3A_261 = arith.constant 1 : i32
      %scan3A_262 = arith.addi %scan3A_244, %scan3A_261 : i32
      %mul3A_263 = arith.constant 16 : i32
      %mul3A_264 = arith.muli %scan3A_262, %mul3A_263 : i32
      %shift_right_arithmetic3A_265 = arith.constant 3 : i32
      %shift_right_arithmetic3A_266 = arith.shrsi %scan3A_262, %shift_right_arithmetic3A_265 : i32
      %and3A_267 = arith.constant 7 : i32
      %and3A_268 = arith.andi %scan3A_262, %and3A_267 : i32
      %shift_left3A_269 = arith.constant 4 : i32
      %shift_left3A_270 = arith.shli %and3A_268, %shift_left3A_269 : i32
      %get3A_271 = arith.index_cast %shift_right_arithmetic3A_266 : i32 to index
      %get3A_272 = arith.index_cast %shift_left3A_270 : i32 to index
      %get3A_273 = tpu.vector_load %arg5[%get3A_271, %get3A_272] {strides = array<i32>} : memref<200x128xi32, #tpu.memory_space<vmem>>, vector<1x16xi32>,
      %get3A_274 = vector.shape_cast %get3A_273 : vector<1x16xi32> to vector<16xi32>
      %ne3A_275 = arith.constant 0 : i32
      %ne3A_276 = vector.broadcast %ne3A_275 : i32 to vector<16xi32>
      %ne3A_277 = arith.cmpi ne, %get3A_274, %ne3A_276 : vector<16xi32>
      %get3A_278 = arith.index_cast %mul3A_264 : i32 to index
      %get3A_279 = tpu.vector_load %arg7[%get3A_278] {strides = array<i32>} : memref<25600xf32, #tpu.memory_space<vmem>>, vector<16xf32>,
      %get3A_280 = vector.shape_cast %get3A_279 : vector<16xf32> to vector<16xf32>
      %jit3A_281 = arith.constant 0.000000e+00 : f32
      %broadcast_in_dim3A_282 = vector.broadcast %jit3A_281 : f32 to vector<16xf32>
      %select_n3A_283 = arith.select %ne3A_277, %get3A_280, %broadcast_in_dim3A_282 : vector<16xi1>, vector<16xf32>
      %add3A_284 = arith.addf %add3A_260, %select_n3A_283 : vector<16xf32>
      %scan3A_285 = arith.constant 2 : i32
      %scan3A_286 = arith.addi %scan3A_244, %scan3A_285 : i32
      %mul3A_287 = arith.constant 16 : i32
      %mul3A_288 = arith.muli %scan3A_286, %mul3A_287 : i32
      %shift_right_arithmetic3A_289 = arith.constant 3 : i32
      %shift_right_arithmetic3A_290 = arith.shrsi %scan3A_286, %shift_right_arithmetic3A_289 : i32
      %and3A_291 = arith.constant 7 : i32
      %and3A_292 = arith.andi %scan3A_286, %and3A_291 : i32
      %shift_left3A_293 = arith.constant 4 : i32
      %shift_left3A_294 = arith.shli %and3A_292, %shift_left3A_293 : i32
      %get3A_295 = arith.index_cast %shift_right_arithmetic3A_290 : i32 to index
      %get3A_296 = arith.index_cast %shift_left3A_294 : i32 to index
      %get3A_297 = tpu.vector_load %arg5[%get3A_295, %get3A_296] {strides = array<i32>} : memref<200x128xi32, #tpu.memory_space<vmem>>, vector<1x16xi32>,
      %get3A_298 = vector.shape_cast %get3A_297 : vector<1x16xi32> to vector<16xi32>
      %ne3A_299 = arith.constant 0 : i32
      %ne3A_300 = vector.broadcast %ne3A_299 : i32 to vector<16xi32>
      %ne3A_301 = arith.cmpi ne, %get3A_298, %ne3A_300 : vector<16xi32>
      %get3A_302 = arith.index_cast %mul3A_288 : i32 to index
      %get3A_303 = tpu.vector_load %arg7[%get3A_302] {strides = array<i32>} : memref<25600xf32, #tpu.memory_space<vmem>>, vector<16xf32>,
      %get3A_304 = vector.shape_cast %get3A_303 : vector<16xf32> to vector<16xf32>
      %jit3A_305 = arith.constant 0.000000e+00 : f32
      %broadcast_in_dim3A_306 = vector.broadcast %jit3A_305 : f32 to vector<16xf32>
      %select_n3A_307 = arith.select %ne3A_301, %get3A_304, %broadcast_in_dim3A_306 : vector<16xi1>, vector<16xf32>
      %add3A_308 = arith.addf %add3A_284, %select_n3A_307 : vector<16xf32>
      %scan3A_309 = arith.constant 3 : i32
      %scan3A_310 = arith.addi %scan3A_244, %scan3A_309 : i32
      %mul3A_311 = arith.constant 16 : i32
      %mul3A_312 = arith.muli %scan3A_310, %mul3A_311 : i32
      %shift_right_arithmetic3A_313 = arith.constant 3 : i32
      %shift_right_arithmetic3A_314 = arith.shrsi %scan3A_310, %shift_right_arithmetic3A_313 : i32
      %and3A_315 = arith.constant 7 : i32
      %and3A_316 = arith.andi %scan3A_310, %and3A_315 : i32
      %shift_left3A_317 = arith.constant 4 : i32
      %shift_left3A_318 = arith.shli %and3A_316, %shift_left3A_317 : i32
      %get3A_319 = arith.index_cast %shift_right_arithmetic3A_314 : i32 to index
      %get3A_320 = arith.index_cast %shift_left3A_318 : i32 to index
      %get3A_321 = tpu.vector_load %arg5[%get3A_319, %get3A_320] {strides = array<i32>} : memref<200x128xi32, #tpu.memory_space<vmem>>, vector<1x16xi32>,
      %get3A_322 = vector.shape_cast %get3A_321 : vector<1x16xi32> to vector<16xi32>
      %ne3A_323 = arith.constant 0 : i32
      %ne3A_324 = vector.broadcast %ne3A_323 : i32 to vector<16xi32>
      %ne3A_325 = arith.cmpi ne, %get3A_322, %ne3A_324 : vector<16xi32>
      %get3A_326 = arith.index_cast %mul3A_312 : i32 to index
      %get3A_327 = tpu.vector_load %arg7[%get3A_326] {strides = array<i32>} : memref<25600xf32, #tpu.memory_space<vmem>>, vector<16xf32>,
      %get3A_328 = vector.shape_cast %get3A_327 : vector<16xf32> to vector<16xf32>
      %jit3A_329 = arith.constant 0.000000e+00 : f32
      %broadcast_in_dim3A_330 = vector.broadcast %jit3A_329 : f32 to vector<16xf32>
      %select_n3A_331 = arith.select %ne3A_325, %get3A_328, %broadcast_in_dim3A_330 : vector<16xi1>, vector<16xf32>
      %add3A_332 = arith.addf %add3A_308, %select_n3A_331 : vector<16xf32>
      scf.yield %add3A_332 : vector<16xf32>
    }
    %scan3A_223 = arith.constant 160 : i32
    %dma_wait3A_224 = arith.constant 23040 : i32
    %dma_wait3A_225 = tpu.memref_slice %arg7[%dma_wait3A_224] : memref<25600xf32, #tpu.memory_space<vmem>> -> memref<2560xf32, #tpu.memory_space<vmem>>
    %dma_wait3A_226 = arith.constant 0 : i32
    %dma_wait3A_227 = tpu.memref_slice %arg3[%dma_wait3A_226] : memref<409600000xf32, #tpu.memory_space<hbm>> -> memref<2560xf32, #tpu.memory_space<hbm>>
    %dma_wait3A_228 = arith.constant 23040 : i32
    %dma_wait3A_229 = tpu.memref_slice %arg7[%dma_wait3A_228] : memref<25600xf32, #tpu.memory_space<vmem>> -> memref<2560xf32, #tpu.memory_space<vmem>>
    %dma_wait3A_230 = arith.constant 0 : i32
    %dma_wait3A_231 = tpu.memref_slice %arg3[%dma_wait3A_230] : memref<409600000xf32, #tpu.memory_space<hbm>> -> memref<2560xf32, #tpu.memory_space<hbm>>
    tpu.wait_dma2 semaphore(%arg13 : memref<!tpu.dma_semaphore, #tpu.memory_space<semaphore_mem>>) src(%dma_wait3A_231 : memref<2560xf32, #tpu.memory_space<hbm>>) dst(%dma_wait3A_229 : memref<2560xf32, #tpu.memory_space<vmem>>)
    %scan3A_232 = arith.constant 1440 : i32
    %scan3A_233 = arith.constant 160 : i32
    %scan3A_234 = arith.addi %scan3A_232, %scan3A_233 : i32
    %scan3A_235 = arith.constant 4 : i32
    %scan3A_236 = scf.for %scan3A_244 = %scan3A_232 to %scan3A_234 step %scan3A_235 iter_args(%scan3A_245 = %scan3A_222) -> (vector<16xf32>)  : i32 {
      %mul3A_246 = arith.constant 16 : i32
      %mul3A_247 = arith.muli %scan3A_244, %mul3A_246 : i32
      %shift_right_arithmetic3A = arith.constant 3 : i32
      %shift_right_arithmetic3A_248 = arith.shrsi %scan3A_244, %shift_right_arithmetic3A : i32
      %and3A = arith.constant 7 : i32
      %and3A_249 = arith.andi %scan3A_244, %and3A : i32
      %shift_left3A = arith.constant 4 : i32
      %shift_left3A_250 = arith.shli %and3A_249, %shift_left3A : i32
      %get3A = arith.index_cast %shift_right_arithmetic3A_248 : i32 to index
      %get3A_251 = arith.index_cast %shift_left3A_250 : i32 to index
      %get3A_252 = tpu.vector_load %arg5[%get3A, %get3A_251] {strides = array<i32>} : memref<200x128xi32, #tpu.memory_space<vmem>>, vector<1x16xi32>,
      %get3A_253 = vector.shape_cast %get3A_252 : vector<1x16xi32> to vector<16xi32>
      %ne3A = arith.constant 0 : i32
      %ne3A_254 = vector.broadcast %ne3A : i32 to vector<16xi32>
      %ne3A_255 = arith.cmpi ne, %get3A_253, %ne3A_254 : vector<16xi32>
      %get3A_256 = arith.index_cast %mul3A_247 : i32 to index
      %get3A_257 = tpu.vector_load %arg7[%get3A_256] {strides = array<i32>} : memref<25600xf32, #tpu.memory_space<vmem>>, vector<16xf32>,
      %get3A_258 = vector.shape_cast %get3A_257 : vector<16xf32> to vector<16xf32>
      %jit3A = arith.constant 0.000000e+00 : f32
      %broadcast_in_dim3A_259 = vector.broadcast %jit3A : f32 to vector<16xf32>
      %select_n3A = arith.select %ne3A_255, %get3A_258, %broadcast_in_dim3A_259 : vector<16xi1>, vector<16xf32>
      %add3A_260 = arith.addf %scan3A_245, %select_n3A : vector<16xf32>
      %scan3A_261 = arith.constant 1 : i32
      %scan3A_262 = arith.addi %scan3A_244, %scan3A_261 : i32
      %mul3A_263 = arith.constant 16 : i32
      %mul3A_264 = arith.muli %scan3A_262, %mul3A_263 : i32
      %shift_right_arithmetic3A_265 = arith.constant 3 : i32
      %shift_right_arithmetic3A_266 = arith.shrsi %scan3A_262, %shift_right_arithmetic3A_265 : i32
      %and3A_267 = arith.constant 7 : i32
      %and3A_268 = arith.andi %scan3A_262, %and3A_267 : i32
      %shift_left3A_269 = arith.constant 4 : i32
      %shift_left3A_270 = arith.shli %and3A_268, %shift_left3A_269 : i32
      %get3A_271 = arith.index_cast %shift_right_arithmetic3A_266 : i32 to index
      %get3A_272 = arith.index_cast %shift_left3A_270 : i32 to index
      %get3A_273 = tpu.vector_load %arg5[%get3A_271, %get3A_272] {strides = array<i32>} : memref<200x128xi32, #tpu.memory_space<vmem>>, vector<1x16xi32>,
      %get3A_274 = vector.shape_cast %get3A_273 : vector<1x16xi32> to vector<16xi32>
      %ne3A_275 = arith.constant 0 : i32
      %ne3A_276 = vector.broadcast %ne3A_275 : i32 to vector<16xi32>
      %ne3A_277 = arith.cmpi ne, %get3A_274, %ne3A_276 : vector<16xi32>
      %get3A_278 = arith.index_cast %mul3A_264 : i32 to index
      %get3A_279 = tpu.vector_load %arg7[%get3A_278] {strides = array<i32>} : memref<25600xf32, #tpu.memory_space<vmem>>, vector<16xf32>,
      %get3A_280 = vector.shape_cast %get3A_279 : vector<16xf32> to vector<16xf32>
      %jit3A_281 = arith.constant 0.000000e+00 : f32
      %broadcast_in_dim3A_282 = vector.broadcast %jit3A_281 : f32 to vector<16xf32>
      %select_n3A_283 = arith.select %ne3A_277, %get3A_280, %broadcast_in_dim3A_282 : vector<16xi1>, vector<16xf32>
      %add3A_284 = arith.addf %add3A_260, %select_n3A_283 : vector<16xf32>
      %scan3A_285 = arith.constant 2 : i32
      %scan3A_286 = arith.addi %scan3A_244, %scan3A_285 : i32
      %mul3A_287 = arith.constant 16 : i32
      %mul3A_288 = arith.muli %scan3A_286, %mul3A_287 : i32
      %shift_right_arithmetic3A_289 = arith.constant 3 : i32
      %shift_right_arithmetic3A_290 = arith.shrsi %scan3A_286, %shift_right_arithmetic3A_289 : i32
      %and3A_291 = arith.constant 7 : i32
      %and3A_292 = arith.andi %scan3A_286, %and3A_291 : i32
      %shift_left3A_293 = arith.constant 4 : i32
      %shift_left3A_294 = arith.shli %and3A_292, %shift_left3A_293 : i32
      %get3A_295 = arith.index_cast %shift_right_arithmetic3A_290 : i32 to index
      %get3A_296 = arith.index_cast %shift_left3A_294 : i32 to index
      %get3A_297 = tpu.vector_load %arg5[%get3A_295, %get3A_296] {strides = array<i32>} : memref<200x128xi32, #tpu.memory_space<vmem>>, vector<1x16xi32>,
      %get3A_298 = vector.shape_cast %get3A_297 : vector<1x16xi32> to vector<16xi32>
      %ne3A_299 = arith.constant 0 : i32
      %ne3A_300 = vector.broadcast %ne3A_299 : i32 to vector<16xi32>
      %ne3A_301 = arith.cmpi ne, %get3A_298, %ne3A_300 : vector<16xi32>
      %get3A_302 = arith.index_cast %mul3A_288 : i32 to index
      %get3A_303 = tpu.vector_load %arg7[%get3A_302] {strides = array<i32>} : memref<25600xf32, #tpu.memory_space<vmem>>, vector<16xf32>,
      %get3A_304 = vector.shape_cast %get3A_303 : vector<16xf32> to vector<16xf32>
      %jit3A_305 = arith.constant 0.000000e+00 : f32
      %broadcast_in_dim3A_306 = vector.broadcast %jit3A_305 : f32 to vector<16xf32>
      %select_n3A_307 = arith.select %ne3A_301, %get3A_304, %broadcast_in_dim3A_306 : vector<16xi1>, vector<16xf32>
      %add3A_308 = arith.addf %add3A_284, %select_n3A_307 : vector<16xf32>
      %scan3A_309 = arith.constant 3 : i32
      %scan3A_310 = arith.addi %scan3A_244, %scan3A_309 : i32
      %mul3A_311 = arith.constant 16 : i32
      %mul3A_312 = arith.muli %scan3A_310, %mul3A_311 : i32
      %shift_right_arithmetic3A_313 = arith.constant 3 : i32
      %shift_right_arithmetic3A_314 = arith.shrsi %scan3A_310, %shift_right_arithmetic3A_313 : i32
      %and3A_315 = arith.constant 7 : i32
      %and3A_316 = arith.andi %scan3A_310, %and3A_315 : i32
      %shift_left3A_317 = arith.constant 4 : i32
      %shift_left3A_318 = arith.shli %and3A_316, %shift_left3A_317 : i32
      %get3A_319 = arith.index_cast %shift_right_arithmetic3A_314 : i32 to index
      %get3A_320 = arith.index_cast %shift_left3A_318 : i32 to index
      %get3A_321 = tpu.vector_load %arg5[%get3A_319, %get3A_320] {strides = array<i32>} : memref<200x128xi32, #tpu.memory_space<vmem>>, vector<1x16xi32>,
      %get3A_322 = vector.shape_cast %get3A_321 : vector<1x16xi32> to vector<16xi32>
      %ne3A_323 = arith.constant 0 : i32
      %ne3A_324 = vector.broadcast %ne3A_323 : i32 to vector<16xi32>
      %ne3A_325 = arith.cmpi ne, %get3A_322, %ne3A_324 : vector<16xi32>
      %get3A_326 = arith.index_cast %mul3A_312 : i32 to index
      %get3A_327 = tpu.vector_load %arg7[%get3A_326] {strides = array<i32>} : memref<25600xf32, #tpu.memory_space<vmem>>, vector<16xf32>,
      %get3A_328 = vector.shape_cast %get3A_327 : vector<16xf32> to vector<16xf32>
      %jit3A_329 = arith.constant 0.000000e+00 : f32
      %broadcast_in_dim3A_330 = vector.broadcast %jit3A_329 : f32 to vector<16xf32>
      %select_n3A_331 = arith.select %ne3A_325, %get3A_328, %broadcast_in_dim3A_330 : vector<16xi1>, vector<16xf32>
      %add3A_332 = arith.addf %add3A_308, %select_n3A_331 : vector<16xf32>
      scf.yield %add3A_332 : vector<16xf32>
    }
    %scan3A_237 = arith.constant 160 : i32
    %mul3A_238 = arith.constant -1.2207031E-6 : f32
    %mul3A_239 = vector.broadcast %mul3A_238 : f32 to vector<16xf32>
    %mul3A_240 = arith.mulf %scan3A_236, %mul3A_239 : vector<16xf32>
    %swap3A = arith.constant 0 : index
    %swap3A_241 = tpu.vector_load %arg8[%swap3A] {strides = array<i32>} : memref<16xf32, #tpu.memory_space<vmem>>, vector<16xf32>,
    %swap3A_242 = vector.shape_cast %swap3A_241 : vector<16xf32> to vector<16xf32>
    %swap3A_243 = vector.shape_cast %mul3A_240 : vector<16xf32> to vector<16xf32>
    tpu.vector_store %arg8[%swap3A], %swap3A_243 {strides = array<i32>} : memref<16xf32, #tpu.memory_space<vmem>>, vector<16xf32>,
    "tpu.region"() ({
      %run_scoped3A = tpu.sem_alloc : memref<!tpu.dma_semaphore, #tpu.memory_space<semaphore_mem>>
      %dma_start3A = arith.constant 0 : i32
      %dma_start3A_244 = tpu.memref_slice %arg4[%add3A, %dma_start3A] : memref<32x16xf32, #tpu.memory_space<hbm>> -> memref<1x16xf32, #tpu.memory_space<hbm>>
      %dma_start3A_245 = tpu.memref_squeeze %dma_start3A_244 : memref<1x16xf32, #tpu.memory_space<hbm>> -> memref<16xf32, #tpu.memory_space<hbm>>
      %dma_start3A_246 = arith.constant 0 : i32
      %dma_start3A_247 = tpu.memref_slice %arg4[%add3A, %dma_start3A_246] : memref<32x16xf32, #tpu.memory_space<hbm>> -> memref<1x16xf32, #tpu.memory_space<hbm>>
      %dma_start3A_248 = tpu.memref_squeeze %dma_start3A_247 : memref<1x16xf32, #tpu.memory_space<hbm>> -> memref<16xf32, #tpu.memory_space<hbm>>
      tpu.enqueue_dma source(%arg8 : memref<16xf32, #tpu.memory_space<vmem>>) target(%dma_start3A_248 : memref<16xf32, #tpu.memory_space<hbm>>) target_semaphore(%run_scoped3A : memref<!tpu.dma_semaphore, #tpu.memory_space<semaphore_mem>>)
      %dma_wait3A_249 = arith.constant 0 : i32
      %dma_wait3A_250 = tpu.memref_slice %arg4[%add3A, %dma_wait3A_249] : memref<32x16xf32, #tpu.memory_space<hbm>> -> memref<1x16xf32, #tpu.memory_space<hbm>>
      %dma_wait3A_251 = tpu.memref_squeeze %dma_wait3A_250 : memref<1x16xf32, #tpu.memory_space<hbm>> -> memref<16xf32, #tpu.memory_space<hbm>>
      %dma_wait3A_252 = arith.constant 0 : i32
      %dma_wait3A_253 = tpu.memref_slice %arg4[%add3A, %dma_wait3A_252] : memref<32x16xf32, #tpu.memory_space<hbm>> -> memref<1x16xf32, #tpu.memory_space<hbm>>
      %dma_wait3A_254 = tpu.memref_squeeze %dma_wait3A_253 : memref<1x16xf32, #tpu.memory_space<hbm>> -> memref<16xf32, #tpu.memory_space<hbm>>
      tpu.wait_dma2 semaphore(%run_scoped3A : memref<!tpu.dma_semaphore, #tpu.memory_space<semaphore_mem>>) src(%arg8 : memref<16xf32, #tpu.memory_space<vmem>>) dst(%dma_wait3A_254 : memref<16xf32, #tpu.memory_space<hbm>>)
      tpu.yield
    }) : () -> ()
    return
  }
}

</mosaic_0001>

<sc_bundles>
// kernel: kernel.3.cloned.1.call-start
scs
__scs_entry_jumppad:
0x0: {  	(pc) =	sbr.rel $0x88, $3  }
0x1: {  	(tag) =	ssettag $0x0;
	lr =	simm.s32 $0x1  }
0x2: {  	[smem:$0x3F9F] =	sst lr;
	_ =	strace $0xD0000000  }
0x3: {  	_ = 	snop  }
0x4: {  	_ = 	snop  }
0x5: {  	_ = 	snop  }
0x6: {  	_ = 	snop  }
0x7: {  	_ = 	snop  }
__scs_overlays_trampoline_lowered:
0x8: {  	[smem:$0x3FAE] =	sst s0  }
0x9: {  	[smem:$0x3FAF] =	sst s1  }
0xa: {  	[smem:$0x3FB0] =	sst s2  }
0xb: {  	[smem:$0x3FB1] =	sst s3  }
0xc: {  	[smem:$0x3FB2] =	sst s4  }
0xd: {  	[smem:$0x3FB3] =	sst s5  }
0xe: {  	[smem:$0x3FB4] =	sst s6  }
0xf: {  	[smem:$0x3FB5] =	sst s7  }
0x10: {  	[smem:$0x3FB6] =	sst s8  }
0x11: {  	[smem:$0x3FB7] =	sst s9;
	s0 =	simm.s32 @!p0 $0x0  }
0x12: {  	s1 =	sld [smem:$0x3F9D];
	s0 =	simm.s32 @p0 $0x1  }
0x13: {  	[smem:$0x3FB8] =	sst s0;
	s0 =	simm.s32 @!p1 $0x0  }
0x14: {  	s2 =	sld [smem:$0x3F9C];
	s0 =	simm.s32 @p1 $0x1  }
0x15: {  	[smem:$0x3FB9] =	sst s0;
	s0 =	simm.s32 @!p2 $0x0  }
0x16: {  	s3 =	sld [smem:$0x3FDB];
	s0 =	simm.s32 @p2 $0x1  }
0x17: {  	s4 =	simm.s32 $0x1BF5;
	[smem:$0x3FBB] =	sst s0  }
0x18: {  	s0 =	sld [smem:$0x3F9E];
	_ =	swait.ge [sflag:s4], $0x0  }
0x19: {  	s7 =	sld [smem:$0x3F9F]  }
0x1a: {  	s8 =	sadd.s32 $0xFFFFE003, lr  }
0x1b: {  	s9 =	sadd.s32 $0xFFFFFEF7, lr;
	s5 =	simm.s32 $0xFFFFFFFF;
	p2 =	slt.u32 s8, $0xFFFFF086  }
0x1c: {  	p1 =	slt.u32 s9, $0xF7A;
	s5 =	simm.s32 @!p2 $0x0  }
0x1d: {  	s5 =	simm.s32 @p1 $0x1;
	p0 =	seq.s32 s7, s2  }
0x1e: {  	s7 =	smul.u32 @!p0 $0xF7A, s2;
	p2 =	seq.s32 @!p0 s5, $0x0  }
0x1f: {  	s9 =	smul.u32 $0xF7A, s1;
	s8 =	simm.s32 @!p0 $0x1BF5;
	p2 =	por !p2, p0  }
0x20: {  	[sflag:s8] =	ssyncset.s32 @!p0 $0xFFFFF086;
	s6 =	sadd.s32 @!p0 s3, s7;
	s7 =	simm.s32 @!p0 $0x108  }
0x21: {  	s3 =	sadd.s32 s3, s9;
	s6 =	sadd.s32 @!p0 $0x88, s6;
	s7 =	simm.s32 @p2 $0x1082  }
0x22: {  	[simem:s7], [sflag:s8] =	dma.local @!p0 [hbm:s6], $0xF7A  }
0x23: {  	s9 =	sor.u32 $0xD0000000, s2;
	s6 =	simm.s32 $0x108;
	_ =	swait.ge @!p0 [sflag:s8], $0x0  }
0x24: {  	s3 =	sadd.s32 $0x88, s3;
	s6 =	simm.s32 @!p1 $0x1082;
	[sflag:s4] =	ssyncset.s32 $0xFFFFF086  }
0x25: {  	[simem:s6], [sflag:s4] =	dma.local [hbm:s3], $0xF7A  }
0x26: {  	[smem:$0x3F9F] =	sst s1;
	(tag) =	ssettag s2;
	_ =	strace s9  }
0x27: {  	s1 =	sld [smem:$0x3FAF]  }
0x28: {  	s2 =	sld [smem:$0x3FB0]  }
0x29: {  	s4 =	sld [smem:$0x3FB2]  }
0x2a: {  	p0 =	seq.s32 s5, $0x0;
	s5 =	sld [smem:$0x3FB3]  }
0x2b: {  	s6 =	sld [smem:$0x3FB4]  }
0x2c: {  	s7 =	sld [smem:$0x3FB5]  }
0x2d: {  	s3 =	simm.s32 $0x108;
	s8 =	sld [smem:$0x3FB6]  }
0x2e: {  	s3 =	simm.s32 @!p0 $0x1082;
	s9 =	sld [smem:$0x3FB7]  }
0x2f: {  	lr =	sadd.s32 s0, s3;
	s0 =	sld [smem:$0x3FAE]  }
0x30: {  	s3 =	sld [smem:$0x3FB1]  }
0x31: {  	[smem:$0x3FBA] =	sst s10  }
0x32: {  	s10 =	sld [smem:$0x3FB8];
	_ =	sdelay $0x3  }
0x33: {  	p0 =	seq.s32 s10, $0x1;
	s10 =	sld [smem:$0x3FBA];
	_ =	sdelay $0x3  }
0x34: {  	[smem:$0x3FBA] =	sst s10  }
0x35: {  	s10 =	sld [smem:$0x3FB9];
	_ =	sdelay $0x3  }
0x36: {  	p1 =	seq.s32 s10, $0x1;
	s10 =	sld [smem:$0x3FBA];
	_ =	sdelay $0x3  }
0x37: {  	[smem:$0x3FBA] =	sst s10  }
0x38: {  	s10 =	sld [smem:$0x3FBB]  }
0x39: {  	_ = 	snop;
	(pc) =	sbr.ind lr, $3  }
0x3a: {  	_ = 	snop  }
0x3b: {  	_ = 	snop  }
0x3c: {  	p2 =	seq.s32 s10, $0x1;
	s10 =	sld [smem:$0x3FBA]  }
0x3d: {  	_ =	shalt  }
0x3e: {  	_ =	shalt  }
0x3f: {  	_ =	shalt  }
0x40: {  	_ =	shalt  }
0x41: {  	_ =	shalt  }
0x42: {  	_ =	shalt  }
0x43: {  	_ =	shalt  }
0x44: {  	_ =	shalt  }
0x45: {  	_ =	shalt  }
0x46: {  	_ =	shalt  }
0x47: {  	_ =	shalt  }
0x48: {  	_ =	shalt  }
0x49: {  	_ =	shalt  }
0x4a: {  	_ =	shalt  }
0x4b: {  	_ =	shalt  }
0x4c: {  	_ =	shalt  }
0x4d: {  	_ =	shalt  }
0x4e: {  	_ =	shalt  }
0x4f: {  	_ =	shalt  }
0x50: {  	_ =	shalt  }
0x51: {  	_ =	shalt  }
0x52: {  	_ =	shalt  }
0x53: {  	_ =	shalt  }
0x54: {  	_ =	shalt  }
0x55: {  	_ =	shalt  }
0x56: {  	_ =	shalt  }
0x57: {  	_ =	shalt  }
0x58: {  	_ =	shalt  }
0x59: {  	_ =	shalt  }
0x5a: {  	_ =	shalt  }
0x5b: {  	_ =	shalt  }
0x5c: {  	_ =	shalt  }
0x5d: {  	_ =	shalt  }
0x5e: {  	_ =	shalt  }
0x5f: {  	_ =	shalt  }
0x60: {  	_ =	shalt  }
0x61: {  	_ =	shalt  }
0x62: {  	_ =	shalt  }
0x63: {  	_ =	shalt  }
0x64: {  	_ =	shalt  }
0x65: {  	_ =	shalt  }
0x66: {  	_ =	shalt  }
0x67: {  	_ =	shalt  }
0x68: {  	_ =	shalt  }
0x69: {  	_ =	shalt  }
0x6a: {  	_ =	shalt  }
0x6b: {  	_ =	shalt  }
0x6c: {  	_ =	shalt  }
0x6d: {  	_ =	shalt  }
0x6e: {  	_ =	shalt  }
0x6f: {  	_ =	shalt  }
0x70: {  	_ =	shalt  }
0x71: {  	_ =	shalt  }
0x72: {  	_ =	shalt  }
0x73: {  	_ =	shalt  }
0x74: {  	_ =	shalt  }
0x75: {  	_ =	shalt  }
0x76: {  	_ =	shalt  }
0x77: {  	_ =	shalt  }
0x78: {  	_ =	shalt  }
0x79: {  	_ =	shalt  }
0x7a: {  	_ =	shalt  }
0x7b: {  	_ =	shalt  }
0x7c: {  	_ =	shalt  }
0x7d: {  	_ =	shalt  }
0x7e: {  	_ =	shalt  }
0x7f: {  	_ =	shalt  }
0x80: {  	_ =	shalt  }
0x81: {  	_ =	shalt  }
0x82: {  	_ =	shalt  }
0x83: {  	_ =	shalt  }
0x84: {  	_ =	shalt  }
0x85: {  	_ =	shalt  }
0x86: {  	_ =	shalt  }
0x87: {  	_ =	shalt  }
.Lfunc_end0:
.L_simem_size_0:
called_computation_lowered:
.L_overlay_start_0:
0x88: {  	s2 =	sld [smem:$0x3FD9]  }
0x89: {  	s3 =	sld [smem:$0x3FFE];
	_ =	sdelay $0x1  }
0x8a: {  	s1 =	srdreg.scid  }
0x8b: {  	s0 =	sand.u32 $0x1, s1  }
0x8c: {  	s17 =	sshll.u32 s0, $0xA;
	s2 =	sadd.s32 s3, s2  }
0x8d: {  	s2 =	sadd.s32 s2, s17  }
0x8e: {  	[smem:$0x3FC6] =	sst s2  }
0x8f: {  	_ = 	snop  }
0x90: {  	s2 =	sld [smem:$0x3FC9]  }
0x91: {  	s18 =	sld [smem:$0x3FC8];
	(tm) =	ssettm $0x1  }
0x92: {  	s4 =	sld [smem:$0x3FFB];
	_ =	sdelay $0x3  }
0x93: {  	_ =	strace s4  }
0x94: {  	s4 =	sld [smem:$0x3FFC];
	_ =	sdelay $0x3  }
0x95: {  	_ =	strace s4  }
0x96: {  	s4 =	sld [smem:$0x3FFD];
	_ =	sdelay $0x3  }
0x97: {  	_ =	strace s4  }
0x98: {  	_ =	strace $0x8FFFFFFF  }
0x99: {  	s19 =	sld [smem:$0x3FDB];
	_ =	sdelay $0x1  }
0x9a: {  	s5 =	simm.s32 $_scs_section_size  }
0x9b: {  	s6 =	simm.s32 $_size__tile_overlayer_lowered;
	s7 =	simm.s32 $_tile_overlayer_lowered  }
0x9c: {  	s22 =	simm.s32 $0x1BFF;
	s21 =	sshll.u32 s7, $0x1;
	s4 =	sadd.s32 s5, s19  }
0x9d: {  	s8 =	simm.s32 $0x0;
	s20 =	sshll.u32 s6, $0x1;
	s6 =	sadd.s32 s21, s4  }
0x9e: {  	[timem:s8], [sflag:s22] =	dma.local [hbm:s6], s20  }
0x9f: {  	_ =	swait.ge [sflag:s22], s20  }
0xa0: {  	s5 =	ssub.s32 $0x0, s20;
	[sflag:s22] =	ssyncset.done $0x0  }
0xa1: {  	[sflag:s22] =	ssyncadd.s32 s5;
	_ =	sdelay $0x1  }
0xa2: {  	s23 =	simm.s32 $0x1B8B  }
0xa3: {  	_ =	swait.ge [sflag:s23], $0x1  }
0xa4: {  	[sflag:s23] =	ssyncset.done $0x0  }
0xa5: {  	s25 =	simm.s32 $0x1B8E;
	s24 =	sld [smem:$0x3FFE];
	[sflag:s23] =	ssyncadd.s32 $0xFFFFFFFF  }
0xa6: {  	s26 =	simm.s32 $execute0_lowered;
	[smem:$0x3FD2] =	sst s25  }
0xa7: {  	s6 =	sshll.u32 s26, $0x1;
	_ =	strace $0x80000046;
	[dreg:$0x1] =	wrdreg $0xFFFFFFFF  }
0xa8: {  	s28 =	simm.s32 $_size_execute0_lowered;
	s4 =	sadd.s32 s4, s6;
	[dreg:$0x0] =	wrdreg $0x0  }
0xa9: {  	s6 =	sshll.u32 s28, $0x1;
	[dreg:$0x2] =	wrdreg s4  }
0xaa: {  	[dreg:$0x3] =	wrdreg s6  }
0xab: {  	[dreg:$0x4] =	wrdreg $0xC0  }
0xac: {  	_ =	task [dreg:s8], $0x5FFFF  }
0xad: {  	[dreg:$0x1] =	wrdreg $0xFFFFFFFF  }
0xae: {  	[dreg:$0x0] =	wrdreg $0x60  }
0xaf: {  	[dreg:$0x2] =	wrdreg s18  }
0xb0: {  	[dreg:$0x3] =	wrdreg s2  }
0xb1: {  	[dreg:$0x4] =	wrdreg s24  }
0xb2: {  	[dreg:$0x5] =	wrdreg $0x9  }
0xb3: {  	_ =	task.clear_ibuf [dreg:s8], $0x6FFFF;
	_ =	strace $0x90000046  }
0xb4: {  	s29 =	simm.s32 $0x9;
	_ =	strace $0x80000048  }
0xb5: {  	_ =	swait.ge [sflag:s29], $0x1  }
0xb6: {  	[sflag:s29] =	ssyncadd.s32 $0xFFFFFFFF  }
0xb7: {  	_ =	strace $0x90000048  }
0xb8: {  	_ =	sfence  }
0xb9: {  	s30 =	sld [smem:$0x0];
	_ =	sdelay $0x2  }
0xba: {  	s31 =	sshll.u32 s1, $0xD;
	s1 =	sshrl.u32 s1, $0x2  }
0xbb: {  	s3 =	sand.u32 $0x4000, s31;
	s1 =	sadd.s32 s1, s30  }
0xbc: {  	s0 =	sor.u32 s3, s0;
	s1 =	sshll.u32 s1, $0x11  }
0xbd: {  	s0 =	sor.u32 s1, s0  }
0xbe: {  	s0 =	sadd.s32 $0x8F2B, s0  }
0xbf: {  	[sflag:s0] =	ssyncadd.remote.s32 $0x1  }
0xc0: {  	_ =	sfence.sel $0xFFFF  }
0xc1: {  	[dreg:$0x0] =	wrdreg $0xFFFFFFFF;
	(pc) =	sbr.abs _section_cstart, $3  }
0xc2: {  	[dreg:$0x1] =	wrdreg $0xFFFFFFFF  }
0xc3: {  	_ =	task.clear_ibuf [dreg:s8], $0x2FFFF;
	_ =	strace $0x9FFFFFFF  }
0xc4: {  	(tm) =	ssettm $0x7FFFFFFF  }
0xc5: {  	_ =	shalt  }
tec
execute0_lowered:
.L_overlay_start_1:
0x0: {  	(tag) =	ssettag $0x1  }
0x1: {  	s0 =	rddreg [dreg:$0x0]  }
0x2: {  	s1 =	rddreg [dreg:$0x1]  }
0x3: {  	s2 =	rddreg [dreg:$0x2]  }
0x4: {  	s3 =	srdreg.scid;
	s9 =	stileid.u32;
	s29 =	simm.s32 $0x2  }
0x5: {  	s28 =	simm.s32 $0x4;
	s30 =	simm.s32 $0xC680;
	s31 =	simm.s32 $0x12A80  }
0x6: {  	s10 =	simm.s32 $0x12B00;
	s11 =	simm.s32 $0xC780;
	s12 =	simm.s32 $0x12B80  }
0x7: {  	s13 =	simm.s32 $0x12C00;
	s14 =	simm.s32 $0x6;
	s15 =	simm.s32 $0x0  }
0x8: {  	s6 =	sand.u32 $0x1, s3;
	s3 =	simm.s32 $0x0;
	s7 =	sshll.u32 s9, $0x1  }
0x9: {  	s25 =	sshll.u32 s9, $0x8;
	s9 =	simm.s32 $0x80;
	s4 =	ssub.s32 $0x2, s6  }
0xa: {  	[smem:$0x7FF] =	sst s3;
	s24 =	sor.u32 s6, s7;
	s0 =	sadd.s32 s25, s0  }
0xb: {  	s26 =	sshll.u32 s6, $0x7;
	s25 =	simm.s32 $0x12A00;
	s5 =	sshrl.u32 s4, $0x1  }
0xc: {  	_ =	strace $0x80000047;
	s7 =	sadd.s32 s26, s0;
	s26 =	simm.s32 $0x3  }
0xd: {  	s0 =	simm.s32 $0xC700;
	s8 =	ssub.s32 s4, s5;
	s5 =	sshll.u32 s24, $0x4  }
0xe: {  	s4 =	sshll.u32 s24, $0xA;
	s24 =	simm.s32 $0xC600;
	s5 =	sadd.s32 s2, s5  }
0xf: {  	v0 =	vlaneseq.u32;
	s6 =	smax.u32 s8, $0x1;
	s8 =	simm.s32 $0x5;
	s2 =	simm.s32 $0x1  }
.LBB2_1:
0x10: {  	s16 =	simm.s32 $0x1000;
	s17 =	simm.s32 $0x0;
	s18 =	sadd.s32 $0x0, s7  }
.LBB2_2:
0x11: {  	[tilespmem:s17], [sflag:$0x5] =	stream.linear.gather [hbm4b:s18+s3], $0x400, $0x38;
	[tilespmem:$0x12C80] =	vst v63  }
0x12: {  	s18 =	smov.u32 s16;
	p0 =	sne.s32 s16, $0x18000  }
.Ltmp0:
0x13: {  	s16 =	sadd.s32 $0x1000, s16;
	(pc) =	sbr.rel @p0 .LBB2_2-.Ltmp0, $2  }
0x14: {  	_ =	sdelay $0x2  }
0x15: {  	s17 =	sshra.s32 s18, $0x2;
	s18 =	sadd.s32 s18, s7  }
0x16: {  	[tilespmem:s17], [sflag:$0x5] =	stream.linear.gather [hbm4b:s18+s3], $0x400, $0x38;
	[tilespmem:$0x12C80] =	vst v63  }
0x17: {  	_ =	swait.ge [sflag:s8], $0x400  }
0x18: {  	[sflag:s8] =	ssyncset.done $0x0  }
0x19: {  	[sflag:s8] =	ssyncadd.s32 $0xFFFFFC00  }
0x1a: {  	_ =	swait.ge [sflag:s8], $0x400  }
0x1b: {  	[sflag:s8] =	ssyncset.done $0x0  }
0x1c: {  	[sflag:s8] =	ssyncadd.s32 $0xFFFFFC00  }
0x1d: {  	_ =	swait.ge [sflag:s8], $0x400  }
0x1e: {  	[sflag:s8] =	ssyncset.done $0x0  }
0x1f: {  	[sflag:s8] =	ssyncadd.s32 $0xFFFFFC00  }
0x20: {  	_ =	swait.ge [sflag:s8], $0x400  }
0x21: {  	[sflag:s8] =	ssyncset.done $0x0  }
0x22: {  	[sflag:s8] =	ssyncadd.s32 $0xFFFFFC00  }
0x23: {  	_ =	swait.ge [sflag:s8], $0x400  }
0x24: {  	[sflag:s8] =	ssyncset.done $0x0  }
0x25: {  	[sflag:s8] =	ssyncadd.s32 $0xFFFFFC00  }
0x26: {  	_ =	swait.ge [sflag:s8], $0x400  }
0x27: {  	[sflag:s8] =	ssyncset.done $0x0  }
0x28: {  	[sflag:s8] =	ssyncadd.s32 $0xFFFFFC00  }
0x29: {  	_ =	swait.ge [sflag:s8], $0x400  }
0x2a: {  	[sflag:s8] =	ssyncset.done $0x0  }
0x2b: {  	[sflag:s8] =	ssyncadd.s32 $0xFFFFFC00  }
0x2c: {  	_ =	swait.ge [sflag:s8], $0x400  }
0x2d: {  	[sflag:s8] =	ssyncset.done $0x0  }
0x2e: {  	[sflag:s8] =	ssyncadd.s32 $0xFFFFFC00  }
0x2f: {  	_ =	swait.ge [sflag:s8], $0x400  }
0x30: {  	[sflag:s8] =	ssyncset.done $0x0  }
0x31: {  	[sflag:s8] =	ssyncadd.s32 $0xFFFFFC00  }
0x32: {  	_ =	swait.ge [sflag:s8], $0x400  }
0x33: {  	[sflag:s8] =	ssyncset.done $0x0  }
0x34: {  	[sflag:s8] =	ssyncadd.s32 $0xFFFFFC00  }
0x35: {  	_ =	swait.ge [sflag:s8], $0x400  }
0x36: {  	[sflag:s8] =	ssyncset.done $0x0  }
0x37: {  	[sflag:s8] =	ssyncadd.s32 $0xFFFFFC00  }
0x38: {  	_ =	swait.ge [sflag:s8], $0x400  }
0x39: {  	[sflag:s8] =	ssyncset.done $0x0  }
0x3a: {  	[sflag:s8] =	ssyncadd.s32 $0xFFFFFC00  }
0x3b: {  	_ =	swait.ge [sflag:s8], $0x400  }
0x3c: {  	[sflag:s8] =	ssyncset.done $0x0  }
0x3d: {  	[sflag:s8] =	ssyncadd.s32 $0xFFFFFC00  }
0x3e: {  	_ =	swait.ge [sflag:s8], $0x400  }
0x3f: {  	[sflag:s8] =	ssyncset.done $0x0  }
0x40: {  	[sflag:s8] =	ssyncadd.s32 $0xFFFFFC00  }
0x41: {  	_ =	swait.ge [sflag:s8], $0x400  }
0x42: {  	[sflag:s8] =	ssyncset.done $0x0  }
0x43: {  	[sflag:s8] =	ssyncadd.s32 $0xFFFFFC00  }
0x44: {  	_ =	swait.ge [sflag:s8], $0x400  }
0x45: {  	[sflag:s8] =	ssyncset.done $0x0  }
0x46: {  	[sflag:s8] =	ssyncadd.s32 $0xFFFFFC00  }
0x47: {  	_ =	swait.ge [sflag:s8], $0x400  }
0x48: {  	[sflag:s8] =	ssyncset.done $0x0  }
0x49: {  	[sflag:s8] =	ssyncadd.s32 $0xFFFFFC00  }
0x4a: {  	_ =	swait.ge [sflag:s8], $0x400  }
0x4b: {  	[sflag:s8] =	ssyncset.done $0x0  }
0x4c: {  	[sflag:s8] =	ssyncadd.s32 $0xFFFFFC00  }
0x4d: {  	_ =	swait.ge [sflag:s8], $0x400  }
0x4e: {  	[sflag:s8] =	ssyncset.done $0x0  }
0x4f: {  	[sflag:s8] =	ssyncadd.s32 $0xFFFFFC00  }
0x50: {  	_ =	swait.ge [sflag:s8], $0x400  }
0x51: {  	[sflag:s8] =	ssyncset.done $0x0  }
0x52: {  	[sflag:s8] =	ssyncadd.s32 $0xFFFFFC00  }
0x53: {  	_ =	swait.ge [sflag:s8], $0x400  }
0x54: {  	[sflag:s8] =	ssyncset.done $0x0  }
0x55: {  	[sflag:s8] =	ssyncadd.s32 $0xFFFFFC00  }
0x56: {  	_ =	swait.ge [sflag:s8], $0x400  }
0x57: {  	[sflag:s8] =	ssyncset.done $0x0  }
0x58: {  	[sflag:s8] =	ssyncadd.s32 $0xFFFFFC00  }
0x59: {  	_ =	swait.ge [sflag:s8], $0x400  }
0x5a: {  	[sflag:s8] =	ssyncset.done $0x0  }
0x5b: {  	[sflag:s8] =	ssyncadd.s32 $0xFFFFFC00  }
0x5c: {  	_ =	swait.ge [sflag:s8], $0x400  }
0x5d: {  	[sflag:s8] =	ssyncset.done $0x0  }
0x5e: {  	[sflag:s8] =	ssyncadd.s32 $0xFFFFFC00  }
0x5f: {  	s16 =	simm.s32 $0x0;
	_ =	swait.ge [sflag:s8], $0x400  }
0x60: {  	s23 =	sand.u32 $0x40, s16;
	s18 =	sand.u32 $0xF80, s16;
	[sflag:s8] =	ssyncset.done $0x0  }
0x61: {  	s16 =	sor.u32 s23, s18;
	[sflag:s8] =	ssyncadd.s32 $0xFFFFFC00  }
0x62: {  	v1 =	vld [tilespmem:s16+$0x0];
	_ =	sdelay $0x4  }
0x63: {  	v2 =	vshll.u32 v1, $0x7  }
0x64: {  	s19 =	sor.u32 s4, s23;
	v1 =	vshll.u32 v1, $0xC;
	v2 =	vand.u32 $0x380, v2  }
0x65: {  	v1 =	vand.u32 $0xFFFF8000, v1;
	v2 =	vor.u32 s19, v2  }
0x66: {  	s20 =	simm.s32 $0x10;
	v1 =	vor.u32 v1, v2  }
0x67: {  	s17 =	sand.u32 $0x50, s20;
	s16 =	simm.s32 $0x6420;
	v1 =	vor.u32 v0, v1  }
0x68: {  	s19 =	sor.u32 s17, s18;
	[tilespmem:s16+$0xFFFFFFE0] =	vst v1  }
0x69: {  	v1 =	vld [tilespmem:s19+$0x0];
	_ =	sdelay $0x4  }
0x6a: {  	v2 =	vshll.u32 v1, $0x7  }
0x6b: {  	s17 =	sor.u32 s4, s17;
	v1 =	vshll.u32 v1, $0xC;
	v2 =	vand.u32 $0x380, v2  }
0x6c: {  	v1 =	vand.u32 $0xFFFF8000, v1;
	v2 =	vor.u32 s17, v2  }
0x6d: {  	s21 =	simm.s32 $0x20;
	v1 =	vor.u32 v1, v2  }
0x6e: {  	s17 =	sand.u32 $0x60, s21;
	v1 =	vor.u32 v0, v1  }
0x6f: {  	s22 =	sor.u32 s17, s18;
	[tilespmem:s16+$0xFFFFFFF0] =	vst v1  }
0x70: {  	v1 =	vld [tilespmem:s22+$0x0];
	_ =	sdelay $0x4  }
0x71: {  	v2 =	vshll.u32 v1, $0x7  }
0x72: {  	s17 =	sor.u32 s4, s17;
	v1 =	vshll.u32 v1, $0xC;
	v2 =	vand.u32 $0x380, v2  }
0x73: {  	v1 =	vand.u32 $0xFFFF8000, v1;
	v2 =	vor.u32 s17, v2  }
0x74: {  	s23 =	simm.s32 $0x30;
	v1 =	vor.u32 v1, v2  }
0x75: {  	s17 =	sand.u32 $0x70, s23;
	v1 =	vor.u32 v0, v1  }
0x76: {  	s18 =	sor.u32 s17, s18;
	[tilespmem:s16+$0x0] =	vst v1  }
0x77: {  	v1 =	vld [tilespmem:s18+$0x0];
	_ =	sdelay $0x4  }
0x78: {  	v2 =	vshll.u32 v1, $0x7  }
0x79: {  	s17 =	sor.u32 s4, s17;
	v1 =	vshll.u32 v1, $0xC;
	v2 =	vand.u32 $0x380, v2  }
0x7a: {  	v1 =	vand.u32 $0xFFFF8000, v1;
	v2 =	vor.u32 s17, v2  }
0x7b: {  	s18 =	simm.s32 $0x40;
	s17 =	simm.s32 $0x0;
	v1 =	vor.u32 v1, v2  }
.LBB2_4:
0x7c: {  	s20 =	sand.u32 $0x40, s18;
	s19 =	sand.u32 $0xF80, s18;
	s17 =	sadd.s32 $0x4, s17;
	v1 =	vor.u32 v0, v1  }
0x7d: {  	s21 =	sor.u32 s20, s19;
	p0 =	slt.u32 s17, $0x9C;
	[tilespmem:s16+$0x10] =	vst v1  }
0x7e: {  	v1 =	vld [tilespmem:s21+$0x0];
	_ =	sdelay $0x4  }
0x7f: {  	v2 =	vshll.u32 v1, $0x7  }
0x80: {  	s20 =	sor.u32 s4, s20;
	v1 =	vshll.u32 v1, $0xC;
	v2 =	vand.u32 $0x380, v2  }
0x81: {  	v1 =	vand.u32 $0xFFFF8000, v1;
	v2 =	vor.u32 s20, v2  }
0x82: {  	s20 =	sadd.s32 $0x10, s18;
	v1 =	vor.u32 v1, v2  }
0x83: {  	s16 =	sadd.s32 $0x40, s16;
	s20 =	sand.u32 $0x50, s20;
	v1 =	vor.u32 v0, v1  }
0x84: {  	s21 =	sor.u32 s20, s19;
	[tilespmem:s16+$0xFFFFFFE0] =	vst v1  }
0x85: {  	v1 =	vld [tilespmem:s21+$0x0];
	_ =	sdelay $0x4  }
0x86: {  	v2 =	vshll.u32 v1, $0x7  }
0x87: {  	s20 =	sor.u32 s4, s20;
	v1 =	vshll.u32 v1, $0xC;
	v2 =	vand.u32 $0x380, v2  }
0x88: {  	v1 =	vand.u32 $0xFFFF8000, v1;
	v2 =	vor.u32 s20, v2  }
0x89: {  	s20 =	sadd.s32 $0x20, s18;
	v1 =	vor.u32 v1, v2  }
0x8a: {  	s20 =	sand.u32 $0x60, s20;
	v1 =	vor.u32 v0, v1  }
0x8b: {  	s21 =	sor.u32 s20, s19;
	[tilespmem:s16+$0xFFFFFFF0] =	vst v1  }
0x8c: {  	v1 =	vld [tilespmem:s21+$0x0];
	_ =	sdelay $0x4  }
0x8d: {  	v2 =	vshll.u32 v1, $0x7  }
0x8e: {  	s20 =	sor.u32 s4, s20;
	v1 =	vshll.u32 v1, $0xC;
	v2 =	vand.u32 $0x380, v2  }
0x8f: {  	v1 =	vand.u32 $0xFFFF8000, v1;
	v2 =	vor.u32 s20, v2  }
0x90: {  	s20 =	sadd.s32 $0x30, s18;
	v1 =	vor.u32 v1, v2  }
0x91: {  	s20 =	sand.u32 $0x70, s20;
	v1 =	vor.u32 v0, v1  }
0x92: {  	s19 =	sor.u32 s20, s19;
	[tilespmem:s16+$0x0] =	vst v1  }
0x93: {  	v1 =	vld [tilespmem:s19+$0x0];
	_ =	sdelay $0x3  }
.Ltmp1:
0x94: {  	(pc) =	sbr.rel @p0 .LBB2_4-.Ltmp1, $4  }
0x95: {  	v2 =	vshll.u32 v1, $0x7  }
0x96: {  	s19 =	sor.u32 s4, s20;
	v1 =	vshll.u32 v1, $0xC;
	v2 =	vand.u32 $0x380, v2  }
0x97: {  	v1 =	vand.u32 $0xFFFF8000, v1;
	v2 =	vor.u32 s19, v2  }
0x98: {  	s18 =	sadd.s32 $0x40, s18;
	v1 =	vor.u32 v1, v2  }
0x99: {  	v1 =	vor.u32 v0, v1  }
0x9a: {  	s19 =	simm.s32 $0x6400;
	s17 =	simm.s32 $0xC800;
	[tilespmem:s16+$0x10] =	vst v1  }
0x9b: {  	[tilespmem:s17], [sflag:$0x1] =	stream.indirect.gather [hbm4b:s1+s9], $0x1, s19, s9, $0xb8;
	[tilespmem:$0x12C80] =	vst v63  }
0x9c: {  	s20 =	simm.s32 $0x6480;
	s21 =	simm.s32 $0xC880  }
0x9d: {  	[tilespmem:s21], [sflag:$0x1] =	stream.indirect.gather [hbm4b:s1+s9], $0x1, s20, s9, $0xb8;
	[tilespmem:$0x12C80] =	vst v63  }
0x9e: {  	s22 =	simm.s32 $0x6500;
	s23 =	simm.s32 $0xC900  }
0x9f: {  	[tilespmem:s23], [sflag:$0x1] =	stream.indirect.gather [hbm4b:s1+s9], $0x1, s22, s9, $0xb8;
	[tilespmem:$0x12C80] =	vst v63  }
0xa0: {  	s18 =	simm.s32 $0x6580;
	s19 =	simm.s32 $0xC980  }
0xa1: {  	[tilespmem:s19], [sflag:$0x1] =	stream.indirect.gather [hbm4b:s1+s9], $0x1, s18, s9, $0xb8;
	[tilespmem:$0x12C80] =	vst v63  }
0xa2: {  	s20 =	simm.s32 $0x6600;
	s21 =	simm.s32 $0xCA00  }
0xa3: {  	[tilespmem:s21], [sflag:$0x1] =	stream.indirect.gather [hbm4b:s1+s9], $0x1, s20, s9, $0xb8;
	[tilespmem:$0x12C80] =	vst v63  }
0xa4: {  	s22 =	simm.s32 $0x6680;
	s23 =	simm.s32 $0xCA80  }
0xa5: {  	[tilespmem:s23], [sflag:$0x1] =	stream.indirect.gather [hbm4b:s1+s9], $0x1, s22, s9, $0xb8;
	[tilespmem:$0x12C80] =	vst v63  }
0xa6: {  	s18 =	simm.s32 $0x6700;
	s19 =	simm.s32 $0xCB00  }
0xa7: {  	[tilespmem:s19], [sflag:$0x1] =	stream.indirect.gather [hbm4b:s1+s9], $0x1, s18, s9, $0xb8;
	[tilespmem:$0x12C80] =	vst v63  }
0xa8: {  	s20 =	simm.s32 $0x6780;
	s21 =	simm.s32 $0xCB80  }
0xa9: {  	[tilespmem:s21], [sflag:$0x1] =	stream.indirect.gather [hbm4b:s1+s9], $0x1, s20, s9, $0xb8;
	[tilespmem:$0x12C80] =	vst v63  }
0xaa: {  	s22 =	simm.s32 $0x6800;
	s23 =	simm.s32 $0xCC00  }
0xab: {  	[tilespmem:s23], [sflag:$0x1] =	stream.indirect.gather [hbm4b:s1+s9], $0x1, s22, s9, $0xb8;
	[tilespmem:$0x12C80] =	vst v63  }
0xac: {  	s18 =	simm.s32 $0x6880;
	s19 =	simm.s32 $0xCC80  }
0xad: {  	[tilespmem:s19], [sflag:$0x1] =	stream.indirect.gather [hbm4b:s1+s9], $0x1, s18, s9, $0xb8;
	[tilespmem:$0x12C80] =	vst v63  }
0xae: {  	s20 =	simm.s32 $0x6900;
	s21 =	simm.s32 $0xCD00  }
0xaf: {  	[tilespmem:s21], [sflag:$0x1] =	stream.indirect.gather [hbm4b:s1+s9], $0x1, s20, s9, $0xb8;
	[tilespmem:$0x12C80] =	vst v63  }
0xb0: {  	s22 =	simm.s32 $0x6980;
	s23 =	simm.s32 $0xCD80  }
0xb1: {  	[tilespmem:s23], [sflag:$0x1] =	stream.indirect.gather [hbm4b:s1+s9], $0x1, s22, s9, $0xb8;
	[tilespmem:$0x12C80] =	vst v63  }
0xb2: {  	s18 =	simm.s32 $0x6A00;
	s19 =	simm.s32 $0xCE00  }
0xb3: {  	[tilespmem:s19], [sflag:$0x1] =	stream.indirect.gather [hbm4b:s1+s9], $0x1, s18, s9, $0xb8;
	[tilespmem:$0x12C80] =	vst v63  }
0xb4: {  	s20 =	simm.s32 $0x6A80;
	s21 =	simm.s32 $0xCE80  }
0xb5: {  	[tilespmem:s21], [sflag:$0x1] =	stream.indirect.gather [hbm4b:s1+s9], $0x1, s20, s9, $0xb8;
	[tilespmem:$0x12C80] =	vst v63  }
0xb6: {  	s22 =	simm.s32 $0x6B00;
	s23 =	simm.s32 $0xCF00  }
0xb7: {  	[tilespmem:s23], [sflag:$0x1] =	stream.indirect.gather [hbm4b:s1+s9], $0x1, s22, s9, $0xb8;
	[tilespmem:$0x12C80] =	vst v63  }
0xb8: {  	s18 =	simm.s32 $0x6B80;
	s19 =	simm.s32 $0xCF80  }
0xb9: {  	[tilespmem:s19], [sflag:$0x1] =	stream.indirect.gather [hbm4b:s1+s9], $0x1, s18, s9, $0xb8;
	[tilespmem:$0x12C80] =	vst v63  }
0xba: {  	s20 =	simm.s32 $0x6C00;
	s21 =	simm.s32 $0xD000  }
0xbb: {  	[tilespmem:s21], [sflag:$0x1] =	stream.indirect.gather [hbm4b:s1+s9], $0x1, s20, s9, $0xb8;
	[tilespmem:$0x12C80] =	vst v63  }
0xbc: {  	s22 =	simm.s32 $0x6C80;
	s23 =	simm.s32 $0xD080  }
0xbd: {  	[tilespmem:s23], [sflag:$0x1] =	stream.indirect.gather [hbm4b:s1+s9], $0x1, s22, s9, $0xb8;
	[tilespmem:$0x12C80] =	vst v63  }
0xbe: {  	s18 =	simm.s32 $0x6D00;
	s19 =	simm.s32 $0xD100;
	s22 =	simm.s32 $0xA00  }
0xbf: {  	[tilespmem:s19], [sflag:$0x1] =	stream.indirect.gather [hbm4b:s1+s9], $0x1, s18, s9, $0xb8;
	[tilespmem:$0x12C80] =	vst v63  }
0xc0: {  	s23 =	sand.u32 $0x40, s22;
	s18 =	sand.u32 $0x1F80, s22  }
0xc1: {  	s20 =	simm.s32 $0x6D80;
	s21 =	simm.s32 $0xD180;
	s16 =	sor.u32 s23, s18  }
0xc2: {  	[tilespmem:s21], [sflag:$0x1] =	stream.indirect.gather [hbm4b:s1+s9], $0x1, s20, s9, $0xb8;
	[tilespmem:$0x12C80] =	vst v63  }
0xc3: {  	v1 =	vld [tilespmem:s16+$0x0];
	_ =	sdelay $0x4  }
0xc4: {  	v2 =	vshll.u32 v1, $0x7  }
0xc5: {  	s19 =	sor.u32 s4, s23;
	v1 =	vshll.u32 v1, $0xC;
	v2 =	vand.u32 $0x380, v2  }
0xc6: {  	v1 =	vand.u32 $0xFFFF8000, v1;
	v2 =	vor.u32 s19, v2  }
0xc7: {  	s20 =	simm.s32 $0xA10;
	v1 =	vor.u32 v1, v2  }
0xc8: {  	s16 =	simm.s32 $0x6E30;
	s17 =	sand.u32 $0x50, s20;
	v1 =	vor.u32 v0, v1  }
0xc9: {  	s19 =	sor.u32 s17, s18;
	[tilespmem:s16+$0xFFFFFFD0] =	vst v1  }
0xca: {  	v1 =	vld [tilespmem:s19+$0x0];
	_ =	sdelay $0x4  }
0xcb: {  	v2 =	vshll.u32 v1, $0x7  }
0xcc: {  	s17 =	sor.u32 s4, s17;
	v1 =	vshll.u32 v1, $0xC;
	v2 =	vand.u32 $0x380, v2  }
0xcd: {  	v1 =	vand.u32 $0xFFFF8000, v1;
	v2 =	vor.u32 s17, v2  }
0xce: {  	s21 =	simm.s32 $0xA20;
	v1 =	vor.u32 v1, v2  }
0xcf: {  	s17 =	sand.u32 $0x60, s21;
	v1 =	vor.u32 v0, v1  }
0xd0: {  	s22 =	sor.u32 s17, s18;
	[tilespmem:s16+$0xFFFFFFE0] =	vst v1  }
0xd1: {  	v1 =	vld [tilespmem:s22+$0x0];
	_ =	sdelay $0x4  }
0xd2: {  	v2 =	vshll.u32 v1, $0x7  }
0xd3: {  	s17 =	sor.u32 s4, s17;
	v1 =	vshll.u32 v1, $0xC;
	v2 =	vand.u32 $0x380, v2  }
0xd4: {  	v1 =	vand.u32 $0xFFFF8000, v1;
	v2 =	vor.u32 s17, v2  }
0xd5: {  	s23 =	simm.s32 $0xA30;
	v1 =	vor.u32 v1, v2  }
0xd6: {  	s17 =	sand.u32 $0x70, s23;
	v1 =	vor.u32 v0, v1  }
0xd7: {  	s18 =	sor.u32 s17, s18;
	[tilespmem:s16+$0xFFFFFFF0] =	vst v1  }
0xd8: {  	v1 =	vld [tilespmem:s18+$0x0];
	_ =	sdelay $0x4  }
0xd9: {  	v2 =	vshll.u32 v1, $0x7  }
0xda: {  	s17 =	sor.u32 s4, s17;
	v1 =	vshll.u32 v1, $0xC;
	v2 =	vand.u32 $0x380, v2  }
0xdb: {  	v1 =	vand.u32 $0xFFFF8000, v1;
	v2 =	vor.u32 s17, v2  }
0xdc: {  	s18 =	simm.s32 $0xA40;
	s17 =	simm.s32 $0xA0;
	v1 =	vor.u32 v1, v2  }
.LBB2_6:
0xdd: {  	s20 =	sand.u32 $0x40, s18;
	s19 =	sand.u32 $0x1F80, s18;
	s17 =	sadd.s32 $0x4, s17;
	v1 =	vor.u32 v0, v1  }
0xde: {  	s21 =	sor.u32 s20, s19;
	p0 =	slt.u32 s17, $0x13C;
	[tilespmem:s16+$0x0] =	vst v1  }
0xdf: {  	v1 =	vld [tilespmem:s21+$0x0];
	_ =	sdelay $0x4  }
0xe0: {  	v2 =	vshll.u32 v1, $0x7  }
0xe1: {  	s20 =	sor.u32 s4, s20;
	v1 =	vshll.u32 v1, $0xC;
	v2 =	vand.u32 $0x380, v2  }
0xe2: {  	v1 =	vand.u32 $0xFFFF8000, v1;
	v2 =	vor.u32 s20, v2  }
0xe3: {  	s20 =	sadd.s32 $0x10, s18;
	v1 =	vor.u32 v1, v2  }
0xe4: {  	s16 =	sadd.s32 $0x40, s16;
	s20 =	sand.u32 $0x50, s20;
	v1 =	vor.u32 v0, v1  }
0xe5: {  	s21 =	sor.u32 s20, s19;
	[tilespmem:s16+$0xFFFFFFD0] =	vst v1  }
0xe6: {  	v1 =	vld [tilespmem:s21+$0x0];
	_ =	sdelay $0x4  }
0xe7: {  	v2 =	vshll.u32 v1, $0x7  }
0xe8: {  	s20 =	sor.u32 s4, s20;
	v1 =	vshll.u32 v1, $0xC;
	v2 =	vand.u32 $0x380, v2  }
0xe9: {  	v1 =	vand.u32 $0xFFFF8000, v1;
	v2 =	vor.u32 s20, v2  }
0xea: {  	s20 =	sadd.s32 $0x20, s18;
	v1 =	vor.u32 v1, v2  }
0xeb: {  	s20 =	sand.u32 $0x60, s20;
	v1 =	vor.u32 v0, v1  }
0xec: {  	s21 =	sor.u32 s20, s19;
	[tilespmem:s16+$0xFFFFFFE0] =	vst v1  }
0xed: {  	v1 =	vld [tilespmem:s21+$0x0];
	_ =	sdelay $0x4  }
0xee: {  	v2 =	vshll.u32 v1, $0x7  }
0xef: {  	s20 =	sor.u32 s4, s20;
	v1 =	vshll.u32 v1, $0xC;
	v2 =	vand.u32 $0x380, v2  }
0xf0: {  	v1 =	vand.u32 $0xFFFF8000, v1;
	v2 =	vor.u32 s20, v2  }
0xf1: {  	s20 =	sadd.s32 $0x30, s18;
	v1 =	vor.u32 v1, v2  }
0xf2: {  	s20 =	sand.u32 $0x70, s20;
	v1 =	vor.u32 v0, v1  }
0xf3: {  	s19 =	sor.u32 s20, s19;
	[tilespmem:s16+$0xFFFFFFF0] =	vst v1  }
0xf4: {  	v1 =	vld [tilespmem:s19+$0x0];
	_ =	sdelay $0x3  }
.Ltmp2:
0xf5: {  	(pc) =	sbr.rel @p0 .LBB2_6-.Ltmp2, $4  }
0xf6: {  	v2 =	vshll.u32 v1, $0x7  }
0xf7: {  	s19 =	sor.u32 s4, s20;
	v1 =	vshll.u32 v1, $0xC;
	v2 =	vand.u32 $0x380, v2  }
0xf8: {  	v1 =	vand.u32 $0xFFFF8000, v1;
	v2 =	vor.u32 s19, v2  }
0xf9: {  	s18 =	sadd.s32 $0x40, s18;
	v1 =	vor.u32 v1, v2  }
0xfa: {  	v1 =	vor.u32 v0, v1  }
0xfb: {  	s19 =	simm.s32 $0x6E00;
	s17 =	simm.s32 $0xD200;
	[tilespmem:s16+$0x0] =	vst v1  }
0xfc: {  	[tilespmem:s17], [sflag:$0x2] =	stream.indirect.gather [hbm4b:s1+s9], $0x1, s19, s9, $0xb8;
	[tilespmem:$0x12C80] =	vst v63  }
0xfd: {  	s20 =	simm.s32 $0x6E80;
	s21 =	simm.s32 $0xD280  }
0xfe: {  	[tilespmem:s21], [sflag:$0x2] =	stream.indirect.gather [hbm4b:s1+s9], $0x1, s20, s9, $0xb8;
	[tilespmem:$0x12C80] =	vst v63  }
0xff: {  	s22 =	simm.s32 $0x6F00;
	s23 =	simm.s32 $0xD300  }
0x100: {  	[tilespmem:s23], [sflag:$0x2] =	stream.indirect.gather [hbm4b:s1+s9], $0x1, s22, s9, $0xb8;
	[tilespmem:$0x12C80] =	vst v63  }
0x101: {  	s18 =	simm.s32 $0x6F80;
	s19 =	simm.s32 $0xD380  }
0x102: {  	[tilespmem:s19], [sflag:$0x2] =	stream.indirect.gather [hbm4b:s1+s9], $0x1, s18, s9, $0xb8;
	[tilespmem:$0x12C80] =	vst v63  }
0x103: {  	s20 =	simm.s32 $0x7000;
	s21 =	simm.s32 $0xD400  }
0x104: {  	[tilespmem:s21], [sflag:$0x2] =	stream.indirect.gather [hbm4b:s1+s9], $0x1, s20, s9, $0xb8;
	[tilespmem:$0x12C80] =	vst v63  }
0x105: {  	s22 =	simm.s32 $0x7080;
	s23 =	simm.s32 $0xD480  }
0x106: {  	[tilespmem:s23], [sflag:$0x2] =	stream.indirect.gather [hbm4b:s1+s9], $0x1, s22, s9, $0xb8;
	[tilespmem:$0x12C80] =	vst v63  }
0x107: {  	s18 =	simm.s32 $0x7100;
	s19 =	simm.s32 $0xD500  }
0x108: {  	[tilespmem:s19], [sflag:$0x2] =	stream.indirect.gather [hbm4b:s1+s9], $0x1, s18, s9, $0xb8;
	[tilespmem:$0x12C80] =	vst v63  }
0x109: {  	s20 =	simm.s32 $0x7180;
	s21 =	simm.s32 $0xD580  }
0x10a: {  	[tilespmem:s21], [sflag:$0x2] =	stream.indirect.gather [hbm4b:s1+s9], $0x1, s20, s9, $0xb8;
	[tilespmem:$0x12C80] =	vst v63  }
0x10b: {  	s22 =	simm.s32 $0x7200;
	s23 =	simm.s32 $0xD600  }
0x10c: {  	[tilespmem:s23], [sflag:$0x2] =	stream.indirect.gather [hbm4b:s1+s9], $0x1, s22, s9, $0xb8;
	[tilespmem:$0x12C80] =	vst v63  }
0x10d: {  	s18 =	simm.s32 $0x7280;
	s19 =	simm.s32 $0xD680  }
0x10e: {  	[tilespmem:s19], [sflag:$0x2] =	stream.indirect.gather [hbm4b:s1+s9], $0x1, s18, s9, $0xb8;
	[tilespmem:$0x12C80] =	vst v63  }
0x10f: {  	s20 =	simm.s32 $0x7300;
	s21 =	simm.s32 $0xD700  }
0x110: {  	[tilespmem:s21], [sflag:$0x2] =	stream.indirect.gather [hbm4b:s1+s9], $0x1, s20, s9, $0xb8;
	[tilespmem:$0x12C80] =	vst v63  }
0x111: {  	s22 =	simm.s32 $0x7380;
	s23 =	simm.s32 $0xD780  }
0x112: {  	[tilespmem:s23], [sflag:$0x2] =	stream.indirect.gather [hbm4b:s1+s9], $0x1, s22, s9, $0xb8;
	[tilespmem:$0x12C80] =	vst v63  }
0x113: {  	s18 =	simm.s32 $0x7400;
	s19 =	simm.s32 $0xD800  }
0x114: {  	[tilespmem:s19], [sflag:$0x2] =	stream.indirect.gather [hbm4b:s1+s9], $0x1, s18, s9, $0xb8;
	[tilespmem:$0x12C80] =	vst v63  }
0x115: {  	s20 =	simm.s32 $0x7480;
	s21 =	simm.s32 $0xD880  }
0x116: {  	[tilespmem:s21], [sflag:$0x2] =	stream.indirect.gather [hbm4b:s1+s9], $0x1, s20, s9, $0xb8;
	[tilespmem:$0x12C80] =	vst v63  }
0x117: {  	s22 =	simm.s32 $0x7500;
	s23 =	simm.s32 $0xD900  }
0x118: {  	[tilespmem:s23], [sflag:$0x2] =	stream.indirect.gather [hbm4b:s1+s9], $0x1, s22, s9, $0xb8;
	[tilespmem:$0x12C80] =	vst v63  }
0x119: {  	s18 =	simm.s32 $0x7580;
	s19 =	simm.s32 $0xD980  }
0x11a: {  	[tilespmem:s19], [sflag:$0x2] =	stream.indirect.gather [hbm4b:s1+s9], $0x1, s18, s9, $0xb8;
	[tilespmem:$0x12C80] =	vst v63  }
0x11b: {  	s20 =	simm.s32 $0x7600;
	s21 =	simm.s32 $0xDA00  }
0x11c: {  	[tilespmem:s21], [sflag:$0x2] =	stream.indirect.gather [hbm4b:s1+s9], $0x1, s20, s9, $0xb8;
	[tilespmem:$0x12C80] =	vst v63  }
0x11d: {  	s22 =	simm.s32 $0x7680;
	s23 =	simm.s32 $0xDA80  }
0x11e: {  	[tilespmem:s23], [sflag:$0x2] =	stream.indirect.gather [hbm4b:s1+s9], $0x1, s22, s9, $0xb8;
	[tilespmem:$0x12C80] =	vst v63  }
0x11f: {  	s18 =	simm.s32 $0x7700;
	s19 =	simm.s32 $0xDB00;
	s22 =	simm.s32 $0x1400  }
0x120: {  	[tilespmem:s19], [sflag:$0x2] =	stream.indirect.gather [hbm4b:s1+s9], $0x1, s18, s9, $0xb8;
	[tilespmem:$0x12C80] =	vst v63  }
0x121: {  	s23 =	sand.u32 $0x40, s22;
	s18 =	sand.u32 $0x1F80, s22  }
0x122: {  	s20 =	simm.s32 $0x7780;
	s21 =	simm.s32 $0xDB80;
	s16 =	sor.u32 s23, s18  }
0x123: {  	[tilespmem:s21], [sflag:$0x2] =	stream.indirect.gather [hbm4b:s1+s9], $0x1, s20, s9, $0xb8;
	[tilespmem:$0x12C80] =	vst v63  }
0x124: {  	v1 =	vld [tilespmem:s16+$0x0];
	_ =	sdelay $0x4  }
0x125: {  	v2 =	vshll.u32 v1, $0x7  }
0x126: {  	s19 =	sor.u32 s4, s23;
	v1 =	vshll.u32 v1, $0xC;
	v2 =	vand.u32 $0x380, v2  }
0x127: {  	v1 =	vand.u32 $0xFFFF8000, v1;
	v2 =	vor.u32 s19, v2  }
0x128: {  	s20 =	simm.s32 $0x1410;
	v1 =	vor.u32 v1, v2  }
0x129: {  	s16 =	simm.s32 $0x7830;
	s17 =	sand.u32 $0x50, s20;
	v1 =	vor.u32 v0, v1  }
0x12a: {  	s19 =	sor.u32 s17, s18;
	[tilespmem:s16+$0xFFFFFFD0] =	vst v1  }
0x12b: {  	v1 =	vld [tilespmem:s19+$0x0];
	_ =	sdelay $0x4  }
0x12c: {  	v2 =	vshll.u32 v1, $0x7  }
0x12d: {  	s17 =	sor.u32 s4, s17;
	v1 =	vshll.u32 v1, $0xC;
	v2 =	vand.u32 $0x380, v2  }
0x12e: {  	v1 =	vand.u32 $0xFFFF8000, v1;
	v2 =	vor.u32 s17, v2  }
0x12f: {  	s21 =	simm.s32 $0x1420;
	v1 =	vor.u32 v1, v2  }
0x130: {  	s17 =	sand.u32 $0x60, s21;
	v1 =	vor.u32 v0, v1  }
0x131: {  	s22 =	sor.u32 s17, s18;
	[tilespmem:s16+$0xFFFFFFE0] =	vst v1  }
0x132: {  	v1 =	vld [tilespmem:s22+$0x0];
	_ =	sdelay $0x4  }
0x133: {  	v2 =	vshll.u32 v1, $0x7  }
0x134: {  	s17 =	sor.u32 s4, s17;
	v1 =	vshll.u32 v1, $0xC;
	v2 =	vand.u32 $0x380, v2  }
0x135: {  	v1 =	vand.u32 $0xFFFF8000, v1;
	v2 =	vor.u32 s17, v2  }
0x136: {  	s23 =	simm.s32 $0x1430;
	v1 =	vor.u32 v1, v2  }
0x137: {  	s17 =	sand.u32 $0x70, s23;
	v1 =	vor.u32 v0, v1  }
0x138: {  	s18 =	sor.u32 s17, s18;
	[tilespmem:s16+$0xFFFFFFF0] =	vst v1  }
0x139: {  	v1 =	vld [tilespmem:s18+$0x0];
	_ =	sdelay $0x4  }
0x13a: {  	v2 =	vshll.u32 v1, $0x7  }
0x13b: {  	s17 =	sor.u32 s4, s17;
	v1 =	vshll.u32 v1, $0xC;
	v2 =	vand.u32 $0x380, v2  }
0x13c: {  	v1 =	vand.u32 $0xFFFF8000, v1;
	v2 =	vor.u32 s17, v2  }
0x13d: {  	s18 =	simm.s32 $0x1440;
	s17 =	simm.s32 $0x140;
	v1 =	vor.u32 v1, v2  }
.LBB2_8:
0x13e: {  	s20 =	sand.u32 $0x40, s18;
	s19 =	sand.u32 $0x1F80, s18;
	s17 =	sadd.s32 $0x4, s17;
	v1 =	vor.u32 v0, v1  }
0x13f: {  	s21 =	sor.u32 s20, s19;
	p0 =	slt.u32 s17, $0x1DC;
	[tilespmem:s16+$0x0] =	vst v1  }
0x140: {  	v1 =	vld [tilespmem:s21+$0x0];
	_ =	sdelay $0x4  }
0x141: {  	v2 =	vshll.u32 v1, $0x7  }
0x142: {  	s20 =	sor.u32 s4, s20;
	v1 =	vshll.u32 v1, $0xC;
	v2 =	vand.u32 $0x380, v2  }
0x143: {  	v1 =	vand.u32 $0xFFFF8000, v1;
	v2 =	vor.u32 s20, v2  }
0x144: {  	s20 =	sadd.s32 $0x10, s18;
	v1 =	vor.u32 v1, v2  }
0x145: {  	s16 =	sadd.s32 $0x40, s16;
	s20 =	sand.u32 $0x50, s20;
	v1 =	vor.u32 v0, v1  }
0x146: {  	s21 =	sor.u32 s20, s19;
	[tilespmem:s16+$0xFFFFFFD0] =	vst v1  }
0x147: {  	v1 =	vld [tilespmem:s21+$0x0];
	_ =	sdelay $0x4  }
0x148: {  	v2 =	vshll.u32 v1, $0x7  }
0x149: {  	s20 =	sor.u32 s4, s20;
	v1 =	vshll.u32 v1, $0xC;
	v2 =	vand.u32 $0x380, v2  }
0x14a: {  	v1 =	vand.u32 $0xFFFF8000, v1;
	v2 =	vor.u32 s20, v2  }
0x14b: {  	s20 =	sadd.s32 $0x20, s18;
	v1 =	vor.u32 v1, v2  }
0x14c: {  	s20 =	sand.u32 $0x60, s20;
	v1 =	vor.u32 v0, v1  }
0x14d: {  	s21 =	sor.u32 s20, s19;
	[tilespmem:s16+$0xFFFFFFE0] =	vst v1  }
0x14e: {  	v1 =	vld [tilespmem:s21+$0x0];
	_ =	sdelay $0x4  }
0x14f: {  	v2 =	vshll.u32 v1, $0x7  }
0x150: {  	s20 =	sor.u32 s4, s20;
	v1 =	vshll.u32 v1, $0xC;
	v2 =	vand.u32 $0x380, v2  }
0x151: {  	v1 =	vand.u32 $0xFFFF8000, v1;
	v2 =	vor.u32 s20, v2  }
0x152: {  	s20 =	sadd.s32 $0x30, s18;
	v1 =	vor.u32 v1, v2  }
0x153: {  	s20 =	sand.u32 $0x70, s20;
	v1 =	vor.u32 v0, v1  }
0x154: {  	s19 =	sor.u32 s20, s19;
	[tilespmem:s16+$0xFFFFFFF0] =	vst v1  }
0x155: {  	v1 =	vld [tilespmem:s19+$0x0];
	_ =	sdelay $0x3  }
.Ltmp3:
0x156: {  	(pc) =	sbr.rel @p0 .LBB2_8-.Ltmp3, $4  }
0x157: {  	v2 =	vshll.u32 v1, $0x7  }
0x158: {  	s19 =	sor.u32 s4, s20;
	v1 =	vshll.u32 v1, $0xC;
	v2 =	vand.u32 $0x380, v2  }
0x159: {  	v1 =	vand.u32 $0xFFFF8000, v1;
	v2 =	vor.u32 s19, v2  }
0x15a: {  	s18 =	sadd.s32 $0x40, s18;
	v1 =	vor.u32 v1, v2  }
0x15b: {  	v1 =	vor.u32 v0, v1  }
0x15c: {  	s19 =	simm.s32 $0x7800;
	s17 =	simm.s32 $0xDC00;
	[tilespmem:s16+$0x0] =	vst v1  }
0x15d: {  	[tilespmem:s17], [sflag:$0x3] =	stream.indirect.gather [hbm4b:s1+s9], $0x1, s19, s9, $0xb8;
	[tilespmem:$0x12C80] =	vst v63  }
0x15e: {  	s20 =	simm.s32 $0x7880;
	s21 =	simm.s32 $0xDC80  }
0x15f: {  	[tilespmem:s21], [sflag:$0x3] =	stream.indirect.gather [hbm4b:s1+s9], $0x1, s20, s9, $0xb8;
	[tilespmem:$0x12C80] =	vst v63  }
0x160: {  	s22 =	simm.s32 $0x7900;
	s23 =	simm.s32 $0xDD00  }
0x161: {  	[tilespmem:s23], [sflag:$0x3] =	stream.indirect.gather [hbm4b:s1+s9], $0x1, s22, s9, $0xb8;
	[tilespmem:$0x12C80] =	vst v63  }
0x162: {  	s18 =	simm.s32 $0x7980;
	s19 =	simm.s32 $0xDD80  }
0x163: {  	[tilespmem:s19], [sflag:$0x3] =	stream.indirect.gather [hbm4b:s1+s9], $0x1, s18, s9, $0xb8;
	[tilespmem:$0x12C80] =	vst v63  }
0x164: {  	s20 =	simm.s32 $0x7A00;
	s21 =	simm.s32 $0xDE00  }
0x165: {  	[tilespmem:s21], [sflag:$0x3] =	stream.indirect.gather [hbm4b:s1+s9], $0x1, s20, s9, $0xb8;
	[tilespmem:$0x12C80] =	vst v63  }
0x166: {  	s22 =	simm.s32 $0x7A80;
	s23 =	simm.s32 $0xDE80  }
0x167: {  	[tilespmem:s23], [sflag:$0x3] =	stream.indirect.gather [hbm4b:s1+s9], $0x1, s22, s9, $0xb8;
	[tilespmem:$0x12C80] =	vst v63  }
0x168: {  	s18 =	simm.s32 $0x7B00;
	s19 =	simm.s32 $0xDF00  }
0x169: {  	[tilespmem:s19], [sflag:$0x3] =	stream.indirect.gather [hbm4b:s1+s9], $0x1, s18, s9, $0xb8;
	[tilespmem:$0x12C80] =	vst v63  }
0x16a: {  	s20 =	simm.s32 $0x7B80;
	s21 =	simm.s32 $0xDF80  }
0x16b: {  	[tilespmem:s21], [sflag:$0x3] =	stream.indirect.gather [hbm4b:s1+s9], $0x1, s20, s9, $0xb8;
	[tilespmem:$0x12C80] =	vst v63  }
0x16c: {  	s22 =	simm.s32 $0x7C00;
	s23 =	simm.s32 $0xE000  }
0x16d: {  	[tilespmem:s23], [sflag:$0x3] =	stream.indirect.gather [hbm4b:s1+s9], $0x1, s22, s9, $0xb8;
	[tilespmem:$0x12C80] =	vst v63  }
0x16e: {  	s18 =	simm.s32 $0x7C80;
	s19 =	simm.s32 $0xE080  }
0x16f: {  	[tilespmem:s19], [sflag:$0x3] =	stream.indirect.gather [hbm4b:s1+s9], $0x1, s18, s9, $0xb8;
	[tilespmem:$0x12C80] =	vst v63  }
0x170: {  	s20 =	simm.s32 $0x7D00;
	s21 =	simm.s32 $0xE100  }
0x171: {  	[tilespmem:s21], [sflag:$0x3] =	stream.indirect.gather [hbm4b:s1+s9], $0x1, s20, s9, $0xb8;
	[tilespmem:$0x12C80] =	vst v63  }
0x172: {  	s22 =	simm.s32 $0x7D80;
	s23 =	simm.s32 $0xE180  }
0x173: {  	[tilespmem:s23], [sflag:$0x3] =	stream.indirect.gather [hbm4b:s1+s9], $0x1, s22, s9, $0xb8;
	[tilespmem:$0x12C80] =	vst v63  }
0x174: {  	s18 =	simm.s32 $0x7E00;
	s19 =	simm.s32 $0xE200  }
0x175: {  	[tilespmem:s19], [sflag:$0x3] =	stream.indirect.gather [hbm4b:s1+s9], $0x1, s18, s9, $0xb8;
	[tilespmem:$0x12C80] =	vst v63  }
0x176: {  	s20 =	simm.s32 $0x7E80;
	s21 =	simm.s32 $0xE280  }
0x177: {  	[tilespmem:s21], [sflag:$0x3] =	stream.indirect.gather [hbm4b:s1+s9], $0x1, s20, s9, $0xb8;
	[tilespmem:$0x12C80] =	vst v63  }
0x178: {  	s22 =	simm.s32 $0x7F00;
	s23 =	simm.s32 $0xE300  }
0x179: {  	[tilespmem:s23], [sflag:$0x3] =	stream.indirect.gather [hbm4b:s1+s9], $0x1, s22, s9, $0xb8;
	[tilespmem:$0x12C80] =	vst v63  }
0x17a: {  	s18 =	simm.s32 $0x7F80;
	s19 =	simm.s32 $0xE380  }
0x17b: {  	[tilespmem:s19], [sflag:$0x3] =	stream.indirect.gather [hbm4b:s1+s9], $0x1, s18, s9, $0xb8;
	[tilespmem:$0x12C80] =	vst v63  }
0x17c: {  	s20 =	simm.s32 $0x8000;
	s21 =	simm.s32 $0xE400  }
0x17d: {  	[tilespmem:s21], [sflag:$0x3] =	stream.indirect.gather [hbm4b:s1+s9], $0x1, s20, s9, $0xb8;
	[tilespmem:$0x12C80] =	vst v63  }
0x17e: {  	s22 =	simm.s32 $0x8080;
	s23 =	simm.s32 $0xE480  }
0x17f: {  	[tilespmem:s23], [sflag:$0x3] =	stream.indirect.gather [hbm4b:s1+s9], $0x1, s22, s9, $0xb8;
	[tilespmem:$0x12C80] =	vst v63  }
0x180: {  	s18 =	simm.s32 $0x8100;
	s19 =	simm.s32 $0xE500;
	s22 =	simm.s32 $0x1E00  }
0x181: {  	[tilespmem:s19], [sflag:$0x3] =	stream.indirect.gather [hbm4b:s1+s9], $0x1, s18, s9, $0xb8;
	[tilespmem:$0x12C80] =	vst v63  }
0x182: {  	s23 =	sand.u32 $0x40, s22;
	s18 =	sand.u32 $0x3F80, s22  }
0x183: {  	s20 =	simm.s32 $0x8180;
	s21 =	simm.s32 $0xE580;
	s16 =	sor.u32 s23, s18  }
0x184: {  	[tilespmem:s21], [sflag:$0x3] =	stream.indirect.gather [hbm4b:s1+s9], $0x1, s20, s9, $0xb8;
	[tilespmem:$0x12C80] =	vst v63  }
0x185: {  	v1 =	vld [tilespmem:s16+$0x0];
	_ =	sdelay $0x4  }
0x186: {  	v2 =	vshll.u32 v1, $0x7  }
0x187: {  	s19 =	sor.u32 s4, s23;
	v1 =	vshll.u32 v1, $0xC;
	v2 =	vand.u32 $0x380, v2  }
0x188: {  	v1 =	vand.u32 $0xFFFF8000, v1;
	v2 =	vor.u32 s19, v2  }
0x189: {  	s20 =	simm.s32 $0x1E10;
	v1 =	vor.u32 v1, v2  }
0x18a: {  	s16 =	simm.s32 $0x8230;
	s17 =	sand.u32 $0x50, s20;
	v1 =	vor.u32 v0, v1  }
0x18b: {  	s19 =	sor.u32 s17, s18;
	[tilespmem:s16+$0xFFFFFFD0] =	vst v1  }
0x18c: {  	v1 =	vld [tilespmem:s19+$0x0];
	_ =	sdelay $0x4  }
0x18d: {  	v2 =	vshll.u32 v1, $0x7  }
0x18e: {  	s17 =	sor.u32 s4, s17;
	v1 =	vshll.u32 v1, $0xC;
	v2 =	vand.u32 $0x380, v2  }
0x18f: {  	v1 =	vand.u32 $0xFFFF8000, v1;
	v2 =	vor.u32 s17, v2  }
0x190: {  	s21 =	simm.s32 $0x1E20;
	v1 =	vor.u32 v1, v2  }
0x191: {  	s17 =	sand.u32 $0x60, s21;
	v1 =	vor.u32 v0, v1  }
0x192: {  	s22 =	sor.u32 s17, s18;
	[tilespmem:s16+$0xFFFFFFE0] =	vst v1  }
0x193: {  	v1 =	vld [tilespmem:s22+$0x0];
	_ =	sdelay $0x4  }
0x194: {  	v2 =	vshll.u32 v1, $0x7  }
0x195: {  	s17 =	sor.u32 s4, s17;
	v1 =	vshll.u32 v1, $0xC;
	v2 =	vand.u32 $0x380, v2  }
0x196: {  	v1 =	vand.u32 $0xFFFF8000, v1;
	v2 =	vor.u32 s17, v2  }
0x197: {  	s23 =	simm.s32 $0x1E30;
	v1 =	vor.u32 v1, v2  }
0x198: {  	s17 =	sand.u32 $0x70, s23;
	v1 =	vor.u32 v0, v1  }
0x199: {  	s18 =	sor.u32 s17, s18;
	[tilespmem:s16+$0xFFFFFFF0] =	vst v1  }
0x19a: {  	v1 =	vld [tilespmem:s18+$0x0];
	_ =	sdelay $0x4  }
0x19b: {  	v2 =	vshll.u32 v1, $0x7  }
0x19c: {  	s17 =	sor.u32 s4, s17;
	v1 =	vshll.u32 v1, $0xC;
	v2 =	vand.u32 $0x380, v2  }
0x19d: {  	v1 =	vand.u32 $0xFFFF8000, v1;
	v2 =	vor.u32 s17, v2  }
0x19e: {  	s18 =	simm.s32 $0x1E40;
	s17 =	simm.s32 $0x1E0;
	v1 =	vor.u32 v1, v2  }
.LBB2_10:
0x19f: {  	s20 =	sand.u32 $0x40, s18;
	s19 =	sand.u32 $0x3F80, s18;
	s17 =	sadd.s32 $0x4, s17;
	v1 =	vor.u32 v0, v1  }
0x1a0: {  	s21 =	sor.u32 s20, s19;
	p0 =	slt.u32 s17, $0x27C;
	[tilespmem:s16+$0x0] =	vst v1  }
0x1a1: {  	v1 =	vld [tilespmem:s21+$0x0];
	_ =	sdelay $0x4  }
0x1a2: {  	v2 =	vshll.u32 v1, $0x7  }
0x1a3: {  	s20 =	sor.u32 s4, s20;
	v1 =	vshll.u32 v1, $0xC;
	v2 =	vand.u32 $0x380, v2  }
0x1a4: {  	v1 =	vand.u32 $0xFFFF8000, v1;
	v2 =	vor.u32 s20, v2  }
0x1a5: {  	s20 =	sadd.s32 $0x10, s18;
	v1 =	vor.u32 v1, v2  }
0x1a6: {  	s16 =	sadd.s32 $0x40, s16;
	s20 =	sand.u32 $0x50, s20;
	v1 =	vor.u32 v0, v1  }
0x1a7: {  	s21 =	sor.u32 s20, s19;
	[tilespmem:s16+$0xFFFFFFD0] =	vst v1  }
0x1a8: {  	v1 =	vld [tilespmem:s21+$0x0];
	_ =	sdelay $0x4  }
0x1a9: {  	v2 =	vshll.u32 v1, $0x7  }
0x1aa: {  	s20 =	sor.u32 s4, s20;
	v1 =	vshll.u32 v1, $0xC;
	v2 =	vand.u32 $0x380, v2  }
0x1ab: {  	v1 =	vand.u32 $0xFFFF8000, v1;
	v2 =	vor.u32 s20, v2  }
0x1ac: {  	s20 =	sadd.s32 $0x20, s18;
	v1 =	vor.u32 v1, v2  }
0x1ad: {  	s20 =	sand.u32 $0x60, s20;
	v1 =	vor.u32 v0, v1  }
0x1ae: {  	s21 =	sor.u32 s20, s19;
	[tilespmem:s16+$0xFFFFFFE0] =	vst v1  }
0x1af: {  	v1 =	vld [tilespmem:s21+$0x0];
	_ =	sdelay $0x4  }
0x1b0: {  	v2 =	vshll.u32 v1, $0x7  }
0x1b1: {  	s20 =	sor.u32 s4, s20;
	v1 =	vshll.u32 v1, $0xC;
	v2 =	vand.u32 $0x380, v2  }
0x1b2: {  	v1 =	vand.u32 $0xFFFF8000, v1;
	v2 =	vor.u32 s20, v2  }
0x1b3: {  	s20 =	sadd.s32 $0x30, s18;
	v1 =	vor.u32 v1, v2  }
0x1b4: {  	s20 =	sand.u32 $0x70, s20;
	v1 =	vor.u32 v0, v1  }
0x1b5: {  	s19 =	sor.u32 s20, s19;
	[tilespmem:s16+$0xFFFFFFF0] =	vst v1  }
0x1b6: {  	v1 =	vld [tilespmem:s19+$0x0];
	_ =	sdelay $0x3  }
.Ltmp4:
0x1b7: {  	(pc) =	sbr.rel @p0 .LBB2_10-.Ltmp4, $4  }
0x1b8: {  	v2 =	vshll.u32 v1, $0x7  }
0x1b9: {  	s19 =	sor.u32 s4, s20;
	v1 =	vshll.u32 v1, $0xC;
	v2 =	vand.u32 $0x380, v2  }
0x1ba: {  	v1 =	vand.u32 $0xFFFF8000, v1;
	v2 =	vor.u32 s19, v2  }
0x1bb: {  	s18 =	sadd.s32 $0x40, s18;
	v1 =	vor.u32 v1, v2  }
0x1bc: {  	v1 =	vor.u32 v0, v1  }
0x1bd: {  	s19 =	simm.s32 $0x8200;
	s17 =	simm.s32 $0xE600;
	[tilespmem:s16+$0x0] =	vst v1  }
0x1be: {  	[tilespmem:s17], [sflag:$0x4] =	stream.indirect.gather [hbm4b:s1+s9], $0x1, s19, s9, $0xb8;
	[tilespmem:$0x12C80] =	vst v63  }
0x1bf: {  	s20 =	simm.s32 $0x8280;
	s21 =	simm.s32 $0xE680  }
0x1c0: {  	[tilespmem:s21], [sflag:$0x4] =	stream.indirect.gather [hbm4b:s1+s9], $0x1, s20, s9, $0xb8;
	[tilespmem:$0x12C80] =	vst v63  }
0x1c1: {  	s22 =	simm.s32 $0x8300;
	s23 =	simm.s32 $0xE700  }
0x1c2: {  	[tilespmem:s23], [sflag:$0x4] =	stream.indirect.gather [hbm4b:s1+s9], $0x1, s22, s9, $0xb8;
	[tilespmem:$0x12C80] =	vst v63  }
0x1c3: {  	s18 =	simm.s32 $0x8380;
	s19 =	simm.s32 $0xE780  }
0x1c4: {  	[tilespmem:s19], [sflag:$0x4] =	stream.indirect.gather [hbm4b:s1+s9], $0x1, s18, s9, $0xb8;
	[tilespmem:$0x12C80] =	vst v63  }
0x1c5: {  	s20 =	simm.s32 $0x8400;
	s21 =	simm.s32 $0xE800  }
0x1c6: {  	[tilespmem:s21], [sflag:$0x4] =	stream.indirect.gather [hbm4b:s1+s9], $0x1, s20, s9, $0xb8;
	[tilespmem:$0x12C80] =	vst v63  }
0x1c7: {  	s22 =	simm.s32 $0x8480;
	s23 =	simm.s32 $0xE880  }
0x1c8: {  	[tilespmem:s23], [sflag:$0x4] =	stream.indirect.gather [hbm4b:s1+s9], $0x1, s22, s9, $0xb8;
	[tilespmem:$0x12C80] =	vst v63  }
0x1c9: {  	s18 =	simm.s32 $0x8500;
	s19 =	simm.s32 $0xE900  }
0x1ca: {  	[tilespmem:s19], [sflag:$0x4] =	stream.indirect.gather [hbm4b:s1+s9], $0x1, s18, s9, $0xb8;
	[tilespmem:$0x12C80] =	vst v63  }
0x1cb: {  	s20 =	simm.s32 $0x8580;
	s21 =	simm.s32 $0xE980  }
0x1cc: {  	[tilespmem:s21], [sflag:$0x4] =	stream.indirect.gather [hbm4b:s1+s9], $0x1, s20, s9, $0xb8;
	[tilespmem:$0x12C80] =	vst v63  }
0x1cd: {  	s22 =	simm.s32 $0x8600;
	s23 =	simm.s32 $0xEA00  }
0x1ce: {  	[tilespmem:s23], [sflag:$0x4] =	stream.indirect.gather [hbm4b:s1+s9], $0x1, s22, s9, $0xb8;
	[tilespmem:$0x12C80] =	vst v63  }
0x1cf: {  	s18 =	simm.s32 $0x8680;
	s19 =	simm.s32 $0xEA80  }
0x1d0: {  	[tilespmem:s19], [sflag:$0x4] =	stream.indirect.gather [hbm4b:s1+s9], $0x1, s18, s9, $0xb8;
	[tilespmem:$0x12C80] =	vst v63  }
0x1d1: {  	s20 =	simm.s32 $0x8700;
	s21 =	simm.s32 $0xEB00  }
0x1d2: {  	[tilespmem:s21], [sflag:$0x4] =	stream.indirect.gather [hbm4b:s1+s9], $0x1, s20, s9, $0xb8;
	[tilespmem:$0x12C80] =	vst v63  }
0x1d3: {  	s22 =	simm.s32 $0x8780;
	s23 =	simm.s32 $0xEB80  }
0x1d4: {  	[tilespmem:s23], [sflag:$0x4] =	stream.indirect.gather [hbm4b:s1+s9], $0x1, s22, s9, $0xb8;
	[tilespmem:$0x12C80] =	vst v63  }
0x1d5: {  	s18 =	simm.s32 $0x8800;
	s19 =	simm.s32 $0xEC00  }
0x1d6: {  	[tilespmem:s19], [sflag:$0x4] =	stream.indirect.gather [hbm4b:s1+s9], $0x1, s18, s9, $0xb8;
	[tilespmem:$0x12C80] =	vst v63  }
0x1d7: {  	s20 =	simm.s32 $0x8880;
	s21 =	simm.s32 $0xEC80  }
0x1d8: {  	[tilespmem:s21], [sflag:$0x4] =	stream.indirect.gather [hbm4b:s1+s9], $0x1, s20, s9, $0xb8;
	[tilespmem:$0x12C80] =	vst v63  }
0x1d9: {  	s22 =	simm.s32 $0x8900;
	s23 =	simm.s32 $0xED00  }
0x1da: {  	[tilespmem:s23], [sflag:$0x4] =	stream.indirect.gather [hbm4b:s1+s9], $0x1, s22, s9, $0xb8;
	[tilespmem:$0x12C80] =	vst v63  }
0x1db: {  	s18 =	simm.s32 $0x8980;
	s19 =	simm.s32 $0xED80  }
0x1dc: {  	[tilespmem:s19], [sflag:$0x4] =	stream.indirect.gather [hbm4b:s1+s9], $0x1, s18, s9, $0xb8;
	[tilespmem:$0x12C80] =	vst v63  }
0x1dd: {  	s20 =	simm.s32 $0x8A00;
	s21 =	simm.s32 $0xEE00  }
0x1de: {  	[tilespmem:s21], [sflag:$0x4] =	stream.indirect.gather [hbm4b:s1+s9], $0x1, s20, s9, $0xb8;
	[tilespmem:$0x12C80] =	vst v63  }
0x1df: {  	s22 =	simm.s32 $0x8A80;
	s23 =	simm.s32 $0xEE80  }
0x1e0: {  	[tilespmem:s23], [sflag:$0x4] =	stream.indirect.gather [hbm4b:s1+s9], $0x1, s22, s9, $0xb8;
	[tilespmem:$0x12C80] =	vst v63  }
0x1e1: {  	s17 =	simm.s32 $0x8B00;
	s18 =	simm.s32 $0xEF00  }
0x1e2: {  	[tilespmem:s18], [sflag:$0x4] =	stream.indirect.gather [hbm4b:s1+s9], $0x1, s17, s9, $0xb8;
	[tilespmem:$0x12C80] =	vst v63  }
0x1e3: {  	s19 =	simm.s32 $0x8B80;
	s20 =	simm.s32 $0xEF80  }
0x1e4: {  	[tilespmem:s20], [sflag:$0x4] =	stream.indirect.gather [hbm4b:s1+s9], $0x1, s19, s9, $0xb8;
	[tilespmem:$0x12C80] =	vst v63  }
0x1e5: {  	s21 =	simm.s32 $0x0;
	_ =	swait.ge [sflag:s2], $0xA00  }
0x1e6: {  	s19 =	sand.u32 $0x40, s21;
	s20 =	sand.u32 $0xF80, s21;
	[sflag:s2] =	ssyncset.done $0x0  }
0x1e7: {  	s17 =	sor.u32 s19, s20;
	[sflag:s2] =	ssyncadd.s32 $0xFFFFF600  }
0x1e8: {  	v2 =	vld [tilespmem:s17+$0x2800];
	_ =	sdelay $0x4  }
0x1e9: {  	v3 =	vshll.u32 v2, $0x7  }
0x1ea: {  	s21 =	sor.u32 s4, s19;
	v2 =	vshll.u32 v2, $0xC;
	v3 =	vand.u32 $0x380, v3  }
0x1eb: {  	v2 =	vand.u32 $0xFFFF8000, v2;
	v3 =	vor.u32 s21, v3  }
0x1ec: {  	v4 =	vld [tilespmem:s17+$0x0];
	s17 =	sadd.s32 $0x8C00, s20;
	v2 =	vor.u32 v2, v3  }
0x1ed: {  	s16 =	simm.s32 $0xC820;
	s22 =	simm.s32 $0x2810;
	s19 =	sor.u32 s19, s17;
	v2 =	vor.u32 v0, v2  }
0x1ee: {  	s23 =	sand.u32 $0x3FD0, s22;
	v3 =	vld [tilespmem:s16+$0xFFFFFFE0];
	[tilespmem:s19+$0x0] =	vst v2  }
0x1ef: {  	v2 =	vld [tilespmem:s23+$0x0];
	_ =	sdelay $0x4  }
0x1f0: {  	s21 =	sand.u32 $0x50, s22;
	v5 =	vshll.u32 v2, $0x7  }
0x1f1: {  	s19 =	sor.u32 s4, s21;
	v2 =	vshll.u32 v2, $0xC;
	v5 =	vand.u32 $0x380, v5  }
0x1f2: {  	s22 =	simm.s32 $0x10;
	v2 =	vand.u32 $0xFFFF8000, v2;
	v5 =	vor.u32 s19, v5  }
0x1f3: {  	s21 =	sand.u32 $0x50, s22;
	v2 =	vor.u32 v2, v5  }
0x1f4: {  	s22 =	simm.s32 $0x2820;
	s23 =	sor.u32 s21, s20;
	s21 =	sor.u32 s21, s17;
	v6 =	vld [tilespmem:s16+$0xFFFFFFF0];
	v2 =	vor.u32 v0, v2  }
0x1f5: {  	v5 =	vld [tilespmem:s23+$0x0];
	s23 =	sand.u32 $0x3FE0, s22;
	[tilespmem:s21+$0x0] =	vst v2  }
0x1f6: {  	v2 =	vld [tilespmem:s23+$0x0];
	_ =	sdelay $0x4  }
0x1f7: {  	s21 =	sand.u32 $0x60, s22;
	s22 =	simm.s32 $0x20;
	v7 =	vshll.u32 v2, $0x7  }
0x1f8: {  	s19 =	sor.u32 s4, s21;
	s21 =	sand.u32 $0x60, s22;
	v2 =	vshll.u32 v2, $0xC;
	v7 =	vand.u32 $0x380, v7  }
0x1f9: {  	s23 =	sor.u32 s21, s20;
	v2 =	vand.u32 $0xFFFF8000, v2;
	v7 =	vor.u32 s19, v7  }
0x1fa: {  	v2 =	vor.u32 v2, v7;
	v7 =	vld [tilespmem:s23+$0x0]  }
0x1fb: {  	vm0 =	veq.s32 v4, $0x0;
	v8 =	vld [tilespmem:s16+$0x0];
	s22 =	sor.u32 s21, s17;
	v2 =	vor.u32 v0, v2  }
0x1fc: {  	v1 =	vimm.f32 $0.0e+00;
	[tilespmem:s22+$0x0] =	vst v2;
	v2 =	vsel vm0, $0x0, v3  }
0x1fd: {  	s18 =	simm.s32 $0x2830;
	s23 =	simm.s32 $0x30;
	vm0 =	veq.s32 v5, $0x0;
	v1 =	vadd.f32 v2, v1  }
0x1fe: {  	s21 =	sand.u32 $0x70, s23;
	s22 =	sand.u32 $0x3FF0, s18;
	v2 =	vsel vm0, $0x0, v6  }
0x1ff: {  	s20 =	sor.u32 s21, s20;
	v3 =	vld [tilespmem:s22+$0x0];
	v1 =	vadd.f32 v2, v1;
	vm0 =	veq.s32 v7, $0x0  }
0x200: {  	v4 =	vld [tilespmem:s20+$0x0];
	v2 =	vsel vm0, $0x0, v8  }
0x201: {  	v1 =	vadd.f32 v2, v1;
	v2 =	vld [tilespmem:s16+$0x10];
	_ =	sdelay $0x2  }
0x202: {  	s23 =	sand.u32 $0x70, s18;
	v5 =	vshll.u32 v3, $0x7  }
0x203: {  	s19 =	simm.s32 $0x2870;
	s18 =	simm.s32 $0x0;
	s20 =	sor.u32 s4, s23;
	vm0 =	veq.s32 v4, $0x0;
	v3 =	vshll.u32 v3, $0xC;
	v4 =	vand.u32 $0x380, v5  }
.LBB2_12:
0x204: {  	s22 =	sadd.s32 $0xFFFFD7D0, s19;
	v2 =	vsel vm0, $0x0, v2;
	v3 =	vand.u32 $0xFFFF8000, v3;
	v4 =	vor.u32 s20, v4  }
0x205: {  	s18 =	sadd.s32 $0x4, s18;
	s23 =	sand.u32 $0x40, s22;
	v1 =	vadd.f32 v2, v1;
	v2 =	vor.u32 v3, v4  }
0x206: {  	s17 =	sor.u32 s21, s17;
	s20 =	sand.u32 $0xF80, s22;
	p0 =	slt.u32 s18, $0x9C;
	v2 =	vor.u32 v0, v2  }
0x207: {  	s21 =	sor.u32 s23, s20;
	[tilespmem:s17+$0x0] =	vst v2  }
0x208: {  	v2 =	vld [tilespmem:s21+$0x2800]  }
0x209: {  	s16 =	sadd.s32 $0x40, s16;
	v3 =	vld [tilespmem:s21+$0x0]  }
0x20a: {  	v4 =	vld [tilespmem:s16+$0xFFFFFFE0];
	_ =	sdelay $0x2  }
0x20b: {  	v5 =	vshll.u32 v2, $0x7  }
0x20c: {  	s17 =	sor.u32 s4, s23;
	v2 =	vshll.u32 v2, $0xC;
	vm0 =	veq.s32 v3, $0x0;
	v3 =	vand.u32 $0x380, v5  }
0x20d: {  	v2 =	vand.u32 $0xFFFF8000, v2;
	v4 =	vsel vm0, $0x0, v4;
	v3 =	vor.u32 s17, v3  }
0x20e: {  	s17 =	sadd.s32 $0x8C00, s20;
	v1 =	vadd.f32 v4, v1;
	v2 =	vor.u32 v2, v3  }
0x20f: {  	s22 =	sadd.s32 $0xFFFFFFE0, s19;
	s21 =	sor.u32 s23, s17;
	v2 =	vor.u32 v0, v2  }
0x210: {  	[tilespmem:s21+$0x0] =	vst v2;
	s21 =	sand.u32 $0x3FD0, s22  }
0x211: {  	v2 =	vld [tilespmem:s21+$0x0];
	_ =	sdelay $0x4  }
0x212: {  	s21 =	sand.u32 $0x50, s22;
	v3 =	vshll.u32 v2, $0x7  }
0x213: {  	s22 =	sadd.s32 $0xFFFFD7E0, s19;
	s21 =	sor.u32 s4, s21;
	v2 =	vshll.u32 v2, $0xC;
	v3 =	vand.u32 $0x380, v3  }
0x214: {  	s22 =	sand.u32 $0x50, s22;
	v2 =	vand.u32 $0xFFFF8000, v2;
	v3 =	vor.u32 s21, v3  }
0x215: {  	s21 =	sor.u32 s22, s20;
	v2 =	vor.u32 v2, v3  }
0x216: {  	v3 =	vld [tilespmem:s21+$0x0];
	v2 =	vor.u32 v0, v2;
	s21 =	sor.u32 s22, s17;
	s22 =	sadd.s32 $0xFFFFFFF0, s19  }
0x217: {  	v4 =	vld [tilespmem:s16+$0xFFFFFFF0];
	[tilespmem:s21+$0x0] =	vst v2;
	s21 =	sand.u32 $0x3FE0, s22  }
0x218: {  	v2 =	vld [tilespmem:s21+$0x0];
	_ =	sdelay $0x2  }
0x219: {  	vm0 =	veq.s32 v3, $0x0  }
0x21a: {  	v3 =	vsel vm0, $0x0, v4  }
0x21b: {  	s21 =	sand.u32 $0x60, s22;
	v1 =	vadd.f32 v3, v1;
	v3 =	vshll.u32 v2, $0x7  }
0x21c: {  	s22 =	sadd.s32 $0xFFFFD7F0, s19;
	s21 =	sor.u32 s4, s21;
	v2 =	vshll.u32 v2, $0xC;
	v3 =	vand.u32 $0x380, v3  }
0x21d: {  	s22 =	sand.u32 $0x60, s22;
	v2 =	vand.u32 $0xFFFF8000, v2;
	v3 =	vor.u32 s21, v3  }
0x21e: {  	s21 =	sor.u32 s22, s20;
	v2 =	vor.u32 v2, v3  }
0x21f: {  	v3 =	vld [tilespmem:s21+$0x0];
	v2 =	vor.u32 v0, v2;
	s21 =	sor.u32 s22, s17;
	s22 =	sadd.s32 $0xFFFFD800, s19  }
0x220: {  	v4 =	vld [tilespmem:s16+$0x0];
	[tilespmem:s21+$0x0] =	vst v2;
	s21 =	sand.u32 $0x70, s22;
	s22 =	sand.u32 $0x3FF0, s19  }
0x221: {  	s20 =	sor.u32 s21, s20;
	v5 =	vld [tilespmem:s22+$0x0]  }
0x222: {  	v6 =	vld [tilespmem:s20+$0x0]  }
.Ltmp5:
0x223: {  	v2 =	vld [tilespmem:s16+$0x10];
	(pc) =	sbr.rel @p0 .LBB2_12-.Ltmp5, $4  }
0x224: {  	vm0 =	veq.s32 v3, $0x0  }
0x225: {  	v3 =	vsel vm0, $0x0, v4  }
0x226: {  	s20 =	sand.u32 $0x70, s19;
	v1 =	vadd.f32 v3, v1;
	v4 =	vshll.u32 v5, $0x7  }
0x227: {  	s19 =	sadd.s32 $0x40, s19;
	s20 =	sor.u32 s4, s20;
	v3 =	vshll.u32 v5, $0xC;
	vm0 =	veq.s32 v6, $0x0;
	v4 =	vand.u32 $0x380, v4  }
0x228: {  	v3 =	vand.u32 $0xFFFF8000, v3;
	v4 =	vor.u32 s20, v4  }
0x229: {  	v3 =	vor.u32 v3, v4  }
0x22a: {  	s16 =	sor.u32 s21, s17;
	v3 =	vor.u32 v0, v3  }
0x22b: {  	s20 =	simm.s32 $0x8C00;
	s21 =	simm.s32 $0xF000;
	[tilespmem:s16+$0x0] =	vst v3  }
0x22c: {  	[tilespmem:s21], [sflag:$0x5] =	stream.indirect.gather [hbm4b:s1+s9], $0x1, s20, s9, $0xb8;
	[tilespmem:$0x12C80] =	vst v63  }
0x22d: {  	s22 =	simm.s32 $0x8C80;
	s23 =	simm.s32 $0xF080  }
0x22e: {  	[tilespmem:s23], [sflag:$0x5] =	stream.indirect.gather [hbm4b:s1+s9], $0x1, s22, s9, $0xb8;
	[tilespmem:$0x12C80] =	vst v63  }
0x22f: {  	s18 =	simm.s32 $0x8D00;
	s19 =	simm.s32 $0xF100  }
0x230: {  	[tilespmem:s19], [sflag:$0x5] =	stream.indirect.gather [hbm4b:s1+s9], $0x1, s18, s9, $0xb8;
	[tilespmem:$0x12C80] =	vst v63  }
0x231: {  	s20 =	simm.s32 $0x8D80;
	s21 =	simm.s32 $0xF180  }
0x232: {  	[tilespmem:s21], [sflag:$0x5] =	stream.indirect.gather [hbm4b:s1+s9], $0x1, s20, s9, $0xb8;
	[tilespmem:$0x12C80] =	vst v63  }
0x233: {  	s22 =	simm.s32 $0x8E00;
	s23 =	simm.s32 $0xF200  }
0x234: {  	[tilespmem:s23], [sflag:$0x5] =	stream.indirect.gather [hbm4b:s1+s9], $0x1, s22, s9, $0xb8;
	[tilespmem:$0x12C80] =	vst v63  }
0x235: {  	s18 =	simm.s32 $0x8E80;
	s19 =	simm.s32 $0xF280  }
0x236: {  	[tilespmem:s19], [sflag:$0x5] =	stream.indirect.gather [hbm4b:s1+s9], $0x1, s18, s9, $0xb8;
	[tilespmem:$0x12C80] =	vst v63  }
0x237: {  	s20 =	simm.s32 $0x8F00;
	s21 =	simm.s32 $0xF300  }
0x238: {  	[tilespmem:s21], [sflag:$0x5] =	stream.indirect.gather [hbm4b:s1+s9], $0x1, s20, s9, $0xb8;
	[tilespmem:$0x12C80] =	vst v63  }
0x239: {  	s22 =	simm.s32 $0x8F80;
	s23 =	simm.s32 $0xF380  }
0x23a: {  	[tilespmem:s23], [sflag:$0x5] =	stream.indirect.gather [hbm4b:s1+s9], $0x1, s22, s9, $0xb8;
	[tilespmem:$0x12C80] =	vst v63  }
0x23b: {  	s18 =	simm.s32 $0x9000;
	s19 =	simm.s32 $0xF400  }
0x23c: {  	[tilespmem:s19], [sflag:$0x5] =	stream.indirect.gather [hbm4b:s1+s9], $0x1, s18, s9, $0xb8;
	[tilespmem:$0x12C80] =	vst v63  }
0x23d: {  	s20 =	simm.s32 $0x9080;
	s21 =	simm.s32 $0xF480  }
0x23e: {  	[tilespmem:s21], [sflag:$0x5] =	stream.indirect.gather [hbm4b:s1+s9], $0x1, s20, s9, $0xb8;
	[tilespmem:$0x12C80] =	vst v63  }
0x23f: {  	s22 =	simm.s32 $0x9100;
	s23 =	simm.s32 $0xF500  }
0x240: {  	[tilespmem:s23], [sflag:$0x5] =	stream.indirect.gather [hbm4b:s1+s9], $0x1, s22, s9, $0xb8;
	[tilespmem:$0x12C80] =	vst v63  }
0x241: {  	s18 =	simm.s32 $0x9180;
	s19 =	simm.s32 $0xF580  }
0x242: {  	[tilespmem:s19], [sflag:$0x5] =	stream.indirect.gather [hbm4b:s1+s9], $0x1, s18, s9, $0xb8;
	[tilespmem:$0x12C80] =	vst v63  }
0x243: {  	s20 =	simm.s32 $0x9200;
	s21 =	simm.s32 $0xF600  }
0x244: {  	[tilespmem:s21], [sflag:$0x5] =	stream.indirect.gather [hbm4b:s1+s9], $0x1, s20, s9, $0xb8;
	[tilespmem:$0x12C80] =	vst v63  }
0x245: {  	s22 =	simm.s32 $0x9280;
	s23 =	simm.s32 $0xF680  }
0x246: {  	[tilespmem:s23], [sflag:$0x5] =	stream.indirect.gather [hbm4b:s1+s9], $0x1, s22, s9, $0xb8;
	[tilespmem:$0x12C80] =	vst v63  }
0x247: {  	s18 =	simm.s32 $0x9300;
	s19 =	simm.s32 $0xF700  }
0x248: {  	[tilespmem:s19], [sflag:$0x5] =	stream.indirect.gather [hbm4b:s1+s9], $0x1, s18, s9, $0xb8;
	[tilespmem:$0x12C80] =	vst v63  }
0x249: {  	s20 =	simm.s32 $0x9380;
	s21 =	simm.s32 $0xF780  }
0x24a: {  	[tilespmem:s21], [sflag:$0x5] =	stream.indirect.gather [hbm4b:s1+s9], $0x1, s20, s9, $0xb8;
	[tilespmem:$0x12C80] =	vst v63  }
0x24b: {  	s22 =	simm.s32 $0x9400;
	s23 =	simm.s32 $0xF800  }
0x24c: {  	[tilespmem:s23], [sflag:$0x5] =	stream.indirect.gather [hbm4b:s1+s9], $0x1, s22, s9, $0xb8;
	[tilespmem:$0x12C80] =	vst v63  }
0x24d: {  	s17 =	simm.s32 $0x9480;
	s18 =	simm.s32 $0xF880  }
0x24e: {  	[tilespmem:s18], [sflag:$0x5] =	stream.indirect.gather [hbm4b:s1+s9], $0x1, s17, s9, $0xb8;
	[tilespmem:$0x12C80] =	vst v63  }
0x24f: {  	s19 =	simm.s32 $0x9500;
	s20 =	simm.s32 $0xF900  }
0x250: {  	[tilespmem:s20], [sflag:$0x5] =	stream.indirect.gather [hbm4b:s1+s9], $0x1, s19, s9, $0xb8;
	[tilespmem:$0x12C80] =	vst v63  }
0x251: {  	s21 =	simm.s32 $0x9580;
	s22 =	simm.s32 $0xF980  }
0x252: {  	[tilespmem:s22], [sflag:$0x5] =	stream.indirect.gather [hbm4b:s1+s9], $0x1, s21, s9, $0xb8;
	[tilespmem:$0x12C80] =	vst v63  }
0x253: {  	_ =	swait.ge [sflag:s29], $0xA00  }
0x254: {  	s19 =	simm.s32 $0x0;
	[sflag:s29] =	ssyncset.done $0x0  }
0x255: {  	v2 =	vsel vm0, $0x0, v2;
	s20 =	sand.u32 $0xFC0, s19;
	[sflag:s29] =	ssyncadd.s32 $0xFFFFF600  }
0x256: {  	v1 =	vadd.f32 v2, v1;
	v2 =	vld [tilespmem:s20+$0x3200];
	_ =	sdelay $0x4  }
0x257: {  	s19 =	sand.u32 $0x40, s19;
	v3 =	vshll.u32 v2, $0x7  }
0x258: {  	s19 =	sor.u32 s4, s19;
	v2 =	vshll.u32 v2, $0xC;
	v3 =	vand.u32 $0x380, v3  }
0x259: {  	v2 =	vand.u32 $0xFFFF8000, v2;
	v3 =	vor.u32 s19, v3  }
0x25a: {  	v2 =	vor.u32 v2, v3  }
0x25b: {  	s23 =	simm.s32 $0x3210;
	v2 =	vor.u32 v0, v2  }
0x25c: {  	s22 =	sand.u32 $0x7FD0, s23;
	[tilespmem:s20+$0x9600] =	vst v2  }
0x25d: {  	v2 =	vld [tilespmem:s22+$0x0];
	_ =	sdelay $0x4  }
0x25e: {  	s19 =	sand.u32 $0x50, s23;
	v3 =	vshll.u32 v2, $0x7  }
0x25f: {  	s19 =	sor.u32 s4, s19;
	v2 =	vshll.u32 v2, $0xC;
	v3 =	vand.u32 $0x380, v3  }
0x260: {  	v59 =	vld [tilespmem:s20+$0xD200];
	v2 =	vand.u32 $0xFFFF8000, v2;
	v3 =	vor.u32 s19, v3  }
0x261: {  	s17 =	simm.s32 $0xD230;
	v5 =	vld [tilespmem:s20+$0xA00];
	s23 =	simm.s32 $0xA10;
	v2 =	vor.u32 v2, v3  }
0x262: {  	s16 =	simm.s32 $0x9630;
	s21 =	simm.s32 $0x3220;
	s20 =	sand.u32 $0x1FD0, s23;
	v6 =	vld [tilespmem:s17+$0xFFFFFFE0];
	v2 =	vor.u32 v0, v2  }
0x263: {  	s22 =	sand.u32 $0x7FE0, s21;
	v3 =	vld [tilespmem:s20+$0x0];
	[tilespmem:s16+$0xFFFFFFE0] =	vst v2  }
0x264: {  	v2 =	vld [tilespmem:s22+$0x0];
	_ =	sdelay $0x4  }
0x265: {  	s19 =	sand.u32 $0x60, s21;
	v7 =	vshll.u32 v2, $0x7  }
0x266: {  	s19 =	sor.u32 s4, s19;
	v2 =	vshll.u32 v2, $0xC;
	v7 =	vand.u32 $0x380, v7  }
0x267: {  	s23 =	simm.s32 $0xA20;
	v2 =	vand.u32 $0xFFFF8000, v2;
	v7 =	vor.u32 s19, v7  }
0x268: {  	s21 =	sand.u32 $0x1FE0, s23;
	v2 =	vor.u32 v2, v7  }
0x269: {  	s18 =	simm.s32 $0x3230;
	v60 =	vld [tilespmem:s21+$0x0];
	v2 =	vor.u32 v0, v2  }
0x26a: {  	vm12 =	veq.s32 v5, $0x0;
	s23 =	sand.u32 $0x7FF0, s18;
	v8 =	vld [tilespmem:s17+$0xFFFFFFF0];
	s22 =	simm.s32 $0xA30;
	[tilespmem:s16+$0xFFFFFFF0] =	vst v2  }
0x26b: {  	s19 =	sand.u32 $0x1FF0, s22;
	v2 =	vsel vm12, $0x0, v59;
	v61 =	vld [tilespmem:s23+$0x0]  }
0x26c: {  	vm13 =	veq.s32 v3, $0x0;
	v1 =	vadd.f32 v2, v1;
	v2 =	vld [tilespmem:s19+$0x0]  }
0x26d: {  	v3 =	vsel vm13, $0x0, v6;
	v62 =	vld [tilespmem:s17+$0x0]  }
0x26e: {  	vm14 =	veq.s32 v60, $0x0;
	v1 =	vadd.f32 v3, v1  }
0x26f: {  	v3 =	vsel vm14, $0x0, v8  }
0x270: {  	s18 =	sand.u32 $0x70, s18;
	v1 =	vadd.f32 v3, v1;
	v3 =	vshll.u32 v61, $0x7  }
0x271: {  	s18 =	sor.u32 s4, s18;
	vm15 =	veq.s32 v2, $0x0;
	v2 =	vshll.u32 v61, $0xC;
	v3 =	vand.u32 $0x380, v3  }
0x272: {  	v63 =	vsel vm15, $0x0, v62;
	v2 =	vand.u32 $0xFFFF8000, v2;
	v3 =	vor.u32 s18, v3  }
0x273: {  	s19 =	simm.s32 $0x3270;
	s18 =	simm.s32 $0x0;
	v1 =	vadd.f32 v63, v1;
	v2 =	vor.u32 v2, v3  }
.LBB2_14:
0x274: {  	s20 =	sadd.s32 $0xFFFFCDD0, s19;
	s18 =	sadd.s32 $0x4, s18;
	v2 =	vor.u32 v0, v2  }
0x275: {  	s21 =	sand.u32 $0xFC0, s20;
	p0 =	slt.u32 s18, $0x9C;
	[tilespmem:s16+$0x0] =	vst v2  }
0x276: {  	v2 =	vld [tilespmem:s21+$0x3200];
	_ =	sdelay $0x4  }
0x277: {  	s20 =	sand.u32 $0x40, s20;
	v3 =	vshll.u32 v2, $0x7  }
0x278: {  	s20 =	sor.u32 s4, s20;
	v2 =	vshll.u32 v2, $0xC;
	v3 =	vand.u32 $0x380, v3  }
0x279: {  	v2 =	vand.u32 $0xFFFF8000, v2;
	v3 =	vor.u32 s20, v3  }
0x27a: {  	v2 =	vor.u32 v2, v3  }
0x27b: {  	s20 =	sadd.s32 $0xFFFFFFE0, s19;
	v2 =	vor.u32 v0, v2  }
0x27c: {  	s22 =	sand.u32 $0x7FD0, s20;
	[tilespmem:s21+$0x9600] =	vst v2  }
0x27d: {  	v2 =	vld [tilespmem:s22+$0x0];
	_ =	sdelay $0x4  }
0x27e: {  	s20 =	sand.u32 $0x50, s20;
	v3 =	vshll.u32 v2, $0x7  }
0x27f: {  	s20 =	sor.u32 s4, s20;
	v2 =	vshll.u32 v2, $0xC;
	v3 =	vand.u32 $0x380, v3  }
0x280: {  	s22 =	sadd.s32 $0xFFFFD7E0, s19;
	v2 =	vand.u32 $0xFFFF8000, v2;
	v4 =	vld [tilespmem:s21+$0xD200];
	v3 =	vor.u32 s20, v3  }
0x281: {  	s20 =	sand.u32 $0x1FD0, s22;
	v5 =	vld [tilespmem:s21+$0xA00];
	v2 =	vor.u32 v2, v3  }
0x282: {  	s17 =	sadd.s32 $0x40, s17;
	s16 =	sadd.s32 $0x40, s16;
	v3 =	vld [tilespmem:s20+$0x0];
	v2 =	vor.u32 v0, v2;
	s20 =	sadd.s32 $0xFFFFFFF0, s19  }
0x283: {  	v6 =	vld [tilespmem:s17+$0xFFFFFFE0];
	[tilespmem:s16+$0xFFFFFFE0] =	vst v2;
	s21 =	sand.u32 $0x7FE0, s20  }
0x284: {  	v2 =	vld [tilespmem:s21+$0x0];
	_ =	sdelay $0x1  }
0x285: {  	vm0 =	veq.s32 v5, $0x0  }
0x286: {  	v4 =	vsel vm0, $0x0, v4;
	vm0 =	veq.s32 v3, $0x0  }
0x287: {  	v1 =	vadd.f32 v4, v1;
	v3 =	vsel vm0, $0x0, v6  }
0x288: {  	s20 =	sand.u32 $0x60, s20;
	v4 =	vshll.u32 v2, $0x7  }
0x289: {  	s20 =	sor.u32 s4, s20;
	v2 =	vshll.u32 v2, $0xC;
	v1 =	vadd.f32 v3, v1;
	v3 =	vand.u32 $0x380, v4  }
0x28a: {  	s21 =	sadd.s32 $0xFFFFD7F0, s19;
	v2 =	vand.u32 $0xFFFF8000, v2;
	v3 =	vor.u32 s20, v3  }
0x28b: {  	s20 =	sand.u32 $0x1FE0, s21;
	v2 =	vor.u32 v2, v3  }
0x28c: {  	v3 =	vld [tilespmem:s20+$0x0];
	v2 =	vor.u32 v0, v2  }
0x28d: {  	s21 =	sand.u32 $0x7FF0, s19;
	s20 =	sadd.s32 $0xFFFFD800, s19;
	v4 =	vld [tilespmem:s17+$0xFFFFFFF0];
	[tilespmem:s16+$0xFFFFFFF0] =	vst v2  }
0x28e: {  	s20 =	sand.u32 $0x1FF0, s20;
	v2 =	vld [tilespmem:s21+$0x0]  }
0x28f: {  	v5 =	vld [tilespmem:s20+$0x0]  }
0x290: {  	v6 =	vld [tilespmem:s17+$0x0]  }
0x291: {  	vm0 =	veq.s32 v3, $0x0  }
.Ltmp6:
0x292: {  	v3 =	vsel vm0, $0x0, v4;
	(pc) =	sbr.rel @p0 .LBB2_14-.Ltmp6, $4  }
0x293: {  	s20 =	sand.u32 $0x70, s19;
	v1 =	vadd.f32 v3, v1;
	v3 =	vshll.u32 v2, $0x7  }
0x294: {  	s20 =	sor.u32 s4, s20;
	v2 =	vshll.u32 v2, $0xC;
	vm0 =	veq.s32 v5, $0x0;
	v3 =	vand.u32 $0x380, v3  }
0x295: {  	v2 =	vand.u32 $0xFFFF8000, v2;
	v4 =	vsel vm0, $0x0, v6;
	v3 =	vor.u32 s20, v3  }
0x296: {  	s19 =	sadd.s32 $0x40, s19;
	v1 =	vadd.f32 v4, v1;
	v2 =	vor.u32 v2, v3  }
0x297: {  	v2 =	vor.u32 v0, v2  }
0x298: {  	s19 =	simm.s32 $0x9600;
	s17 =	simm.s32 $0xFA00;
	[tilespmem:s16+$0x0] =	vst v2  }
0x299: {  	[tilespmem:s17], [sflag:$0x1] =	stream.indirect.gather [hbm4b:s1+s9], $0x1, s19, s9, $0xb8;
	[tilespmem:$0x12C80] =	vst v63  }
0x29a: {  	s20 =	simm.s32 $0x9680;
	s21 =	simm.s32 $0xFA80  }
0x29b: {  	[tilespmem:s21], [sflag:$0x1] =	stream.indirect.gather [hbm4b:s1+s9], $0x1, s20, s9, $0xb8;
	[tilespmem:$0x12C80] =	vst v63  }
0x29c: {  	s22 =	simm.s32 $0x9700;
	s23 =	simm.s32 $0xFB00  }
0x29d: {  	[tilespmem:s23], [sflag:$0x1] =	stream.indirect.gather [hbm4b:s1+s9], $0x1, s22, s9, $0xb8;
	[tilespmem:$0x12C80] =	vst v63  }
0x29e: {  	s18 =	simm.s32 $0x9780;
	s19 =	simm.s32 $0xFB80  }
0x29f: {  	[tilespmem:s19], [sflag:$0x1] =	stream.indirect.gather [hbm4b:s1+s9], $0x1, s18, s9, $0xb8;
	[tilespmem:$0x12C80] =	vst v63  }
0x2a0: {  	s20 =	simm.s32 $0x9800;
	s21 =	simm.s32 $0xFC00  }
0x2a1: {  	[tilespmem:s21], [sflag:$0x1] =	stream.indirect.gather [hbm4b:s1+s9], $0x1, s20, s9, $0xb8;
	[tilespmem:$0x12C80] =	vst v63  }
0x2a2: {  	s22 =	simm.s32 $0x9880;
	s23 =	simm.s32 $0xFC80  }
0x2a3: {  	[tilespmem:s23], [sflag:$0x1] =	stream.indirect.gather [hbm4b:s1+s9], $0x1, s22, s9, $0xb8;
	[tilespmem:$0x12C80] =	vst v63  }
0x2a4: {  	s18 =	simm.s32 $0x9900;
	s19 =	simm.s32 $0xFD00  }
0x2a5: {  	[tilespmem:s19], [sflag:$0x1] =	stream.indirect.gather [hbm4b:s1+s9], $0x1, s18, s9, $0xb8;
	[tilespmem:$0x12C80] =	vst v63  }
0x2a6: {  	s20 =	simm.s32 $0x9980;
	s21 =	simm.s32 $0xFD80  }
0x2a7: {  	[tilespmem:s21], [sflag:$0x1] =	stream.indirect.gather [hbm4b:s1+s9], $0x1, s20, s9, $0xb8;
	[tilespmem:$0x12C80] =	vst v63  }
0x2a8: {  	s22 =	simm.s32 $0x9A00;
	s23 =	simm.s32 $0xFE00  }
0x2a9: {  	[tilespmem:s23], [sflag:$0x1] =	stream.indirect.gather [hbm4b:s1+s9], $0x1, s22, s9, $0xb8;
	[tilespmem:$0x12C80] =	vst v63  }
0x2aa: {  	s18 =	simm.s32 $0x9A80;
	s19 =	simm.s32 $0xFE80  }
0x2ab: {  	[tilespmem:s19], [sflag:$0x1] =	stream.indirect.gather [hbm4b:s1+s9], $0x1, s18, s9, $0xb8;
	[tilespmem:$0x12C80] =	vst v63  }
0x2ac: {  	s20 =	simm.s32 $0x9B00;
	s21 =	simm.s32 $0xFF00  }
0x2ad: {  	[tilespmem:s21], [sflag:$0x1] =	stream.indirect.gather [hbm4b:s1+s9], $0x1, s20, s9, $0xb8;
	[tilespmem:$0x12C80] =	vst v63  }
0x2ae: {  	s22 =	simm.s32 $0x9B80;
	s23 =	simm.s32 $0xFF80  }
0x2af: {  	[tilespmem:s23], [sflag:$0x1] =	stream.indirect.gather [hbm4b:s1+s9], $0x1, s22, s9, $0xb8;
	[tilespmem:$0x12C80] =	vst v63  }
0x2b0: {  	s18 =	simm.s32 $0x9C00;
	s19 =	simm.s32 $0x10000  }
0x2b1: {  	[tilespmem:s19], [sflag:$0x1] =	stream.indirect.gather [hbm4b:s1+s9], $0x1, s18, s9, $0xb8;
	[tilespmem:$0x12C80] =	vst v63  }
0x2b2: {  	s20 =	simm.s32 $0x9C80;
	s21 =	simm.s32 $0x10080  }
0x2b3: {  	[tilespmem:s21], [sflag:$0x1] =	stream.indirect.gather [hbm4b:s1+s9], $0x1, s20, s9, $0xb8;
	[tilespmem:$0x12C80] =	vst v63  }
0x2b4: {  	s22 =	simm.s32 $0x9D00;
	s23 =	simm.s32 $0x10100  }
0x2b5: {  	[tilespmem:s23], [sflag:$0x1] =	stream.indirect.gather [hbm4b:s1+s9], $0x1, s22, s9, $0xb8;
	[tilespmem:$0x12C80] =	vst v63  }
0x2b6: {  	s18 =	simm.s32 $0x9D80;
	s19 =	simm.s32 $0x10180  }
0x2b7: {  	[tilespmem:s19], [sflag:$0x1] =	stream.indirect.gather [hbm4b:s1+s9], $0x1, s18, s9, $0xb8;
	[tilespmem:$0x12C80] =	vst v63  }
0x2b8: {  	s20 =	simm.s32 $0x9E00;
	s21 =	simm.s32 $0x10200  }
0x2b9: {  	[tilespmem:s21], [sflag:$0x1] =	stream.indirect.gather [hbm4b:s1+s9], $0x1, s20, s9, $0xb8;
	[tilespmem:$0x12C80] =	vst v63  }
0x2ba: {  	s22 =	simm.s32 $0x9E80;
	s23 =	simm.s32 $0x10280  }
0x2bb: {  	[tilespmem:s23], [sflag:$0x1] =	stream.indirect.gather [hbm4b:s1+s9], $0x1, s22, s9, $0xb8;
	[tilespmem:$0x12C80] =	vst v63  }
0x2bc: {  	s18 =	simm.s32 $0x9F00;
	s19 =	simm.s32 $0x10300  }
0x2bd: {  	[tilespmem:s19], [sflag:$0x1] =	stream.indirect.gather [hbm4b:s1+s9], $0x1, s18, s9, $0xb8;
	[tilespmem:$0x12C80] =	vst v63  }
0x2be: {  	s20 =	simm.s32 $0x9F80;
	s21 =	simm.s32 $0x10380  }
0x2bf: {  	[tilespmem:s21], [sflag:$0x1] =	stream.indirect.gather [hbm4b:s1+s9], $0x1, s20, s9, $0xb8;
	[tilespmem:$0x12C80] =	vst v63  }
0x2c0: {  	_ =	swait.ge [sflag:s26], $0xA00  }
0x2c1: {  	s19 =	simm.s32 $0x0;
	[sflag:s26] =	ssyncset.done $0x0  }
0x2c2: {  	s20 =	sand.u32 $0xFC0, s19;
	[sflag:s26] =	ssyncadd.s32 $0xFFFFF600  }
0x2c3: {  	v2 =	vld [tilespmem:s20+$0x3C00];
	_ =	sdelay $0x4  }
0x2c4: {  	s19 =	sand.u32 $0x40, s19;
	v3 =	vshll.u32 v2, $0x7  }
0x2c5: {  	s19 =	sor.u32 s4, s19;
	v2 =	vshll.u32 v2, $0xC;
	v3 =	vand.u32 $0x380, v3  }
0x2c6: {  	v2 =	vand.u32 $0xFFFF8000, v2;
	v3 =	vor.u32 s19, v3  }
0x2c7: {  	v2 =	vor.u32 v2, v3  }
0x2c8: {  	s22 =	simm.s32 $0x3C10;
	v2 =	vor.u32 v0, v2  }
0x2c9: {  	s21 =	sand.u32 $0x7FD0, s22;
	[tilespmem:s20+$0xA000] =	vst v2  }
0x2ca: {  	v2 =	vld [tilespmem:s21+$0x0];
	_ =	sdelay $0x4  }
0x2cb: {  	s19 =	sand.u32 $0x50, s22;
	v3 =	vshll.u32 v2, $0x7  }
0x2cc: {  	s19 =	sor.u32 s4, s19;
	v2 =	vshll.u32 v2, $0xC;
	v3 =	vand.u32 $0x380, v3  }
0x2cd: {  	v4 =	vld [tilespmem:s20+$0xDC00];
	v2 =	vand.u32 $0xFFFF8000, v2;
	v3 =	vor.u32 s19, v3  }
0x2ce: {  	s17 =	simm.s32 $0xDC30;
	s23 =	simm.s32 $0x1410;
	v5 =	vld [tilespmem:s20+$0x1400];
	v2 =	vor.u32 v2, v3  }
0x2cf: {  	s16 =	simm.s32 $0xA030;
	s20 =	sand.u32 $0x3FD0, s23;
	s21 =	simm.s32 $0x3C20;
	v6 =	vld [tilespmem:s17+$0xFFFFFFE0];
	v2 =	vor.u32 v0, v2  }
0x2d0: {  	s22 =	sand.u32 $0x7FE0, s21;
	v3 =	vld [tilespmem:s20+$0x0];
	[tilespmem:s16+$0xFFFFFFE0] =	vst v2  }
0x2d1: {  	v2 =	vld [tilespmem:s22+$0x0];
	_ =	sdelay $0x4  }
0x2d2: {  	s19 =	sand.u32 $0x60, s21;
	v7 =	vshll.u32 v2, $0x7  }
0x2d3: {  	s19 =	sor.u32 s4, s19;
	v2 =	vshll.u32 v2, $0xC;
	v7 =	vand.u32 $0x380, v7  }
0x2d4: {  	s23 =	simm.s32 $0x1420;
	v2 =	vand.u32 $0xFFFF8000, v2;
	v7 =	vor.u32 s19, v7  }
0x2d5: {  	s21 =	sand.u32 $0x3FE0, s23;
	v2 =	vor.u32 v2, v7  }
0x2d6: {  	s18 =	simm.s32 $0x3C30;
	v60 =	vld [tilespmem:s21+$0x0];
	v2 =	vor.u32 v0, v2  }
0x2d7: {  	vm0 =	veq.s32 v5, $0x0;
	s23 =	sand.u32 $0x7FF0, s18;
	v8 =	vld [tilespmem:s17+$0xFFFFFFF0];
	s22 =	simm.s32 $0x1430;
	[tilespmem:s16+$0xFFFFFFF0] =	vst v2  }
0x2d8: {  	s19 =	sand.u32 $0x3FF0, s22;
	v2 =	vsel vm0, $0x0, v4;
	v61 =	vld [tilespmem:s23+$0x0]  }
0x2d9: {  	vm13 =	veq.s32 v3, $0x0;
	v1 =	vadd.f32 v2, v1;
	v2 =	vld [tilespmem:s19+$0x0]  }
0x2da: {  	v3 =	vsel vm13, $0x0, v6;
	v62 =	vld [tilespmem:s17+$0x0]  }
0x2db: {  	vm14 =	veq.s32 v60, $0x0;
	v1 =	vadd.f32 v3, v1  }
0x2dc: {  	v3 =	vsel vm14, $0x0, v8  }
0x2dd: {  	s18 =	sand.u32 $0x70, s18;
	v1 =	vadd.f32 v3, v1;
	v3 =	vshll.u32 v61, $0x7  }
0x2de: {  	s18 =	sor.u32 s4, s18;
	vm15 =	veq.s32 v2, $0x0;
	v2 =	vshll.u32 v61, $0xC;
	v3 =	vand.u32 $0x380, v3  }
0x2df: {  	v63 =	vsel vm15, $0x0, v62;
	v2 =	vand.u32 $0xFFFF8000, v2;
	v3 =	vor.u32 s18, v3  }
0x2e0: {  	s19 =	simm.s32 $0x3C70;
	s18 =	simm.s32 $0x0;
	v1 =	vadd.f32 v63, v1;
	v2 =	vor.u32 v2, v3  }
.LBB2_16:
0x2e1: {  	s20 =	sadd.s32 $0xFFFFC3D0, s19;
	s18 =	sadd.s32 $0x4, s18;
	v2 =	vor.u32 v0, v2  }
0x2e2: {  	s21 =	sand.u32 $0xFC0, s20;
	p0 =	slt.u32 s18, $0x9C;
	[tilespmem:s16+$0x0] =	vst v2  }
0x2e3: {  	v2 =	vld [tilespmem:s21+$0x3C00];
	_ =	sdelay $0x4  }
0x2e4: {  	s20 =	sand.u32 $0x40, s20;
	v3 =	vshll.u32 v2, $0x7  }
0x2e5: {  	s20 =	sor.u32 s4, s20;
	v2 =	vshll.u32 v2, $0xC;
	v3 =	vand.u32 $0x380, v3  }
0x2e6: {  	v2 =	vand.u32 $0xFFFF8000, v2;
	v3 =	vor.u32 s20, v3  }
0x2e7: {  	v2 =	vor.u32 v2, v3  }
0x2e8: {  	s20 =	sadd.s32 $0xFFFFFFE0, s19;
	v2 =	vor.u32 v0, v2  }
0x2e9: {  	s22 =	sand.u32 $0x7FD0, s20;
	[tilespmem:s21+$0xA000] =	vst v2  }
0x2ea: {  	v2 =	vld [tilespmem:s22+$0x0];
	_ =	sdelay $0x4  }
0x2eb: {  	s20 =	sand.u32 $0x50, s20;
	v3 =	vshll.u32 v2, $0x7  }
0x2ec: {  	s20 =	sor.u32 s4, s20;
	v2 =	vshll.u32 v2, $0xC;
	v3 =	vand.u32 $0x380, v3  }
0x2ed: {  	s22 =	sadd.s32 $0xFFFFD7E0, s19;
	v2 =	vand.u32 $0xFFFF8000, v2;
	v4 =	vld [tilespmem:s21+$0xDC00];
	v3 =	vor.u32 s20, v3  }
0x2ee: {  	s20 =	sand.u32 $0x3FD0, s22;
	v5 =	vld [tilespmem:s21+$0x1400];
	v2 =	vor.u32 v2, v3  }
0x2ef: {  	s17 =	sadd.s32 $0x40, s17;
	s16 =	sadd.s32 $0x40, s16;
	v3 =	vld [tilespmem:s20+$0x0];
	v2 =	vor.u32 v0, v2;
	s20 =	sadd.s32 $0xFFFFFFF0, s19  }
0x2f0: {  	v6 =	vld [tilespmem:s17+$0xFFFFFFE0];
	[tilespmem:s16+$0xFFFFFFE0] =	vst v2;
	s21 =	sand.u32 $0x7FE0, s20  }
0x2f1: {  	v2 =	vld [tilespmem:s21+$0x0];
	_ =	sdelay $0x1  }
0x2f2: {  	vm0 =	veq.s32 v5, $0x0  }
0x2f3: {  	v4 =	vsel vm0, $0x0, v4;
	vm0 =	veq.s32 v3, $0x0  }
0x2f4: {  	v1 =	vadd.f32 v4, v1;
	v3 =	vsel vm0, $0x0, v6  }
0x2f5: {  	s20 =	sand.u32 $0x60, s20;
	v4 =	vshll.u32 v2, $0x7  }
0x2f6: {  	s20 =	sor.u32 s4, s20;
	v2 =	vshll.u32 v2, $0xC;
	v1 =	vadd.f32 v3, v1;
	v3 =	vand.u32 $0x380, v4  }
0x2f7: {  	s21 =	sadd.s32 $0xFFFFD7F0, s19;
	v2 =	vand.u32 $0xFFFF8000, v2;
	v3 =	vor.u32 s20, v3  }
0x2f8: {  	s20 =	sand.u32 $0x3FE0, s21;
	v2 =	vor.u32 v2, v3  }
0x2f9: {  	v3 =	vld [tilespmem:s20+$0x0];
	v2 =	vor.u32 v0, v2  }
0x2fa: {  	s21 =	sand.u32 $0x7FF0, s19;
	s20 =	sadd.s32 $0xFFFFD800, s19;
	v4 =	vld [tilespmem:s17+$0xFFFFFFF0];
	[tilespmem:s16+$0xFFFFFFF0] =	vst v2  }
0x2fb: {  	s20 =	sand.u32 $0x3FF0, s20;
	v2 =	vld [tilespmem:s21+$0x0]  }
0x2fc: {  	v5 =	vld [tilespmem:s20+$0x0]  }
0x2fd: {  	v6 =	vld [tilespmem:s17+$0x0]  }
0x2fe: {  	vm0 =	veq.s32 v3, $0x0  }
.Ltmp7:
0x2ff: {  	v3 =	vsel vm0, $0x0, v4;
	(pc) =	sbr.rel @p0 .LBB2_16-.Ltmp7, $4  }
0x300: {  	s20 =	sand.u32 $0x70, s19;
	v1 =	vadd.f32 v3, v1;
	v3 =	vshll.u32 v2, $0x7  }
0x301: {  	s20 =	sor.u32 s4, s20;
	v2 =	vshll.u32 v2, $0xC;
	vm0 =	veq.s32 v5, $0x0;
	v3 =	vand.u32 $0x380, v3  }
0x302: {  	v2 =	vand.u32 $0xFFFF8000, v2;
	v4 =	vsel vm0, $0x0, v6;
	v3 =	vor.u32 s20, v3  }
0x303: {  	s19 =	sadd.s32 $0x40, s19;
	v1 =	vadd.f32 v4, v1;
	v2 =	vor.u32 v2, v3  }
0x304: {  	v2 =	vor.u32 v0, v2  }
0x305: {  	s19 =	simm.s32 $0xA000;
	s17 =	simm.s32 $0x10400;
	[tilespmem:s16+$0x0] =	vst v2  }
0x306: {  	[tilespmem:s17], [sflag:$0x2] =	stream.indirect.gather [hbm4b:s1+s9], $0x1, s19, s9, $0xb8;
	[tilespmem:$0x12C80] =	vst v63  }
0x307: {  	s20 =	simm.s32 $0xA080;
	s21 =	simm.s32 $0x10480  }
0x308: {  	[tilespmem:s21], [sflag:$0x2] =	stream.indirect.gather [hbm4b:s1+s9], $0x1, s20, s9, $0xb8;
	[tilespmem:$0x12C80] =	vst v63  }
0x309: {  	s22 =	simm.s32 $0xA100;
	s23 =	simm.s32 $0x10500  }
0x30a: {  	[tilespmem:s23], [sflag:$0x2] =	stream.indirect.gather [hbm4b:s1+s9], $0x1, s22, s9, $0xb8;
	[tilespmem:$0x12C80] =	vst v63  }
0x30b: {  	s18 =	simm.s32 $0xA180;
	s19 =	simm.s32 $0x10580  }
0x30c: {  	[tilespmem:s19], [sflag:$0x2] =	stream.indirect.gather [hbm4b:s1+s9], $0x1, s18, s9, $0xb8;
	[tilespmem:$0x12C80] =	vst v63  }
0x30d: {  	s20 =	simm.s32 $0xA200;
	s21 =	simm.s32 $0x10600  }
0x30e: {  	[tilespmem:s21], [sflag:$0x2] =	stream.indirect.gather [hbm4b:s1+s9], $0x1, s20, s9, $0xb8;
	[tilespmem:$0x12C80] =	vst v63  }
0x30f: {  	s22 =	simm.s32 $0xA280;
	s23 =	simm.s32 $0x10680  }
0x310: {  	[tilespmem:s23], [sflag:$0x2] =	stream.indirect.gather [hbm4b:s1+s9], $0x1, s22, s9, $0xb8;
	[tilespmem:$0x12C80] =	vst v63  }
0x311: {  	s18 =	simm.s32 $0xA300;
	s19 =	simm.s32 $0x10700  }
0x312: {  	[tilespmem:s19], [sflag:$0x2] =	stream.indirect.gather [hbm4b:s1+s9], $0x1, s18, s9, $0xb8;
	[tilespmem:$0x12C80] =	vst v63  }
0x313: {  	s20 =	simm.s32 $0xA380;
	s21 =	simm.s32 $0x10780  }
0x314: {  	[tilespmem:s21], [sflag:$0x2] =	stream.indirect.gather [hbm4b:s1+s9], $0x1, s20, s9, $0xb8;
	[tilespmem:$0x12C80] =	vst v63  }
0x315: {  	s22 =	simm.s32 $0xA400;
	s23 =	simm.s32 $0x10800  }
0x316: {  	[tilespmem:s23], [sflag:$0x2] =	stream.indirect.gather [hbm4b:s1+s9], $0x1, s22, s9, $0xb8;
	[tilespmem:$0x12C80] =	vst v63  }
0x317: {  	s18 =	simm.s32 $0xA480;
	s19 =	simm.s32 $0x10880  }
0x318: {  	[tilespmem:s19], [sflag:$0x2] =	stream.indirect.gather [hbm4b:s1+s9], $0x1, s18, s9, $0xb8;
	[tilespmem:$0x12C80] =	vst v63  }
0x319: {  	s20 =	simm.s32 $0xA500;
	s21 =	simm.s32 $0x10900  }
0x31a: {  	[tilespmem:s21], [sflag:$0x2] =	stream.indirect.gather [hbm4b:s1+s9], $0x1, s20, s9, $0xb8;
	[tilespmem:$0x12C80] =	vst v63  }
0x31b: {  	s22 =	simm.s32 $0xA580;
	s23 =	simm.s32 $0x10980  }
0x31c: {  	[tilespmem:s23], [sflag:$0x2] =	stream.indirect.gather [hbm4b:s1+s9], $0x1, s22, s9, $0xb8;
	[tilespmem:$0x12C80] =	vst v63  }
0x31d: {  	s18 =	simm.s32 $0xA600;
	s19 =	simm.s32 $0x10A00  }
0x31e: {  	[tilespmem:s19], [sflag:$0x2] =	stream.indirect.gather [hbm4b:s1+s9], $0x1, s18, s9, $0xb8;
	[tilespmem:$0x12C80] =	vst v63  }
0x31f: {  	s20 =	simm.s32 $0xA680;
	s21 =	simm.s32 $0x10A80  }
0x320: {  	[tilespmem:s21], [sflag:$0x2] =	stream.indirect.gather [hbm4b:s1+s9], $0x1, s20, s9, $0xb8;
	[tilespmem:$0x12C80] =	vst v63  }
0x321: {  	s22 =	simm.s32 $0xA700;
	s23 =	simm.s32 $0x10B00  }
0x322: {  	[tilespmem:s23], [sflag:$0x2] =	stream.indirect.gather [hbm4b:s1+s9], $0x1, s22, s9, $0xb8;
	[tilespmem:$0x12C80] =	vst v63  }
0x323: {  	s18 =	simm.s32 $0xA780;
	s19 =	simm.s32 $0x10B80  }
0x324: {  	[tilespmem:s19], [sflag:$0x2] =	stream.indirect.gather [hbm4b:s1+s9], $0x1, s18, s9, $0xb8;
	[tilespmem:$0x12C80] =	vst v63  }
0x325: {  	s20 =	simm.s32 $0xA800;
	s21 =	simm.s32 $0x10C00  }
0x326: {  	[tilespmem:s21], [sflag:$0x2] =	stream.indirect.gather [hbm4b:s1+s9], $0x1, s20, s9, $0xb8;
	[tilespmem:$0x12C80] =	vst v63  }
0x327: {  	s22 =	simm.s32 $0xA880;
	s23 =	simm.s32 $0x10C80  }
0x328: {  	[tilespmem:s23], [sflag:$0x2] =	stream.indirect.gather [hbm4b:s1+s9], $0x1, s22, s9, $0xb8;
	[tilespmem:$0x12C80] =	vst v63  }
0x329: {  	s18 =	simm.s32 $0xA900;
	s19 =	simm.s32 $0x10D00  }
0x32a: {  	[tilespmem:s19], [sflag:$0x2] =	stream.indirect.gather [hbm4b:s1+s9], $0x1, s18, s9, $0xb8;
	[tilespmem:$0x12C80] =	vst v63  }
0x32b: {  	s20 =	simm.s32 $0xA980;
	s21 =	simm.s32 $0x10D80  }
0x32c: {  	[tilespmem:s21], [sflag:$0x2] =	stream.indirect.gather [hbm4b:s1+s9], $0x1, s20, s9, $0xb8;
	[tilespmem:$0x12C80] =	vst v63  }
0x32d: {  	_ =	swait.ge [sflag:s28], $0xA00  }
0x32e: {  	s19 =	simm.s32 $0x0;
	[sflag:s28] =	ssyncset.done $0x0  }
0x32f: {  	s20 =	sand.u32 $0xFC0, s19;
	[sflag:s28] =	ssyncadd.s32 $0xFFFFF600  }
0x330: {  	v2 =	vld [tilespmem:s20+$0x4600];
	_ =	sdelay $0x4  }
0x331: {  	s19 =	sand.u32 $0x40, s19;
	v3 =	vshll.u32 v2, $0x7  }
0x332: {  	s19 =	sor.u32 s4, s19;
	v2 =	vshll.u32 v2, $0xC;
	v3 =	vand.u32 $0x380, v3  }
0x333: {  	v2 =	vand.u32 $0xFFFF8000, v2;
	v3 =	vor.u32 s19, v3  }
0x334: {  	v2 =	vor.u32 v2, v3  }
0x335: {  	s22 =	simm.s32 $0x4610;
	v2 =	vor.u32 v0, v2  }
0x336: {  	s21 =	sand.u32 $0x5FD0, s22;
	[tilespmem:s20+$0xAA00] =	vst v2  }
0x337: {  	v2 =	vld [tilespmem:s21+$0x0];
	_ =	sdelay $0x4  }
0x338: {  	s19 =	sand.u32 $0x50, s22;
	v3 =	vshll.u32 v2, $0x7  }
0x339: {  	s19 =	sor.u32 s4, s19;
	v2 =	vshll.u32 v2, $0xC;
	v3 =	vand.u32 $0x380, v3  }
0x33a: {  	v4 =	vld [tilespmem:s20+$0xE600];
	v2 =	vand.u32 $0xFFFF8000, v2;
	v3 =	vor.u32 s19, v3  }
0x33b: {  	s17 =	simm.s32 $0xE630;
	s23 =	simm.s32 $0x1E10;
	v5 =	vld [tilespmem:s20+$0x1E00];
	v2 =	vor.u32 v2, v3  }
0x33c: {  	s16 =	simm.s32 $0xAA10;
	s20 =	sand.u32 $0x3FD0, s23;
	s21 =	simm.s32 $0x4620;
	v6 =	vld [tilespmem:s17+$0xFFFFFFE0];
	v2 =	vor.u32 v0, v2  }
0x33d: {  	s22 =	sand.u32 $0x5FE0, s21;
	v3 =	vld [tilespmem:s20+$0x0];
	[tilespmem:s16+$0x0] =	vst v2  }
0x33e: {  	v2 =	vld [tilespmem:s22+$0x0];
	_ =	sdelay $0x4  }
0x33f: {  	s19 =	sand.u32 $0x60, s21;
	v7 =	vshll.u32 v2, $0x7  }
0x340: {  	s19 =	sor.u32 s4, s19;
	v2 =	vshll.u32 v2, $0xC;
	v7 =	vand.u32 $0x380, v7  }
0x341: {  	s23 =	simm.s32 $0x1E20;
	v2 =	vand.u32 $0xFFFF8000, v2;
	v7 =	vor.u32 s19, v7  }
0x342: {  	s21 =	sand.u32 $0x3FE0, s23;
	v2 =	vor.u32 v2, v7  }
0x343: {  	s18 =	simm.s32 $0x4630;
	v60 =	vld [tilespmem:s21+$0x0];
	v2 =	vor.u32 v0, v2  }
0x344: {  	vm0 =	veq.s32 v5, $0x0;
	s23 =	sand.u32 $0x5FF0, s18;
	v8 =	vld [tilespmem:s17+$0xFFFFFFF0];
	s22 =	simm.s32 $0x1E30;
	[tilespmem:s16+$0x10] =	vst v2  }
0x345: {  	s19 =	sand.u32 $0x3FF0, s22;
	v2 =	vsel vm0, $0x0, v4;
	v61 =	vld [tilespmem:s23+$0x0]  }
0x346: {  	vm13 =	veq.s32 v3, $0x0;
	v1 =	vadd.f32 v2, v1;
	v2 =	vld [tilespmem:s19+$0x0]  }
0x347: {  	v3 =	vsel vm13, $0x0, v6;
	v62 =	vld [tilespmem:s17+$0x0]  }
0x348: {  	vm14 =	veq.s32 v60, $0x0;
	v1 =	vadd.f32 v3, v1  }
0x349: {  	v3 =	vsel vm14, $0x0, v8  }
0x34a: {  	s18 =	sand.u32 $0x70, s18;
	v1 =	vadd.f32 v3, v1;
	v3 =	vshll.u32 v61, $0x7  }
0x34b: {  	s18 =	sor.u32 s4, s18;
	vm15 =	veq.s32 v2, $0x0;
	v2 =	vshll.u32 v61, $0xC;
	v3 =	vand.u32 $0x380, v3  }
0x34c: {  	v63 =	vsel vm15, $0x0, v62;
	v2 =	vand.u32 $0xFFFF8000, v2;
	v3 =	vor.u32 s18, v3  }
0x34d: {  	s19 =	simm.s32 $0x4670;
	s18 =	simm.s32 $0x0;
	v1 =	vadd.f32 v63, v1;
	v2 =	vor.u32 v2, v3  }
.LBB2_18:
0x34e: {  	s20 =	sadd.s32 $0xFFFFB9D0, s19;
	s18 =	sadd.s32 $0x4, s18;
	v2 =	vor.u32 v0, v2  }
0x34f: {  	s21 =	sand.u32 $0xFC0, s20;
	p0 =	slt.u32 s18, $0x9C;
	[tilespmem:s16+$0x20] =	vst v2  }
0x350: {  	v2 =	vld [tilespmem:s21+$0x4600];
	_ =	sdelay $0x4  }
0x351: {  	s20 =	sand.u32 $0x40, s20;
	v3 =	vshll.u32 v2, $0x7  }
0x352: {  	s20 =	sor.u32 s4, s20;
	v2 =	vshll.u32 v2, $0xC;
	v3 =	vand.u32 $0x380, v3  }
0x353: {  	v2 =	vand.u32 $0xFFFF8000, v2;
	v3 =	vor.u32 s20, v3  }
0x354: {  	v2 =	vor.u32 v2, v3  }
0x355: {  	s20 =	sadd.s32 $0xFFFFFFE0, s19;
	v2 =	vor.u32 v0, v2  }
0x356: {  	s22 =	sand.u32 $0x5FD0, s20;
	[tilespmem:s21+$0xAA00] =	vst v2  }
0x357: {  	v2 =	vld [tilespmem:s22+$0x0];
	_ =	sdelay $0x4  }
0x358: {  	s20 =	sand.u32 $0x50, s20;
	v3 =	vshll.u32 v2, $0x7  }
0x359: {  	s20 =	sor.u32 s4, s20;
	v2 =	vshll.u32 v2, $0xC;
	v3 =	vand.u32 $0x380, v3  }
0x35a: {  	s22 =	sadd.s32 $0xFFFFD7E0, s19;
	v2 =	vand.u32 $0xFFFF8000, v2;
	v4 =	vld [tilespmem:s21+$0xE600];
	v3 =	vor.u32 s20, v3  }
0x35b: {  	s20 =	sand.u32 $0x3FD0, s22;
	v5 =	vld [tilespmem:s21+$0x1E00];
	v2 =	vor.u32 v2, v3  }
0x35c: {  	s17 =	sadd.s32 $0x40, s17;
	s16 =	sadd.s32 $0x40, s16;
	v3 =	vld [tilespmem:s20+$0x0];
	v2 =	vor.u32 v0, v2;
	s20 =	sadd.s32 $0xFFFFFFF0, s19  }
0x35d: {  	v6 =	vld [tilespmem:s17+$0xFFFFFFE0];
	[tilespmem:s16+$0x0] =	vst v2;
	s21 =	sand.u32 $0x5FE0, s20  }
0x35e: {  	v2 =	vld [tilespmem:s21+$0x0];
	_ =	sdelay $0x1  }
0x35f: {  	vm0 =	veq.s32 v5, $0x0  }
0x360: {  	v4 =	vsel vm0, $0x0, v4;
	vm0 =	veq.s32 v3, $0x0  }
0x361: {  	v1 =	vadd.f32 v4, v1;
	v3 =	vsel vm0, $0x0, v6  }
0x362: {  	s20 =	sand.u32 $0x60, s20;
	v4 =	vshll.u32 v2, $0x7  }
0x363: {  	s20 =	sor.u32 s4, s20;
	v2 =	vshll.u32 v2, $0xC;
	v1 =	vadd.f32 v3, v1;
	v3 =	vand.u32 $0x380, v4  }
0x364: {  	s21 =	sadd.s32 $0xFFFFD7F0, s19;
	v2 =	vand.u32 $0xFFFF8000, v2;
	v3 =	vor.u32 s20, v3  }
0x365: {  	s20 =	sand.u32 $0x3FE0, s21;
	v2 =	vor.u32 v2, v3  }
0x366: {  	v3 =	vld [tilespmem:s20+$0x0];
	v2 =	vor.u32 v0, v2  }
0x367: {  	s21 =	sand.u32 $0x5FF0, s19;
	s20 =	sadd.s32 $0xFFFFD800, s19;
	v4 =	vld [tilespmem:s17+$0xFFFFFFF0];
	[tilespmem:s16+$0x10] =	vst v2  }
0x368: {  	s20 =	sand.u32 $0x3FF0, s20;
	v2 =	vld [tilespmem:s21+$0x0]  }
0x369: {  	v5 =	vld [tilespmem:s20+$0x0]  }
0x36a: {  	v6 =	vld [tilespmem:s17+$0x0]  }
0x36b: {  	vm0 =	veq.s32 v3, $0x0  }
.Ltmp8:
0x36c: {  	v3 =	vsel vm0, $0x0, v4;
	(pc) =	sbr.rel @p0 .LBB2_18-.Ltmp8, $4  }
0x36d: {  	s20 =	sand.u32 $0x70, s19;
	v1 =	vadd.f32 v3, v1;
	v3 =	vshll.u32 v2, $0x7  }
0x36e: {  	s20 =	sor.u32 s4, s20;
	v2 =	vshll.u32 v2, $0xC;
	vm0 =	veq.s32 v5, $0x0;
	v3 =	vand.u32 $0x380, v3  }
0x36f: {  	v2 =	vand.u32 $0xFFFF8000, v2;
	v4 =	vsel vm0, $0x0, v6;
	v3 =	vor.u32 s20, v3  }
0x370: {  	s19 =	sadd.s32 $0x40, s19;
	v1 =	vadd.f32 v4, v1;
	v2 =	vor.u32 v2, v3  }
0x371: {  	v2 =	vor.u32 v0, v2  }
0x372: {  	s19 =	simm.s32 $0xAA00;
	s17 =	simm.s32 $0x10E00;
	[tilespmem:s16+$0x20] =	vst v2  }
0x373: {  	[tilespmem:s17], [sflag:$0x3] =	stream.indirect.gather [hbm4b:s1+s9], $0x1, s19, s9, $0xb8;
	[tilespmem:$0x12C80] =	vst v63  }
0x374: {  	s20 =	simm.s32 $0xAA80;
	s21 =	simm.s32 $0x10E80  }
0x375: {  	[tilespmem:s21], [sflag:$0x3] =	stream.indirect.gather [hbm4b:s1+s9], $0x1, s20, s9, $0xb8;
	[tilespmem:$0x12C80] =	vst v63  }
0x376: {  	s22 =	simm.s32 $0xAB00;
	s23 =	simm.s32 $0x10F00  }
0x377: {  	[tilespmem:s23], [sflag:$0x3] =	stream.indirect.gather [hbm4b:s1+s9], $0x1, s22, s9, $0xb8;
	[tilespmem:$0x12C80] =	vst v63  }
0x378: {  	s18 =	simm.s32 $0xAB80;
	s19 =	simm.s32 $0x10F80  }
0x379: {  	[tilespmem:s19], [sflag:$0x3] =	stream.indirect.gather [hbm4b:s1+s9], $0x1, s18, s9, $0xb8;
	[tilespmem:$0x12C80] =	vst v63  }
0x37a: {  	s20 =	simm.s32 $0xAC00;
	s21 =	simm.s32 $0x11000  }
0x37b: {  	[tilespmem:s21], [sflag:$0x3] =	stream.indirect.gather [hbm4b:s1+s9], $0x1, s20, s9, $0xb8;
	[tilespmem:$0x12C80] =	vst v63  }
0x37c: {  	s22 =	simm.s32 $0xAC80;
	s23 =	simm.s32 $0x11080  }
0x37d: {  	[tilespmem:s23], [sflag:$0x3] =	stream.indirect.gather [hbm4b:s1+s9], $0x1, s22, s9, $0xb8;
	[tilespmem:$0x12C80] =	vst v63  }
0x37e: {  	s18 =	simm.s32 $0xAD00;
	s19 =	simm.s32 $0x11100  }
0x37f: {  	[tilespmem:s19], [sflag:$0x3] =	stream.indirect.gather [hbm4b:s1+s9], $0x1, s18, s9, $0xb8;
	[tilespmem:$0x12C80] =	vst v63  }
0x380: {  	s20 =	simm.s32 $0xAD80;
	s21 =	simm.s32 $0x11180  }
0x381: {  	[tilespmem:s21], [sflag:$0x3] =	stream.indirect.gather [hbm4b:s1+s9], $0x1, s20, s9, $0xb8;
	[tilespmem:$0x12C80] =	vst v63  }
0x382: {  	s22 =	simm.s32 $0xAE00;
	s23 =	simm.s32 $0x11200  }
0x383: {  	[tilespmem:s23], [sflag:$0x3] =	stream.indirect.gather [hbm4b:s1+s9], $0x1, s22, s9, $0xb8;
	[tilespmem:$0x12C80] =	vst v63  }
0x384: {  	s18 =	simm.s32 $0xAE80;
	s19 =	simm.s32 $0x11280  }
0x385: {  	[tilespmem:s19], [sflag:$0x3] =	stream.indirect.gather [hbm4b:s1+s9], $0x1, s18, s9, $0xb8;
	[tilespmem:$0x12C80] =	vst v63  }
0x386: {  	s20 =	simm.s32 $0xAF00;
	s21 =	simm.s32 $0x11300  }
0x387: {  	[tilespmem:s21], [sflag:$0x3] =	stream.indirect.gather [hbm4b:s1+s9], $0x1, s20, s9, $0xb8;
	[tilespmem:$0x12C80] =	vst v63  }
0x388: {  	s22 =	simm.s32 $0xAF80;
	s23 =	simm.s32 $0x11380  }
0x389: {  	[tilespmem:s23], [sflag:$0x3] =	stream.indirect.gather [hbm4b:s1+s9], $0x1, s22, s9, $0xb8;
	[tilespmem:$0x12C80] =	vst v63  }
0x38a: {  	s18 =	simm.s32 $0xB000;
	s19 =	simm.s32 $0x11400  }
0x38b: {  	[tilespmem:s19], [sflag:$0x3] =	stream.indirect.gather [hbm4b:s1+s9], $0x1, s18, s9, $0xb8;
	[tilespmem:$0x12C80] =	vst v63  }
0x38c: {  	s20 =	simm.s32 $0xB080;
	s21 =	simm.s32 $0x11480  }
0x38d: {  	[tilespmem:s21], [sflag:$0x3] =	stream.indirect.gather [hbm4b:s1+s9], $0x1, s20, s9, $0xb8;
	[tilespmem:$0x12C80] =	vst v63  }
0x38e: {  	s22 =	simm.s32 $0xB100;
	s23 =	simm.s32 $0x11500  }
0x38f: {  	[tilespmem:s23], [sflag:$0x3] =	stream.indirect.gather [hbm4b:s1+s9], $0x1, s22, s9, $0xb8;
	[tilespmem:$0x12C80] =	vst v63  }
0x390: {  	s18 =	simm.s32 $0xB180;
	s19 =	simm.s32 $0x11580  }
0x391: {  	[tilespmem:s19], [sflag:$0x3] =	stream.indirect.gather [hbm4b:s1+s9], $0x1, s18, s9, $0xb8;
	[tilespmem:$0x12C80] =	vst v63  }
0x392: {  	s20 =	simm.s32 $0xB200;
	s21 =	simm.s32 $0x11600  }
0x393: {  	[tilespmem:s21], [sflag:$0x3] =	stream.indirect.gather [hbm4b:s1+s9], $0x1, s20, s9, $0xb8;
	[tilespmem:$0x12C80] =	vst v63  }
0x394: {  	s22 =	simm.s32 $0xB280;
	s23 =	simm.s32 $0x11680  }
0x395: {  	[tilespmem:s23], [sflag:$0x3] =	stream.indirect.gather [hbm4b:s1+s9], $0x1, s22, s9, $0xb8;
	[tilespmem:$0x12C80] =	vst v63  }
0x396: {  	s18 =	simm.s32 $0xB300;
	s19 =	simm.s32 $0x11700  }
0x397: {  	[tilespmem:s19], [sflag:$0x3] =	stream.indirect.gather [hbm4b:s1+s9], $0x1, s18, s9, $0xb8;
	[tilespmem:$0x12C80] =	vst v63  }
0x398: {  	s20 =	simm.s32 $0xB380;
	s21 =	simm.s32 $0x11780  }
0x399: {  	[tilespmem:s21], [sflag:$0x3] =	stream.indirect.gather [hbm4b:s1+s9], $0x1, s20, s9, $0xb8;
	[tilespmem:$0x12C80] =	vst v63  }
0x39a: {  	_ =	swait.ge [sflag:s8], $0xA00  }
0x39b: {  	s19 =	simm.s32 $0x0;
	[sflag:s8] =	ssyncset.done $0x0  }
0x39c: {  	s20 =	sand.u32 $0xFC0, s19;
	[sflag:s8] =	ssyncadd.s32 $0xFFFFF600  }
0x39d: {  	v2 =	vld [tilespmem:s20+$0x5000];
	_ =	sdelay $0x4  }
0x39e: {  	s19 =	sand.u32 $0x40, s19;
	v3 =	vshll.u32 v2, $0x7  }
0x39f: {  	s19 =	sor.u32 s4, s19;
	v2 =	vshll.u32 v2, $0xC;
	v3 =	vand.u32 $0x380, v3  }
0x3a0: {  	v2 =	vand.u32 $0xFFFF8000, v2;
	v3 =	vor.u32 s19, v3  }
0x3a1: {  	v2 =	vor.u32 v2, v3  }
0x3a2: {  	s22 =	simm.s32 $0x5010;
	v2 =	vor.u32 v0, v2  }
0x3a3: {  	s21 =	sand.u32 $0x5FD0, s22;
	[tilespmem:s20+$0xB400] =	vst v2  }
0x3a4: {  	v2 =	vld [tilespmem:s21+$0x0];
	_ =	sdelay $0x4  }
0x3a5: {  	s19 =	sand.u32 $0x50, s22;
	v3 =	vshll.u32 v2, $0x7  }
0x3a6: {  	s19 =	sor.u32 s4, s19;
	v2 =	vshll.u32 v2, $0xC;
	v3 =	vand.u32 $0x380, v3  }
0x3a7: {  	v4 =	vld [tilespmem:s20+$0xF000];
	v2 =	vand.u32 $0xFFFF8000, v2;
	v3 =	vor.u32 s19, v3  }
0x3a8: {  	s17 =	simm.s32 $0xF030;
	s23 =	simm.s32 $0x2810;
	v5 =	vld [tilespmem:s20+$0x2800];
	v2 =	vor.u32 v2, v3  }
0x3a9: {  	s16 =	simm.s32 $0xB410;
	s20 =	sand.u32 $0x3FD0, s23;
	s21 =	simm.s32 $0x5020;
	v6 =	vld [tilespmem:s17+$0xFFFFFFE0];
	v2 =	vor.u32 v0, v2  }
0x3aa: {  	s22 =	sand.u32 $0x5FE0, s21;
	v3 =	vld [tilespmem:s20+$0x0];
	[tilespmem:s16+$0x0] =	vst v2  }
0x3ab: {  	v2 =	vld [tilespmem:s22+$0x0];
	_ =	sdelay $0x4  }
0x3ac: {  	s19 =	sand.u32 $0x60, s21;
	v7 =	vshll.u32 v2, $0x7  }
0x3ad: {  	s19 =	sor.u32 s4, s19;
	v2 =	vshll.u32 v2, $0xC;
	v7 =	vand.u32 $0x380, v7  }
0x3ae: {  	s23 =	simm.s32 $0x2820;
	v2 =	vand.u32 $0xFFFF8000, v2;
	v7 =	vor.u32 s19, v7  }
0x3af: {  	s21 =	sand.u32 $0x3FE0, s23;
	v2 =	vor.u32 v2, v7  }
0x3b0: {  	s18 =	simm.s32 $0x5030;
	v60 =	vld [tilespmem:s21+$0x0];
	v2 =	vor.u32 v0, v2  }
0x3b1: {  	vm0 =	veq.s32 v5, $0x0;
	s23 =	sand.u32 $0x5FF0, s18;
	v8 =	vld [tilespmem:s17+$0xFFFFFFF0];
	s22 =	simm.s32 $0x2830;
	[tilespmem:s16+$0x10] =	vst v2  }
0x3b2: {  	s19 =	sand.u32 $0x3FF0, s22;
	v2 =	vsel vm0, $0x0, v4;
	v61 =	vld [tilespmem:s23+$0x0]  }
0x3b3: {  	vm13 =	veq.s32 v3, $0x0;
	v1 =	vadd.f32 v2, v1;
	v2 =	vld [tilespmem:s19+$0x0]  }
0x3b4: {  	v3 =	vsel vm13, $0x0, v6;
	v62 =	vld [tilespmem:s17+$0x0]  }
0x3b5: {  	vm14 =	veq.s32 v60, $0x0;
	v1 =	vadd.f32 v3, v1  }
0x3b6: {  	v3 =	vsel vm14, $0x0, v8  }
0x3b7: {  	s18 =	sand.u32 $0x70, s18;
	v1 =	vadd.f32 v3, v1;
	v3 =	vshll.u32 v61, $0x7  }
0x3b8: {  	s18 =	sor.u32 s4, s18;
	vm15 =	veq.s32 v2, $0x0;
	v2 =	vshll.u32 v61, $0xC;
	v3 =	vand.u32 $0x380, v3  }
0x3b9: {  	v63 =	vsel vm15, $0x0, v62;
	v2 =	vand.u32 $0xFFFF8000, v2;
	v3 =	vor.u32 s18, v3  }
0x3ba: {  	s19 =	simm.s32 $0x5070;
	s18 =	simm.s32 $0x0;
	v1 =	vadd.f32 v63, v1;
	v2 =	vor.u32 v2, v3  }
.LBB2_20:
0x3bb: {  	s20 =	sadd.s32 $0xFFFFAFD0, s19;
	s18 =	sadd.s32 $0x4, s18;
	v2 =	vor.u32 v0, v2  }
0x3bc: {  	s21 =	sand.u32 $0xFC0, s20;
	p0 =	slt.u32 s18, $0x9C;
	[tilespmem:s16+$0x20] =	vst v2  }
0x3bd: {  	v2 =	vld [tilespmem:s21+$0x5000];
	_ =	sdelay $0x4  }
0x3be: {  	s20 =	sand.u32 $0x40, s20;
	v3 =	vshll.u32 v2, $0x7  }
0x3bf: {  	s20 =	sor.u32 s4, s20;
	v2 =	vshll.u32 v2, $0xC;
	v3 =	vand.u32 $0x380, v3  }
0x3c0: {  	v2 =	vand.u32 $0xFFFF8000, v2;
	v3 =	vor.u32 s20, v3  }
0x3c1: {  	v2 =	vor.u32 v2, v3  }
0x3c2: {  	s20 =	sadd.s32 $0xFFFFFFE0, s19;
	v2 =	vor.u32 v0, v2  }
0x3c3: {  	s22 =	sand.u32 $0x5FD0, s20;
	[tilespmem:s21+$0xB400] =	vst v2  }
0x3c4: {  	v2 =	vld [tilespmem:s22+$0x0];
	_ =	sdelay $0x4  }
0x3c5: {  	s20 =	sand.u32 $0x50, s20;
	v3 =	vshll.u32 v2, $0x7  }
0x3c6: {  	s20 =	sor.u32 s4, s20;
	v2 =	vshll.u32 v2, $0xC;
	v3 =	vand.u32 $0x380, v3  }
0x3c7: {  	s22 =	sadd.s32 $0xFFFFD7E0, s19;
	v2 =	vand.u32 $0xFFFF8000, v2;
	v4 =	vld [tilespmem:s21+$0xF000];
	v3 =	vor.u32 s20, v3  }
0x3c8: {  	s20 =	sand.u32 $0x3FD0, s22;
	v5 =	vld [tilespmem:s21+$0x2800];
	v2 =	vor.u32 v2, v3  }
0x3c9: {  	s17 =	sadd.s32 $0x40, s17;
	s16 =	sadd.s32 $0x40, s16;
	v3 =	vld [tilespmem:s20+$0x0];
	v2 =	vor.u32 v0, v2;
	s20 =	sadd.s32 $0xFFFFFFF0, s19  }
0x3ca: {  	v6 =	vld [tilespmem:s17+$0xFFFFFFE0];
	[tilespmem:s16+$0x0] =	vst v2;
	s21 =	sand.u32 $0x5FE0, s20  }
0x3cb: {  	v2 =	vld [tilespmem:s21+$0x0];
	_ =	sdelay $0x1  }
0x3cc: {  	vm0 =	veq.s32 v5, $0x0  }
0x3cd: {  	v4 =	vsel vm0, $0x0, v4;
	vm0 =	veq.s32 v3, $0x0  }
0x3ce: {  	v1 =	vadd.f32 v4, v1;
	v3 =	vsel vm0, $0x0, v6  }
0x3cf: {  	s20 =	sand.u32 $0x60, s20;
	v4 =	vshll.u32 v2, $0x7  }
0x3d0: {  	s20 =	sor.u32 s4, s20;
	v2 =	vshll.u32 v2, $0xC;
	v1 =	vadd.f32 v3, v1;
	v3 =	vand.u32 $0x380, v4  }
0x3d1: {  	s21 =	sadd.s32 $0xFFFFD7F0, s19;
	v2 =	vand.u32 $0xFFFF8000, v2;
	v3 =	vor.u32 s20, v3  }
0x3d2: {  	s20 =	sand.u32 $0x3FE0, s21;
	v2 =	vor.u32 v2, v3  }
0x3d3: {  	v3 =	vld [tilespmem:s20+$0x0];
	v2 =	vor.u32 v0, v2  }
0x3d4: {  	s21 =	sand.u32 $0x5FF0, s19;
	s20 =	sadd.s32 $0xFFFFD800, s19;
	v4 =	vld [tilespmem:s17+$0xFFFFFFF0];
	[tilespmem:s16+$0x10] =	vst v2  }
0x3d5: {  	s20 =	sand.u32 $0x3FF0, s20;
	v2 =	vld [tilespmem:s21+$0x0]  }
0x3d6: {  	v5 =	vld [tilespmem:s20+$0x0]  }
0x3d7: {  	v6 =	vld [tilespmem:s17+$0x0]  }
0x3d8: {  	vm0 =	veq.s32 v3, $0x0  }
.Ltmp9:
0x3d9: {  	v3 =	vsel vm0, $0x0, v4;
	(pc) =	sbr.rel @p0 .LBB2_20-.Ltmp9, $4  }
0x3da: {  	s20 =	sand.u32 $0x70, s19;
	v1 =	vadd.f32 v3, v1;
	v3 =	vshll.u32 v2, $0x7  }
0x3db: {  	s20 =	sor.u32 s4, s20;
	v2 =	vshll.u32 v2, $0xC;
	vm0 =	veq.s32 v5, $0x0;
	v3 =	vand.u32 $0x380, v3  }
0x3dc: {  	v2 =	vand.u32 $0xFFFF8000, v2;
	v4 =	vsel vm0, $0x0, v6;
	v3 =	vor.u32 s20, v3  }
0x3dd: {  	s19 =	sadd.s32 $0x40, s19;
	v1 =	vadd.f32 v4, v1;
	v2 =	vor.u32 v2, v3  }
0x3de: {  	v2 =	vor.u32 v0, v2  }
0x3df: {  	s19 =	simm.s32 $0xB400;
	s17 =	simm.s32 $0x11800;
	[tilespmem:s16+$0x20] =	vst v2  }
0x3e0: {  	[tilespmem:s17], [sflag:$0x4] =	stream.indirect.gather [hbm4b:s1+s9], $0x1, s19, s9, $0xb8;
	[tilespmem:$0x12C80] =	vst v63  }
0x3e1: {  	s20 =	simm.s32 $0xB480;
	s21 =	simm.s32 $0x11880  }
0x3e2: {  	[tilespmem:s21], [sflag:$0x4] =	stream.indirect.gather [hbm4b:s1+s9], $0x1, s20, s9, $0xb8;
	[tilespmem:$0x12C80] =	vst v63  }
0x3e3: {  	s22 =	simm.s32 $0xB500;
	s23 =	simm.s32 $0x11900  }
0x3e4: {  	[tilespmem:s23], [sflag:$0x4] =	stream.indirect.gather [hbm4b:s1+s9], $0x1, s22, s9, $0xb8;
	[tilespmem:$0x12C80] =	vst v63  }
0x3e5: {  	s18 =	simm.s32 $0xB580;
	s19 =	simm.s32 $0x11980  }
0x3e6: {  	[tilespmem:s19], [sflag:$0x4] =	stream.indirect.gather [hbm4b:s1+s9], $0x1, s18, s9, $0xb8;
	[tilespmem:$0x12C80] =	vst v63  }
0x3e7: {  	s20 =	simm.s32 $0xB600;
	s21 =	simm.s32 $0x11A00  }
0x3e8: {  	[tilespmem:s21], [sflag:$0x4] =	stream.indirect.gather [hbm4b:s1+s9], $0x1, s20, s9, $0xb8;
	[tilespmem:$0x12C80] =	vst v63  }
0x3e9: {  	s22 =	simm.s32 $0xB680;
	s23 =	simm.s32 $0x11A80  }
0x3ea: {  	[tilespmem:s23], [sflag:$0x4] =	stream.indirect.gather [hbm4b:s1+s9], $0x1, s22, s9, $0xb8;
	[tilespmem:$0x12C80] =	vst v63  }
0x3eb: {  	s18 =	simm.s32 $0xB700;
	s19 =	simm.s32 $0x11B00  }
0x3ec: {  	[tilespmem:s19], [sflag:$0x4] =	stream.indirect.gather [hbm4b:s1+s9], $0x1, s18, s9, $0xb8;
	[tilespmem:$0x12C80] =	vst v63  }
0x3ed: {  	s20 =	simm.s32 $0xB780;
	s21 =	simm.s32 $0x11B80  }
0x3ee: {  	[tilespmem:s21], [sflag:$0x4] =	stream.indirect.gather [hbm4b:s1+s9], $0x1, s20, s9, $0xb8;
	[tilespmem:$0x12C80] =	vst v63  }
0x3ef: {  	s22 =	simm.s32 $0xB800;
	s23 =	simm.s32 $0x11C00  }
0x3f0: {  	[tilespmem:s23], [sflag:$0x4] =	stream.indirect.gather [hbm4b:s1+s9], $0x1, s22, s9, $0xb8;
	[tilespmem:$0x12C80] =	vst v63  }
0x3f1: {  	s18 =	simm.s32 $0xB880;
	s19 =	simm.s32 $0x11C80  }
0x3f2: {  	[tilespmem:s19], [sflag:$0x4] =	stream.indirect.gather [hbm4b:s1+s9], $0x1, s18, s9, $0xb8;
	[tilespmem:$0x12C80] =	vst v63  }
0x3f3: {  	s20 =	simm.s32 $0xB900;
	s21 =	simm.s32 $0x11D00  }
0x3f4: {  	[tilespmem:s21], [sflag:$0x4] =	stream.indirect.gather [hbm4b:s1+s9], $0x1, s20, s9, $0xb8;
	[tilespmem:$0x12C80] =	vst v63  }
0x3f5: {  	s22 =	simm.s32 $0xB980;
	s23 =	simm.s32 $0x11D80  }
0x3f6: {  	[tilespmem:s23], [sflag:$0x4] =	stream.indirect.gather [hbm4b:s1+s9], $0x1, s22, s9, $0xb8;
	[tilespmem:$0x12C80] =	vst v63  }
0x3f7: {  	s18 =	simm.s32 $0xBA00;
	s19 =	simm.s32 $0x11E00  }
0x3f8: {  	[tilespmem:s19], [sflag:$0x4] =	stream.indirect.gather [hbm4b:s1+s9], $0x1, s18, s9, $0xb8;
	[tilespmem:$0x12C80] =	vst v63  }
0x3f9: {  	s20 =	simm.s32 $0xBA80;
	s21 =	simm.s32 $0x11E80  }
0x3fa: {  	[tilespmem:s21], [sflag:$0x4] =	stream.indirect.gather [hbm4b:s1+s9], $0x1, s20, s9, $0xb8;
	[tilespmem:$0x12C80] =	vst v63  }
0x3fb: {  	s22 =	simm.s32 $0xBB00;
	s23 =	simm.s32 $0x11F00  }
0x3fc: {  	[tilespmem:s23], [sflag:$0x4] =	stream.indirect.gather [hbm4b:s1+s9], $0x1, s22, s9, $0xb8;
	[tilespmem:$0x12C80] =	vst v63  }
0x3fd: {  	s18 =	simm.s32 $0xBB80;
	s19 =	simm.s32 $0x11F80  }
0x3fe: {  	[tilespmem:s19], [sflag:$0x4] =	stream.indirect.gather [hbm4b:s1+s9], $0x1, s18, s9, $0xb8;
	[tilespmem:$0x12C80] =	vst v63  }
0x3ff: {  	s20 =	simm.s32 $0xBC00;
	s21 =	simm.s32 $0x12000  }
0x400: {  	[tilespmem:s21], [sflag:$0x4] =	stream.indirect.gather [hbm4b:s1+s9], $0x1, s20, s9, $0xb8;
	[tilespmem:$0x12C80] =	vst v63  }
0x401: {  	s22 =	simm.s32 $0xBC80;
	s23 =	simm.s32 $0x12080  }
0x402: {  	[tilespmem:s23], [sflag:$0x4] =	stream.indirect.gather [hbm4b:s1+s9], $0x1, s22, s9, $0xb8;
	[tilespmem:$0x12C80] =	vst v63  }
0x403: {  	s18 =	simm.s32 $0xBD00;
	s19 =	simm.s32 $0x12100  }
0x404: {  	[tilespmem:s19], [sflag:$0x4] =	stream.indirect.gather [hbm4b:s1+s9], $0x1, s18, s9, $0xb8;
	[tilespmem:$0x12C80] =	vst v63  }
0x405: {  	s20 =	simm.s32 $0xBD80;
	s21 =	simm.s32 $0x12180  }
0x406: {  	[tilespmem:s21], [sflag:$0x4] =	stream.indirect.gather [hbm4b:s1+s9], $0x1, s20, s9, $0xb8;
	[tilespmem:$0x12C80] =	vst v63  }
0x407: {  	_ =	swait.ge [sflag:s2], $0xA00  }
0x408: {  	s19 =	simm.s32 $0x0;
	[sflag:s2] =	ssyncset.done $0x0  }
0x409: {  	s20 =	sand.u32 $0xFC0, s19;
	[sflag:s2] =	ssyncadd.s32 $0xFFFFF600  }
0x40a: {  	v2 =	vld [tilespmem:s20+$0x5A00];
	_ =	sdelay $0x4  }
0x40b: {  	s19 =	sand.u32 $0x40, s19;
	v3 =	vshll.u32 v2, $0x7  }
0x40c: {  	s19 =	sor.u32 s4, s19;
	v2 =	vshll.u32 v2, $0xC;
	v3 =	vand.u32 $0x380, v3  }
0x40d: {  	v2 =	vand.u32 $0xFFFF8000, v2;
	v3 =	vor.u32 s19, v3  }
0x40e: {  	v2 =	vor.u32 v2, v3  }
0x40f: {  	s22 =	simm.s32 $0x5A10;
	v2 =	vor.u32 v0, v2  }
0x410: {  	s21 =	sand.u32 $0x7FD0, s22;
	[tilespmem:s20+$0xBE00] =	vst v2  }
0x411: {  	v2 =	vld [tilespmem:s21+$0x0];
	_ =	sdelay $0x4  }
0x412: {  	s19 =	sand.u32 $0x50, s22;
	v3 =	vshll.u32 v2, $0x7  }
0x413: {  	s19 =	sor.u32 s4, s19;
	v2 =	vshll.u32 v2, $0xC;
	v3 =	vand.u32 $0x380, v3  }
0x414: {  	v4 =	vld [tilespmem:s20+$0xFA00];
	v2 =	vand.u32 $0xFFFF8000, v2;
	v3 =	vor.u32 s19, v3  }
0x415: {  	s17 =	simm.s32 $0xFA30;
	s23 =	simm.s32 $0x3210;
	v5 =	vld [tilespmem:s20+$0x3200];
	v2 =	vor.u32 v2, v3  }
0x416: {  	s16 =	simm.s32 $0xBE10;
	s20 =	sand.u32 $0x7FD0, s23;
	s21 =	simm.s32 $0x5A20;
	v6 =	vld [tilespmem:s17+$0xFFFFFFE0];
	v2 =	vor.u32 v0, v2  }
0x417: {  	s22 =	sand.u32 $0x7FE0, s21;
	v3 =	vld [tilespmem:s20+$0x0];
	[tilespmem:s16+$0x0] =	vst v2  }
0x418: {  	v2 =	vld [tilespmem:s22+$0x0];
	_ =	sdelay $0x4  }
0x419: {  	s19 =	sand.u32 $0x60, s21;
	v7 =	vshll.u32 v2, $0x7  }
0x41a: {  	s19 =	sor.u32 s4, s19;
	v2 =	vshll.u32 v2, $0xC;
	v7 =	vand.u32 $0x380, v7  }
0x41b: {  	s23 =	simm.s32 $0x3220;
	v2 =	vand.u32 $0xFFFF8000, v2;
	v7 =	vor.u32 s19, v7  }
0x41c: {  	s21 =	sand.u32 $0x7FE0, s23;
	v2 =	vor.u32 v2, v7  }
0x41d: {  	s18 =	simm.s32 $0x5A30;
	v60 =	vld [tilespmem:s21+$0x0];
	v2 =	vor.u32 v0, v2  }
0x41e: {  	vm0 =	veq.s32 v5, $0x0;
	s23 =	sand.u32 $0x7FF0, s18;
	v8 =	vld [tilespmem:s17+$0xFFFFFFF0];
	s22 =	simm.s32 $0x3230;
	[tilespmem:s16+$0x10] =	vst v2  }
0x41f: {  	s19 =	sand.u32 $0x7FF0, s22;
	v2 =	vsel vm0, $0x0, v4;
	v61 =	vld [tilespmem:s23+$0x0]  }
0x420: {  	vm13 =	veq.s32 v3, $0x0;
	v1 =	vadd.f32 v2, v1;
	v2 =	vld [tilespmem:s19+$0x0]  }
0x421: {  	v3 =	vsel vm13, $0x0, v6;
	v62 =	vld [tilespmem:s17+$0x0]  }
0x422: {  	vm14 =	veq.s32 v60, $0x0;
	v1 =	vadd.f32 v3, v1  }
0x423: {  	v3 =	vsel vm14, $0x0, v8  }
0x424: {  	s18 =	sand.u32 $0x70, s18;
	v1 =	vadd.f32 v3, v1;
	v3 =	vshll.u32 v61, $0x7  }
0x425: {  	s18 =	sor.u32 s4, s18;
	vm15 =	veq.s32 v2, $0x0;
	v2 =	vshll.u32 v61, $0xC;
	v3 =	vand.u32 $0x380, v3  }
0x426: {  	v63 =	vsel vm15, $0x0, v62;
	v2 =	vand.u32 $0xFFFF8000, v2;
	v3 =	vor.u32 s18, v3  }
0x427: {  	s19 =	simm.s32 $0x5A70;
	s18 =	simm.s32 $0x0;
	v1 =	vadd.f32 v63, v1;
	v2 =	vor.u32 v2, v3  }
.LBB2_22:
0x428: {  	s20 =	sadd.s32 $0xFFFFA5D0, s19;
	s18 =	sadd.s32 $0x4, s18;
	v2 =	vor.u32 v0, v2  }
0x429: {  	s21 =	sand.u32 $0xFC0, s20;
	p0 =	slt.u32 s18, $0x9C;
	[tilespmem:s16+$0x20] =	vst v2  }
0x42a: {  	v2 =	vld [tilespmem:s21+$0x5A00];
	_ =	sdelay $0x4  }
0x42b: {  	s20 =	sand.u32 $0x40, s20;
	v3 =	vshll.u32 v2, $0x7  }
0x42c: {  	s20 =	sor.u32 s4, s20;
	v2 =	vshll.u32 v2, $0xC;
	v3 =	vand.u32 $0x380, v3  }
0x42d: {  	v2 =	vand.u32 $0xFFFF8000, v2;
	v3 =	vor.u32 s20, v3  }
0x42e: {  	v2 =	vor.u32 v2, v3  }
0x42f: {  	s20 =	sadd.s32 $0xFFFFFFE0, s19;
	v2 =	vor.u32 v0, v2  }
0x430: {  	s22 =	sand.u32 $0x7FD0, s20;
	[tilespmem:s21+$0xBE00] =	vst v2  }
0x431: {  	v2 =	vld [tilespmem:s22+$0x0];
	_ =	sdelay $0x4  }
0x432: {  	s20 =	sand.u32 $0x50, s20;
	v3 =	vshll.u32 v2, $0x7  }
0x433: {  	s20 =	sor.u32 s4, s20;
	v2 =	vshll.u32 v2, $0xC;
	v3 =	vand.u32 $0x380, v3  }
0x434: {  	s22 =	sadd.s32 $0xFFFFD7E0, s19;
	v2 =	vand.u32 $0xFFFF8000, v2;
	v4 =	vld [tilespmem:s21+$0xFA00];
	v3 =	vor.u32 s20, v3  }
0x435: {  	s20 =	sand.u32 $0x7FD0, s22;
	v5 =	vld [tilespmem:s21+$0x3200];
	v2 =	vor.u32 v2, v3  }
0x436: {  	s17 =	sadd.s32 $0x40, s17;
	s16 =	sadd.s32 $0x40, s16;
	v3 =	vld [tilespmem:s20+$0x0];
	v2 =	vor.u32 v0, v2;
	s20 =	sadd.s32 $0xFFFFFFF0, s19  }
0x437: {  	v6 =	vld [tilespmem:s17+$0xFFFFFFE0];
	[tilespmem:s16+$0x0] =	vst v2;
	s21 =	sand.u32 $0x7FE0, s20  }
0x438: {  	v2 =	vld [tilespmem:s21+$0x0];
	_ =	sdelay $0x1  }
0x439: {  	vm0 =	veq.s32 v5, $0x0  }
0x43a: {  	v4 =	vsel vm0, $0x0, v4;
	vm0 =	veq.s32 v3, $0x0  }
0x43b: {  	v1 =	vadd.f32 v4, v1;
	v3 =	vsel vm0, $0x0, v6  }
0x43c: {  	s20 =	sand.u32 $0x60, s20;
	v4 =	vshll.u32 v2, $0x7  }
0x43d: {  	s20 =	sor.u32 s4, s20;
	v2 =	vshll.u32 v2, $0xC;
	v1 =	vadd.f32 v3, v1;
	v3 =	vand.u32 $0x380, v4  }
0x43e: {  	s21 =	sadd.s32 $0xFFFFD7F0, s19;
	v2 =	vand.u32 $0xFFFF8000, v2;
	v3 =	vor.u32 s20, v3  }
0x43f: {  	s20 =	sand.u32 $0x7FE0, s21;
	v2 =	vor.u32 v2, v3  }
0x440: {  	v3 =	vld [tilespmem:s20+$0x0];
	v2 =	vor.u32 v0, v2  }
0x441: {  	s21 =	sand.u32 $0x7FF0, s19;
	s20 =	sadd.s32 $0xFFFFD800, s19;
	v4 =	vld [tilespmem:s17+$0xFFFFFFF0];
	[tilespmem:s16+$0x10] =	vst v2  }
0x442: {  	s20 =	sand.u32 $0x7FF0, s20;
	v2 =	vld [tilespmem:s21+$0x0]  }
0x443: {  	v5 =	vld [tilespmem:s20+$0x0]  }
0x444: {  	v6 =	vld [tilespmem:s17+$0x0]  }
0x445: {  	vm0 =	veq.s32 v3, $0x0  }
.Ltmp10:
0x446: {  	v3 =	vsel vm0, $0x0, v4;
	(pc) =	sbr.rel @p0 .LBB2_22-.Ltmp10, $4  }
0x447: {  	s20 =	sand.u32 $0x70, s19;
	v1 =	vadd.f32 v3, v1;
	v3 =	vshll.u32 v2, $0x7  }
0x448: {  	s20 =	sor.u32 s4, s20;
	v2 =	vshll.u32 v2, $0xC;
	vm0 =	veq.s32 v5, $0x0;
	v3 =	vand.u32 $0x380, v3  }
0x449: {  	v2 =	vand.u32 $0xFFFF8000, v2;
	v4 =	vsel vm0, $0x0, v6;
	v3 =	vor.u32 s20, v3  }
0x44a: {  	s19 =	sadd.s32 $0x40, s19;
	v1 =	vadd.f32 v4, v1;
	v2 =	vor.u32 v2, v3  }
0x44b: {  	v2 =	vor.u32 v0, v2  }
0x44c: {  	s23 =	simm.s32 $0xBE00;
	s17 =	simm.s32 $0x12200;
	[tilespmem:s16+$0x20] =	vst v2  }
0x44d: {  	[tilespmem:s17], [sflag:$0x5] =	stream.indirect.gather [hbm4b:s1+s9], $0x1, s23, s9, $0xb8;
	[tilespmem:$0x12C80] =	vst v63  }
0x44e: {  	s18 =	simm.s32 $0xBE80;
	s19 =	simm.s32 $0x12280  }
0x44f: {  	[tilespmem:s19], [sflag:$0x5] =	stream.indirect.gather [hbm4b:s1+s9], $0x1, s18, s9, $0xb8;
	[tilespmem:$0x12C80] =	vst v63  }
0x450: {  	s20 =	simm.s32 $0xBF00;
	s21 =	simm.s32 $0x12300  }
0x451: {  	[tilespmem:s21], [sflag:$0x5] =	stream.indirect.gather [hbm4b:s1+s9], $0x1, s20, s9, $0xb8;
	[tilespmem:$0x12C80] =	vst v63  }
0x452: {  	s22 =	simm.s32 $0xBF80;
	s23 =	simm.s32 $0x12380  }
0x453: {  	[tilespmem:s23], [sflag:$0x5] =	stream.indirect.gather [hbm4b:s1+s9], $0x1, s22, s9, $0xb8;
	[tilespmem:$0x12C80] =	vst v63  }
0x454: {  	s18 =	simm.s32 $0xC000;
	s19 =	simm.s32 $0x12400  }
0x455: {  	[tilespmem:s19], [sflag:$0x5] =	stream.indirect.gather [hbm4b:s1+s9], $0x1, s18, s9, $0xb8;
	[tilespmem:$0x12C80] =	vst v63  }
0x456: {  	s20 =	simm.s32 $0xC080;
	s21 =	simm.s32 $0x12480  }
0x457: {  	[tilespmem:s21], [sflag:$0x5] =	stream.indirect.gather [hbm4b:s1+s9], $0x1, s20, s9, $0xb8;
	[tilespmem:$0x12C80] =	vst v63  }
0x458: {  	s22 =	simm.s32 $0xC100;
	s23 =	simm.s32 $0x12500  }
0x459: {  	[tilespmem:s23], [sflag:$0x5] =	stream.indirect.gather [hbm4b:s1+s9], $0x1, s22, s9, $0xb8;
	[tilespmem:$0x12C80] =	vst v63  }
0x45a: {  	s18 =	simm.s32 $0xC180;
	s19 =	simm.s32 $0x12580  }
0x45b: {  	[tilespmem:s19], [sflag:$0x5] =	stream.indirect.gather [hbm4b:s1+s9], $0x1, s18, s9, $0xb8;
	[tilespmem:$0x12C80] =	vst v63  }
0x45c: {  	s20 =	simm.s32 $0xC200;
	s21 =	simm.s32 $0x12600  }
0x45d: {  	[tilespmem:s21], [sflag:$0x5] =	stream.indirect.gather [hbm4b:s1+s9], $0x1, s20, s9, $0xb8;
	[tilespmem:$0x12C80] =	vst v63  }
0x45e: {  	s22 =	simm.s32 $0xC280;
	s23 =	simm.s32 $0x12680  }
0x45f: {  	[tilespmem:s23], [sflag:$0x5] =	stream.indirect.gather [hbm4b:s1+s9], $0x1, s22, s9, $0xb8;
	[tilespmem:$0x12C80] =	vst v63  }
0x460: {  	s18 =	simm.s32 $0xC300;
	s19 =	simm.s32 $0x12700  }
0x461: {  	[tilespmem:s19], [sflag:$0x5] =	stream.indirect.gather [hbm4b:s1+s9], $0x1, s18, s9, $0xb8;
	[tilespmem:$0x12C80] =	vst v63  }
0x462: {  	s20 =	simm.s32 $0xC380;
	s21 =	simm.s32 $0x12780  }
0x463: {  	[tilespmem:s21], [sflag:$0x5] =	stream.indirect.gather [hbm4b:s1+s9], $0x1, s20, s9, $0xb8;
	[tilespmem:$0x12C80] =	vst v63  }
0x464: {  	s22 =	simm.s32 $0xC400;
	s23 =	simm.s32 $0x12800  }
0x465: {  	[tilespmem:s23], [sflag:$0x5] =	stream.indirect.gather [hbm4b:s1+s9], $0x1, s22, s9, $0xb8;
	[tilespmem:$0x12C80] =	vst v63  }
0x466: {  	s17 =	simm.s32 $0xC480;
	s18 =	simm.s32 $0x12880  }
0x467: {  	[tilespmem:s18], [sflag:$0x5] =	stream.indirect.gather [hbm4b:s1+s9], $0x1, s17, s9, $0xb8;
	[tilespmem:$0x12C80] =	vst v63  }
0x468: {  	s19 =	simm.s32 $0xC500;
	s20 =	simm.s32 $0x12900  }
0x469: {  	[tilespmem:s20], [sflag:$0x5] =	stream.indirect.gather [hbm4b:s1+s9], $0x1, s19, s9, $0xb8;
	[tilespmem:$0x12C80] =	vst v63  }
0x46a: {  	s21 =	simm.s32 $0xC580;
	s22 =	simm.s32 $0x12980  }
0x46b: {  	[tilespmem:s22], [sflag:$0x5] =	stream.indirect.gather [hbm4b:s1+s9], $0x1, s21, s9, $0xb8;
	[tilespmem:$0x12C80] =	vst v63  }
0x46c: {  	_ = 	snop  }
0x46d: {  	[tilespmem:s25], [sflag:$0x5] =	stream.indirect.gather [hbm4b:s1+s9], $0x1, s24, s9, $0xb8;
	[tilespmem:$0x12C80] =	vst v63  }
0x46e: {  	_ = 	snop  }
0x46f: {  	[tilespmem:s31], [sflag:$0x5] =	stream.indirect.gather [hbm4b:s1+s9], $0x1, s30, s9, $0xb8;
	[tilespmem:$0x12C80] =	vst v63  }
0x470: {  	_ = 	snop  }
0x471: {  	[tilespmem:s10], [sflag:$0x5] =	stream.indirect.gather [hbm4b:s1+s9], $0x1, s0, s9, $0xb8;
	[tilespmem:$0x12C80] =	vst v63  }
0x472: {  	_ = 	snop  }
0x473: {  	[tilespmem:s12], [sflag:$0x5] =	stream.indirect.gather [hbm4b:s1+s9], $0x1, s11, s9, $0xb8;
	[tilespmem:$0x12C80] =	vst v63  }
0x474: {  	_ =	swait.ge [sflag:s29], $0xA00  }
0x475: {  	s23 =	simm.s32 $0x3C00;
	[sflag:s29] =	ssyncset.done $0x0  }
0x476: {  	s18 =	sand.u32 $0x7FC0, s23;
	s19 =	simm.s32 $0x3C10;
	[sflag:s29] =	ssyncadd.s32 $0xFFFFF600  }
0x477: {  	s16 =	simm.s32 $0x10430;
	s17 =	sand.u32 $0x7F80, s23;
	s19 =	sand.u32 $0x50, s19;
	v2 =	vld [tilespmem:s18+$0x0]  }
0x478: {  	s20 =	simm.s32 $0x3C20;
	v7 =	vld [tilespmem:s16+$0xFFFFFFD0];
	s18 =	sor.u32 s19, s17  }
0x479: {  	s21 =	sand.u32 $0x60, s20;
	v6 =	vld [tilespmem:s18+$0x0]  }
0x47a: {  	s22 =	simm.s32 $0x3C30;
	v5 =	vld [tilespmem:s16+$0xFFFFFFE0];
	s18 =	sor.u32 s21, s17  }
0x47b: {  	s23 =	sand.u32 $0x70, s22;
	v4 =	vld [tilespmem:s18+$0x0]  }
0x47c: {  	v3 =	vld [tilespmem:s16+$0xFFFFFFF0];
	s18 =	sor.u32 s23, s17;
	vm0 =	veq.s32 v2, $0x0  }
0x47d: {  	s19 =	simm.s32 $0x10470;
	s17 =	simm.s32 $0x3C0;
	v2 =	vld [tilespmem:s18+$0x0];
	s18 =	simm.s32 $0x3C40;
	v7 =	vsel vm0, $0x0, v7  }
.LBB2_24:
0x47e: {  	s20 =	sand.u32 $0x7FC0, s18;
	s21 =	sadd.s32 $0x10, s18;
	s17 =	sadd.s32 $0x4, s17;
	vm0 =	veq.s32 v6, $0x0;
	v1 =	vadd.f32 v7, v1;
	v7 =	vld [tilespmem:s16+$0x0]  }
0x47f: {  	s22 =	sand.u32 $0x7F80, s18;
	s16 =	sand.u32 $0x50, s21;
	p0 =	slt.u32 s17, $0x45C;
	v5 =	vsel vm0, $0x0, v5;
	v8 =	vld [tilespmem:s20+$0x0]  }
0x480: {  	s21 =	sadd.s32 $0x20, s18;
	s20 =	sor.u32 s16, s22;
	vm0 =	veq.s32 v4, $0x0;
	s16 =	smov.u32 s19;
	v9 =	vld [tilespmem:s19+$0xFFFFFFD0];
	v1 =	vadd.f32 v5, v1  }
.Ltmp11:
0x481: {  	v3 =	vsel vm0, $0x0, v3;
	v6 =	vld [tilespmem:s20+$0x0];
	s20 =	sand.u32 $0x60, s21;
	(pc) =	sbr.rel @p0 .LBB2_24-.Ltmp11, $4  }
0x482: {  	s21 =	sadd.s32 $0x30, s18;
	vm0 =	veq.s32 v2, $0x0;
	v5 =	vld [tilespmem:s19+$0xFFFFFFE0];
	s20 =	sor.u32 s20, s22;
	v1 =	vadd.f32 v3, v1  }
0x483: {  	v4 =	vld [tilespmem:s20+$0x0];
	s20 =	sand.u32 $0x70, s21;
	v2 =	vsel vm0, $0x0, v7  }
0x484: {  	vm0 =	veq.s32 v8, $0x0;
	v3 =	vld [tilespmem:s19+$0xFFFFFFF0];
	s20 =	sor.u32 s20, s22;
	v1 =	vadd.f32 v2, v1  }
0x485: {  	s18 =	sadd.s32 $0x40, s18;
	s19 =	sadd.s32 $0x40, s19;
	v7 =	vsel vm0, $0x0, v9;
	v2 =	vld [tilespmem:s20+$0x0]  }
0x486: {  	v8 =	vld [tilespmem:s16+$0x0];
	_ =	swait.ge [sflag:s26], $0xA00  }
0x487: {  	s17 =	simm.s32 $0x4600;
	[sflag:s26] =	ssyncset.done $0x0  }
0x488: {  	v1 =	vadd.f32 v7, v1;
	vm0 =	veq.s32 v6, $0x0;
	s19 =	simm.s32 $0x4610;
	s18 =	sand.u32 $0x7FC0, s17;
	[sflag:s26] =	ssyncadd.s32 $0xFFFFF600  }
0x489: {  	s16 =	simm.s32 $0x10E30;
	v5 =	vsel vm0, $0x0, v5;
	s20 =	sand.u32 $0x7F80, s17;
	s19 =	sand.u32 $0x50, s19;
	v7 =	vld [tilespmem:s18+$0x0]  }
0x48a: {  	s21 =	simm.s32 $0x4620;
	v1 =	vadd.f32 v5, v1;
	vm0 =	veq.s32 v4, $0x0;
	s17 =	sor.u32 s19, s20;
	v5 =	vld [tilespmem:s16+$0xFFFFFFD0]  }
0x48b: {  	s22 =	sand.u32 $0x60, s21;
	v3 =	vsel vm0, $0x0, v3;
	v4 =	vld [tilespmem:s17+$0x0]  }
0x48c: {  	s23 =	simm.s32 $0x4630;
	s17 =	sor.u32 s22, s20;
	v6 =	vadd.f32 v3, v1;
	vm0 =	veq.s32 v2, $0x0;
	v3 =	vld [tilespmem:s16+$0xFFFFFFE0]  }
0x48d: {  	s18 =	sand.u32 $0x70, s23;
	v1 =	vld [tilespmem:s17+$0x0];
	v2 =	vsel vm0, $0x0, v8  }
0x48e: {  	s17 =	simm.s32 $0x460;
	s19 =	sor.u32 s18, s20;
	s18 =	simm.s32 $0x4670;
	v6 =	vadd.f32 v2, v6;
	v2 =	vld [tilespmem:s16+$0xFFFFFFF0];
	vm0 =	veq.s32 v7, $0x0  }
.LBB2_26:
0x48f: {  	s20 =	sadd.s32 $0xFFFFFFD0, s18;
	s17 =	sadd.s32 $0x4, s17;
	v5 =	vsel vm0, $0x0, v5;
	v7 =	vld [tilespmem:s19+$0x0]  }
0x490: {  	s21 =	sadd.s32 $0xFFFFFFE0, s18;
	s19 =	sand.u32 $0x7FC0, s20;
	p0 =	slt.u32 s17, $0x4FC;
	v6 =	vadd.f32 v5, v6;
	vm0 =	veq.s32 v4, $0x0;
	v8 =	vld [tilespmem:s16+$0x0]  }
0x491: {  	s20 =	sand.u32 $0x7F80, s20;
	s16 =	sadd.s32 $0x40, s16;
	v9 =	vld [tilespmem:s19+$0x0];
	s19 =	sand.u32 $0x50, s21;
	v3 =	vsel vm0, $0x0, v3  }
.Ltmp12:
0x492: {  	s21 =	sadd.s32 $0xFFFFFFF0, s18;
	v5 =	vld [tilespmem:s16+$0xFFFFFFD0];
	s19 =	sor.u32 s19, s20;
	v6 =	vadd.f32 v3, v6;
	vm0 =	veq.s32 v1, $0x0;
	(pc) =	sbr.rel @p0 .LBB2_26-.Ltmp12, $4  }
0x493: {  	v4 =	vld [tilespmem:s19+$0x0];
	s19 =	sand.u32 $0x60, s21;
	v1 =	vsel vm0, $0x0, v2  }
0x494: {  	v3 =	vld [tilespmem:s16+$0xFFFFFFE0];
	s19 =	sor.u32 s19, s20;
	v6 =	vadd.f32 v1, v6;
	vm0 =	veq.s32 v7, $0x0  }
0x495: {  	v1 =	vld [tilespmem:s19+$0x0];
	s19 =	sand.u32 $0x70, s18;
	v7 =	vsel vm0, $0x0, v8  }
0x496: {  	s18 =	sadd.s32 $0x40, s18;
	vm0 =	veq.s32 v9, $0x0;
	v2 =	vld [tilespmem:s16+$0xFFFFFFF0];
	s19 =	sor.u32 s19, s20;
	v6 =	vadd.f32 v7, v6  }
0x497: {  	v7 =	vld [tilespmem:s19+$0x0]  }
0x498: {  	v8 =	vld [tilespmem:s16+$0x0];
	_ =	swait.ge [sflag:s28], $0xA00  }
0x499: {  	v5 =	vsel vm0, $0x0, v5;
	s17 =	simm.s32 $0x5000;
	[sflag:s28] =	ssyncset.done $0x0  }
0x49a: {  	s23 =	simm.s32 $0x5010;
	v5 =	vadd.f32 v5, v6;
	vm0 =	veq.s32 v4, $0x0;
	s18 =	sand.u32 $0x7FC0, s17;
	[sflag:s28] =	ssyncadd.s32 $0xFFFFF600  }
0x49b: {  	s16 =	simm.s32 $0x11830;
	s20 =	sand.u32 $0x7F80, s17;
	s19 =	sand.u32 $0x50, s23;
	v3 =	vsel vm0, $0x0, v3;
	v9 =	vld [tilespmem:s18+$0x0]  }
0x49c: {  	s21 =	simm.s32 $0x5020;
	s17 =	sor.u32 s19, s20;
	v3 =	vadd.f32 v3, v5;
	vm0 =	veq.s32 v1, $0x0;
	v5 =	vld [tilespmem:s16+$0xFFFFFFD0]  }
0x49d: {  	s22 =	sand.u32 $0x60, s21;
	v4 =	vld [tilespmem:s17+$0x0];
	v1 =	vsel vm0, $0x0, v2  }
0x49e: {  	s23 =	simm.s32 $0x5030;
	s17 =	sor.u32 s22, s20;
	v2 =	vadd.f32 v1, v3;
	vm0 =	veq.s32 v7, $0x0;
	v3 =	vld [tilespmem:s16+$0xFFFFFFE0]  }
0x49f: {  	s18 =	sand.u32 $0x70, s23;
	v1 =	vld [tilespmem:s17+$0x0];
	v6 =	vsel vm0, $0x0, v8  }
0x4a0: {  	s19 =	sor.u32 s18, s20;
	s18 =	simm.s32 $0x5070;
	s17 =	simm.s32 $0x500;
	v6 =	vadd.f32 v6, v2;
	v2 =	vld [tilespmem:s16+$0xFFFFFFF0];
	vm0 =	veq.s32 v9, $0x0  }
.LBB2_28:
0x4a1: {  	s20 =	sadd.s32 $0xFFFFFFD0, s18;
	s17 =	sadd.s32 $0x4, s17;
	v5 =	vsel vm0, $0x0, v5;
	v7 =	vld [tilespmem:s19+$0x0]  }
0x4a2: {  	s21 =	sadd.s32 $0xFFFFFFE0, s18;
	s19 =	sand.u32 $0x7FC0, s20;
	p0 =	slt.u32 s17, $0x59C;
	v6 =	vadd.f32 v5, v6;
	vm0 =	veq.s32 v4, $0x0;
	v8 =	vld [tilespmem:s16+$0x0]  }
0x4a3: {  	s20 =	sand.u32 $0x7F80, s20;
	s16 =	sadd.s32 $0x40, s16;
	v9 =	vld [tilespmem:s19+$0x0];
	s19 =	sand.u32 $0x50, s21;
	v3 =	vsel vm0, $0x0, v3  }
.Ltmp13:
0x4a4: {  	s21 =	sadd.s32 $0xFFFFFFF0, s18;
	v5 =	vld [tilespmem:s16+$0xFFFFFFD0];
	s19 =	sor.u32 s19, s20;
	v6 =	vadd.f32 v3, v6;
	vm0 =	veq.s32 v1, $0x0;
	(pc) =	sbr.rel @p0 .LBB2_28-.Ltmp13, $4  }
0x4a5: {  	v4 =	vld [tilespmem:s19+$0x0];
	s19 =	sand.u32 $0x60, s21;
	v1 =	vsel vm0, $0x0, v2  }
0x4a6: {  	v3 =	vld [tilespmem:s16+$0xFFFFFFE0];
	s19 =	sor.u32 s19, s20;
	v6 =	vadd.f32 v1, v6;
	vm0 =	veq.s32 v7, $0x0  }
0x4a7: {  	v1 =	vld [tilespmem:s19+$0x0];
	s19 =	sand.u32 $0x70, s18;
	v7 =	vsel vm0, $0x0, v8  }
0x4a8: {  	s18 =	sadd.s32 $0x40, s18;
	vm0 =	veq.s32 v9, $0x0;
	v2 =	vld [tilespmem:s16+$0xFFFFFFF0];
	s19 =	sor.u32 s19, s20;
	v6 =	vadd.f32 v7, v6  }
0x4a9: {  	v7 =	vld [tilespmem:s19+$0x0]  }
0x4aa: {  	v8 =	vld [tilespmem:s16+$0x0];
	_ =	swait.ge [sflag:s8], $0xA00  }
0x4ab: {  	v5 =	vsel vm0, $0x0, v5;
	s17 =	simm.s32 $0x5A00;
	[sflag:s8] =	ssyncset.done $0x0  }
0x4ac: {  	s23 =	simm.s32 $0x5A10;
	v5 =	vadd.f32 v5, v6;
	vm0 =	veq.s32 v4, $0x0;
	s18 =	sand.u32 $0x7FC0, s17;
	[sflag:s8] =	ssyncadd.s32 $0xFFFFF600  }
0x4ad: {  	s16 =	simm.s32 $0x12230;
	s20 =	sand.u32 $0x7F80, s17;
	s19 =	sand.u32 $0x50, s23;
	v3 =	vsel vm0, $0x0, v3;
	v9 =	vld [tilespmem:s18+$0x0]  }
0x4ae: {  	s21 =	simm.s32 $0x5A20;
	s17 =	sor.u32 s19, s20;
	v3 =	vadd.f32 v3, v5;
	vm0 =	veq.s32 v1, $0x0;
	v1 =	vld [tilespmem:s16+$0xFFFFFFD0]  }
0x4af: {  	s22 =	sand.u32 $0x60, s21;
	v4 =	vsel vm0, $0x0, v2;
	v2 =	vld [tilespmem:s17+$0x0]  }
0x4b0: {  	s23 =	simm.s32 $0x5A30;
	s17 =	sor.u32 s22, s20;
	v5 =	vadd.f32 v4, v3;
	vm0 =	veq.s32 v7, $0x0;
	v4 =	vld [tilespmem:s16+$0xFFFFFFE0]  }
0x4b1: {  	s18 =	sand.u32 $0x70, s23;
	v3 =	vld [tilespmem:s17+$0x0];
	v6 =	vsel vm0, $0x0, v8  }
0x4b2: {  	s19 =	sor.u32 s18, s20;
	s18 =	simm.s32 $0x5A70;
	s17 =	simm.s32 $0x5A0;
	v6 =	vadd.f32 v6, v5;
	v5 =	vld [tilespmem:s16+$0xFFFFFFF0];
	vm0 =	veq.s32 v9, $0x0  }
.LBB2_30:
0x4b3: {  	s20 =	sadd.s32 $0xFFFFFFD0, s18;
	s17 =	sadd.s32 $0x4, s17;
	v1 =	vsel vm0, $0x0, v1;
	v7 =	vld [tilespmem:s19+$0x0]  }
0x4b4: {  	s21 =	sadd.s32 $0xFFFFFFE0, s18;
	s19 =	sand.u32 $0x7FC0, s20;
	p0 =	slt.u32 s17, $0x63C;
	v6 =	vadd.f32 v1, v6;
	vm0 =	veq.s32 v2, $0x0;
	v8 =	vld [tilespmem:s16+$0x0]  }
0x4b5: {  	s20 =	sand.u32 $0x7F80, s20;
	s16 =	sadd.s32 $0x40, s16;
	v9 =	vld [tilespmem:s19+$0x0];
	s19 =	sand.u32 $0x50, s21;
	v2 =	vsel vm0, $0x0, v4  }
.Ltmp14:
0x4b6: {  	s21 =	sadd.s32 $0xFFFFFFF0, s18;
	v1 =	vld [tilespmem:s16+$0xFFFFFFD0];
	s19 =	sor.u32 s19, s20;
	v6 =	vadd.f32 v2, v6;
	vm0 =	veq.s32 v3, $0x0;
	(pc) =	sbr.rel @p0 .LBB2_30-.Ltmp14, $4  }
0x4b7: {  	v2 =	vld [tilespmem:s19+$0x0];
	s19 =	sand.u32 $0x60, s21;
	v3 =	vsel vm0, $0x0, v5  }
0x4b8: {  	v4 =	vld [tilespmem:s16+$0xFFFFFFE0];
	s19 =	sor.u32 s19, s20;
	v6 =	vadd.f32 v3, v6;
	vm0 =	veq.s32 v7, $0x0  }
0x4b9: {  	v3 =	vld [tilespmem:s19+$0x0];
	s19 =	sand.u32 $0x70, s18;
	v7 =	vsel vm0, $0x0, v8  }
0x4ba: {  	s18 =	sadd.s32 $0x40, s18;
	vm0 =	veq.s32 v9, $0x0;
	v5 =	vld [tilespmem:s16+$0xFFFFFFF0];
	s19 =	sor.u32 s19, s20;
	v6 =	vadd.f32 v7, v6  }
0x4bb: {  	v1 =	vsel vm0, $0x0, v1;
	v7 =	vld [tilespmem:s19+$0x0]  }
0x4bc: {  	v1 =	vadd.f32 v1, v6;
	vm13 =	veq.s32 v2, $0x0;
	v2 =	vld [tilespmem:s16+$0x0]  }
0x4bd: {  	v4 =	vsel vm13, $0x0, v4  }
0x4be: {  	v1 =	vadd.f32 v4, v1;
	vm14 =	veq.s32 v3, $0x0  }
0x4bf: {  	v3 =	vsel vm14, $0x0, v5  }
0x4c0: {  	v1 =	vadd.f32 v3, v1;
	vm15 =	veq.s32 v7, $0x0  }
0x4c1: {  	v2 =	vsel vm15, $0x0, v2  }
0x4c2: {  	v1 =	vadd.f32 v2, v1;
	_ =	sdelay $0x1  }
0x4c3: {  	s15 =	sadd.s32 $0x1, s15;
	v1 =	vmul.f32 $-1.220703100e-06, v1  }
0x4c4: {  	p0 =	sne.s32 s15, s6  }
.Ltmp15:
0x4c5: {  	[tilespmem:$0x12C00] =	vst v1;
	(pc) =	sbr.rel @p0 .LBB2_1-.Ltmp15, $4  }
0x4c6: {  	[hbm4b:s5+s3] =	stream.linear.scatter [tilespmem:s13], [sflag:$0x6], $0x80, $0x38;
	[tilespmem:$0x12C80] =	vst v63  }
0x4c7: {  	_ =	swait.ge [sflag:s14], $0x80  }
0x4c8: {  	[sflag:s14] =	ssyncset.done $0x0  }
0x4c9: {  	[sflag:s14] =	ssyncadd.s32 $0xFFFFFF80  }
0x4ca: {  	_ =	sfence.sel $0x180000  }
0x4cb: {  	[bflag:$0x0] =	sbarrier.arrive $0xFFFF  }
0x4cc: {  	_ =	strace $0x90000047  }
0x4cd: {  	s0 =	stileid.u32;
	[bflag:$0x2] =	sbarrier.arrive $0xFFFF  }
0x4ce: {  	p0 =	sne.s32 s0, $0x0;
	s0 =	rddreg [dreg:$0x3]  }
0x4cf: {  	s0 =	sadd.s32 @!p0 $0x100000, s0  }
0x4d0: {  	[sflag:s0] =	ssyncadd.tile.s32 @!p0 $0x1;
	_ =	shalt  }
.Lfunc_end2:
_tile_overlayer_lowered:
.L_overlay_start_2:
0x4d1: {  	(tag) =	ssettag $0x2  }
0x4d2: {  	s0 =	rddreg [dreg:$0x0];
	s2 =	stileid.u32  }
0x4d3: {  	s1 =	rddreg [dreg:$0x1];
	p0 =	sne.s32 s2, $0x0  }
0x4d4: {  	s3 =	rddreg [dreg:$0x2];
	[bflag:$0x3] =	sbarrier.arrive $0xFFFF;
	s2 =	simm.s32 @!p0 $0x1C06  }
0x4d5: {  	[timem:s3], [sflag:s2] =	dma.local @!p0 [hbm:s0], s1  }
0x4d6: {  	s0 =	simm.s32 @!p0 $0x6  }
0x4d7: {  	_ =	swait.ge @!p0 [sflag:s0], s1  }
0x4d8: {  	s1 =	ssub.s32 @!p0 $0x0, s1;
	[sflag:s0] =	ssyncset.done @!p0 $0x0  }
0x4d9: {  	[sflag:s0] =	ssyncadd.s32 @!p0 s1  }
0x4da: {  	[bflag:$0x3] =	sbarrier.arrive $0xFFFF  }
0x4db: {  	_ =	shalt  }

</sc_bundles>
